<compile_context>
chip_gen: v7x
topology: tpu7x:2x2x1
jax: 0.10.2.dev20260603
libtpu: 0.0.44.dev20260713+nightly
codegen_flags: <defaults>
</compile_context>

<pallas_src>
import functools

import jax
import jax.numpy as jnp
from jax import lax
from jax.experimental import pallas as pl
from jax.experimental.pallas import tpu as pltpu
from jax.experimental.pallas import tpu_sc as plsc

N_ATOMS = 10000
N_PAIRS = 320000
D = 128
NR_RBF = 20

_LN2 = 0.6931471805599453


def _ssp(t):
    return jnp.maximum(t, 0.0) + jnp.log1p(jnp.exp(-jnp.abs(t))) - _LN2


_HB = 1000


def _h_body(x_ref, w_ref, b_ref, o_ref):
    o_ref[...] = (
        jnp.dot(x_ref[...], w_ref[...], preferred_element_type=jnp.float32)
        + b_ref[...]
    )


def _h_kernel(x, W_in, b_in):
    return pl.pallas_call(
        _h_body,
        grid=(N_ATOMS // _HB,),
        in_specs=[
            pl.BlockSpec((_HB, D), lambda i: (i, 0)),
            pl.BlockSpec((D, D), lambda i: (0, 0)),
            pl.BlockSpec((1, D), lambda i: (0, 0)),
        ],
        out_specs=pl.BlockSpec((_HB, D), lambda i: (i, 0)),
        out_shape=jax.ShapeDtypeStruct((N_ATOMS, D), jnp.float32),
    )(x, W_in, b_in.reshape(1, D))


_EB = 3200
_RROWS = _EB // D


def _wij_body(f_ref, r_ref, w_ref, b_ref, o_ref):
    t = lax.dot_general(
        f_ref[...],
        w_ref[...],
        (((0,), (0,)), ((), ())),
        preferred_element_type=jnp.float32,
    )
    t = t + b_ref[...]
    w = _ssp(t)
    r = r_ref[0]
    ident = (
        lax.broadcasted_iota(jnp.int32, (D, D), 0)
        == lax.broadcasted_iota(jnp.int32, (D, D), 1)
    ).astype(jnp.float32)
    rt = lax.dot_general(
        ident, r, (((1,), (1,)), ((), ())), preferred_element_type=jnp.float32
    )
    for i in range(_RROWS):
        o_ref[i * D : (i + 1) * D, :] = (
            w[i * D : (i + 1) * D, :] * rt[:, i : i + 1]
        )


def _wij_kernel(f_ij, rcut_ij, W_f, b_f):
    return pl.pallas_call(
        _wij_body,
        grid=(N_PAIRS // _EB,),
        in_specs=[
            pl.BlockSpec((NR_RBF, _EB), lambda i: (0, i)),
            pl.BlockSpec((1, _RROWS, D), lambda i: (i, 0, 0)),
            pl.BlockSpec((NR_RBF, D), lambda i: (0, 0)),
            pl.BlockSpec((1, D), lambda i: (0, 0)),
        ],
        out_specs=pl.BlockSpec((_EB, D), lambda i: (i, 0)),
        out_shape=jax.ShapeDtypeStruct((N_PAIRS, D), jnp.float32),
    )(
        f_ij.T,
        rcut_ij.reshape(N_PAIRS // _EB, _RROWS, D),
        W_f,
        b_f.reshape(1, D),
    )


_NC = 2
_NS = 16
_NW = _NC * _NS
_EPW = N_PAIRS // _NW
_B = 40
_CHUNKS = _EPW // _B
_NPAD = 10240
_RPS = _NPAD // _NS


def _sc_scatter(h, wij, idx_i, idx_j):
    mesh = plsc.VectorSubcoreMesh(core_axis_name="c", subcore_axis_name="s")

    @functools.partial(
        pl.kernel,
        out_type=jax.ShapeDtypeStruct((_NC, _NPAD, D), jnp.float32),
        mesh=mesh,
        scratch_types=[pltpu.VMEM((_B, D), jnp.float32) for _ in range(8)]
        + [pltpu.VMEM((_B,), jnp.int32) for _ in range(16)]
        + [
            pltpu.VMEM_SHARED((_NPAD, D), jnp.float32),
            pltpu.SemaphoreType.DMA((4,)),
            pltpu.SemaphoreType.DMA((4,)),
            pltpu.SemaphoreType.DMA((4,)),
            pltpu.SemaphoreType.DMA((8,)),
        ],
    )
    def k(h_hbm, wij_hbm, ii_hbm, jj_hbm, out_hbm, *rest):
        rows = rest[0:4]
        wv = rest[4:8]
        ii = rest[8:16]
        jj = rest[16:24]
        acc, g_sem, w_sem, s_sem, i_sem = rest[24:]
        cid = lax.axis_index("c")
        sid = lax.axis_index("s")
        wid = cid * _NS + sid
        ebase = wid * _EPW

        @pl.loop(0, _B)
        def _(r):
            @pl.loop(0, D, step=16)
            def _(c1):
                rows[0].at[pl.ds(r, 1), pl.ds(c1, 16)][...] = jnp.zeros(
                    (1, 16), jnp.float32
                )

        for t in range(_RPS // _B):
            pltpu.sync_copy(rows[0], acc.at[pl.ds(sid * _RPS + t * _B, _B)])
        plsc.subcore_barrier()

        def idx_off(c):
            return pl.ds(ebase + c * _B, _B)

        for c0 in (0, 1):
            pltpu.sync_copy(ii_hbm.at[idx_off(c0)], ii[c0])
            pltpu.sync_copy(jj_hbm.at[idx_off(c0)], jj[c0])

        @pl.loop(0, 32)
        def _(t):
            for j in range(8):
                c = t * 8 + j
                p = j % 4
                m = (j + 1) % 4
                i8 = j
                s8 = (j + 5) % 8
                e8 = (j + 2) % 8

                def body_a():
                    pltpu.make_async_copy(
                        h_hbm.at[jj[s8]], rows[m], g_sem.at[m]
                    ).wait()
                    pltpu.make_async_copy(
                        wij_hbm.at[idx_off(c - 3)], wv[m], w_sem.at[m]
                    ).wait()

                    @pl.loop(0, _B)
                    def _(r):
                        for c1 in range(0, D, 16):
                            s_ = (pl.ds(r, 1), pl.ds(c1, 16))
                            wv[m].at[*s_][...] = (
                                rows[m].at[*s_][...] * wv[m].at[*s_][...]
                            )

                    pltpu.async_copy(
                        wv[m], acc.at[ii[s8]], s_sem.at[m], add=True
                    )

                if j <= 2:
                    pl.when(t >= 1)(body_a)
                elif j <= 4:
                    body_a()
                else:
                    pl.when(t <= 30)(body_a)

                def gather_issue():
                    pltpu.async_copy(h_hbm.at[jj[i8]], rows[p], g_sem.at[p])

                def body_i():
                    pltpu.make_async_copy(
                        ii_hbm.at[idx_off(c)], ii[i8], i_sem.at[i8]
                    ).wait()
                    pltpu.make_async_copy(
                        jj_hbm.at[idx_off(c)], jj[i8], i_sem.at[i8]
                    ).wait()
                    gather_issue()

                if j <= 1:
                    pl.when(t >= 1)(body_i)
                    pl.when(t == 0)(gather_issue)
                else:
                    pl.when(t <= 30)(body_i)

                def body_w_wait():
                    pltpu.make_async_copy(
                        wv[p], acc.at[ii[0]], s_sem.at[p]
                    ).wait()

                def body_w_issue():
                    pltpu.async_copy(
                        wij_hbm.at[idx_off(c)], wv[p], w_sem.at[p]
                    )

                if j <= 3:
                    pl.when(t >= 1)(body_w_wait)
                    if j <= 1:
                        body_w_issue()
                    else:
                        pl.when(t <= 30)(body_w_issue)
                else:
                    def body_w_both():
                        body_w_wait()
                        body_w_issue()
                    pl.when(t <= 30)(body_w_both)

                def body_e():
                    pltpu.async_copy(
                        ii_hbm.at[idx_off(c + 2)], ii[e8], i_sem.at[e8]
                    )
                    pltpu.async_copy(
                        jj_hbm.at[idx_off(c + 2)], jj[e8], i_sem.at[e8]
                    )

                pl.when(t <= 30)(body_e)

        for d in range(2):
            pltpu.make_async_copy(wv[d], acc.at[ii[0]], s_sem.at[d]).wait()

        plsc.subcore_barrier()
        sl = pl.ds(sid * _RPS, _RPS)
        pltpu.sync_copy(acc.at[sl], out_hbm.at[cid, sl])

    return k(h, wij, idx_i, idx_j)


def _out_body(a_ref, w_ref, b_ref, o_ref):
    s = a_ref[0] + a_ref[1]
    t = jnp.dot(s, w_ref[...], preferred_element_type=jnp.float32) + b_ref[...]
    o_ref[...] = _ssp(t)


def _out_kernel(acc, W_out, b_out):
    return pl.pallas_call(
        _out_body,
        grid=(N_ATOMS // _HB,),
        in_specs=[
            pl.BlockSpec((_NC, _HB, D), lambda i: (0, i, 0)),
            pl.BlockSpec((D, D), lambda i: (0, 0)),
            pl.BlockSpec((1, D), lambda i: (0, 0)),
        ],
        out_specs=pl.BlockSpec((_HB, D), lambda i: (i, 0)),
        out_shape=jax.ShapeDtypeStruct((N_ATOMS, D), jnp.float32),
    )(acc, W_out, b_out.reshape(1, D))


def kernel(x, pairlist, f_ij, rcut_ij, W_in, b_in, W_f, b_f, W_out, b_out):
    idx_i = pairlist[0]
    idx_j = pairlist[1]
    h = _h_kernel(x, W_in, b_in)
    wij = _wij_kernel(f_ij, rcut_ij, W_f, b_f)
    acc = _sc_scatter(h, wij, idx_i, idx_j)
    return _out_kernel(acc, W_out, b_out)

# --- scband reference (transcript-rebuilt; emitter-appended) ---
"""Pipeline reference for scband-sch-netinteraction-block-76192719831220 (READ-ONLY COPY).

The authoritative reference and input builder live on the scoring server;
editing this copy changes nothing except your own understanding.
"""

import jax, jax.numpy as jnp
import numpy as np

N_ATOMS = 10000
N_PAIRS = 320000
NR_ATOM_BASIS = 128
NR_FILTERS = 128
NR_RBF = 20


def _ssp(t):
    # ShiftedSoftplus: softplus(x) - log(2)
    return jax.nn.softplus(t) - jnp.log(2.0)


def setup_inputs(seed: int = 0) -> dict:
    key = jax.random.key(seed)
    ks = jax.random.split(key, 12)
    x = jax.random.normal(ks[0], (N_ATOMS, NR_ATOM_BASIS), dtype=jnp.float32)
    pairlist = jax.random.randint(ks[1], (2, N_PAIRS), 0, N_ATOMS, dtype=jnp.int64 if jax.config.jax_enable_x64 else jnp.int32).astype(jnp.int32)
    f_ij = jax.random.uniform(ks[2], (N_PAIRS, NR_RBF), dtype=jnp.float32)
    rcut_ij = jax.random.uniform(ks[3], (N_PAIRS,), dtype=jnp.float32)
    # parameters (stored as [in, out] matrices)
    s_in = 1.0 / np.sqrt(NR_ATOM_BASIS)
    W_in = jax.random.uniform(ks[4], (NR_ATOM_BASIS, NR_FILTERS), minval=-s_in, maxval=s_in, dtype=jnp.float32)
    b_in = jax.random.uniform(ks[5], (NR_FILTERS,), minval=-s_in, maxval=s_in, dtype=jnp.float32)
    s_f = 1.0 / np.sqrt(NR_RBF)
    W_f = jax.random.uniform(ks[6], (NR_RBF, NR_FILTERS), minval=-s_f, maxval=s_f, dtype=jnp.float32)
    b_f = jax.random.uniform(ks[7], (NR_FILTERS,), minval=-s_f, maxval=s_f, dtype=jnp.float32)
    s_o = 1.0 / np.sqrt(NR_FILTERS)
    W_out = jax.random.uniform(ks[8], (NR_FILTERS, NR_ATOM_BASIS), minval=-s_o, maxval=s_o, dtype=jnp.float32)
    b_out = jax.random.uniform(ks[9], (NR_ATOM_BASIS,), minval=-s_o, maxval=s_o, dtype=jnp.float32)
    return {"x": x, "pairlist": pairlist, "f_ij": f_ij, "rcut_ij": rcut_ij,
            "W_in": W_in, "b_in": b_in, "W_f": W_f, "b_f": b_f,
            "W_out": W_out, "b_out": b_out}


def reference(x, pairlist, f_ij, rcut_ij, W_in, b_in, W_f, b_f, W_out, b_out):
    # x = self.intput_to_feature(x)
    h = x @ W_in + b_in
    # Wij = self.filter_network(f_ij) ; filter_network = Linear(nr_rbf, nr_filters) + ShiftedSoftplus
    Wij = _ssp(f_ij @ W_f + b_f)
    # Wij = Wij * rcut_ij[:, None]
    Wij = Wij * rcut_ij[:, None]
    idx_i = pairlist[0]
    idx_j = pairlist[1]
    # gather neighbor features
    x_j = jnp.take(h, idx_j, axis=0)
    x_ij = x_j * Wij
    # scatter_add over destination atoms
    x_native = jax.ops.segment_sum(x_ij, idx_i, num_segments=h.shape[0])
    # feature_to_output = Linear(nr_filters, nr_atom_basis) + ShiftedSoftplus
    out = _ssp(x_native @ W_out + b_out)
    return out

if __name__ == "__main__":
    import jax
    _d = setup_inputs()
    print(jax.jit(kernel)(*tuple(_d.values())))

</pallas_src>

<mosaic_0001>
#map = affine_map<(d0, d1) -> (0, 0)>
#map1 = affine_map<(d0, d1) -> (0)>
#map2 = affine_map<(d0, d1) -> (0, 0, 0)>
module attributes {stable_mosaic.version = 14 : i64} {
  func.func @k(%arg0: i32, %arg1: i32, %arg2: memref<10000x128xf32, #tpu.memory_space<hbm>>, %arg3: memref<320000x128xf32, #tpu.memory_space<hbm>>, %arg4: memref<320000xi32, #tpu.memory_space<hbm>>, %arg5: memref<320000xi32, #tpu.memory_space<hbm>>, %arg6: memref<2x10240x128xf32, #tpu.memory_space<hbm>>, %arg7: memref<40x128xf32, #tpu.memory_space<vmem>>, %arg8: memref<40x128xf32, #tpu.memory_space<vmem>>, %arg9: memref<40x128xf32, #tpu.memory_space<vmem>>, %arg10: memref<40x128xf32, #tpu.memory_space<vmem>>, %arg11: memref<40x128xf32, #tpu.memory_space<vmem>>, %arg12: memref<40x128xf32, #tpu.memory_space<vmem>>, %arg13: memref<40x128xf32, #tpu.memory_space<vmem>>, %arg14: memref<40x128xf32, #tpu.memory_space<vmem>>, %arg15: memref<40xi32, #tpu.memory_space<vmem>>, %arg16: memref<40xi32, #tpu.memory_space<vmem>>, %arg17: memref<40xi32, #tpu.memory_space<vmem>>, %arg18: memref<40xi32, #tpu.memory_space<vmem>>, %arg19: memref<40xi32, #tpu.memory_space<vmem>>, %arg20: memref<40xi32, #tpu.memory_space<vmem>>, %arg21: memref<40xi32, #tpu.memory_space<vmem>>, %arg22: memref<40xi32, #tpu.memory_space<vmem>>, %arg23: memref<40xi32, #tpu.memory_space<vmem>>, %arg24: memref<40xi32, #tpu.memory_space<vmem>>, %arg25: memref<40xi32, #tpu.memory_space<vmem>>, %arg26: memref<40xi32, #tpu.memory_space<vmem>>, %arg27: memref<40xi32, #tpu.memory_space<vmem>>, %arg28: memref<40xi32, #tpu.memory_space<vmem>>, %arg29: memref<40xi32, #tpu.memory_space<vmem>>, %arg30: memref<40xi32, #tpu.memory_space<vmem>>, %arg31: memref<10240x128xf32, #tpu.memory_space<vmem_shared>>, %arg32: memref<4x!tpu.dma_semaphore, #tpu.memory_space<semaphore_mem>>, %arg33: memref<4x!tpu.dma_semaphore, #tpu.memory_space<semaphore_mem>>, %arg34: memref<4x!tpu.dma_semaphore, #tpu.memory_space<semaphore_mem>>, %arg35: memref<8x!tpu.dma_semaphore, #tpu.memory_space<semaphore_mem>>) attributes {dimension_semantics = [#tpu.dimension_semantics<core_parallel>, #tpu.dimension_semantics<subcore_parallel>], iteration_bounds = array<i64: 2, 16>, scalar_prefetch = 0 : i64, scratch_operands = 29 : i64, tpu.core_type = #tpu.core_type<sc_vector_subcore>, window_params = [{transform_indices = #map}, {transform_indices = #map}, {transform_indices = #map1}, {transform_indices = #map1}, {transform_indices = #map2}]} {
    %mul3A = arith.constant 16 : i32
    %mul3A_0 = arith.muli %arg0, %mul3A : i32
    %add3A = arith.addi %mul3A_0, %arg1 : i32
    %mul3A_1 = arith.constant 10000 : i32
    %mul3A_2 = arith.muli %add3A, %mul3A_1 : i32
    %scan3A = arith.constant 0 : i32
    %scan3A_3 = arith.constant 40 : i32
    %scan3A_4 = arith.addi %scan3A, %scan3A_3 : i32
    %scan3A_5 = arith.constant 1 : i32
    scf.for %scan3A_98 = %scan3A to %scan3A_4 step %scan3A_5  : i32 {
      %mul3A_99 = arith.constant 1 : i32
      %mul3A_100 = arith.muli %scan3A_98, %mul3A_99 : i32
      %add3A_101 = arith.constant 0 : i32
      %add3A_102 = arith.addi %add3A_101, %mul3A_100 : i32
      %scan3A_103 = arith.constant 0 : i32
      %scan3A_104 = arith.constant 8 : i32
      %scan3A_105 = arith.addi %scan3A_103, %scan3A_104 : i32
      %scan3A_106 = arith.constant 1 : i32
      scf.for %scan3A_108 = %scan3A_103 to %scan3A_105 step %scan3A_106  : i32 {
        %mul3A_109 = arith.constant 16 : i32
        %mul3A_110 = arith.muli %scan3A_108, %mul3A_109 : i32
        %add3A_111 = arith.constant 0 : i32
        %add3A_112 = arith.addi %add3A_111, %mul3A_110 : i32
        %broadcast_in_dim3A = arith.constant 0.000000e+00 : f32
        %broadcast_in_dim3A_113 = vector.broadcast %broadcast_in_dim3A : f32 to vector<1x16xf32>
        %swap3A = arith.index_cast %add3A_102 : i32 to index
        %swap3A_114 = arith.index_cast %add3A_112 : i32 to index
        %swap3A_115 = tpu.vector_load %arg7[%swap3A, %swap3A_114] {strides = array<i32>} : memref<40x128xf32, #tpu.memory_space<vmem>>, vector<1x16xf32>,
        %swap3A_116 = vector.shape_cast %swap3A_115 : vector<1x16xf32> to vector<1x16xf32>
        %swap3A_117 = vector.shape_cast %broadcast_in_dim3A_113 : vector<1x16xf32> to vector<1x16xf32>
        tpu.vector_store %arg7[%swap3A, %swap3A_114], %swap3A_117 {strides = array<i32>} : memref<40x128xf32, #tpu.memory_space<vmem>>, vector<1x16xf32>,
      }
      %scan3A_107 = arith.constant 8 : i32
    }
    %scan3A_6 = arith.constant 40 : i32
    %mul3A_7 = arith.constant 640 : i32
    %mul3A_8 = arith.muli %arg1, %mul3A_7 : i32
    %add3A_9 = arith.constant 0 : i32
    %add3A_10 = arith.addi %mul3A_8, %add3A_9 : i32
    "tpu.region"() ({
      %run_scoped3A = tpu.sem_alloc : memref<!tpu.dma_semaphore, #tpu.memory_space<semaphore_mem>>
      %dma_start3A = arith.constant 0 : i32
      %dma_start3A_98 = tpu.memref_slice %arg31[%add3A_10, %dma_start3A] : memref<10240x128xf32, #tpu.memory_space<vmem_shared>> -> memref<40x128xf32, #tpu.memory_space<vmem_shared>>
      %dma_start3A_99 = arith.constant 0 : i32
      %dma_start3A_100 = tpu.memref_slice %arg31[%add3A_10, %dma_start3A_99] : memref<10240x128xf32, #tpu.memory_space<vmem_shared>> -> memref<40x128xf32, #tpu.memory_space<vmem_shared>>
      tpu.enqueue_dma source(%arg7 : memref<40x128xf32, #tpu.memory_space<vmem>>) target(%dma_start3A_100 : memref<40x128xf32, #tpu.memory_space<vmem_shared>>) target_semaphore(%run_scoped3A : memref<!tpu.dma_semaphore, #tpu.memory_space<semaphore_mem>>)
      %dma_wait3A_101 = arith.constant 0 : i32
      %dma_wait3A_102 = tpu.memref_slice %arg31[%add3A_10, %dma_wait3A_101] : memref<10240x128xf32, #tpu.memory_space<vmem_shared>> -> memref<40x128xf32, #tpu.memory_space<vmem_shared>>
      %dma_wait3A_103 = arith.constant 0 : i32
      %dma_wait3A_104 = tpu.memref_slice %arg31[%add3A_10, %dma_wait3A_103] : memref<10240x128xf32, #tpu.memory_space<vmem_shared>> -> memref<40x128xf32, #tpu.memory_space<vmem_shared>>
      tpu.wait_dma2 semaphore(%run_scoped3A : memref<!tpu.dma_semaphore, #tpu.memory_space<semaphore_mem>>) src(%arg7 : memref<40x128xf32, #tpu.memory_space<vmem>>) dst(%dma_wait3A_104 : memref<40x128xf32, #tpu.memory_space<vmem_shared>>)
      tpu.yield
    }) : () -> ()
    %mul3A_11 = arith.constant 640 : i32
    %mul3A_12 = arith.muli %arg1, %mul3A_11 : i32
    %add3A_13 = arith.constant 40 : i32
    %add3A_14 = arith.addi %mul3A_12, %add3A_13 : i32
    "tpu.region"() ({
      %run_scoped3A = tpu.sem_alloc : memref<!tpu.dma_semaphore, #tpu.memory_space<semaphore_mem>>
      %dma_start3A = arith.constant 0 : i32
      %dma_start3A_98 = tpu.memref_slice %arg31[%add3A_14, %dma_start3A] : memref<10240x128xf32, #tpu.memory_space<vmem_shared>> -> memref<40x128xf32, #tpu.memory_space<vmem_shared>>
      %dma_start3A_99 = arith.constant 0 : i32
      %dma_start3A_100 = tpu.memref_slice %arg31[%add3A_14, %dma_start3A_99] : memref<10240x128xf32, #tpu.memory_space<vmem_shared>> -> memref<40x128xf32, #tpu.memory_space<vmem_shared>>
      tpu.enqueue_dma source(%arg7 : memref<40x128xf32, #tpu.memory_space<vmem>>) target(%dma_start3A_100 : memref<40x128xf32, #tpu.memory_space<vmem_shared>>) target_semaphore(%run_scoped3A : memref<!tpu.dma_semaphore, #tpu.memory_space<semaphore_mem>>)
      %dma_wait3A_101 = arith.constant 0 : i32
      %dma_wait3A_102 = tpu.memref_slice %arg31[%add3A_14, %dma_wait3A_101] : memref<10240x128xf32, #tpu.memory_space<vmem_shared>> -> memref<40x128xf32, #tpu.memory_space<vmem_shared>>
      %dma_wait3A_103 = arith.constant 0 : i32
      %dma_wait3A_104 = tpu.memref_slice %arg31[%add3A_14, %dma_wait3A_103] : memref<10240x128xf32, #tpu.memory_space<vmem_shared>> -> memref<40x128xf32, #tpu.memory_space<vmem_shared>>
      tpu.wait_dma2 semaphore(%run_scoped3A : memref<!tpu.dma_semaphore, #tpu.memory_space<semaphore_mem>>) src(%arg7 : memref<40x128xf32, #tpu.memory_space<vmem>>) dst(%dma_wait3A_104 : memref<40x128xf32, #tpu.memory_space<vmem_shared>>)
      tpu.yield
    }) : () -> ()
    %mul3A_15 = arith.constant 640 : i32
    %mul3A_16 = arith.muli %arg1, %mul3A_15 : i32
    %add3A_17 = arith.constant 80 : i32
    %add3A_18 = arith.addi %mul3A_16, %add3A_17 : i32
    "tpu.region"() ({
      %run_scoped3A = tpu.sem_alloc : memref<!tpu.dma_semaphore, #tpu.memory_space<semaphore_mem>>
      %dma_start3A = arith.constant 0 : i32
      %dma_start3A_98 = tpu.memref_slice %arg31[%add3A_18, %dma_start3A] : memref<10240x128xf32, #tpu.memory_space<vmem_shared>> -> memref<40x128xf32, #tpu.memory_space<vmem_shared>>
      %dma_start3A_99 = arith.constant 0 : i32
      %dma_start3A_100 = tpu.memref_slice %arg31[%add3A_18, %dma_start3A_99] : memref<10240x128xf32, #tpu.memory_space<vmem_shared>> -> memref<40x128xf32, #tpu.memory_space<vmem_shared>>
      tpu.enqueue_dma source(%arg7 : memref<40x128xf32, #tpu.memory_space<vmem>>) target(%dma_start3A_100 : memref<40x128xf32, #tpu.memory_space<vmem_shared>>) target_semaphore(%run_scoped3A : memref<!tpu.dma_semaphore, #tpu.memory_space<semaphore_mem>>)
      %dma_wait3A_101 = arith.constant 0 : i32
      %dma_wait3A_102 = tpu.memref_slice %arg31[%add3A_18, %dma_wait3A_101] : memref<10240x128xf32, #tpu.memory_space<vmem_shared>> -> memref<40x128xf32, #tpu.memory_space<vmem_shared>>
      %dma_wait3A_103 = arith.constant 0 : i32
      %dma_wait3A_104 = tpu.memref_slice %arg31[%add3A_18, %dma_wait3A_103] : memref<10240x128xf32, #tpu.memory_space<vmem_shared>> -> memref<40x128xf32, #tpu.memory_space<vmem_shared>>
      tpu.wait_dma2 semaphore(%run_scoped3A : memref<!tpu.dma_semaphore, #tpu.memory_space<semaphore_mem>>) src(%arg7 : memref<40x128xf32, #tpu.memory_space<vmem>>) dst(%dma_wait3A_104 : memref<40x128xf32, #tpu.memory_space<vmem_shared>>)
      tpu.yield
    }) : () -> ()
    %mul3A_19 = arith.constant 640 : i32
    %mul3A_20 = arith.muli %arg1, %mul3A_19 : i32
    %add3A_21 = arith.constant 120 : i32
    %add3A_22 = arith.addi %mul3A_20, %add3A_21 : i32
    "tpu.region"() ({
      %run_scoped3A = tpu.sem_alloc : memref<!tpu.dma_semaphore, #tpu.memory_space<semaphore_mem>>
      %dma_start3A = arith.constant 0 : i32
      %dma_start3A_98 = tpu.memref_slice %arg31[%add3A_22, %dma_start3A] : memref<10240x128xf32, #tpu.memory_space<vmem_shared>> -> memref<40x128xf32, #tpu.memory_space<vmem_shared>>
      %dma_start3A_99 = arith.constant 0 : i32
      %dma_start3A_100 = tpu.memref_slice %arg31[%add3A_22, %dma_start3A_99] : memref<10240x128xf32, #tpu.memory_space<vmem_shared>> -> memref<40x128xf32, #tpu.memory_space<vmem_shared>>
      tpu.enqueue_dma source(%arg7 : memref<40x128xf32, #tpu.memory_space<vmem>>) target(%dma_start3A_100 : memref<40x128xf32, #tpu.memory_space<vmem_shared>>) target_semaphore(%run_scoped3A : memref<!tpu.dma_semaphore, #tpu.memory_space<semaphore_mem>>)
      %dma_wait3A_101 = arith.constant 0 : i32
      %dma_wait3A_102 = tpu.memref_slice %arg31[%add3A_22, %dma_wait3A_101] : memref<10240x128xf32, #tpu.memory_space<vmem_shared>> -> memref<40x128xf32, #tpu.memory_space<vmem_shared>>
      %dma_wait3A_103 = arith.constant 0 : i32
      %dma_wait3A_104 = tpu.memref_slice %arg31[%add3A_22, %dma_wait3A_103] : memref<10240x128xf32, #tpu.memory_space<vmem_shared>> -> memref<40x128xf32, #tpu.memory_space<vmem_shared>>
      tpu.wait_dma2 semaphore(%run_scoped3A : memref<!tpu.dma_semaphore, #tpu.memory_space<semaphore_mem>>) src(%arg7 : memref<40x128xf32, #tpu.memory_space<vmem>>) dst(%dma_wait3A_104 : memref<40x128xf32, #tpu.memory_space<vmem_shared>>)
      tpu.yield
    }) : () -> ()
    %mul3A_23 = arith.constant 640 : i32
    %mul3A_24 = arith.muli %arg1, %mul3A_23 : i32
    %add3A_25 = arith.constant 160 : i32
    %add3A_26 = arith.addi %mul3A_24, %add3A_25 : i32
    "tpu.region"() ({
      %run_scoped3A = tpu.sem_alloc : memref<!tpu.dma_semaphore, #tpu.memory_space<semaphore_mem>>
      %dma_start3A = arith.constant 0 : i32
      %dma_start3A_98 = tpu.memref_slice %arg31[%add3A_26, %dma_start3A] : memref<10240x128xf32, #tpu.memory_space<vmem_shared>> -> memref<40x128xf32, #tpu.memory_space<vmem_shared>>
      %dma_start3A_99 = arith.constant 0 : i32
      %dma_start3A_100 = tpu.memref_slice %arg31[%add3A_26, %dma_start3A_99] : memref<10240x128xf32, #tpu.memory_space<vmem_shared>> -> memref<40x128xf32, #tpu.memory_space<vmem_shared>>
      tpu.enqueue_dma source(%arg7 : memref<40x128xf32, #tpu.memory_space<vmem>>) target(%dma_start3A_100 : memref<40x128xf32, #tpu.memory_space<vmem_shared>>) target_semaphore(%run_scoped3A : memref<!tpu.dma_semaphore, #tpu.memory_space<semaphore_mem>>)
      %dma_wait3A_101 = arith.constant 0 : i32
      %dma_wait3A_102 = tpu.memref_slice %arg31[%add3A_26, %dma_wait3A_101] : memref<10240x128xf32, #tpu.memory_space<vmem_shared>> -> memref<40x128xf32, #tpu.memory_space<vmem_shared>>
      %dma_wait3A_103 = arith.constant 0 : i32
      %dma_wait3A_104 = tpu.memref_slice %arg31[%add3A_26, %dma_wait3A_103] : memref<10240x128xf32, #tpu.memory_space<vmem_shared>> -> memref<40x128xf32, #tpu.memory_space<vmem_shared>>
      tpu.wait_dma2 semaphore(%run_scoped3A : memref<!tpu.dma_semaphore, #tpu.memory_space<semaphore_mem>>) src(%arg7 : memref<40x128xf32, #tpu.memory_space<vmem>>) dst(%dma_wait3A_104 : memref<40x128xf32, #tpu.memory_space<vmem_shared>>)
      tpu.yield
    }) : () -> ()
    %mul3A_27 = arith.constant 640 : i32
    %mul3A_28 = arith.muli %arg1, %mul3A_27 : i32
    %add3A_29 = arith.constant 200 : i32
    %add3A_30 = arith.addi %mul3A_28, %add3A_29 : i32
    "tpu.region"() ({
      %run_scoped3A = tpu.sem_alloc : memref<!tpu.dma_semaphore, #tpu.memory_space<semaphore_mem>>
      %dma_start3A = arith.constant 0 : i32
      %dma_start3A_98 = tpu.memref_slice %arg31[%add3A_30, %dma_start3A] : memref<10240x128xf32, #tpu.memory_space<vmem_shared>> -> memref<40x128xf32, #tpu.memory_space<vmem_shared>>
      %dma_start3A_99 = arith.constant 0 : i32
      %dma_start3A_100 = tpu.memref_slice %arg31[%add3A_30, %dma_start3A_99] : memref<10240x128xf32, #tpu.memory_space<vmem_shared>> -> memref<40x128xf32, #tpu.memory_space<vmem_shared>>
      tpu.enqueue_dma source(%arg7 : memref<40x128xf32, #tpu.memory_space<vmem>>) target(%dma_start3A_100 : memref<40x128xf32, #tpu.memory_space<vmem_shared>>) target_semaphore(%run_scoped3A : memref<!tpu.dma_semaphore, #tpu.memory_space<semaphore_mem>>)
      %dma_wait3A_101 = arith.constant 0 : i32
      %dma_wait3A_102 = tpu.memref_slice %arg31[%add3A_30, %dma_wait3A_101] : memref<10240x128xf32, #tpu.memory_space<vmem_shared>> -> memref<40x128xf32, #tpu.memory_space<vmem_shared>>
      %dma_wait3A_103 = arith.constant 0 : i32
      %dma_wait3A_104 = tpu.memref_slice %arg31[%add3A_30, %dma_wait3A_103] : memref<10240x128xf32, #tpu.memory_space<vmem_shared>> -> memref<40x128xf32, #tpu.memory_space<vmem_shared>>
      tpu.wait_dma2 semaphore(%run_scoped3A : memref<!tpu.dma_semaphore, #tpu.memory_space<semaphore_mem>>) src(%arg7 : memref<40x128xf32, #tpu.memory_space<vmem>>) dst(%dma_wait3A_104 : memref<40x128xf32, #tpu.memory_space<vmem_shared>>)
      tpu.yield
    }) : () -> ()
    %mul3A_31 = arith.constant 640 : i32
    %mul3A_32 = arith.muli %arg1, %mul3A_31 : i32
    %add3A_33 = arith.constant 240 : i32
    %add3A_34 = arith.addi %mul3A_32, %add3A_33 : i32
    "tpu.region"() ({
      %run_scoped3A = tpu.sem_alloc : memref<!tpu.dma_semaphore, #tpu.memory_space<semaphore_mem>>
      %dma_start3A = arith.constant 0 : i32
      %dma_start3A_98 = tpu.memref_slice %arg31[%add3A_34, %dma_start3A] : memref<10240x128xf32, #tpu.memory_space<vmem_shared>> -> memref<40x128xf32, #tpu.memory_space<vmem_shared>>
      %dma_start3A_99 = arith.constant 0 : i32
      %dma_start3A_100 = tpu.memref_slice %arg31[%add3A_34, %dma_start3A_99] : memref<10240x128xf32, #tpu.memory_space<vmem_shared>> -> memref<40x128xf32, #tpu.memory_space<vmem_shared>>
      tpu.enqueue_dma source(%arg7 : memref<40x128xf32, #tpu.memory_space<vmem>>) target(%dma_start3A_100 : memref<40x128xf32, #tpu.memory_space<vmem_shared>>) target_semaphore(%run_scoped3A : memref<!tpu.dma_semaphore, #tpu.memory_space<semaphore_mem>>)
      %dma_wait3A_101 = arith.constant 0 : i32
      %dma_wait3A_102 = tpu.memref_slice %arg31[%add3A_34, %dma_wait3A_101] : memref<10240x128xf32, #tpu.memory_space<vmem_shared>> -> memref<40x128xf32, #tpu.memory_space<vmem_shared>>
      %dma_wait3A_103 = arith.constant 0 : i32
      %dma_wait3A_104 = tpu.memref_slice %arg31[%add3A_34, %dma_wait3A_103] : memref<10240x128xf32, #tpu.memory_space<vmem_shared>> -> memref<40x128xf32, #tpu.memory_space<vmem_shared>>
      tpu.wait_dma2 semaphore(%run_scoped3A : memref<!tpu.dma_semaphore, #tpu.memory_space<semaphore_mem>>) src(%arg7 : memref<40x128xf32, #tpu.memory_space<vmem>>) dst(%dma_wait3A_104 : memref<40x128xf32, #tpu.memory_space<vmem_shared>>)
      tpu.yield
    }) : () -> ()
    %mul3A_35 = arith.constant 640 : i32
    %mul3A_36 = arith.muli %arg1, %mul3A_35 : i32
    %add3A_37 = arith.constant 280 : i32
    %add3A_38 = arith.addi %mul3A_36, %add3A_37 : i32
    "tpu.region"() ({
      %run_scoped3A = tpu.sem_alloc : memref<!tpu.dma_semaphore, #tpu.memory_space<semaphore_mem>>
      %dma_start3A = arith.constant 0 : i32
      %dma_start3A_98 = tpu.memref_slice %arg31[%add3A_38, %dma_start3A] : memref<10240x128xf32, #tpu.memory_space<vmem_shared>> -> memref<40x128xf32, #tpu.memory_space<vmem_shared>>
      %dma_start3A_99 = arith.constant 0 : i32
      %dma_start3A_100 = tpu.memref_slice %arg31[%add3A_38, %dma_start3A_99] : memref<10240x128xf32, #tpu.memory_space<vmem_shared>> -> memref<40x128xf32, #tpu.memory_space<vmem_shared>>
      tpu.enqueue_dma source(%arg7 : memref<40x128xf32, #tpu.memory_space<vmem>>) target(%dma_start3A_100 : memref<40x128xf32, #tpu.memory_space<vmem_shared>>) target_semaphore(%run_scoped3A : memref<!tpu.dma_semaphore, #tpu.memory_space<semaphore_mem>>)
      %dma_wait3A_101 = arith.constant 0 : i32
      %dma_wait3A_102 = tpu.memref_slice %arg31[%add3A_38, %dma_wait3A_101] : memref<10240x128xf32, #tpu.memory_space<vmem_shared>> -> memref<40x128xf32, #tpu.memory_space<vmem_shared>>
      %dma_wait3A_103 = arith.constant 0 : i32
      %dma_wait3A_104 = tpu.memref_slice %arg31[%add3A_38, %dma_wait3A_103] : memref<10240x128xf32, #tpu.memory_space<vmem_shared>> -> memref<40x128xf32, #tpu.memory_space<vmem_shared>>
      tpu.wait_dma2 semaphore(%run_scoped3A : memref<!tpu.dma_semaphore, #tpu.memory_space<semaphore_mem>>) src(%arg7 : memref<40x128xf32, #tpu.memory_space<vmem>>) dst(%dma_wait3A_104 : memref<40x128xf32, #tpu.memory_space<vmem_shared>>)
      tpu.yield
    }) : () -> ()
    %mul3A_39 = arith.constant 640 : i32
    %mul3A_40 = arith.muli %arg1, %mul3A_39 : i32
    %add3A_41 = arith.constant 320 : i32
    %add3A_42 = arith.addi %mul3A_40, %add3A_41 : i32
    "tpu.region"() ({
      %run_scoped3A = tpu.sem_alloc : memref<!tpu.dma_semaphore, #tpu.memory_space<semaphore_mem>>
      %dma_start3A = arith.constant 0 : i32
      %dma_start3A_98 = tpu.memref_slice %arg31[%add3A_42, %dma_start3A] : memref<10240x128xf32, #tpu.memory_space<vmem_shared>> -> memref<40x128xf32, #tpu.memory_space<vmem_shared>>
      %dma_start3A_99 = arith.constant 0 : i32
      %dma_start3A_100 = tpu.memref_slice %arg31[%add3A_42, %dma_start3A_99] : memref<10240x128xf32, #tpu.memory_space<vmem_shared>> -> memref<40x128xf32, #tpu.memory_space<vmem_shared>>
      tpu.enqueue_dma source(%arg7 : memref<40x128xf32, #tpu.memory_space<vmem>>) target(%dma_start3A_100 : memref<40x128xf32, #tpu.memory_space<vmem_shared>>) target_semaphore(%run_scoped3A : memref<!tpu.dma_semaphore, #tpu.memory_space<semaphore_mem>>)
      %dma_wait3A_101 = arith.constant 0 : i32
      %dma_wait3A_102 = tpu.memref_slice %arg31[%add3A_42, %dma_wait3A_101] : memref<10240x128xf32, #tpu.memory_space<vmem_shared>> -> memref<40x128xf32, #tpu.memory_space<vmem_shared>>
      %dma_wait3A_103 = arith.constant 0 : i32
      %dma_wait3A_104 = tpu.memref_slice %arg31[%add3A_42, %dma_wait3A_103] : memref<10240x128xf32, #tpu.memory_space<vmem_shared>> -> memref<40x128xf32, #tpu.memory_space<vmem_shared>>
      tpu.wait_dma2 semaphore(%run_scoped3A : memref<!tpu.dma_semaphore, #tpu.memory_space<semaphore_mem>>) src(%arg7 : memref<40x128xf32, #tpu.memory_space<vmem>>) dst(%dma_wait3A_104 : memref<40x128xf32, #tpu.memory_space<vmem_shared>>)
      tpu.yield
    }) : () -> ()
    %mul3A_43 = arith.constant 640 : i32
    %mul3A_44 = arith.muli %arg1, %mul3A_43 : i32
    %add3A_45 = arith.constant 360 : i32
    %add3A_46 = arith.addi %mul3A_44, %add3A_45 : i32
    "tpu.region"() ({
      %run_scoped3A = tpu.sem_alloc : memref<!tpu.dma_semaphore, #tpu.memory_space<semaphore_mem>>
      %dma_start3A = arith.constant 0 : i32
      %dma_start3A_98 = tpu.memref_slice %arg31[%add3A_46, %dma_start3A] : memref<10240x128xf32, #tpu.memory_space<vmem_shared>> -> memref<40x128xf32, #tpu.memory_space<vmem_shared>>
      %dma_start3A_99 = arith.constant 0 : i32
      %dma_start3A_100 = tpu.memref_slice %arg31[%add3A_46, %dma_start3A_99] : memref<10240x128xf32, #tpu.memory_space<vmem_shared>> -> memref<40x128xf32, #tpu.memory_space<vmem_shared>>
      tpu.enqueue_dma source(%arg7 : memref<40x128xf32, #tpu.memory_space<vmem>>) target(%dma_start3A_100 : memref<40x128xf32, #tpu.memory_space<vmem_shared>>) target_semaphore(%run_scoped3A : memref<!tpu.dma_semaphore, #tpu.memory_space<semaphore_mem>>)
      %dma_wait3A_101 = arith.constant 0 : i32
      %dma_wait3A_102 = tpu.memref_slice %arg31[%add3A_46, %dma_wait3A_101] : memref<10240x128xf32, #tpu.memory_space<vmem_shared>> -> memref<40x128xf32, #tpu.memory_space<vmem_shared>>
      %dma_wait3A_103 = arith.constant 0 : i32
      %dma_wait3A_104 = tpu.memref_slice %arg31[%add3A_46, %dma_wait3A_103] : memref<10240x128xf32, #tpu.memory_space<vmem_shared>> -> memref<40x128xf32, #tpu.memory_space<vmem_shared>>
      tpu.wait_dma2 semaphore(%run_scoped3A : memref<!tpu.dma_semaphore, #tpu.memory_space<semaphore_mem>>) src(%arg7 : memref<40x128xf32, #tpu.memory_space<vmem>>) dst(%dma_wait3A_104 : memref<40x128xf32, #tpu.memory_space<vmem_shared>>)
      tpu.yield
    }) : () -> ()
    %mul3A_47 = arith.constant 640 : i32
    %mul3A_48 = arith.muli %arg1, %mul3A_47 : i32
    %add3A_49 = arith.constant 400 : i32
    %add3A_50 = arith.addi %mul3A_48, %add3A_49 : i32
    "tpu.region"() ({
      %run_scoped3A = tpu.sem_alloc : memref<!tpu.dma_semaphore, #tpu.memory_space<semaphore_mem>>
      %dma_start3A = arith.constant 0 : i32
      %dma_start3A_98 = tpu.memref_slice %arg31[%add3A_50, %dma_start3A] : memref<10240x128xf32, #tpu.memory_space<vmem_shared>> -> memref<40x128xf32, #tpu.memory_space<vmem_shared>>
      %dma_start3A_99 = arith.constant 0 : i32
      %dma_start3A_100 = tpu.memref_slice %arg31[%add3A_50, %dma_start3A_99] : memref<10240x128xf32, #tpu.memory_space<vmem_shared>> -> memref<40x128xf32, #tpu.memory_space<vmem_shared>>
      tpu.enqueue_dma source(%arg7 : memref<40x128xf32, #tpu.memory_space<vmem>>) target(%dma_start3A_100 : memref<40x128xf32, #tpu.memory_space<vmem_shared>>) target_semaphore(%run_scoped3A : memref<!tpu.dma_semaphore, #tpu.memory_space<semaphore_mem>>)
      %dma_wait3A_101 = arith.constant 0 : i32
      %dma_wait3A_102 = tpu.memref_slice %arg31[%add3A_50, %dma_wait3A_101] : memref<10240x128xf32, #tpu.memory_space<vmem_shared>> -> memref<40x128xf32, #tpu.memory_space<vmem_shared>>
      %dma_wait3A_103 = arith.constant 0 : i32
      %dma_wait3A_104 = tpu.memref_slice %arg31[%add3A_50, %dma_wait3A_103] : memref<10240x128xf32, #tpu.memory_space<vmem_shared>> -> memref<40x128xf32, #tpu.memory_space<vmem_shared>>
      tpu.wait_dma2 semaphore(%run_scoped3A : memref<!tpu.dma_semaphore, #tpu.memory_space<semaphore_mem>>) src(%arg7 : memref<40x128xf32, #tpu.memory_space<vmem>>) dst(%dma_wait3A_104 : memref<40x128xf32, #tpu.memory_space<vmem_shared>>)
      tpu.yield
    }) : () -> ()
    %mul3A_51 = arith.constant 640 : i32
    %mul3A_52 = arith.muli %arg1, %mul3A_51 : i32
    %add3A_53 = arith.constant 440 : i32
    %add3A_54 = arith.addi %mul3A_52, %add3A_53 : i32
    "tpu.region"() ({
      %run_scoped3A = tpu.sem_alloc : memref<!tpu.dma_semaphore, #tpu.memory_space<semaphore_mem>>
      %dma_start3A = arith.constant 0 : i32
      %dma_start3A_98 = tpu.memref_slice %arg31[%add3A_54, %dma_start3A] : memref<10240x128xf32, #tpu.memory_space<vmem_shared>> -> memref<40x128xf32, #tpu.memory_space<vmem_shared>>
      %dma_start3A_99 = arith.constant 0 : i32
      %dma_start3A_100 = tpu.memref_slice %arg31[%add3A_54, %dma_start3A_99] : memref<10240x128xf32, #tpu.memory_space<vmem_shared>> -> memref<40x128xf32, #tpu.memory_space<vmem_shared>>
      tpu.enqueue_dma source(%arg7 : memref<40x128xf32, #tpu.memory_space<vmem>>) target(%dma_start3A_100 : memref<40x128xf32, #tpu.memory_space<vmem_shared>>) target_semaphore(%run_scoped3A : memref<!tpu.dma_semaphore, #tpu.memory_space<semaphore_mem>>)
      %dma_wait3A_101 = arith.constant 0 : i32
      %dma_wait3A_102 = tpu.memref_slice %arg31[%add3A_54, %dma_wait3A_101] : memref<10240x128xf32, #tpu.memory_space<vmem_shared>> -> memref<40x128xf32, #tpu.memory_space<vmem_shared>>
      %dma_wait3A_103 = arith.constant 0 : i32
      %dma_wait3A_104 = tpu.memref_slice %arg31[%add3A_54, %dma_wait3A_103] : memref<10240x128xf32, #tpu.memory_space<vmem_shared>> -> memref<40x128xf32, #tpu.memory_space<vmem_shared>>
      tpu.wait_dma2 semaphore(%run_scoped3A : memref<!tpu.dma_semaphore, #tpu.memory_space<semaphore_mem>>) src(%arg7 : memref<40x128xf32, #tpu.memory_space<vmem>>) dst(%dma_wait3A_104 : memref<40x128xf32, #tpu.memory_space<vmem_shared>>)
      tpu.yield
    }) : () -> ()
    %mul3A_55 = arith.constant 640 : i32
    %mul3A_56 = arith.muli %arg1, %mul3A_55 : i32
    %add3A_57 = arith.constant 480 : i32
    %add3A_58 = arith.addi %mul3A_56, %add3A_57 : i32
    "tpu.region"() ({
      %run_scoped3A = tpu.sem_alloc : memref<!tpu.dma_semaphore, #tpu.memory_space<semaphore_mem>>
      %dma_start3A = arith.constant 0 : i32
      %dma_start3A_98 = tpu.memref_slice %arg31[%add3A_58, %dma_start3A] : memref<10240x128xf32, #tpu.memory_space<vmem_shared>> -> memref<40x128xf32, #tpu.memory_space<vmem_shared>>
      %dma_start3A_99 = arith.constant 0 : i32
      %dma_start3A_100 = tpu.memref_slice %arg31[%add3A_58, %dma_start3A_99] : memref<10240x128xf32, #tpu.memory_space<vmem_shared>> -> memref<40x128xf32, #tpu.memory_space<vmem_shared>>
      tpu.enqueue_dma source(%arg7 : memref<40x128xf32, #tpu.memory_space<vmem>>) target(%dma_start3A_100 : memref<40x128xf32, #tpu.memory_space<vmem_shared>>) target_semaphore(%run_scoped3A : memref<!tpu.dma_semaphore, #tpu.memory_space<semaphore_mem>>)
      %dma_wait3A_101 = arith.constant 0 : i32
      %dma_wait3A_102 = tpu.memref_slice %arg31[%add3A_58, %dma_wait3A_101] : memref<10240x128xf32, #tpu.memory_space<vmem_shared>> -> memref<40x128xf32, #tpu.memory_space<vmem_shared>>
      %dma_wait3A_103 = arith.constant 0 : i32
      %dma_wait3A_104 = tpu.memref_slice %arg31[%add3A_58, %dma_wait3A_103] : memref<10240x128xf32, #tpu.memory_space<vmem_shared>> -> memref<40x128xf32, #tpu.memory_space<vmem_shared>>
      tpu.wait_dma2 semaphore(%run_scoped3A : memref<!tpu.dma_semaphore, #tpu.memory_space<semaphore_mem>>) src(%arg7 : memref<40x128xf32, #tpu.memory_space<vmem>>) dst(%dma_wait3A_104 : memref<40x128xf32, #tpu.memory_space<vmem_shared>>)
      tpu.yield
    }) : () -> ()
    %mul3A_59 = arith.constant 640 : i32
    %mul3A_60 = arith.muli %arg1, %mul3A_59 : i32
    %add3A_61 = arith.constant 520 : i32
    %add3A_62 = arith.addi %mul3A_60, %add3A_61 : i32
    "tpu.region"() ({
      %run_scoped3A = tpu.sem_alloc : memref<!tpu.dma_semaphore, #tpu.memory_space<semaphore_mem>>
      %dma_start3A = arith.constant 0 : i32
      %dma_start3A_98 = tpu.memref_slice %arg31[%add3A_62, %dma_start3A] : memref<10240x128xf32, #tpu.memory_space<vmem_shared>> -> memref<40x128xf32, #tpu.memory_space<vmem_shared>>
      %dma_start3A_99 = arith.constant 0 : i32
      %dma_start3A_100 = tpu.memref_slice %arg31[%add3A_62, %dma_start3A_99] : memref<10240x128xf32, #tpu.memory_space<vmem_shared>> -> memref<40x128xf32, #tpu.memory_space<vmem_shared>>
      tpu.enqueue_dma source(%arg7 : memref<40x128xf32, #tpu.memory_space<vmem>>) target(%dma_start3A_100 : memref<40x128xf32, #tpu.memory_space<vmem_shared>>) target_semaphore(%run_scoped3A : memref<!tpu.dma_semaphore, #tpu.memory_space<semaphore_mem>>)
      %dma_wait3A_101 = arith.constant 0 : i32
      %dma_wait3A_102 = tpu.memref_slice %arg31[%add3A_62, %dma_wait3A_101] : memref<10240x128xf32, #tpu.memory_space<vmem_shared>> -> memref<40x128xf32, #tpu.memory_space<vmem_shared>>
      %dma_wait3A_103 = arith.constant 0 : i32
      %dma_wait3A_104 = tpu.memref_slice %arg31[%add3A_62, %dma_wait3A_103] : memref<10240x128xf32, #tpu.memory_space<vmem_shared>> -> memref<40x128xf32, #tpu.memory_space<vmem_shared>>
      tpu.wait_dma2 semaphore(%run_scoped3A : memref<!tpu.dma_semaphore, #tpu.memory_space<semaphore_mem>>) src(%arg7 : memref<40x128xf32, #tpu.memory_space<vmem>>) dst(%dma_wait3A_104 : memref<40x128xf32, #tpu.memory_space<vmem_shared>>)
      tpu.yield
    }) : () -> ()
    %mul3A_63 = arith.constant 640 : i32
    %mul3A_64 = arith.muli %arg1, %mul3A_63 : i32
    %add3A_65 = arith.constant 560 : i32
    %add3A_66 = arith.addi %mul3A_64, %add3A_65 : i32
    "tpu.region"() ({
      %run_scoped3A = tpu.sem_alloc : memref<!tpu.dma_semaphore, #tpu.memory_space<semaphore_mem>>
      %dma_start3A = arith.constant 0 : i32
      %dma_start3A_98 = tpu.memref_slice %arg31[%add3A_66, %dma_start3A] : memref<10240x128xf32, #tpu.memory_space<vmem_shared>> -> memref<40x128xf32, #tpu.memory_space<vmem_shared>>
      %dma_start3A_99 = arith.constant 0 : i32
      %dma_start3A_100 = tpu.memref_slice %arg31[%add3A_66, %dma_start3A_99] : memref<10240x128xf32, #tpu.memory_space<vmem_shared>> -> memref<40x128xf32, #tpu.memory_space<vmem_shared>>
      tpu.enqueue_dma source(%arg7 : memref<40x128xf32, #tpu.memory_space<vmem>>) target(%dma_start3A_100 : memref<40x128xf32, #tpu.memory_space<vmem_shared>>) target_semaphore(%run_scoped3A : memref<!tpu.dma_semaphore, #tpu.memory_space<semaphore_mem>>)
      %dma_wait3A_101 = arith.constant 0 : i32
      %dma_wait3A_102 = tpu.memref_slice %arg31[%add3A_66, %dma_wait3A_101] : memref<10240x128xf32, #tpu.memory_space<vmem_shared>> -> memref<40x128xf32, #tpu.memory_space<vmem_shared>>
      %dma_wait3A_103 = arith.constant 0 : i32
      %dma_wait3A_104 = tpu.memref_slice %arg31[%add3A_66, %dma_wait3A_103] : memref<10240x128xf32, #tpu.memory_space<vmem_shared>> -> memref<40x128xf32, #tpu.memory_space<vmem_shared>>
      tpu.wait_dma2 semaphore(%run_scoped3A : memref<!tpu.dma_semaphore, #tpu.memory_space<semaphore_mem>>) src(%arg7 : memref<40x128xf32, #tpu.memory_space<vmem>>) dst(%dma_wait3A_104 : memref<40x128xf32, #tpu.memory_space<vmem_shared>>)
      tpu.yield
    }) : () -> ()
    %mul3A_67 = arith.constant 640 : i32
    %mul3A_68 = arith.muli %arg1, %mul3A_67 : i32
    %add3A_69 = arith.constant 600 : i32
    %add3A_70 = arith.addi %mul3A_68, %add3A_69 : i32
    "tpu.region"() ({
      %run_scoped3A = tpu.sem_alloc : memref<!tpu.dma_semaphore, #tpu.memory_space<semaphore_mem>>
      %dma_start3A = arith.constant 0 : i32
      %dma_start3A_98 = tpu.memref_slice %arg31[%add3A_70, %dma_start3A] : memref<10240x128xf32, #tpu.memory_space<vmem_shared>> -> memref<40x128xf32, #tpu.memory_space<vmem_shared>>
      %dma_start3A_99 = arith.constant 0 : i32
      %dma_start3A_100 = tpu.memref_slice %arg31[%add3A_70, %dma_start3A_99] : memref<10240x128xf32, #tpu.memory_space<vmem_shared>> -> memref<40x128xf32, #tpu.memory_space<vmem_shared>>
      tpu.enqueue_dma source(%arg7 : memref<40x128xf32, #tpu.memory_space<vmem>>) target(%dma_start3A_100 : memref<40x128xf32, #tpu.memory_space<vmem_shared>>) target_semaphore(%run_scoped3A : memref<!tpu.dma_semaphore, #tpu.memory_space<semaphore_mem>>)
      %dma_wait3A_101 = arith.constant 0 : i32
      %dma_wait3A_102 = tpu.memref_slice %arg31[%add3A_70, %dma_wait3A_101] : memref<10240x128xf32, #tpu.memory_space<vmem_shared>> -> memref<40x128xf32, #tpu.memory_space<vmem_shared>>
      %dma_wait3A_103 = arith.constant 0 : i32
      %dma_wait3A_104 = tpu.memref_slice %arg31[%add3A_70, %dma_wait3A_103] : memref<10240x128xf32, #tpu.memory_space<vmem_shared>> -> memref<40x128xf32, #tpu.memory_space<vmem_shared>>
      tpu.wait_dma2 semaphore(%run_scoped3A : memref<!tpu.dma_semaphore, #tpu.memory_space<semaphore_mem>>) src(%arg7 : memref<40x128xf32, #tpu.memory_space<vmem>>) dst(%dma_wait3A_104 : memref<40x128xf32, #tpu.memory_space<vmem_shared>>)
      tpu.yield
    }) : () -> ()
    %barrier3A = arith.constant 0 : index
    tpu.barrier barrier_id(%barrier3A)
    %add3A_71 = arith.constant 0 : i32
    %add3A_72 = arith.addi %mul3A_2, %add3A_71 : i32
    "tpu.region"() ({
      %run_scoped3A = tpu.sem_alloc : memref<!tpu.dma_semaphore, #tpu.memory_space<semaphore_mem>>
      %dma_start3A = tpu.memref_slice %arg4[%add3A_72] : memref<320000xi32, #tpu.memory_space<hbm>> -> memref<40xi32, #tpu.memory_space<hbm>>
      %dma_start3A_98 = tpu.memref_slice %arg4[%add3A_72] : memref<320000xi32, #tpu.memory_space<hbm>> -> memref<40xi32, #tpu.memory_space<hbm>>
      tpu.enqueue_dma source(%dma_start3A_98 : memref<40xi32, #tpu.memory_space<hbm>>) target(%arg15 : memref<40xi32, #tpu.memory_space<vmem>>) target_semaphore(%run_scoped3A : memref<!tpu.dma_semaphore, #tpu.memory_space<semaphore_mem>>)
      %dma_wait3A_99 = tpu.memref_slice %arg4[%add3A_72] : memref<320000xi32, #tpu.memory_space<hbm>> -> memref<40xi32, #tpu.memory_space<hbm>>
      %dma_wait3A_100 = tpu.memref_slice %arg4[%add3A_72] : memref<320000xi32, #tpu.memory_space<hbm>> -> memref<40xi32, #tpu.memory_space<hbm>>
      tpu.wait_dma2 semaphore(%run_scoped3A : memref<!tpu.dma_semaphore, #tpu.memory_space<semaphore_mem>>) src(%dma_wait3A_100 : memref<40xi32, #tpu.memory_space<hbm>>) dst(%arg15 : memref<40xi32, #tpu.memory_space<vmem>>)
      tpu.yield
    }) : () -> ()
    %add3A_73 = arith.constant 0 : i32
    %add3A_74 = arith.addi %mul3A_2, %add3A_73 : i32
    "tpu.region"() ({
      %run_scoped3A = tpu.sem_alloc : memref<!tpu.dma_semaphore, #tpu.memory_space<semaphore_mem>>
      %dma_start3A = tpu.memref_slice %arg5[%add3A_74] : memref<320000xi32, #tpu.memory_space<hbm>> -> memref<40xi32, #tpu.memory_space<hbm>>
      %dma_start3A_98 = tpu.memref_slice %arg5[%add3A_74] : memref<320000xi32, #tpu.memory_space<hbm>> -> memref<40xi32, #tpu.memory_space<hbm>>
      tpu.enqueue_dma source(%dma_start3A_98 : memref<40xi32, #tpu.memory_space<hbm>>) target(%arg23 : memref<40xi32, #tpu.memory_space<vmem>>) target_semaphore(%run_scoped3A : memref<!tpu.dma_semaphore, #tpu.memory_space<semaphore_mem>>)
      %dma_wait3A_99 = tpu.memref_slice %arg5[%add3A_74] : memref<320000xi32, #tpu.memory_space<hbm>> -> memref<40xi32, #tpu.memory_space<hbm>>
      %dma_wait3A_100 = tpu.memref_slice %arg5[%add3A_74] : memref<320000xi32, #tpu.memory_space<hbm>> -> memref<40xi32, #tpu.memory_space<hbm>>
      tpu.wait_dma2 semaphore(%run_scoped3A : memref<!tpu.dma_semaphore, #tpu.memory_space<semaphore_mem>>) src(%dma_wait3A_100 : memref<40xi32, #tpu.memory_space<hbm>>) dst(%arg23 : memref<40xi32, #tpu.memory_space<vmem>>)
      tpu.yield
    }) : () -> ()
    %add3A_75 = arith.constant 40 : i32
    %add3A_76 = arith.addi %mul3A_2, %add3A_75 : i32
    "tpu.region"() ({
      %run_scoped3A = tpu.sem_alloc : memref<!tpu.dma_semaphore, #tpu.memory_space<semaphore_mem>>
      %dma_start3A = tpu.memref_slice %arg4[%add3A_76] : memref<320000xi32, #tpu.memory_space<hbm>> -> memref<40xi32, #tpu.memory_space<hbm>>
      %dma_start3A_98 = tpu.memref_slice %arg4[%add3A_76] : memref<320000xi32, #tpu.memory_space<hbm>> -> memref<40xi32, #tpu.memory_space<hbm>>
      tpu.enqueue_dma source(%dma_start3A_98 : memref<40xi32, #tpu.memory_space<hbm>>) target(%arg16 : memref<40xi32, #tpu.memory_space<vmem>>) target_semaphore(%run_scoped3A : memref<!tpu.dma_semaphore, #tpu.memory_space<semaphore_mem>>)
      %dma_wait3A_99 = tpu.memref_slice %arg4[%add3A_76] : memref<320000xi32, #tpu.memory_space<hbm>> -> memref<40xi32, #tpu.memory_space<hbm>>
      %dma_wait3A_100 = tpu.memref_slice %arg4[%add3A_76] : memref<320000xi32, #tpu.memory_space<hbm>> -> memref<40xi32, #tpu.memory_space<hbm>>
      tpu.wait_dma2 semaphore(%run_scoped3A : memref<!tpu.dma_semaphore, #tpu.memory_space<semaphore_mem>>) src(%dma_wait3A_100 : memref<40xi32, #tpu.memory_space<hbm>>) dst(%arg16 : memref<40xi32, #tpu.memory_space<vmem>>)
      tpu.yield
    }) : () -> ()
    %add3A_77 = arith.constant 40 : i32
    %add3A_78 = arith.addi %mul3A_2, %add3A_77 : i32
    "tpu.region"() ({
      %run_scoped3A = tpu.sem_alloc : memref<!tpu.dma_semaphore, #tpu.memory_space<semaphore_mem>>
      %dma_start3A = tpu.memref_slice %arg5[%add3A_78] : memref<320000xi32, #tpu.memory_space<hbm>> -> memref<40xi32, #tpu.memory_space<hbm>>
      %dma_start3A_98 = tpu.memref_slice %arg5[%add3A_78] : memref<320000xi32, #tpu.memory_space<hbm>> -> memref<40xi32, #tpu.memory_space<hbm>>
      tpu.enqueue_dma source(%dma_start3A_98 : memref<40xi32, #tpu.memory_space<hbm>>) target(%arg24 : memref<40xi32, #tpu.memory_space<vmem>>) target_semaphore(%run_scoped3A : memref<!tpu.dma_semaphore, #tpu.memory_space<semaphore_mem>>)
      %dma_wait3A_99 = tpu.memref_slice %arg5[%add3A_78] : memref<320000xi32, #tpu.memory_space<hbm>> -> memref<40xi32, #tpu.memory_space<hbm>>
      %dma_wait3A_100 = tpu.memref_slice %arg5[%add3A_78] : memref<320000xi32, #tpu.memory_space<hbm>> -> memref<40xi32, #tpu.memory_space<hbm>>
      tpu.wait_dma2 semaphore(%run_scoped3A : memref<!tpu.dma_semaphore, #tpu.memory_space<semaphore_mem>>) src(%dma_wait3A_100 : memref<40xi32, #tpu.memory_space<hbm>>) dst(%arg24 : memref<40xi32, #tpu.memory_space<vmem>>)
      tpu.yield
    }) : () -> ()
    %scan3A_79 = arith.constant 0 : i32
    %scan3A_80 = arith.constant 32 : i32
    %scan3A_81 = arith.addi %scan3A_79, %scan3A_80 : i32
    %scan3A_82 = arith.constant 1 : i32
    scf.for %scan3A_98 = %scan3A_79 to %scan3A_81 step %scan3A_82  : i32 {
      %mul3A_99 = arith.constant 1 : i32
      %mul3A_100 = arith.muli %scan3A_98, %mul3A_99 : i32
      %add3A_101 = arith.constant 0 : i32
      %add3A_102 = arith.addi %add3A_101, %mul3A_100 : i32
      %mul3A_103 = arith.constant 8 : i32
      %mul3A_104 = arith.muli %add3A_102, %mul3A_103 : i32
      %add3A_105 = arith.constant 0 : i32
      %add3A_106 = arith.addi %mul3A_104, %add3A_105 : i32
      %ge3A = arith.constant 1 : i32
      %ge3A_107 = arith.cmpi sge, %add3A_102, %ge3A : i32
      %convert_element_type3A = arith.extui %ge3A_107 : i1 to i32
      %cond3A = arith.constant 0 : i32
      %cond3A_108 = arith.cmpi ne, %convert_element_type3A, %cond3A : i32
      scf.if %cond3A_108 {
        %dma_wait3A_376 = arith.constant 1 : i32
        %dma_wait3A_377 = arith.constant 0 : i32
        %dma_wait3A_378 = arith.constant 0 : i32
        %dma_wait3A_379 = tpu.memref_slice %arg2[%dma_wait3A_377, %dma_wait3A_378] : memref<10000x128xf32, #tpu.memory_space<hbm>> -> memref<10000x128xf32, #tpu.memory_space<hbm>>
        %dma_wait3A_380 = tpu.memref_slice %arg32[%dma_wait3A_376] : memref<4x!tpu.dma_semaphore, #tpu.memory_space<semaphore_mem>> -> memref<1x!tpu.dma_semaphore, #tpu.memory_space<semaphore_mem>>
        %dma_wait3A_381 = tpu.memref_squeeze %dma_wait3A_380 : memref<1x!tpu.dma_semaphore, #tpu.memory_space<semaphore_mem>> -> memref<!tpu.dma_semaphore, #tpu.memory_space<semaphore_mem>>
        tpu.wait_indirect_dma semaphore(%dma_wait3A_381 : memref<!tpu.dma_semaphore, #tpu.memory_space<semaphore_mem>>) src(%dma_wait3A_379 : memref<10000x128xf32, #tpu.memory_space<hbm>>) dst(%arg8 : memref<40x128xf32, #tpu.memory_space<vmem>>)
        %sub3A_382 = arith.constant 3 : i32
        %sub3A_383 = arith.subi %add3A_106, %sub3A_382 : i32
        %mul3A_384 = arith.constant 40 : i32
        %mul3A_385 = arith.muli %sub3A_383, %mul3A_384 : i32
        %add3A_386 = arith.addi %mul3A_2, %mul3A_385 : i32
        %dma_wait3A_387 = arith.constant 1 : i32
        %dma_wait3A_388 = arith.constant 0 : i32
        %dma_wait3A_389 = tpu.memref_slice %arg3[%add3A_386, %dma_wait3A_388] : memref<320000x128xf32, #tpu.memory_space<hbm>> -> memref<40x128xf32, #tpu.memory_space<hbm>>
        %dma_wait3A_390 = tpu.memref_slice %arg33[%dma_wait3A_387] : memref<4x!tpu.dma_semaphore, #tpu.memory_space<semaphore_mem>> -> memref<1x!tpu.dma_semaphore, #tpu.memory_space<semaphore_mem>>
        %dma_wait3A_391 = tpu.memref_squeeze %dma_wait3A_390 : memref<1x!tpu.dma_semaphore, #tpu.memory_space<semaphore_mem>> -> memref<!tpu.dma_semaphore, #tpu.memory_space<semaphore_mem>>
        %dma_wait3A_392 = arith.constant 0 : i32
        %dma_wait3A_393 = tpu.memref_slice %arg3[%add3A_386, %dma_wait3A_392] : memref<320000x128xf32, #tpu.memory_space<hbm>> -> memref<40x128xf32, #tpu.memory_space<hbm>>
        tpu.wait_dma2 semaphore(%dma_wait3A_391 : memref<!tpu.dma_semaphore, #tpu.memory_space<semaphore_mem>>) src(%dma_wait3A_393 : memref<40x128xf32, #tpu.memory_space<hbm>>) dst(%arg12 : memref<40x128xf32, #tpu.memory_space<vmem>>)
        %scan3A_394 = arith.constant 0 : i32
        %scan3A_395 = arith.constant 40 : i32
        %scan3A_396 = arith.addi %scan3A_394, %scan3A_395 : i32
        %scan3A_397 = arith.constant 1 : i32
        scf.for %scan3A_405 = %scan3A_394 to %scan3A_396 step %scan3A_397  : i32 {
          %mul3A_406 = arith.constant 1 : i32
          %mul3A_407 = arith.muli %scan3A_405, %mul3A_406 : i32
          %add3A_408 = arith.constant 0 : i32
          %add3A_409 = arith.addi %add3A_408, %mul3A_407 : i32
          %get3A = arith.index_cast %add3A_409 : i32 to index
          %get3A_410 = arith.constant 0 : index
          %get3A_411 = tpu.vector_load %arg8[%get3A, %get3A_410] {strides = array<i32>} : memref<40x128xf32, #tpu.memory_space<vmem>>, vector<1x16xf32>,
          %get3A_412 = vector.shape_cast %get3A_411 : vector<1x16xf32> to vector<1x16xf32>
          %get3A_413 = arith.index_cast %add3A_409 : i32 to index
          %get3A_414 = arith.constant 0 : index
          %get3A_415 = tpu.vector_load %arg12[%get3A_413, %get3A_414] {strides = array<i32>} : memref<40x128xf32, #tpu.memory_space<vmem>>, vector<1x16xf32>,
          %get3A_416 = vector.shape_cast %get3A_415 : vector<1x16xf32> to vector<1x16xf32>
          %mul3A_417 = arith.mulf %get3A_412, %get3A_416 : vector<1x16xf32>
          %swap3A = arith.index_cast %add3A_409 : i32 to index
          %swap3A_418 = arith.constant 0 : index
          %swap3A_419 = tpu.vector_load %arg12[%swap3A, %swap3A_418] {strides = array<i32>} : memref<40x128xf32, #tpu.memory_space<vmem>>, vector<1x16xf32>,
          %swap3A_420 = vector.shape_cast %swap3A_419 : vector<1x16xf32> to vector<1x16xf32>
          %swap3A_421 = vector.shape_cast %mul3A_417 : vector<1x16xf32> to vector<1x16xf32>
          tpu.vector_store %arg12[%swap3A, %swap3A_418], %swap3A_421 {strides = array<i32>} : memref<40x128xf32, #tpu.memory_space<vmem>>, vector<1x16xf32>,
          %get3A_422 = arith.index_cast %add3A_409 : i32 to index
          %get3A_423 = arith.constant 16 : index
          %get3A_424 = tpu.vector_load %arg8[%get3A_422, %get3A_423] {strides = array<i32>} : memref<40x128xf32, #tpu.memory_space<vmem>>, vector<1x16xf32>,
          %get3A_425 = vector.shape_cast %get3A_424 : vector<1x16xf32> to vector<1x16xf32>
          %get3A_426 = arith.index_cast %add3A_409 : i32 to index
          %get3A_427 = arith.constant 16 : index
          %get3A_428 = tpu.vector_load %arg12[%get3A_426, %get3A_427] {strides = array<i32>} : memref<40x128xf32, #tpu.memory_space<vmem>>, vector<1x16xf32>,
          %get3A_429 = vector.shape_cast %get3A_428 : vector<1x16xf32> to vector<1x16xf32>
          %mul3A_430 = arith.mulf %get3A_425, %get3A_429 : vector<1x16xf32>
          %swap3A_431 = arith.index_cast %add3A_409 : i32 to index
          %swap3A_432 = arith.constant 16 : index
          %swap3A_433 = tpu.vector_load %arg12[%swap3A_431, %swap3A_432] {strides = array<i32>} : memref<40x128xf32, #tpu.memory_space<vmem>>, vector<1x16xf32>,
          %swap3A_434 = vector.shape_cast %swap3A_433 : vector<1x16xf32> to vector<1x16xf32>
          %swap3A_435 = vector.shape_cast %mul3A_430 : vector<1x16xf32> to vector<1x16xf32>
          tpu.vector_store %arg12[%swap3A_431, %swap3A_432], %swap3A_435 {strides = array<i32>} : memref<40x128xf32, #tpu.memory_space<vmem>>, vector<1x16xf32>,
          %get3A_436 = arith.index_cast %add3A_409 : i32 to index
          %get3A_437 = arith.constant 32 : index
          %get3A_438 = tpu.vector_load %arg8[%get3A_436, %get3A_437] {strides = array<i32>} : memref<40x128xf32, #tpu.memory_space<vmem>>, vector<1x16xf32>,
          %get3A_439 = vector.shape_cast %get3A_438 : vector<1x16xf32> to vector<1x16xf32>
          %get3A_440 = arith.index_cast %add3A_409 : i32 to index
          %get3A_441 = arith.constant 32 : index
          %get3A_442 = tpu.vector_load %arg12[%get3A_440, %get3A_441] {strides = array<i32>} : memref<40x128xf32, #tpu.memory_space<vmem>>, vector<1x16xf32>,
          %get3A_443 = vector.shape_cast %get3A_442 : vector<1x16xf32> to vector<1x16xf32>
          %mul3A_444 = arith.mulf %get3A_439, %get3A_443 : vector<1x16xf32>
          %swap3A_445 = arith.index_cast %add3A_409 : i32 to index
          %swap3A_446 = arith.constant 32 : index
          %swap3A_447 = tpu.vector_load %arg12[%swap3A_445, %swap3A_446] {strides = array<i32>} : memref<40x128xf32, #tpu.memory_space<vmem>>, vector<1x16xf32>,
          %swap3A_448 = vector.shape_cast %swap3A_447 : vector<1x16xf32> to vector<1x16xf32>
          %swap3A_449 = vector.shape_cast %mul3A_444 : vector<1x16xf32> to vector<1x16xf32>
          tpu.vector_store %arg12[%swap3A_445, %swap3A_446], %swap3A_449 {strides = array<i32>} : memref<40x128xf32, #tpu.memory_space<vmem>>, vector<1x16xf32>,
          %get3A_450 = arith.index_cast %add3A_409 : i32 to index
          %get3A_451 = arith.constant 48 : index
          %get3A_452 = tpu.vector_load %arg8[%get3A_450, %get3A_451] {strides = array<i32>} : memref<40x128xf32, #tpu.memory_space<vmem>>, vector<1x16xf32>,
          %get3A_453 = vector.shape_cast %get3A_452 : vector<1x16xf32> to vector<1x16xf32>
          %get3A_454 = arith.index_cast %add3A_409 : i32 to index
          %get3A_455 = arith.constant 48 : index
          %get3A_456 = tpu.vector_load %arg12[%get3A_454, %get3A_455] {strides = array<i32>} : memref<40x128xf32, #tpu.memory_space<vmem>>, vector<1x16xf32>,
          %get3A_457 = vector.shape_cast %get3A_456 : vector<1x16xf32> to vector<1x16xf32>
          %mul3A_458 = arith.mulf %get3A_453, %get3A_457 : vector<1x16xf32>
          %swap3A_459 = arith.index_cast %add3A_409 : i32 to index
          %swap3A_460 = arith.constant 48 : index
          %swap3A_461 = tpu.vector_load %arg12[%swap3A_459, %swap3A_460] {strides = array<i32>} : memref<40x128xf32, #tpu.memory_space<vmem>>, vector<1x16xf32>,
          %swap3A_462 = vector.shape_cast %swap3A_461 : vector<1x16xf32> to vector<1x16xf32>
          %swap3A_463 = vector.shape_cast %mul3A_458 : vector<1x16xf32> to vector<1x16xf32>
          tpu.vector_store %arg12[%swap3A_459, %swap3A_460], %swap3A_463 {strides = array<i32>} : memref<40x128xf32, #tpu.memory_space<vmem>>, vector<1x16xf32>,
          %get3A_464 = arith.index_cast %add3A_409 : i32 to index
          %get3A_465 = arith.constant 64 : index
          %get3A_466 = tpu.vector_load %arg8[%get3A_464, %get3A_465] {strides = array<i32>} : memref<40x128xf32, #tpu.memory_space<vmem>>, vector<1x16xf32>,
          %get3A_467 = vector.shape_cast %get3A_466 : vector<1x16xf32> to vector<1x16xf32>
          %get3A_468 = arith.index_cast %add3A_409 : i32 to index
          %get3A_469 = arith.constant 64 : index
          %get3A_470 = tpu.vector_load %arg12[%get3A_468, %get3A_469] {strides = array<i32>} : memref<40x128xf32, #tpu.memory_space<vmem>>, vector<1x16xf32>,
          %get3A_471 = vector.shape_cast %get3A_470 : vector<1x16xf32> to vector<1x16xf32>
          %mul3A_472 = arith.mulf %get3A_467, %get3A_471 : vector<1x16xf32>
          %swap3A_473 = arith.index_cast %add3A_409 : i32 to index
          %swap3A_474 = arith.constant 64 : index
          %swap3A_475 = tpu.vector_load %arg12[%swap3A_473, %swap3A_474] {strides = array<i32>} : memref<40x128xf32, #tpu.memory_space<vmem>>, vector<1x16xf32>,
          %swap3A_476 = vector.shape_cast %swap3A_475 : vector<1x16xf32> to vector<1x16xf32>
          %swap3A_477 = vector.shape_cast %mul3A_472 : vector<1x16xf32> to vector<1x16xf32>
          tpu.vector_store %arg12[%swap3A_473, %swap3A_474], %swap3A_477 {strides = array<i32>} : memref<40x128xf32, #tpu.memory_space<vmem>>, vector<1x16xf32>,
          %get3A_478 = arith.index_cast %add3A_409 : i32 to index
          %get3A_479 = arith.constant 80 : index
          %get3A_480 = tpu.vector_load %arg8[%get3A_478, %get3A_479] {strides = array<i32>} : memref<40x128xf32, #tpu.memory_space<vmem>>, vector<1x16xf32>,
          %get3A_481 = vector.shape_cast %get3A_480 : vector<1x16xf32> to vector<1x16xf32>
          %get3A_482 = arith.index_cast %add3A_409 : i32 to index
          %get3A_483 = arith.constant 80 : index
          %get3A_484 = tpu.vector_load %arg12[%get3A_482, %get3A_483] {strides = array<i32>} : memref<40x128xf32, #tpu.memory_space<vmem>>, vector<1x16xf32>,
          %get3A_485 = vector.shape_cast %get3A_484 : vector<1x16xf32> to vector<1x16xf32>
          %mul3A_486 = arith.mulf %get3A_481, %get3A_485 : vector<1x16xf32>
          %swap3A_487 = arith.index_cast %add3A_409 : i32 to index
          %swap3A_488 = arith.constant 80 : index
          %swap3A_489 = tpu.vector_load %arg12[%swap3A_487, %swap3A_488] {strides = array<i32>} : memref<40x128xf32, #tpu.memory_space<vmem>>, vector<1x16xf32>,
          %swap3A_490 = vector.shape_cast %swap3A_489 : vector<1x16xf32> to vector<1x16xf32>
          %swap3A_491 = vector.shape_cast %mul3A_486 : vector<1x16xf32> to vector<1x16xf32>
          tpu.vector_store %arg12[%swap3A_487, %swap3A_488], %swap3A_491 {strides = array<i32>} : memref<40x128xf32, #tpu.memory_space<vmem>>, vector<1x16xf32>,
          %get3A_492 = arith.index_cast %add3A_409 : i32 to index
          %get3A_493 = arith.constant 96 : index
          %get3A_494 = tpu.vector_load %arg8[%get3A_492, %get3A_493] {strides = array<i32>} : memref<40x128xf32, #tpu.memory_space<vmem>>, vector<1x16xf32>,
          %get3A_495 = vector.shape_cast %get3A_494 : vector<1x16xf32> to vector<1x16xf32>
          %get3A_496 = arith.index_cast %add3A_409 : i32 to index
          %get3A_497 = arith.constant 96 : index
          %get3A_498 = tpu.vector_load %arg12[%get3A_496, %get3A_497] {strides = array<i32>} : memref<40x128xf32, #tpu.memory_space<vmem>>, vector<1x16xf32>,
          %get3A_499 = vector.shape_cast %get3A_498 : vector<1x16xf32> to vector<1x16xf32>
          %mul3A_500 = arith.mulf %get3A_495, %get3A_499 : vector<1x16xf32>
          %swap3A_501 = arith.index_cast %add3A_409 : i32 to index
          %swap3A_502 = arith.constant 96 : index
          %swap3A_503 = tpu.vector_load %arg12[%swap3A_501, %swap3A_502] {strides = array<i32>} : memref<40x128xf32, #tpu.memory_space<vmem>>, vector<1x16xf32>,
          %swap3A_504 = vector.shape_cast %swap3A_503 : vector<1x16xf32> to vector<1x16xf32>
          %swap3A_505 = vector.shape_cast %mul3A_500 : vector<1x16xf32> to vector<1x16xf32>
          tpu.vector_store %arg12[%swap3A_501, %swap3A_502], %swap3A_505 {strides = array<i32>} : memref<40x128xf32, #tpu.memory_space<vmem>>, vector<1x16xf32>,
          %get3A_506 = arith.index_cast %add3A_409 : i32 to index
          %get3A_507 = arith.constant 112 : index
          %get3A_508 = tpu.vector_load %arg8[%get3A_506, %get3A_507] {strides = array<i32>} : memref<40x128xf32, #tpu.memory_space<vmem>>, vector<1x16xf32>,
          %get3A_509 = vector.shape_cast %get3A_508 : vector<1x16xf32> to vector<1x16xf32>
          %get3A_510 = arith.index_cast %add3A_409 : i32 to index
          %get3A_511 = arith.constant 112 : index
          %get3A_512 = tpu.vector_load %arg12[%get3A_510, %get3A_511] {strides = array<i32>} : memref<40x128xf32, #tpu.memory_space<vmem>>, vector<1x16xf32>,
          %get3A_513 = vector.shape_cast %get3A_512 : vector<1x16xf32> to vector<1x16xf32>
          %mul3A_514 = arith.mulf %get3A_509, %get3A_513 : vector<1x16xf32>
          %swap3A_515 = arith.index_cast %add3A_409 : i32 to index
          %swap3A_516 = arith.constant 112 : index
          %swap3A_517 = tpu.vector_load %arg12[%swap3A_515, %swap3A_516] {strides = array<i32>} : memref<40x128xf32, #tpu.memory_space<vmem>>, vector<1x16xf32>,
          %swap3A_518 = vector.shape_cast %swap3A_517 : vector<1x16xf32> to vector<1x16xf32>
          %swap3A_519 = vector.shape_cast %mul3A_514 : vector<1x16xf32> to vector<1x16xf32>
          tpu.vector_store %arg12[%swap3A_515, %swap3A_516], %swap3A_519 {strides = array<i32>} : memref<40x128xf32, #tpu.memory_space<vmem>>, vector<1x16xf32>,
        }
        %scan3A_398 = arith.constant 40 : i32
        %dma_start3A_399 = arith.constant 1 : i32
        %dma_start3A_400 = arith.constant 0 : i32
        %dma_start3A_401 = arith.constant 0 : i32
        %dma_start3A_402 = tpu.memref_slice %arg31[%dma_start3A_400, %dma_start3A_401] : memref<10240x128xf32, #tpu.memory_space<vmem_shared>> -> memref<10240x128xf32, #tpu.memory_space<vmem_shared>>
        %dma_start3A_403 = tpu.memref_slice %arg34[%dma_start3A_399] : memref<4x!tpu.dma_semaphore, #tpu.memory_space<semaphore_mem>> -> memref<1x!tpu.dma_semaphore, #tpu.memory_space<semaphore_mem>>
        %dma_start3A_404 = tpu.memref_squeeze %dma_start3A_403 : memref<1x!tpu.dma_semaphore, #tpu.memory_space<semaphore_mem>> -> memref<!tpu.dma_semaphore, #tpu.memory_space<semaphore_mem>>
        tpu.enqueue_indirect_dma source(%arg12 : memref<40x128xf32, #tpu.memory_space<vmem>>) target(%dma_start3A_402 : memref<10240x128xf32, #tpu.memory_space<vmem_shared>>) offsets(%arg20 : memref<40xi32, #tpu.memory_space<vmem>>) semaphore(%dma_start3A_404 : memref<!tpu.dma_semaphore, #tpu.memory_space<semaphore_mem>>) {add = true}
      } else {
      }
      %ge3A_109 = arith.constant 1 : i32
      %ge3A_110 = arith.cmpi sge, %add3A_102, %ge3A_109 : i32
      %convert_element_type3A_111 = arith.extui %ge3A_110 : i1 to i32
      %cond3A_112 = arith.constant 0 : i32
      %cond3A_113 = arith.cmpi ne, %convert_element_type3A_111, %cond3A_112 : i32
      scf.if %cond3A_113 {
        %mul3A_376 = arith.constant 40 : i32
        %mul3A_377 = arith.muli %add3A_106, %mul3A_376 : i32
        %add3A_378 = arith.addi %mul3A_2, %mul3A_377 : i32
        %dma_wait3A_379 = arith.constant 0 : i32
        %dma_wait3A_380 = tpu.memref_slice %arg4[%add3A_378] : memref<320000xi32, #tpu.memory_space<hbm>> -> memref<40xi32, #tpu.memory_space<hbm>>
        %dma_wait3A_381 = tpu.memref_slice %arg35[%dma_wait3A_379] : memref<8x!tpu.dma_semaphore, #tpu.memory_space<semaphore_mem>> -> memref<1x!tpu.dma_semaphore, #tpu.memory_space<semaphore_mem>>
        %dma_wait3A_382 = tpu.memref_squeeze %dma_wait3A_381 : memref<1x!tpu.dma_semaphore, #tpu.memory_space<semaphore_mem>> -> memref<!tpu.dma_semaphore, #tpu.memory_space<semaphore_mem>>
        %dma_wait3A_383 = tpu.memref_slice %arg4[%add3A_378] : memref<320000xi32, #tpu.memory_space<hbm>> -> memref<40xi32, #tpu.memory_space<hbm>>
        tpu.wait_dma2 semaphore(%dma_wait3A_382 : memref<!tpu.dma_semaphore, #tpu.memory_space<semaphore_mem>>) src(%dma_wait3A_383 : memref<40xi32, #tpu.memory_space<hbm>>) dst(%arg15 : memref<40xi32, #tpu.memory_space<vmem>>)
        %mul3A_384 = arith.constant 40 : i32
        %mul3A_385 = arith.muli %add3A_106, %mul3A_384 : i32
        %add3A_386 = arith.addi %mul3A_2, %mul3A_385 : i32
        %dma_wait3A_387 = arith.constant 0 : i32
        %dma_wait3A_388 = tpu.memref_slice %arg5[%add3A_386] : memref<320000xi32, #tpu.memory_space<hbm>> -> memref<40xi32, #tpu.memory_space<hbm>>
        %dma_wait3A_389 = tpu.memref_slice %arg35[%dma_wait3A_387] : memref<8x!tpu.dma_semaphore, #tpu.memory_space<semaphore_mem>> -> memref<1x!tpu.dma_semaphore, #tpu.memory_space<semaphore_mem>>
        %dma_wait3A_390 = tpu.memref_squeeze %dma_wait3A_389 : memref<1x!tpu.dma_semaphore, #tpu.memory_space<semaphore_mem>> -> memref<!tpu.dma_semaphore, #tpu.memory_space<semaphore_mem>>
        %dma_wait3A_391 = tpu.memref_slice %arg5[%add3A_386] : memref<320000xi32, #tpu.memory_space<hbm>> -> memref<40xi32, #tpu.memory_space<hbm>>
        tpu.wait_dma2 semaphore(%dma_wait3A_390 : memref<!tpu.dma_semaphore, #tpu.memory_space<semaphore_mem>>) src(%dma_wait3A_391 : memref<40xi32, #tpu.memory_space<hbm>>) dst(%arg23 : memref<40xi32, #tpu.memory_space<vmem>>)
        %dma_start3A_392 = arith.constant 0 : i32
        %dma_start3A_393 = arith.constant 0 : i32
        %dma_start3A_394 = arith.constant 0 : i32
        %dma_start3A_395 = tpu.memref_slice %arg2[%dma_start3A_393, %dma_start3A_394] : memref<10000x128xf32, #tpu.memory_space<hbm>> -> memref<10000x128xf32, #tpu.memory_space<hbm>>
        %dma_start3A_396 = tpu.memref_slice %arg32[%dma_start3A_392] : memref<4x!tpu.dma_semaphore, #tpu.memory_space<semaphore_mem>> -> memref<1x!tpu.dma_semaphore, #tpu.memory_space<semaphore_mem>>
        %dma_start3A_397 = tpu.memref_squeeze %dma_start3A_396 : memref<1x!tpu.dma_semaphore, #tpu.memory_space<semaphore_mem>> -> memref<!tpu.dma_semaphore, #tpu.memory_space<semaphore_mem>>
        tpu.enqueue_indirect_dma source(%dma_start3A_395 : memref<10000x128xf32, #tpu.memory_space<hbm>>) target(%arg7 : memref<40x128xf32, #tpu.memory_space<vmem>>) offsets(%arg23 : memref<40xi32, #tpu.memory_space<vmem>>) semaphore(%dma_start3A_397 : memref<!tpu.dma_semaphore, #tpu.memory_space<semaphore_mem>>)
      } else {
      }
      %eq3A = arith.constant 0 : i32
      %eq3A_114 = arith.cmpi eq, %add3A_102, %eq3A : i32
      %convert_element_type3A_115 = arith.extui %eq3A_114 : i1 to i32
      %cond3A_116 = arith.constant 0 : i32
      %cond3A_117 = arith.cmpi ne, %convert_element_type3A_115, %cond3A_116 : i32
      scf.if %cond3A_117 {
        %dma_start3A_376 = arith.constant 0 : i32
        %dma_start3A_377 = arith.constant 0 : i32
        %dma_start3A_378 = arith.constant 0 : i32
        %dma_start3A_379 = tpu.memref_slice %arg2[%dma_start3A_377, %dma_start3A_378] : memref<10000x128xf32, #tpu.memory_space<hbm>> -> memref<10000x128xf32, #tpu.memory_space<hbm>>
        %dma_start3A_380 = tpu.memref_slice %arg32[%dma_start3A_376] : memref<4x!tpu.dma_semaphore, #tpu.memory_space<semaphore_mem>> -> memref<1x!tpu.dma_semaphore, #tpu.memory_space<semaphore_mem>>
        %dma_start3A_381 = tpu.memref_squeeze %dma_start3A_380 : memref<1x!tpu.dma_semaphore, #tpu.memory_space<semaphore_mem>> -> memref<!tpu.dma_semaphore, #tpu.memory_space<semaphore_mem>>
        tpu.enqueue_indirect_dma source(%dma_start3A_379 : memref<10000x128xf32, #tpu.memory_space<hbm>>) target(%arg7 : memref<40x128xf32, #tpu.memory_space<vmem>>) offsets(%arg23 : memref<40xi32, #tpu.memory_space<vmem>>) semaphore(%dma_start3A_381 : memref<!tpu.dma_semaphore, #tpu.memory_space<semaphore_mem>>)
      } else {
      }
      %ge3A_118 = arith.constant 1 : i32
      %ge3A_119 = arith.cmpi sge, %add3A_102, %ge3A_118 : i32
      %convert_element_type3A_120 = arith.extui %ge3A_119 : i1 to i32
      %cond3A_121 = arith.constant 0 : i32
      %cond3A_122 = arith.cmpi ne, %convert_element_type3A_120, %cond3A_121 : i32
      scf.if %cond3A_122 {
        %dma_wait3A_376 = arith.constant 0 : i32
        %dma_wait3A_377 = arith.constant 0 : i32
        %dma_wait3A_378 = arith.constant 0 : i32
        %dma_wait3A_379 = tpu.memref_slice %arg31[%dma_wait3A_377, %dma_wait3A_378] : memref<10240x128xf32, #tpu.memory_space<vmem_shared>> -> memref<10240x128xf32, #tpu.memory_space<vmem_shared>>
        %dma_wait3A_380 = tpu.memref_slice %arg34[%dma_wait3A_376] : memref<4x!tpu.dma_semaphore, #tpu.memory_space<semaphore_mem>> -> memref<1x!tpu.dma_semaphore, #tpu.memory_space<semaphore_mem>>
        %dma_wait3A_381 = tpu.memref_squeeze %dma_wait3A_380 : memref<1x!tpu.dma_semaphore, #tpu.memory_space<semaphore_mem>> -> memref<!tpu.dma_semaphore, #tpu.memory_space<semaphore_mem>>
        tpu.wait_indirect_dma semaphore(%dma_wait3A_381 : memref<!tpu.dma_semaphore, #tpu.memory_space<semaphore_mem>>) src(%arg11 : memref<40x128xf32, #tpu.memory_space<vmem>>) dst(%dma_wait3A_379 : memref<10240x128xf32, #tpu.memory_space<vmem_shared>>)
      } else {
      }
      %mul3A_123 = arith.constant 40 : i32
      %mul3A_124 = arith.muli %add3A_106, %mul3A_123 : i32
      %add3A_125 = arith.addi %mul3A_2, %mul3A_124 : i32
      %dma_start3A = arith.constant 0 : i32
      %dma_start3A_126 = arith.constant 0 : i32
      %dma_start3A_127 = tpu.memref_slice %arg3[%add3A_125, %dma_start3A_126] : memref<320000x128xf32, #tpu.memory_space<hbm>> -> memref<40x128xf32, #tpu.memory_space<hbm>>
      %dma_start3A_128 = tpu.memref_slice %arg33[%dma_start3A] : memref<4x!tpu.dma_semaphore, #tpu.memory_space<semaphore_mem>> -> memref<1x!tpu.dma_semaphore, #tpu.memory_space<semaphore_mem>>
      %dma_start3A_129 = tpu.memref_squeeze %dma_start3A_128 : memref<1x!tpu.dma_semaphore, #tpu.memory_space<semaphore_mem>> -> memref<!tpu.dma_semaphore, #tpu.memory_space<semaphore_mem>>
      %dma_start3A_130 = arith.constant 0 : i32
      %dma_start3A_131 = tpu.memref_slice %arg3[%add3A_125, %dma_start3A_130] : memref<320000x128xf32, #tpu.memory_space<hbm>> -> memref<40x128xf32, #tpu.memory_space<hbm>>
      tpu.enqueue_dma source(%dma_start3A_131 : memref<40x128xf32, #tpu.memory_space<hbm>>) target(%arg11 : memref<40x128xf32, #tpu.memory_space<vmem>>) target_semaphore(%dma_start3A_129 : memref<!tpu.dma_semaphore, #tpu.memory_space<semaphore_mem>>)
      %le3A = arith.constant 30 : i32
      %le3A_132 = arith.cmpi sle, %add3A_102, %le3A : i32
      %convert_element_type3A_133 = arith.extui %le3A_132 : i1 to i32
      %cond3A_134 = arith.constant 0 : i32
      %cond3A_135 = arith.cmpi ne, %convert_element_type3A_133, %cond3A_134 : i32
      scf.if %cond3A_135 {
        %add3A_376 = arith.constant 2 : i32
        %add3A_377 = arith.addi %add3A_106, %add3A_376 : i32
        %mul3A_378 = arith.constant 40 : i32
        %mul3A_379 = arith.muli %add3A_377, %mul3A_378 : i32
        %add3A_380 = arith.addi %mul3A_2, %mul3A_379 : i32
        %dma_start3A_381 = arith.constant 2 : i32
        %dma_start3A_382 = tpu.memref_slice %arg4[%add3A_380] : memref<320000xi32, #tpu.memory_space<hbm>> -> memref<40xi32, #tpu.memory_space<hbm>>
        %dma_start3A_383 = tpu.memref_slice %arg35[%dma_start3A_381] : memref<8x!tpu.dma_semaphore, #tpu.memory_space<semaphore_mem>> -> memref<1x!tpu.dma_semaphore, #tpu.memory_space<semaphore_mem>>
        %dma_start3A_384 = tpu.memref_squeeze %dma_start3A_383 : memref<1x!tpu.dma_semaphore, #tpu.memory_space<semaphore_mem>> -> memref<!tpu.dma_semaphore, #tpu.memory_space<semaphore_mem>>
        %dma_start3A_385 = tpu.memref_slice %arg4[%add3A_380] : memref<320000xi32, #tpu.memory_space<hbm>> -> memref<40xi32, #tpu.memory_space<hbm>>
        tpu.enqueue_dma source(%dma_start3A_385 : memref<40xi32, #tpu.memory_space<hbm>>) target(%arg17 : memref<40xi32, #tpu.memory_space<vmem>>) target_semaphore(%dma_start3A_384 : memref<!tpu.dma_semaphore, #tpu.memory_space<semaphore_mem>>)
        %add3A_386 = arith.constant 2 : i32
        %add3A_387 = arith.addi %add3A_106, %add3A_386 : i32
        %mul3A_388 = arith.constant 40 : i32
        %mul3A_389 = arith.muli %add3A_387, %mul3A_388 : i32
        %add3A_390 = arith.addi %mul3A_2, %mul3A_389 : i32
        %dma_start3A_391 = arith.constant 2 : i32
        %dma_start3A_392 = tpu.memref_slice %arg5[%add3A_390] : memref<320000xi32, #tpu.memory_space<hbm>> -> memref<40xi32, #tpu.memory_space<hbm>>
        %dma_start3A_393 = tpu.memref_slice %arg35[%dma_start3A_391] : memref<8x!tpu.dma_semaphore, #tpu.memory_space<semaphore_mem>> -> memref<1x!tpu.dma_semaphore, #tpu.memory_space<semaphore_mem>>
        %dma_start3A_394 = tpu.memref_squeeze %dma_start3A_393 : memref<1x!tpu.dma_semaphore, #tpu.memory_space<semaphore_mem>> -> memref<!tpu.dma_semaphore, #tpu.memory_space<semaphore_mem>>
        %dma_start3A_395 = tpu.memref_slice %arg5[%add3A_390] : memref<320000xi32, #tpu.memory_space<hbm>> -> memref<40xi32, #tpu.memory_space<hbm>>
        tpu.enqueue_dma source(%dma_start3A_395 : memref<40xi32, #tpu.memory_space<hbm>>) target(%arg25 : memref<40xi32, #tpu.memory_space<vmem>>) target_semaphore(%dma_start3A_394 : memref<!tpu.dma_semaphore, #tpu.memory_space<semaphore_mem>>)
      } else {
      }
      %mul3A_136 = arith.constant 8 : i32
      %mul3A_137 = arith.muli %add3A_102, %mul3A_136 : i32
      %add3A_138 = arith.constant 1 : i32
      %add3A_139 = arith.addi %mul3A_137, %add3A_138 : i32
      %ge3A_140 = arith.constant 1 : i32
      %ge3A_141 = arith.cmpi sge, %add3A_102, %ge3A_140 : i32
      %convert_element_type3A_142 = arith.extui %ge3A_141 : i1 to i32
      %cond3A_143 = arith.constant 0 : i32
      %cond3A_144 = arith.cmpi ne, %convert_element_type3A_142, %cond3A_143 : i32
      scf.if %cond3A_144 {
        %dma_wait3A_376 = arith.constant 2 : i32
        %dma_wait3A_377 = arith.constant 0 : i32
        %dma_wait3A_378 = arith.constant 0 : i32
        %dma_wait3A_379 = tpu.memref_slice %arg2[%dma_wait3A_377, %dma_wait3A_378] : memref<10000x128xf32, #tpu.memory_space<hbm>> -> memref<10000x128xf32, #tpu.memory_space<hbm>>
        %dma_wait3A_380 = tpu.memref_slice %arg32[%dma_wait3A_376] : memref<4x!tpu.dma_semaphore, #tpu.memory_space<semaphore_mem>> -> memref<1x!tpu.dma_semaphore, #tpu.memory_space<semaphore_mem>>
        %dma_wait3A_381 = tpu.memref_squeeze %dma_wait3A_380 : memref<1x!tpu.dma_semaphore, #tpu.memory_space<semaphore_mem>> -> memref<!tpu.dma_semaphore, #tpu.memory_space<semaphore_mem>>
        tpu.wait_indirect_dma semaphore(%dma_wait3A_381 : memref<!tpu.dma_semaphore, #tpu.memory_space<semaphore_mem>>) src(%dma_wait3A_379 : memref<10000x128xf32, #tpu.memory_space<hbm>>) dst(%arg9 : memref<40x128xf32, #tpu.memory_space<vmem>>)
        %sub3A_382 = arith.constant 3 : i32
        %sub3A_383 = arith.subi %add3A_139, %sub3A_382 : i32
        %mul3A_384 = arith.constant 40 : i32
        %mul3A_385 = arith.muli %sub3A_383, %mul3A_384 : i32
        %add3A_386 = arith.addi %mul3A_2, %mul3A_385 : i32
        %dma_wait3A_387 = arith.constant 2 : i32
        %dma_wait3A_388 = arith.constant 0 : i32
        %dma_wait3A_389 = tpu.memref_slice %arg3[%add3A_386, %dma_wait3A_388] : memref<320000x128xf32, #tpu.memory_space<hbm>> -> memref<40x128xf32, #tpu.memory_space<hbm>>
        %dma_wait3A_390 = tpu.memref_slice %arg33[%dma_wait3A_387] : memref<4x!tpu.dma_semaphore, #tpu.memory_space<semaphore_mem>> -> memref<1x!tpu.dma_semaphore, #tpu.memory_space<semaphore_mem>>
        %dma_wait3A_391 = tpu.memref_squeeze %dma_wait3A_390 : memref<1x!tpu.dma_semaphore, #tpu.memory_space<semaphore_mem>> -> memref<!tpu.dma_semaphore, #tpu.memory_space<semaphore_mem>>
        %dma_wait3A_392 = arith.constant 0 : i32
        %dma_wait3A_393 = tpu.memref_slice %arg3[%add3A_386, %dma_wait3A_392] : memref<320000x128xf32, #tpu.memory_space<hbm>> -> memref<40x128xf32, #tpu.memory_space<hbm>>
        tpu.wait_dma2 semaphore(%dma_wait3A_391 : memref<!tpu.dma_semaphore, #tpu.memory_space<semaphore_mem>>) src(%dma_wait3A_393 : memref<40x128xf32, #tpu.memory_space<hbm>>) dst(%arg13 : memref<40x128xf32, #tpu.memory_space<vmem>>)
        %scan3A_394 = arith.constant 0 : i32
        %scan3A_395 = arith.constant 40 : i32
        %scan3A_396 = arith.addi %scan3A_394, %scan3A_395 : i32
        %scan3A_397 = arith.constant 1 : i32
        scf.for %scan3A_405 = %scan3A_394 to %scan3A_396 step %scan3A_397  : i32 {
          %mul3A_406 = arith.constant 1 : i32
          %mul3A_407 = arith.muli %scan3A_405, %mul3A_406 : i32
          %add3A_408 = arith.constant 0 : i32
          %add3A_409 = arith.addi %add3A_408, %mul3A_407 : i32
          %get3A = arith.index_cast %add3A_409 : i32 to index
          %get3A_410 = arith.constant 0 : index
          %get3A_411 = tpu.vector_load %arg9[%get3A, %get3A_410] {strides = array<i32>} : memref<40x128xf32, #tpu.memory_space<vmem>>, vector<1x16xf32>,
          %get3A_412 = vector.shape_cast %get3A_411 : vector<1x16xf32> to vector<1x16xf32>
          %get3A_413 = arith.index_cast %add3A_409 : i32 to index
          %get3A_414 = arith.constant 0 : index
          %get3A_415 = tpu.vector_load %arg13[%get3A_413, %get3A_414] {strides = array<i32>} : memref<40x128xf32, #tpu.memory_space<vmem>>, vector<1x16xf32>,
          %get3A_416 = vector.shape_cast %get3A_415 : vector<1x16xf32> to vector<1x16xf32>
          %mul3A_417 = arith.mulf %get3A_412, %get3A_416 : vector<1x16xf32>
          %swap3A = arith.index_cast %add3A_409 : i32 to index
          %swap3A_418 = arith.constant 0 : index
          %swap3A_419 = tpu.vector_load %arg13[%swap3A, %swap3A_418] {strides = array<i32>} : memref<40x128xf32, #tpu.memory_space<vmem>>, vector<1x16xf32>,
          %swap3A_420 = vector.shape_cast %swap3A_419 : vector<1x16xf32> to vector<1x16xf32>
          %swap3A_421 = vector.shape_cast %mul3A_417 : vector<1x16xf32> to vector<1x16xf32>
          tpu.vector_store %arg13[%swap3A, %swap3A_418], %swap3A_421 {strides = array<i32>} : memref<40x128xf32, #tpu.memory_space<vmem>>, vector<1x16xf32>,
          %get3A_422 = arith.index_cast %add3A_409 : i32 to index
          %get3A_423 = arith.constant 16 : index
          %get3A_424 = tpu.vector_load %arg9[%get3A_422, %get3A_423] {strides = array<i32>} : memref<40x128xf32, #tpu.memory_space<vmem>>, vector<1x16xf32>,
          %get3A_425 = vector.shape_cast %get3A_424 : vector<1x16xf32> to vector<1x16xf32>
          %get3A_426 = arith.index_cast %add3A_409 : i32 to index
          %get3A_427 = arith.constant 16 : index
          %get3A_428 = tpu.vector_load %arg13[%get3A_426, %get3A_427] {strides = array<i32>} : memref<40x128xf32, #tpu.memory_space<vmem>>, vector<1x16xf32>,
          %get3A_429 = vector.shape_cast %get3A_428 : vector<1x16xf32> to vector<1x16xf32>
          %mul3A_430 = arith.mulf %get3A_425, %get3A_429 : vector<1x16xf32>
          %swap3A_431 = arith.index_cast %add3A_409 : i32 to index
          %swap3A_432 = arith.constant 16 : index
          %swap3A_433 = tpu.vector_load %arg13[%swap3A_431, %swap3A_432] {strides = array<i32>} : memref<40x128xf32, #tpu.memory_space<vmem>>, vector<1x16xf32>,
          %swap3A_434 = vector.shape_cast %swap3A_433 : vector<1x16xf32> to vector<1x16xf32>
          %swap3A_435 = vector.shape_cast %mul3A_430 : vector<1x16xf32> to vector<1x16xf32>
          tpu.vector_store %arg13[%swap3A_431, %swap3A_432], %swap3A_435 {strides = array<i32>} : memref<40x128xf32, #tpu.memory_space<vmem>>, vector<1x16xf32>,
          %get3A_436 = arith.index_cast %add3A_409 : i32 to index
          %get3A_437 = arith.constant 32 : index
          %get3A_438 = tpu.vector_load %arg9[%get3A_436, %get3A_437] {strides = array<i32>} : memref<40x128xf32, #tpu.memory_space<vmem>>, vector<1x16xf32>,
          %get3A_439 = vector.shape_cast %get3A_438 : vector<1x16xf32> to vector<1x16xf32>
          %get3A_440 = arith.index_cast %add3A_409 : i32 to index
          %get3A_441 = arith.constant 32 : index
          %get3A_442 = tpu.vector_load %arg13[%get3A_440, %get3A_441] {strides = array<i32>} : memref<40x128xf32, #tpu.memory_space<vmem>>, vector<1x16xf32>,
          %get3A_443 = vector.shape_cast %get3A_442 : vector<1x16xf32> to vector<1x16xf32>
          %mul3A_444 = arith.mulf %get3A_439, %get3A_443 : vector<1x16xf32>
          %swap3A_445 = arith.index_cast %add3A_409 : i32 to index
          %swap3A_446 = arith.constant 32 : index
          %swap3A_447 = tpu.vector_load %arg13[%swap3A_445, %swap3A_446] {strides = array<i32>} : memref<40x128xf32, #tpu.memory_space<vmem>>, vector<1x16xf32>,
          %swap3A_448 = vector.shape_cast %swap3A_447 : vector<1x16xf32> to vector<1x16xf32>
          %swap3A_449 = vector.shape_cast %mul3A_444 : vector<1x16xf32> to vector<1x16xf32>
          tpu.vector_store %arg13[%swap3A_445, %swap3A_446], %swap3A_449 {strides = array<i32>} : memref<40x128xf32, #tpu.memory_space<vmem>>, vector<1x16xf32>,
          %get3A_450 = arith.index_cast %add3A_409 : i32 to index
          %get3A_451 = arith.constant 48 : index
          %get3A_452 = tpu.vector_load %arg9[%get3A_450, %get3A_451] {strides = array<i32>} : memref<40x128xf32, #tpu.memory_space<vmem>>, vector<1x16xf32>,
          %get3A_453 = vector.shape_cast %get3A_452 : vector<1x16xf32> to vector<1x16xf32>
          %get3A_454 = arith.index_cast %add3A_409 : i32 to index
          %get3A_455 = arith.constant 48 : index
          %get3A_456 = tpu.vector_load %arg13[%get3A_454, %get3A_455] {strides = array<i32>} : memref<40x128xf32, #tpu.memory_space<vmem>>, vector<1x16xf32>,
          %get3A_457 = vector.shape_cast %get3A_456 : vector<1x16xf32> to vector<1x16xf32>
          %mul3A_458 = arith.mulf %get3A_453, %get3A_457 : vector<1x16xf32>
          %swap3A_459 = arith.index_cast %add3A_409 : i32 to index
          %swap3A_460 = arith.constant 48 : index
          %swap3A_461 = tpu.vector_load %arg13[%swap3A_459, %swap3A_460] {strides = array<i32>} : memref<40x128xf32, #tpu.memory_space<vmem>>, vector<1x16xf32>,
          %swap3A_462 = vector.shape_cast %swap3A_461 : vector<1x16xf32> to vector<1x16xf32>
          %swap3A_463 = vector.shape_cast %mul3A_458 : vector<1x16xf32> to vector<1x16xf32>
          tpu.vector_store %arg13[%swap3A_459, %swap3A_460], %swap3A_463 {strides = array<i32>} : memref<40x128xf32, #tpu.memory_space<vmem>>, vector<1x16xf32>,
          %get3A_464 = arith.index_cast %add3A_409 : i32 to index
          %get3A_465 = arith.constant 64 : index
          %get3A_466 = tpu.vector_load %arg9[%get3A_464, %get3A_465] {strides = array<i32>} : memref<40x128xf32, #tpu.memory_space<vmem>>, vector<1x16xf32>,
          %get3A_467 = vector.shape_cast %get3A_466 : vector<1x16xf32> to vector<1x16xf32>
          %get3A_468 = arith.index_cast %add3A_409 : i32 to index
          %get3A_469 = arith.constant 64 : index
          %get3A_470 = tpu.vector_load %arg13[%get3A_468, %get3A_469] {strides = array<i32>} : memref<40x128xf32, #tpu.memory_space<vmem>>, vector<1x16xf32>,
          %get3A_471 = vector.shape_cast %get3A_470 : vector<1x16xf32> to vector<1x16xf32>
          %mul3A_472 = arith.mulf %get3A_467, %get3A_471 : vector<1x16xf32>
          %swap3A_473 = arith.index_cast %add3A_409 : i32 to index
          %swap3A_474 = arith.constant 64 : index
          %swap3A_475 = tpu.vector_load %arg13[%swap3A_473, %swap3A_474] {strides = array<i32>} : memref<40x128xf32, #tpu.memory_space<vmem>>, vector<1x16xf32>,
          %swap3A_476 = vector.shape_cast %swap3A_475 : vector<1x16xf32> to vector<1x16xf32>
          %swap3A_477 = vector.shape_cast %mul3A_472 : vector<1x16xf32> to vector<1x16xf32>
          tpu.vector_store %arg13[%swap3A_473, %swap3A_474], %swap3A_477 {strides = array<i32>} : memref<40x128xf32, #tpu.memory_space<vmem>>, vector<1x16xf32>,
          %get3A_478 = arith.index_cast %add3A_409 : i32 to index
          %get3A_479 = arith.constant 80 : index
          %get3A_480 = tpu.vector_load %arg9[%get3A_478, %get3A_479] {strides = array<i32>} : memref<40x128xf32, #tpu.memory_space<vmem>>, vector<1x16xf32>,
          %get3A_481 = vector.shape_cast %get3A_480 : vector<1x16xf32> to vector<1x16xf32>
          %get3A_482 = arith.index_cast %add3A_409 : i32 to index
          %get3A_483 = arith.constant 80 : index
          %get3A_484 = tpu.vector_load %arg13[%get3A_482, %get3A_483] {strides = array<i32>} : memref<40x128xf32, #tpu.memory_space<vmem>>, vector<1x16xf32>,
          %get3A_485 = vector.shape_cast %get3A_484 : vector<1x16xf32> to vector<1x16xf32>
          %mul3A_486 = arith.mulf %get3A_481, %get3A_485 : vector<1x16xf32>
          %swap3A_487 = arith.index_cast %add3A_409 : i32 to index
          %swap3A_488 = arith.constant 80 : index
          %swap3A_489 = tpu.vector_load %arg13[%swap3A_487, %swap3A_488] {strides = array<i32>} : memref<40x128xf32, #tpu.memory_space<vmem>>, vector<1x16xf32>,
          %swap3A_490 = vector.shape_cast %swap3A_489 : vector<1x16xf32> to vector<1x16xf32>
          %swap3A_491 = vector.shape_cast %mul3A_486 : vector<1x16xf32> to vector<1x16xf32>
          tpu.vector_store %arg13[%swap3A_487, %swap3A_488], %swap3A_491 {strides = array<i32>} : memref<40x128xf32, #tpu.memory_space<vmem>>, vector<1x16xf32>,
          %get3A_492 = arith.index_cast %add3A_409 : i32 to index
          %get3A_493 = arith.constant 96 : index
          %get3A_494 = tpu.vector_load %arg9[%get3A_492, %get3A_493] {strides = array<i32>} : memref<40x128xf32, #tpu.memory_space<vmem>>, vector<1x16xf32>,
          %get3A_495 = vector.shape_cast %get3A_494 : vector<1x16xf32> to vector<1x16xf32>
          %get3A_496 = arith.index_cast %add3A_409 : i32 to index
          %get3A_497 = arith.constant 96 : index
          %get3A_498 = tpu.vector_load %arg13[%get3A_496, %get3A_497] {strides = array<i32>} : memref<40x128xf32, #tpu.memory_space<vmem>>, vector<1x16xf32>,
          %get3A_499 = vector.shape_cast %get3A_498 : vector<1x16xf32> to vector<1x16xf32>
          %mul3A_500 = arith.mulf %get3A_495, %get3A_499 : vector<1x16xf32>
          %swap3A_501 = arith.index_cast %add3A_409 : i32 to index
          %swap3A_502 = arith.constant 96 : index
          %swap3A_503 = tpu.vector_load %arg13[%swap3A_501, %swap3A_502] {strides = array<i32>} : memref<40x128xf32, #tpu.memory_space<vmem>>, vector<1x16xf32>,
          %swap3A_504 = vector.shape_cast %swap3A_503 : vector<1x16xf32> to vector<1x16xf32>
          %swap3A_505 = vector.shape_cast %mul3A_500 : vector<1x16xf32> to vector<1x16xf32>
          tpu.vector_store %arg13[%swap3A_501, %swap3A_502], %swap3A_505 {strides = array<i32>} : memref<40x128xf32, #tpu.memory_space<vmem>>, vector<1x16xf32>,
          %get3A_506 = arith.index_cast %add3A_409 : i32 to index
          %get3A_507 = arith.constant 112 : index
          %get3A_508 = tpu.vector_load %arg9[%get3A_506, %get3A_507] {strides = array<i32>} : memref<40x128xf32, #tpu.memory_space<vmem>>, vector<1x16xf32>,
          %get3A_509 = vector.shape_cast %get3A_508 : vector<1x16xf32> to vector<1x16xf32>
          %get3A_510 = arith.index_cast %add3A_409 : i32 to index
          %get3A_511 = arith.constant 112 : index
          %get3A_512 = tpu.vector_load %arg13[%get3A_510, %get3A_511] {strides = array<i32>} : memref<40x128xf32, #tpu.memory_space<vmem>>, vector<1x16xf32>,
          %get3A_513 = vector.shape_cast %get3A_512 : vector<1x16xf32> to vector<1x16xf32>
          %mul3A_514 = arith.mulf %get3A_509, %get3A_513 : vector<1x16xf32>
          %swap3A_515 = arith.index_cast %add3A_409 : i32 to index
          %swap3A_516 = arith.constant 112 : index
          %swap3A_517 = tpu.vector_load %arg13[%swap3A_515, %swap3A_516] {strides = array<i32>} : memref<40x128xf32, #tpu.memory_space<vmem>>, vector<1x16xf32>,
          %swap3A_518 = vector.shape_cast %swap3A_517 : vector<1x16xf32> to vector<1x16xf32>
          %swap3A_519 = vector.shape_cast %mul3A_514 : vector<1x16xf32> to vector<1x16xf32>
          tpu.vector_store %arg13[%swap3A_515, %swap3A_516], %swap3A_519 {strides = array<i32>} : memref<40x128xf32, #tpu.memory_space<vmem>>, vector<1x16xf32>,
        }
        %scan3A_398 = arith.constant 40 : i32
        %dma_start3A_399 = arith.constant 2 : i32
        %dma_start3A_400 = arith.constant 0 : i32
        %dma_start3A_401 = arith.constant 0 : i32
        %dma_start3A_402 = tpu.memref_slice %arg31[%dma_start3A_400, %dma_start3A_401] : memref<10240x128xf32, #tpu.memory_space<vmem_shared>> -> memref<10240x128xf32, #tpu.memory_space<vmem_shared>>
        %dma_start3A_403 = tpu.memref_slice %arg34[%dma_start3A_399] : memref<4x!tpu.dma_semaphore, #tpu.memory_space<semaphore_mem>> -> memref<1x!tpu.dma_semaphore, #tpu.memory_space<semaphore_mem>>
        %dma_start3A_404 = tpu.memref_squeeze %dma_start3A_403 : memref<1x!tpu.dma_semaphore, #tpu.memory_space<semaphore_mem>> -> memref<!tpu.dma_semaphore, #tpu.memory_space<semaphore_mem>>
        tpu.enqueue_indirect_dma source(%arg13 : memref<40x128xf32, #tpu.memory_space<vmem>>) target(%dma_start3A_402 : memref<10240x128xf32, #tpu.memory_space<vmem_shared>>) offsets(%arg21 : memref<40xi32, #tpu.memory_space<vmem>>) semaphore(%dma_start3A_404 : memref<!tpu.dma_semaphore, #tpu.memory_space<semaphore_mem>>) {add = true}
      } else {
      }
      %ge3A_145 = arith.constant 1 : i32
      %ge3A_146 = arith.cmpi sge, %add3A_102, %ge3A_145 : i32
      %convert_element_type3A_147 = arith.extui %ge3A_146 : i1 to i32
      %cond3A_148 = arith.constant 0 : i32
      %cond3A_149 = arith.cmpi ne, %convert_element_type3A_147, %cond3A_148 : i32
      scf.if %cond3A_149 {
        %mul3A_376 = arith.constant 40 : i32
        %mul3A_377 = arith.muli %add3A_139, %mul3A_376 : i32
        %add3A_378 = arith.addi %mul3A_2, %mul3A_377 : i32
        %dma_wait3A_379 = arith.constant 1 : i32
        %dma_wait3A_380 = tpu.memref_slice %arg4[%add3A_378] : memref<320000xi32, #tpu.memory_space<hbm>> -> memref<40xi32, #tpu.memory_space<hbm>>
        %dma_wait3A_381 = tpu.memref_slice %arg35[%dma_wait3A_379] : memref<8x!tpu.dma_semaphore, #tpu.memory_space<semaphore_mem>> -> memref<1x!tpu.dma_semaphore, #tpu.memory_space<semaphore_mem>>
        %dma_wait3A_382 = tpu.memref_squeeze %dma_wait3A_381 : memref<1x!tpu.dma_semaphore, #tpu.memory_space<semaphore_mem>> -> memref<!tpu.dma_semaphore, #tpu.memory_space<semaphore_mem>>
        %dma_wait3A_383 = tpu.memref_slice %arg4[%add3A_378] : memref<320000xi32, #tpu.memory_space<hbm>> -> memref<40xi32, #tpu.memory_space<hbm>>
        tpu.wait_dma2 semaphore(%dma_wait3A_382 : memref<!tpu.dma_semaphore, #tpu.memory_space<semaphore_mem>>) src(%dma_wait3A_383 : memref<40xi32, #tpu.memory_space<hbm>>) dst(%arg16 : memref<40xi32, #tpu.memory_space<vmem>>)
        %mul3A_384 = arith.constant 40 : i32
        %mul3A_385 = arith.muli %add3A_139, %mul3A_384 : i32
        %add3A_386 = arith.addi %mul3A_2, %mul3A_385 : i32
        %dma_wait3A_387 = arith.constant 1 : i32
        %dma_wait3A_388 = tpu.memref_slice %arg5[%add3A_386] : memref<320000xi32, #tpu.memory_space<hbm>> -> memref<40xi32, #tpu.memory_space<hbm>>
        %dma_wait3A_389 = tpu.memref_slice %arg35[%dma_wait3A_387] : memref<8x!tpu.dma_semaphore, #tpu.memory_space<semaphore_mem>> -> memref<1x!tpu.dma_semaphore, #tpu.memory_space<semaphore_mem>>
        %dma_wait3A_390 = tpu.memref_squeeze %dma_wait3A_389 : memref<1x!tpu.dma_semaphore, #tpu.memory_space<semaphore_mem>> -> memref<!tpu.dma_semaphore, #tpu.memory_space<semaphore_mem>>
        %dma_wait3A_391 = tpu.memref_slice %arg5[%add3A_386] : memref<320000xi32, #tpu.memory_space<hbm>> -> memref<40xi32, #tpu.memory_space<hbm>>
        tpu.wait_dma2 semaphore(%dma_wait3A_390 : memref<!tpu.dma_semaphore, #tpu.memory_space<semaphore_mem>>) src(%dma_wait3A_391 : memref<40xi32, #tpu.memory_space<hbm>>) dst(%arg24 : memref<40xi32, #tpu.memory_space<vmem>>)
        %dma_start3A_392 = arith.constant 1 : i32
        %dma_start3A_393 = arith.constant 0 : i32
        %dma_start3A_394 = arith.constant 0 : i32
        %dma_start3A_395 = tpu.memref_slice %arg2[%dma_start3A_393, %dma_start3A_394] : memref<10000x128xf32, #tpu.memory_space<hbm>> -> memref<10000x128xf32, #tpu.memory_space<hbm>>
        %dma_start3A_396 = tpu.memref_slice %arg32[%dma_start3A_392] : memref<4x!tpu.dma_semaphore, #tpu.memory_space<semaphore_mem>> -> memref<1x!tpu.dma_semaphore, #tpu.memory_space<semaphore_mem>>
        %dma_start3A_397 = tpu.memref_squeeze %dma_start3A_396 : memref<1x!tpu.dma_semaphore, #tpu.memory_space<semaphore_mem>> -> memref<!tpu.dma_semaphore, #tpu.memory_space<semaphore_mem>>
        tpu.enqueue_indirect_dma source(%dma_start3A_395 : memref<10000x128xf32, #tpu.memory_space<hbm>>) target(%arg8 : memref<40x128xf32, #tpu.memory_space<vmem>>) offsets(%arg24 : memref<40xi32, #tpu.memory_space<vmem>>) semaphore(%dma_start3A_397 : memref<!tpu.dma_semaphore, #tpu.memory_space<semaphore_mem>>)
      } else {
      }
      %eq3A_150 = arith.constant 0 : i32
      %eq3A_151 = arith.cmpi eq, %add3A_102, %eq3A_150 : i32
      %convert_element_type3A_152 = arith.extui %eq3A_151 : i1 to i32
      %cond3A_153 = arith.constant 0 : i32
      %cond3A_154 = arith.cmpi ne, %convert_element_type3A_152, %cond3A_153 : i32
      scf.if %cond3A_154 {
        %dma_start3A_376 = arith.constant 1 : i32
        %dma_start3A_377 = arith.constant 0 : i32
        %dma_start3A_378 = arith.constant 0 : i32
        %dma_start3A_379 = tpu.memref_slice %arg2[%dma_start3A_377, %dma_start3A_378] : memref<10000x128xf32, #tpu.memory_space<hbm>> -> memref<10000x128xf32, #tpu.memory_space<hbm>>
        %dma_start3A_380 = tpu.memref_slice %arg32[%dma_start3A_376] : memref<4x!tpu.dma_semaphore, #tpu.memory_space<semaphore_mem>> -> memref<1x!tpu.dma_semaphore, #tpu.memory_space<semaphore_mem>>
        %dma_start3A_381 = tpu.memref_squeeze %dma_start3A_380 : memref<1x!tpu.dma_semaphore, #tpu.memory_space<semaphore_mem>> -> memref<!tpu.dma_semaphore, #tpu.memory_space<semaphore_mem>>
        tpu.enqueue_indirect_dma source(%dma_start3A_379 : memref<10000x128xf32, #tpu.memory_space<hbm>>) target(%arg8 : memref<40x128xf32, #tpu.memory_space<vmem>>) offsets(%arg24 : memref<40xi32, #tpu.memory_space<vmem>>) semaphore(%dma_start3A_381 : memref<!tpu.dma_semaphore, #tpu.memory_space<semaphore_mem>>)
      } else {
      }
      %ge3A_155 = arith.constant 1 : i32
      %ge3A_156 = arith.cmpi sge, %add3A_102, %ge3A_155 : i32
      %convert_element_type3A_157 = arith.extui %ge3A_156 : i1 to i32
      %cond3A_158 = arith.constant 0 : i32
      %cond3A_159 = arith.cmpi ne, %convert_element_type3A_157, %cond3A_158 : i32
      scf.if %cond3A_159 {
        %dma_wait3A_376 = arith.constant 1 : i32
        %dma_wait3A_377 = arith.constant 0 : i32
        %dma_wait3A_378 = arith.constant 0 : i32
        %dma_wait3A_379 = tpu.memref_slice %arg31[%dma_wait3A_377, %dma_wait3A_378] : memref<10240x128xf32, #tpu.memory_space<vmem_shared>> -> memref<10240x128xf32, #tpu.memory_space<vmem_shared>>
        %dma_wait3A_380 = tpu.memref_slice %arg34[%dma_wait3A_376] : memref<4x!tpu.dma_semaphore, #tpu.memory_space<semaphore_mem>> -> memref<1x!tpu.dma_semaphore, #tpu.memory_space<semaphore_mem>>
        %dma_wait3A_381 = tpu.memref_squeeze %dma_wait3A_380 : memref<1x!tpu.dma_semaphore, #tpu.memory_space<semaphore_mem>> -> memref<!tpu.dma_semaphore, #tpu.memory_space<semaphore_mem>>
        tpu.wait_indirect_dma semaphore(%dma_wait3A_381 : memref<!tpu.dma_semaphore, #tpu.memory_space<semaphore_mem>>) src(%arg12 : memref<40x128xf32, #tpu.memory_space<vmem>>) dst(%dma_wait3A_379 : memref<10240x128xf32, #tpu.memory_space<vmem_shared>>)
      } else {
      }
      %mul3A_160 = arith.constant 40 : i32
      %mul3A_161 = arith.muli %add3A_139, %mul3A_160 : i32
      %add3A_162 = arith.addi %mul3A_2, %mul3A_161 : i32
      %dma_start3A_163 = arith.constant 1 : i32
      %dma_start3A_164 = arith.constant 0 : i32
      %dma_start3A_165 = tpu.memref_slice %arg3[%add3A_162, %dma_start3A_164] : memref<320000x128xf32, #tpu.memory_space<hbm>> -> memref<40x128xf32, #tpu.memory_space<hbm>>
      %dma_start3A_166 = tpu.memref_slice %arg33[%dma_start3A_163] : memref<4x!tpu.dma_semaphore, #tpu.memory_space<semaphore_mem>> -> memref<1x!tpu.dma_semaphore, #tpu.memory_space<semaphore_mem>>
      %dma_start3A_167 = tpu.memref_squeeze %dma_start3A_166 : memref<1x!tpu.dma_semaphore, #tpu.memory_space<semaphore_mem>> -> memref<!tpu.dma_semaphore, #tpu.memory_space<semaphore_mem>>
      %dma_start3A_168 = arith.constant 0 : i32
      %dma_start3A_169 = tpu.memref_slice %arg3[%add3A_162, %dma_start3A_168] : memref<320000x128xf32, #tpu.memory_space<hbm>> -> memref<40x128xf32, #tpu.memory_space<hbm>>
      tpu.enqueue_dma source(%dma_start3A_169 : memref<40x128xf32, #tpu.memory_space<hbm>>) target(%arg12 : memref<40x128xf32, #tpu.memory_space<vmem>>) target_semaphore(%dma_start3A_167 : memref<!tpu.dma_semaphore, #tpu.memory_space<semaphore_mem>>)
      %le3A_170 = arith.constant 30 : i32
      %le3A_171 = arith.cmpi sle, %add3A_102, %le3A_170 : i32
      %convert_element_type3A_172 = arith.extui %le3A_171 : i1 to i32
      %cond3A_173 = arith.constant 0 : i32
      %cond3A_174 = arith.cmpi ne, %convert_element_type3A_172, %cond3A_173 : i32
      scf.if %cond3A_174 {
        %add3A_376 = arith.constant 2 : i32
        %add3A_377 = arith.addi %add3A_139, %add3A_376 : i32
        %mul3A_378 = arith.constant 40 : i32
        %mul3A_379 = arith.muli %add3A_377, %mul3A_378 : i32
        %add3A_380 = arith.addi %mul3A_2, %mul3A_379 : i32
        %dma_start3A_381 = arith.constant 3 : i32
        %dma_start3A_382 = tpu.memref_slice %arg4[%add3A_380] : memref<320000xi32, #tpu.memory_space<hbm>> -> memref<40xi32, #tpu.memory_space<hbm>>
        %dma_start3A_383 = tpu.memref_slice %arg35[%dma_start3A_381] : memref<8x!tpu.dma_semaphore, #tpu.memory_space<semaphore_mem>> -> memref<1x!tpu.dma_semaphore, #tpu.memory_space<semaphore_mem>>
        %dma_start3A_384 = tpu.memref_squeeze %dma_start3A_383 : memref<1x!tpu.dma_semaphore, #tpu.memory_space<semaphore_mem>> -> memref<!tpu.dma_semaphore, #tpu.memory_space<semaphore_mem>>
        %dma_start3A_385 = tpu.memref_slice %arg4[%add3A_380] : memref<320000xi32, #tpu.memory_space<hbm>> -> memref<40xi32, #tpu.memory_space<hbm>>
        tpu.enqueue_dma source(%dma_start3A_385 : memref<40xi32, #tpu.memory_space<hbm>>) target(%arg18 : memref<40xi32, #tpu.memory_space<vmem>>) target_semaphore(%dma_start3A_384 : memref<!tpu.dma_semaphore, #tpu.memory_space<semaphore_mem>>)
        %add3A_386 = arith.constant 2 : i32
        %add3A_387 = arith.addi %add3A_139, %add3A_386 : i32
        %mul3A_388 = arith.constant 40 : i32
        %mul3A_389 = arith.muli %add3A_387, %mul3A_388 : i32
        %add3A_390 = arith.addi %mul3A_2, %mul3A_389 : i32
        %dma_start3A_391 = arith.constant 3 : i32
        %dma_start3A_392 = tpu.memref_slice %arg5[%add3A_390] : memref<320000xi32, #tpu.memory_space<hbm>> -> memref<40xi32, #tpu.memory_space<hbm>>
        %dma_start3A_393 = tpu.memref_slice %arg35[%dma_start3A_391] : memref<8x!tpu.dma_semaphore, #tpu.memory_space<semaphore_mem>> -> memref<1x!tpu.dma_semaphore, #tpu.memory_space<semaphore_mem>>
        %dma_start3A_394 = tpu.memref_squeeze %dma_start3A_393 : memref<1x!tpu.dma_semaphore, #tpu.memory_space<semaphore_mem>> -> memref<!tpu.dma_semaphore, #tpu.memory_space<semaphore_mem>>
        %dma_start3A_395 = tpu.memref_slice %arg5[%add3A_390] : memref<320000xi32, #tpu.memory_space<hbm>> -> memref<40xi32, #tpu.memory_space<hbm>>
        tpu.enqueue_dma source(%dma_start3A_395 : memref<40xi32, #tpu.memory_space<hbm>>) target(%arg26 : memref<40xi32, #tpu.memory_space<vmem>>) target_semaphore(%dma_start3A_394 : memref<!tpu.dma_semaphore, #tpu.memory_space<semaphore_mem>>)
      } else {
      }
      %mul3A_175 = arith.constant 8 : i32
      %mul3A_176 = arith.muli %add3A_102, %mul3A_175 : i32
      %add3A_177 = arith.constant 2 : i32
      %add3A_178 = arith.addi %mul3A_176, %add3A_177 : i32
      %ge3A_179 = arith.constant 1 : i32
      %ge3A_180 = arith.cmpi sge, %add3A_102, %ge3A_179 : i32
      %convert_element_type3A_181 = arith.extui %ge3A_180 : i1 to i32
      %cond3A_182 = arith.constant 0 : i32
      %cond3A_183 = arith.cmpi ne, %convert_element_type3A_181, %cond3A_182 : i32
      scf.if %cond3A_183 {
        %dma_wait3A_376 = arith.constant 3 : i32
        %dma_wait3A_377 = arith.constant 0 : i32
        %dma_wait3A_378 = arith.constant 0 : i32
        %dma_wait3A_379 = tpu.memref_slice %arg2[%dma_wait3A_377, %dma_wait3A_378] : memref<10000x128xf32, #tpu.memory_space<hbm>> -> memref<10000x128xf32, #tpu.memory_space<hbm>>
        %dma_wait3A_380 = tpu.memref_slice %arg32[%dma_wait3A_376] : memref<4x!tpu.dma_semaphore, #tpu.memory_space<semaphore_mem>> -> memref<1x!tpu.dma_semaphore, #tpu.memory_space<semaphore_mem>>
        %dma_wait3A_381 = tpu.memref_squeeze %dma_wait3A_380 : memref<1x!tpu.dma_semaphore, #tpu.memory_space<semaphore_mem>> -> memref<!tpu.dma_semaphore, #tpu.memory_space<semaphore_mem>>
        tpu.wait_indirect_dma semaphore(%dma_wait3A_381 : memref<!tpu.dma_semaphore, #tpu.memory_space<semaphore_mem>>) src(%dma_wait3A_379 : memref<10000x128xf32, #tpu.memory_space<hbm>>) dst(%arg10 : memref<40x128xf32, #tpu.memory_space<vmem>>)
        %sub3A_382 = arith.constant 3 : i32
        %sub3A_383 = arith.subi %add3A_178, %sub3A_382 : i32
        %mul3A_384 = arith.constant 40 : i32
        %mul3A_385 = arith.muli %sub3A_383, %mul3A_384 : i32
        %add3A_386 = arith.addi %mul3A_2, %mul3A_385 : i32
        %dma_wait3A_387 = arith.constant 3 : i32
        %dma_wait3A_388 = arith.constant 0 : i32
        %dma_wait3A_389 = tpu.memref_slice %arg3[%add3A_386, %dma_wait3A_388] : memref<320000x128xf32, #tpu.memory_space<hbm>> -> memref<40x128xf32, #tpu.memory_space<hbm>>
        %dma_wait3A_390 = tpu.memref_slice %arg33[%dma_wait3A_387] : memref<4x!tpu.dma_semaphore, #tpu.memory_space<semaphore_mem>> -> memref<1x!tpu.dma_semaphore, #tpu.memory_space<semaphore_mem>>
        %dma_wait3A_391 = tpu.memref_squeeze %dma_wait3A_390 : memref<1x!tpu.dma_semaphore, #tpu.memory_space<semaphore_mem>> -> memref<!tpu.dma_semaphore, #tpu.memory_space<semaphore_mem>>
        %dma_wait3A_392 = arith.constant 0 : i32
        %dma_wait3A_393 = tpu.memref_slice %arg3[%add3A_386, %dma_wait3A_392] : memref<320000x128xf32, #tpu.memory_space<hbm>> -> memref<40x128xf32, #tpu.memory_space<hbm>>
        tpu.wait_dma2 semaphore(%dma_wait3A_391 : memref<!tpu.dma_semaphore, #tpu.memory_space<semaphore_mem>>) src(%dma_wait3A_393 : memref<40x128xf32, #tpu.memory_space<hbm>>) dst(%arg14 : memref<40x128xf32, #tpu.memory_space<vmem>>)
        %scan3A_394 = arith.constant 0 : i32
        %scan3A_395 = arith.constant 40 : i32
        %scan3A_396 = arith.addi %scan3A_394, %scan3A_395 : i32
        %scan3A_397 = arith.constant 1 : i32
        scf.for %scan3A_405 = %scan3A_394 to %scan3A_396 step %scan3A_397  : i32 {
          %mul3A_406 = arith.constant 1 : i32
          %mul3A_407 = arith.muli %scan3A_405, %mul3A_406 : i32
          %add3A_408 = arith.constant 0 : i32
          %add3A_409 = arith.addi %add3A_408, %mul3A_407 : i32
          %get3A = arith.index_cast %add3A_409 : i32 to index
          %get3A_410 = arith.constant 0 : index
          %get3A_411 = tpu.vector_load %arg10[%get3A, %get3A_410] {strides = array<i32>} : memref<40x128xf32, #tpu.memory_space<vmem>>, vector<1x16xf32>,
          %get3A_412 = vector.shape_cast %get3A_411 : vector<1x16xf32> to vector<1x16xf32>
          %get3A_413 = arith.index_cast %add3A_409 : i32 to index
          %get3A_414 = arith.constant 0 : index
          %get3A_415 = tpu.vector_load %arg14[%get3A_413, %get3A_414] {strides = array<i32>} : memref<40x128xf32, #tpu.memory_space<vmem>>, vector<1x16xf32>,
          %get3A_416 = vector.shape_cast %get3A_415 : vector<1x16xf32> to vector<1x16xf32>
          %mul3A_417 = arith.mulf %get3A_412, %get3A_416 : vector<1x16xf32>
          %swap3A = arith.index_cast %add3A_409 : i32 to index
          %swap3A_418 = arith.constant 0 : index
          %swap3A_419 = tpu.vector_load %arg14[%swap3A, %swap3A_418] {strides = array<i32>} : memref<40x128xf32, #tpu.memory_space<vmem>>, vector<1x16xf32>,
          %swap3A_420 = vector.shape_cast %swap3A_419 : vector<1x16xf32> to vector<1x16xf32>
          %swap3A_421 = vector.shape_cast %mul3A_417 : vector<1x16xf32> to vector<1x16xf32>
          tpu.vector_store %arg14[%swap3A, %swap3A_418], %swap3A_421 {strides = array<i32>} : memref<40x128xf32, #tpu.memory_space<vmem>>, vector<1x16xf32>,
          %get3A_422 = arith.index_cast %add3A_409 : i32 to index
          %get3A_423 = arith.constant 16 : index
          %get3A_424 = tpu.vector_load %arg10[%get3A_422, %get3A_423] {strides = array<i32>} : memref<40x128xf32, #tpu.memory_space<vmem>>, vector<1x16xf32>,
          %get3A_425 = vector.shape_cast %get3A_424 : vector<1x16xf32> to vector<1x16xf32>
          %get3A_426 = arith.index_cast %add3A_409 : i32 to index
          %get3A_427 = arith.constant 16 : index
          %get3A_428 = tpu.vector_load %arg14[%get3A_426, %get3A_427] {strides = array<i32>} : memref<40x128xf32, #tpu.memory_space<vmem>>, vector<1x16xf32>,
          %get3A_429 = vector.shape_cast %get3A_428 : vector<1x16xf32> to vector<1x16xf32>
          %mul3A_430 = arith.mulf %get3A_425, %get3A_429 : vector<1x16xf32>
          %swap3A_431 = arith.index_cast %add3A_409 : i32 to index
          %swap3A_432 = arith.constant 16 : index
          %swap3A_433 = tpu.vector_load %arg14[%swap3A_431, %swap3A_432] {strides = array<i32>} : memref<40x128xf32, #tpu.memory_space<vmem>>, vector<1x16xf32>,
          %swap3A_434 = vector.shape_cast %swap3A_433 : vector<1x16xf32> to vector<1x16xf32>
          %swap3A_435 = vector.shape_cast %mul3A_430 : vector<1x16xf32> to vector<1x16xf32>
          tpu.vector_store %arg14[%swap3A_431, %swap3A_432], %swap3A_435 {strides = array<i32>} : memref<40x128xf32, #tpu.memory_space<vmem>>, vector<1x16xf32>,
          %get3A_436 = arith.index_cast %add3A_409 : i32 to index
          %get3A_437 = arith.constant 32 : index
          %get3A_438 = tpu.vector_load %arg10[%get3A_436, %get3A_437] {strides = array<i32>} : memref<40x128xf32, #tpu.memory_space<vmem>>, vector<1x16xf32>,
          %get3A_439 = vector.shape_cast %get3A_438 : vector<1x16xf32> to vector<1x16xf32>
          %get3A_440 = arith.index_cast %add3A_409 : i32 to index
          %get3A_441 = arith.constant 32 : index
          %get3A_442 = tpu.vector_load %arg14[%get3A_440, %get3A_441] {strides = array<i32>} : memref<40x128xf32, #tpu.memory_space<vmem>>, vector<1x16xf32>,
          %get3A_443 = vector.shape_cast %get3A_442 : vector<1x16xf32> to vector<1x16xf32>
          %mul3A_444 = arith.mulf %get3A_439, %get3A_443 : vector<1x16xf32>
          %swap3A_445 = arith.index_cast %add3A_409 : i32 to index
          %swap3A_446 = arith.constant 32 : index
          %swap3A_447 = tpu.vector_load %arg14[%swap3A_445, %swap3A_446] {strides = array<i32>} : memref<40x128xf32, #tpu.memory_space<vmem>>, vector<1x16xf32>,
          %swap3A_448 = vector.shape_cast %swap3A_447 : vector<1x16xf32> to vector<1x16xf32>
          %swap3A_449 = vector.shape_cast %mul3A_444 : vector<1x16xf32> to vector<1x16xf32>
          tpu.vector_store %arg14[%swap3A_445, %swap3A_446], %swap3A_449 {strides = array<i32>} : memref<40x128xf32, #tpu.memory_space<vmem>>, vector<1x16xf32>,
          %get3A_450 = arith.index_cast %add3A_409 : i32 to index
          %get3A_451 = arith.constant 48 : index
          %get3A_452 = tpu.vector_load %arg10[%get3A_450, %get3A_451] {strides = array<i32>} : memref<40x128xf32, #tpu.memory_space<vmem>>, vector<1x16xf32>,
          %get3A_453 = vector.shape_cast %get3A_452 : vector<1x16xf32> to vector<1x16xf32>
          %get3A_454 = arith.index_cast %add3A_409 : i32 to index
          %get3A_455 = arith.constant 48 : index
          %get3A_456 = tpu.vector_load %arg14[%get3A_454, %get3A_455] {strides = array<i32>} : memref<40x128xf32, #tpu.memory_space<vmem>>, vector<1x16xf32>,
          %get3A_457 = vector.shape_cast %get3A_456 : vector<1x16xf32> to vector<1x16xf32>
          %mul3A_458 = arith.mulf %get3A_453, %get3A_457 : vector<1x16xf32>
          %swap3A_459 = arith.index_cast %add3A_409 : i32 to index
          %swap3A_460 = arith.constant 48 : index
          %swap3A_461 = tpu.vector_load %arg14[%swap3A_459, %swap3A_460] {strides = array<i32>} : memref<40x128xf32, #tpu.memory_space<vmem>>, vector<1x16xf32>,
          %swap3A_462 = vector.shape_cast %swap3A_461 : vector<1x16xf32> to vector<1x16xf32>
          %swap3A_463 = vector.shape_cast %mul3A_458 : vector<1x16xf32> to vector<1x16xf32>
          tpu.vector_store %arg14[%swap3A_459, %swap3A_460], %swap3A_463 {strides = array<i32>} : memref<40x128xf32, #tpu.memory_space<vmem>>, vector<1x16xf32>,
          %get3A_464 = arith.index_cast %add3A_409 : i32 to index
          %get3A_465 = arith.constant 64 : index
          %get3A_466 = tpu.vector_load %arg10[%get3A_464, %get3A_465] {strides = array<i32>} : memref<40x128xf32, #tpu.memory_space<vmem>>, vector<1x16xf32>,
          %get3A_467 = vector.shape_cast %get3A_466 : vector<1x16xf32> to vector<1x16xf32>
          %get3A_468 = arith.index_cast %add3A_409 : i32 to index
          %get3A_469 = arith.constant 64 : index
          %get3A_470 = tpu.vector_load %arg14[%get3A_468, %get3A_469] {strides = array<i32>} : memref<40x128xf32, #tpu.memory_space<vmem>>, vector<1x16xf32>,
          %get3A_471 = vector.shape_cast %get3A_470 : vector<1x16xf32> to vector<1x16xf32>
          %mul3A_472 = arith.mulf %get3A_467, %get3A_471 : vector<1x16xf32>
          %swap3A_473 = arith.index_cast %add3A_409 : i32 to index
          %swap3A_474 = arith.constant 64 : index
          %swap3A_475 = tpu.vector_load %arg14[%swap3A_473, %swap3A_474] {strides = array<i32>} : memref<40x128xf32, #tpu.memory_space<vmem>>, vector<1x16xf32>,
          %swap3A_476 = vector.shape_cast %swap3A_475 : vector<1x16xf32> to vector<1x16xf32>
          %swap3A_477 = vector.shape_cast %mul3A_472 : vector<1x16xf32> to vector<1x16xf32>
          tpu.vector_store %arg14[%swap3A_473, %swap3A_474], %swap3A_477 {strides = array<i32>} : memref<40x128xf32, #tpu.memory_space<vmem>>, vector<1x16xf32>,
          %get3A_478 = arith.index_cast %add3A_409 : i32 to index
          %get3A_479 = arith.constant 80 : index
          %get3A_480 = tpu.vector_load %arg10[%get3A_478, %get3A_479] {strides = array<i32>} : memref<40x128xf32, #tpu.memory_space<vmem>>, vector<1x16xf32>,
          %get3A_481 = vector.shape_cast %get3A_480 : vector<1x16xf32> to vector<1x16xf32>
          %get3A_482 = arith.index_cast %add3A_409 : i32 to index
          %get3A_483 = arith.constant 80 : index
          %get3A_484 = tpu.vector_load %arg14[%get3A_482, %get3A_483] {strides = array<i32>} : memref<40x128xf32, #tpu.memory_space<vmem>>, vector<1x16xf32>,
          %get3A_485 = vector.shape_cast %get3A_484 : vector<1x16xf32> to vector<1x16xf32>
          %mul3A_486 = arith.mulf %get3A_481, %get3A_485 : vector<1x16xf32>
          %swap3A_487 = arith.index_cast %add3A_409 : i32 to index
          %swap3A_488 = arith.constant 80 : index
          %swap3A_489 = tpu.vector_load %arg14[%swap3A_487, %swap3A_488] {strides = array<i32>} : memref<40x128xf32, #tpu.memory_space<vmem>>, vector<1x16xf32>,
          %swap3A_490 = vector.shape_cast %swap3A_489 : vector<1x16xf32> to vector<1x16xf32>
          %swap3A_491 = vector.shape_cast %mul3A_486 : vector<1x16xf32> to vector<1x16xf32>
          tpu.vector_store %arg14[%swap3A_487, %swap3A_488], %swap3A_491 {strides = array<i32>} : memref<40x128xf32, #tpu.memory_space<vmem>>, vector<1x16xf32>,
          %get3A_492 = arith.index_cast %add3A_409 : i32 to index
          %get3A_493 = arith.constant 96 : index
          %get3A_494 = tpu.vector_load %arg10[%get3A_492, %get3A_493] {strides = array<i32>} : memref<40x128xf32, #tpu.memory_space<vmem>>, vector<1x16xf32>,
          %get3A_495 = vector.shape_cast %get3A_494 : vector<1x16xf32> to vector<1x16xf32>
          %get3A_496 = arith.index_cast %add3A_409 : i32 to index
          %get3A_497 = arith.constant 96 : index
          %get3A_498 = tpu.vector_load %arg14[%get3A_496, %get3A_497] {strides = array<i32>} : memref<40x128xf32, #tpu.memory_space<vmem>>, vector<1x16xf32>,
          %get3A_499 = vector.shape_cast %get3A_498 : vector<1x16xf32> to vector<1x16xf32>
          %mul3A_500 = arith.mulf %get3A_495, %get3A_499 : vector<1x16xf32>
          %swap3A_501 = arith.index_cast %add3A_409 : i32 to index
          %swap3A_502 = arith.constant 96 : index
          %swap3A_503 = tpu.vector_load %arg14[%swap3A_501, %swap3A_502] {strides = array<i32>} : memref<40x128xf32, #tpu.memory_space<vmem>>, vector<1x16xf32>,
          %swap3A_504 = vector.shape_cast %swap3A_503 : vector<1x16xf32> to vector<1x16xf32>
          %swap3A_505 = vector.shape_cast %mul3A_500 : vector<1x16xf32> to vector<1x16xf32>
          tpu.vector_store %arg14[%swap3A_501, %swap3A_502], %swap3A_505 {strides = array<i32>} : memref<40x128xf32, #tpu.memory_space<vmem>>, vector<1x16xf32>,
          %get3A_506 = arith.index_cast %add3A_409 : i32 to index
          %get3A_507 = arith.constant 112 : index
          %get3A_508 = tpu.vector_load %arg10[%get3A_506, %get3A_507] {strides = array<i32>} : memref<40x128xf32, #tpu.memory_space<vmem>>, vector<1x16xf32>,
          %get3A_509 = vector.shape_cast %get3A_508 : vector<1x16xf32> to vector<1x16xf32>
          %get3A_510 = arith.index_cast %add3A_409 : i32 to index
          %get3A_511 = arith.constant 112 : index
          %get3A_512 = tpu.vector_load %arg14[%get3A_510, %get3A_511] {strides = array<i32>} : memref<40x128xf32, #tpu.memory_space<vmem>>, vector<1x16xf32>,
          %get3A_513 = vector.shape_cast %get3A_512 : vector<1x16xf32> to vector<1x16xf32>
          %mul3A_514 = arith.mulf %get3A_509, %get3A_513 : vector<1x16xf32>
          %swap3A_515 = arith.index_cast %add3A_409 : i32 to index
          %swap3A_516 = arith.constant 112 : index
          %swap3A_517 = tpu.vector_load %arg14[%swap3A_515, %swap3A_516] {strides = array<i32>} : memref<40x128xf32, #tpu.memory_space<vmem>>, vector<1x16xf32>,
          %swap3A_518 = vector.shape_cast %swap3A_517 : vector<1x16xf32> to vector<1x16xf32>
          %swap3A_519 = vector.shape_cast %mul3A_514 : vector<1x16xf32> to vector<1x16xf32>
          tpu.vector_store %arg14[%swap3A_515, %swap3A_516], %swap3A_519 {strides = array<i32>} : memref<40x128xf32, #tpu.memory_space<vmem>>, vector<1x16xf32>,
        }
        %scan3A_398 = arith.constant 40 : i32
        %dma_start3A_399 = arith.constant 3 : i32
        %dma_start3A_400 = arith.constant 0 : i32
        %dma_start3A_401 = arith.constant 0 : i32
        %dma_start3A_402 = tpu.memref_slice %arg31[%dma_start3A_400, %dma_start3A_401] : memref<10240x128xf32, #tpu.memory_space<vmem_shared>> -> memref<10240x128xf32, #tpu.memory_space<vmem_shared>>
        %dma_start3A_403 = tpu.memref_slice %arg34[%dma_start3A_399] : memref<4x!tpu.dma_semaphore, #tpu.memory_space<semaphore_mem>> -> memref<1x!tpu.dma_semaphore, #tpu.memory_space<semaphore_mem>>
        %dma_start3A_404 = tpu.memref_squeeze %dma_start3A_403 : memref<1x!tpu.dma_semaphore, #tpu.memory_space<semaphore_mem>> -> memref<!tpu.dma_semaphore, #tpu.memory_space<semaphore_mem>>
        tpu.enqueue_indirect_dma source(%arg14 : memref<40x128xf32, #tpu.memory_space<vmem>>) target(%dma_start3A_402 : memref<10240x128xf32, #tpu.memory_space<vmem_shared>>) offsets(%arg22 : memref<40xi32, #tpu.memory_space<vmem>>) semaphore(%dma_start3A_404 : memref<!tpu.dma_semaphore, #tpu.memory_space<semaphore_mem>>) {add = true}
      } else {
      }
      %le3A_184 = arith.constant 30 : i32
      %le3A_185 = arith.cmpi sle, %add3A_102, %le3A_184 : i32
      %convert_element_type3A_186 = arith.extui %le3A_185 : i1 to i32
      %cond3A_187 = arith.constant 0 : i32
      %cond3A_188 = arith.cmpi ne, %convert_element_type3A_186, %cond3A_187 : i32
      scf.if %cond3A_188 {
        %mul3A_376 = arith.constant 40 : i32
        %mul3A_377 = arith.muli %add3A_178, %mul3A_376 : i32
        %add3A_378 = arith.addi %mul3A_2, %mul3A_377 : i32
        %dma_wait3A_379 = arith.constant 2 : i32
        %dma_wait3A_380 = tpu.memref_slice %arg4[%add3A_378] : memref<320000xi32, #tpu.memory_space<hbm>> -> memref<40xi32, #tpu.memory_space<hbm>>
        %dma_wait3A_381 = tpu.memref_slice %arg35[%dma_wait3A_379] : memref<8x!tpu.dma_semaphore, #tpu.memory_space<semaphore_mem>> -> memref<1x!tpu.dma_semaphore, #tpu.memory_space<semaphore_mem>>
        %dma_wait3A_382 = tpu.memref_squeeze %dma_wait3A_381 : memref<1x!tpu.dma_semaphore, #tpu.memory_space<semaphore_mem>> -> memref<!tpu.dma_semaphore, #tpu.memory_space<semaphore_mem>>
        %dma_wait3A_383 = tpu.memref_slice %arg4[%add3A_378] : memref<320000xi32, #tpu.memory_space<hbm>> -> memref<40xi32, #tpu.memory_space<hbm>>
        tpu.wait_dma2 semaphore(%dma_wait3A_382 : memref<!tpu.dma_semaphore, #tpu.memory_space<semaphore_mem>>) src(%dma_wait3A_383 : memref<40xi32, #tpu.memory_space<hbm>>) dst(%arg17 : memref<40xi32, #tpu.memory_space<vmem>>)
        %mul3A_384 = arith.constant 40 : i32
        %mul3A_385 = arith.muli %add3A_178, %mul3A_384 : i32
        %add3A_386 = arith.addi %mul3A_2, %mul3A_385 : i32
        %dma_wait3A_387 = arith.constant 2 : i32
        %dma_wait3A_388 = tpu.memref_slice %arg5[%add3A_386] : memref<320000xi32, #tpu.memory_space<hbm>> -> memref<40xi32, #tpu.memory_space<hbm>>
        %dma_wait3A_389 = tpu.memref_slice %arg35[%dma_wait3A_387] : memref<8x!tpu.dma_semaphore, #tpu.memory_space<semaphore_mem>> -> memref<1x!tpu.dma_semaphore, #tpu.memory_space<semaphore_mem>>
        %dma_wait3A_390 = tpu.memref_squeeze %dma_wait3A_389 : memref<1x!tpu.dma_semaphore, #tpu.memory_space<semaphore_mem>> -> memref<!tpu.dma_semaphore, #tpu.memory_space<semaphore_mem>>
        %dma_wait3A_391 = tpu.memref_slice %arg5[%add3A_386] : memref<320000xi32, #tpu.memory_space<hbm>> -> memref<40xi32, #tpu.memory_space<hbm>>
        tpu.wait_dma2 semaphore(%dma_wait3A_390 : memref<!tpu.dma_semaphore, #tpu.memory_space<semaphore_mem>>) src(%dma_wait3A_391 : memref<40xi32, #tpu.memory_space<hbm>>) dst(%arg25 : memref<40xi32, #tpu.memory_space<vmem>>)
        %dma_start3A_392 = arith.constant 2 : i32
        %dma_start3A_393 = arith.constant 0 : i32
        %dma_start3A_394 = arith.constant 0 : i32
        %dma_start3A_395 = tpu.memref_slice %arg2[%dma_start3A_393, %dma_start3A_394] : memref<10000x128xf32, #tpu.memory_space<hbm>> -> memref<10000x128xf32, #tpu.memory_space<hbm>>
        %dma_start3A_396 = tpu.memref_slice %arg32[%dma_start3A_392] : memref<4x!tpu.dma_semaphore, #tpu.memory_space<semaphore_mem>> -> memref<1x!tpu.dma_semaphore, #tpu.memory_space<semaphore_mem>>
        %dma_start3A_397 = tpu.memref_squeeze %dma_start3A_396 : memref<1x!tpu.dma_semaphore, #tpu.memory_space<semaphore_mem>> -> memref<!tpu.dma_semaphore, #tpu.memory_space<semaphore_mem>>
        tpu.enqueue_indirect_dma source(%dma_start3A_395 : memref<10000x128xf32, #tpu.memory_space<hbm>>) target(%arg9 : memref<40x128xf32, #tpu.memory_space<vmem>>) offsets(%arg25 : memref<40xi32, #tpu.memory_space<vmem>>) semaphore(%dma_start3A_397 : memref<!tpu.dma_semaphore, #tpu.memory_space<semaphore_mem>>)
      } else {
      }
      %ge3A_189 = arith.constant 1 : i32
      %ge3A_190 = arith.cmpi sge, %add3A_102, %ge3A_189 : i32
      %convert_element_type3A_191 = arith.extui %ge3A_190 : i1 to i32
      %cond3A_192 = arith.constant 0 : i32
      %cond3A_193 = arith.cmpi ne, %convert_element_type3A_191, %cond3A_192 : i32
      scf.if %cond3A_193 {
        %dma_wait3A_376 = arith.constant 2 : i32
        %dma_wait3A_377 = arith.constant 0 : i32
        %dma_wait3A_378 = arith.constant 0 : i32
        %dma_wait3A_379 = tpu.memref_slice %arg31[%dma_wait3A_377, %dma_wait3A_378] : memref<10240x128xf32, #tpu.memory_space<vmem_shared>> -> memref<10240x128xf32, #tpu.memory_space<vmem_shared>>
        %dma_wait3A_380 = tpu.memref_slice %arg34[%dma_wait3A_376] : memref<4x!tpu.dma_semaphore, #tpu.memory_space<semaphore_mem>> -> memref<1x!tpu.dma_semaphore, #tpu.memory_space<semaphore_mem>>
        %dma_wait3A_381 = tpu.memref_squeeze %dma_wait3A_380 : memref<1x!tpu.dma_semaphore, #tpu.memory_space<semaphore_mem>> -> memref<!tpu.dma_semaphore, #tpu.memory_space<semaphore_mem>>
        tpu.wait_indirect_dma semaphore(%dma_wait3A_381 : memref<!tpu.dma_semaphore, #tpu.memory_space<semaphore_mem>>) src(%arg13 : memref<40x128xf32, #tpu.memory_space<vmem>>) dst(%dma_wait3A_379 : memref<10240x128xf32, #tpu.memory_space<vmem_shared>>)
      } else {
      }
      %le3A_194 = arith.constant 30 : i32
      %le3A_195 = arith.cmpi sle, %add3A_102, %le3A_194 : i32
      %convert_element_type3A_196 = arith.extui %le3A_195 : i1 to i32
      %cond3A_197 = arith.constant 0 : i32
      %cond3A_198 = arith.cmpi ne, %convert_element_type3A_196, %cond3A_197 : i32
      scf.if %cond3A_198 {
        %mul3A_376 = arith.constant 40 : i32
        %mul3A_377 = arith.muli %add3A_178, %mul3A_376 : i32
        %add3A_378 = arith.addi %mul3A_2, %mul3A_377 : i32
        %dma_start3A_379 = arith.constant 2 : i32
        %dma_start3A_380 = arith.constant 0 : i32
        %dma_start3A_381 = tpu.memref_slice %arg3[%add3A_378, %dma_start3A_380] : memref<320000x128xf32, #tpu.memory_space<hbm>> -> memref<40x128xf32, #tpu.memory_space<hbm>>
        %dma_start3A_382 = tpu.memref_slice %arg33[%dma_start3A_379] : memref<4x!tpu.dma_semaphore, #tpu.memory_space<semaphore_mem>> -> memref<1x!tpu.dma_semaphore, #tpu.memory_space<semaphore_mem>>
        %dma_start3A_383 = tpu.memref_squeeze %dma_start3A_382 : memref<1x!tpu.dma_semaphore, #tpu.memory_space<semaphore_mem>> -> memref<!tpu.dma_semaphore, #tpu.memory_space<semaphore_mem>>
        %dma_start3A_384 = arith.constant 0 : i32
        %dma_start3A_385 = tpu.memref_slice %arg3[%add3A_378, %dma_start3A_384] : memref<320000x128xf32, #tpu.memory_space<hbm>> -> memref<40x128xf32, #tpu.memory_space<hbm>>
        tpu.enqueue_dma source(%dma_start3A_385 : memref<40x128xf32, #tpu.memory_space<hbm>>) target(%arg13 : memref<40x128xf32, #tpu.memory_space<vmem>>) target_semaphore(%dma_start3A_383 : memref<!tpu.dma_semaphore, #tpu.memory_space<semaphore_mem>>)
      } else {
      }
      %le3A_199 = arith.constant 30 : i32
      %le3A_200 = arith.cmpi sle, %add3A_102, %le3A_199 : i32
      %convert_element_type3A_201 = arith.extui %le3A_200 : i1 to i32
      %cond3A_202 = arith.constant 0 : i32
      %cond3A_203 = arith.cmpi ne, %convert_element_type3A_201, %cond3A_202 : i32
      scf.if %cond3A_203 {
        %add3A_376 = arith.constant 2 : i32
        %add3A_377 = arith.addi %add3A_178, %add3A_376 : i32
        %mul3A_378 = arith.constant 40 : i32
        %mul3A_379 = arith.muli %add3A_377, %mul3A_378 : i32
        %add3A_380 = arith.addi %mul3A_2, %mul3A_379 : i32
        %dma_start3A_381 = arith.constant 4 : i32
        %dma_start3A_382 = tpu.memref_slice %arg4[%add3A_380] : memref<320000xi32, #tpu.memory_space<hbm>> -> memref<40xi32, #tpu.memory_space<hbm>>
        %dma_start3A_383 = tpu.memref_slice %arg35[%dma_start3A_381] : memref<8x!tpu.dma_semaphore, #tpu.memory_space<semaphore_mem>> -> memref<1x!tpu.dma_semaphore, #tpu.memory_space<semaphore_mem>>
        %dma_start3A_384 = tpu.memref_squeeze %dma_start3A_383 : memref<1x!tpu.dma_semaphore, #tpu.memory_space<semaphore_mem>> -> memref<!tpu.dma_semaphore, #tpu.memory_space<semaphore_mem>>
        %dma_start3A_385 = tpu.memref_slice %arg4[%add3A_380] : memref<320000xi32, #tpu.memory_space<hbm>> -> memref<40xi32, #tpu.memory_space<hbm>>
        tpu.enqueue_dma source(%dma_start3A_385 : memref<40xi32, #tpu.memory_space<hbm>>) target(%arg19 : memref<40xi32, #tpu.memory_space<vmem>>) target_semaphore(%dma_start3A_384 : memref<!tpu.dma_semaphore, #tpu.memory_space<semaphore_mem>>)
        %add3A_386 = arith.constant 2 : i32
        %add3A_387 = arith.addi %add3A_178, %add3A_386 : i32
        %mul3A_388 = arith.constant 40 : i32
        %mul3A_389 = arith.muli %add3A_387, %mul3A_388 : i32
        %add3A_390 = arith.addi %mul3A_2, %mul3A_389 : i32
        %dma_start3A_391 = arith.constant 4 : i32
        %dma_start3A_392 = tpu.memref_slice %arg5[%add3A_390] : memref<320000xi32, #tpu.memory_space<hbm>> -> memref<40xi32, #tpu.memory_space<hbm>>
        %dma_start3A_393 = tpu.memref_slice %arg35[%dma_start3A_391] : memref<8x!tpu.dma_semaphore, #tpu.memory_space<semaphore_mem>> -> memref<1x!tpu.dma_semaphore, #tpu.memory_space<semaphore_mem>>
        %dma_start3A_394 = tpu.memref_squeeze %dma_start3A_393 : memref<1x!tpu.dma_semaphore, #tpu.memory_space<semaphore_mem>> -> memref<!tpu.dma_semaphore, #tpu.memory_space<semaphore_mem>>
        %dma_start3A_395 = tpu.memref_slice %arg5[%add3A_390] : memref<320000xi32, #tpu.memory_space<hbm>> -> memref<40xi32, #tpu.memory_space<hbm>>
        tpu.enqueue_dma source(%dma_start3A_395 : memref<40xi32, #tpu.memory_space<hbm>>) target(%arg27 : memref<40xi32, #tpu.memory_space<vmem>>) target_semaphore(%dma_start3A_394 : memref<!tpu.dma_semaphore, #tpu.memory_space<semaphore_mem>>)
      } else {
      }
      %mul3A_204 = arith.constant 8 : i32
      %mul3A_205 = arith.muli %add3A_102, %mul3A_204 : i32
      %add3A_206 = arith.constant 3 : i32
      %add3A_207 = arith.addi %mul3A_205, %add3A_206 : i32
      %dma_wait3A_208 = arith.constant 0 : i32
      %dma_wait3A_209 = arith.constant 0 : i32
      %dma_wait3A_210 = arith.constant 0 : i32
      %dma_wait3A_211 = tpu.memref_slice %arg2[%dma_wait3A_209, %dma_wait3A_210] : memref<10000x128xf32, #tpu.memory_space<hbm>> -> memref<10000x128xf32, #tpu.memory_space<hbm>>
      %dma_wait3A_212 = tpu.memref_slice %arg32[%dma_wait3A_208] : memref<4x!tpu.dma_semaphore, #tpu.memory_space<semaphore_mem>> -> memref<1x!tpu.dma_semaphore, #tpu.memory_space<semaphore_mem>>
      %dma_wait3A_213 = tpu.memref_squeeze %dma_wait3A_212 : memref<1x!tpu.dma_semaphore, #tpu.memory_space<semaphore_mem>> -> memref<!tpu.dma_semaphore, #tpu.memory_space<semaphore_mem>>
      tpu.wait_indirect_dma semaphore(%dma_wait3A_213 : memref<!tpu.dma_semaphore, #tpu.memory_space<semaphore_mem>>) src(%dma_wait3A_211 : memref<10000x128xf32, #tpu.memory_space<hbm>>) dst(%arg7 : memref<40x128xf32, #tpu.memory_space<vmem>>)
      %sub3A = arith.constant 3 : i32
      %sub3A_214 = arith.subi %add3A_207, %sub3A : i32
      %mul3A_215 = arith.constant 40 : i32
      %mul3A_216 = arith.muli %sub3A_214, %mul3A_215 : i32
      %add3A_217 = arith.addi %mul3A_2, %mul3A_216 : i32
      %dma_wait3A_218 = arith.constant 0 : i32
      %dma_wait3A_219 = arith.constant 0 : i32
      %dma_wait3A_220 = tpu.memref_slice %arg3[%add3A_217, %dma_wait3A_219] : memref<320000x128xf32, #tpu.memory_space<hbm>> -> memref<40x128xf32, #tpu.memory_space<hbm>>
      %dma_wait3A_221 = tpu.memref_slice %arg33[%dma_wait3A_218] : memref<4x!tpu.dma_semaphore, #tpu.memory_space<semaphore_mem>> -> memref<1x!tpu.dma_semaphore, #tpu.memory_space<semaphore_mem>>
      %dma_wait3A_222 = tpu.memref_squeeze %dma_wait3A_221 : memref<1x!tpu.dma_semaphore, #tpu.memory_space<semaphore_mem>> -> memref<!tpu.dma_semaphore, #tpu.memory_space<semaphore_mem>>
      %dma_wait3A_223 = arith.constant 0 : i32
      %dma_wait3A_224 = tpu.memref_slice %arg3[%add3A_217, %dma_wait3A_223] : memref<320000x128xf32, #tpu.memory_space<hbm>> -> memref<40x128xf32, #tpu.memory_space<hbm>>
      tpu.wait_dma2 semaphore(%dma_wait3A_222 : memref<!tpu.dma_semaphore, #tpu.memory_space<semaphore_mem>>) src(%dma_wait3A_224 : memref<40x128xf32, #tpu.memory_space<hbm>>) dst(%arg11 : memref<40x128xf32, #tpu.memory_space<vmem>>)
      %scan3A_225 = arith.constant 0 : i32
      %scan3A_226 = arith.constant 40 : i32
      %scan3A_227 = arith.addi %scan3A_225, %scan3A_226 : i32
      %scan3A_228 = arith.constant 1 : i32
      scf.for %scan3A_376 = %scan3A_225 to %scan3A_227 step %scan3A_228  : i32 {
        %mul3A_377 = arith.constant 1 : i32
        %mul3A_378 = arith.muli %scan3A_376, %mul3A_377 : i32
        %add3A_379 = arith.constant 0 : i32
        %add3A_380 = arith.addi %add3A_379, %mul3A_378 : i32
        %get3A = arith.index_cast %add3A_380 : i32 to index
        %get3A_381 = arith.constant 0 : index
        %get3A_382 = tpu.vector_load %arg7[%get3A, %get3A_381] {strides = array<i32>} : memref<40x128xf32, #tpu.memory_space<vmem>>, vector<1x16xf32>,
        %get3A_383 = vector.shape_cast %get3A_382 : vector<1x16xf32> to vector<1x16xf32>
        %get3A_384 = arith.index_cast %add3A_380 : i32 to index
        %get3A_385 = arith.constant 0 : index
        %get3A_386 = tpu.vector_load %arg11[%get3A_384, %get3A_385] {strides = array<i32>} : memref<40x128xf32, #tpu.memory_space<vmem>>, vector<1x16xf32>,
        %get3A_387 = vector.shape_cast %get3A_386 : vector<1x16xf32> to vector<1x16xf32>
        %mul3A_388 = arith.mulf %get3A_383, %get3A_387 : vector<1x16xf32>
        %swap3A = arith.index_cast %add3A_380 : i32 to index
        %swap3A_389 = arith.constant 0 : index
        %swap3A_390 = tpu.vector_load %arg11[%swap3A, %swap3A_389] {strides = array<i32>} : memref<40x128xf32, #tpu.memory_space<vmem>>, vector<1x16xf32>,
        %swap3A_391 = vector.shape_cast %swap3A_390 : vector<1x16xf32> to vector<1x16xf32>
        %swap3A_392 = vector.shape_cast %mul3A_388 : vector<1x16xf32> to vector<1x16xf32>
        tpu.vector_store %arg11[%swap3A, %swap3A_389], %swap3A_392 {strides = array<i32>} : memref<40x128xf32, #tpu.memory_space<vmem>>, vector<1x16xf32>,
        %get3A_393 = arith.index_cast %add3A_380 : i32 to index
        %get3A_394 = arith.constant 16 : index
        %get3A_395 = tpu.vector_load %arg7[%get3A_393, %get3A_394] {strides = array<i32>} : memref<40x128xf32, #tpu.memory_space<vmem>>, vector<1x16xf32>,
        %get3A_396 = vector.shape_cast %get3A_395 : vector<1x16xf32> to vector<1x16xf32>
        %get3A_397 = arith.index_cast %add3A_380 : i32 to index
        %get3A_398 = arith.constant 16 : index
        %get3A_399 = tpu.vector_load %arg11[%get3A_397, %get3A_398] {strides = array<i32>} : memref<40x128xf32, #tpu.memory_space<vmem>>, vector<1x16xf32>,
        %get3A_400 = vector.shape_cast %get3A_399 : vector<1x16xf32> to vector<1x16xf32>
        %mul3A_401 = arith.mulf %get3A_396, %get3A_400 : vector<1x16xf32>
        %swap3A_402 = arith.index_cast %add3A_380 : i32 to index
        %swap3A_403 = arith.constant 16 : index
        %swap3A_404 = tpu.vector_load %arg11[%swap3A_402, %swap3A_403] {strides = array<i32>} : memref<40x128xf32, #tpu.memory_space<vmem>>, vector<1x16xf32>,
        %swap3A_405 = vector.shape_cast %swap3A_404 : vector<1x16xf32> to vector<1x16xf32>
        %swap3A_406 = vector.shape_cast %mul3A_401 : vector<1x16xf32> to vector<1x16xf32>
        tpu.vector_store %arg11[%swap3A_402, %swap3A_403], %swap3A_406 {strides = array<i32>} : memref<40x128xf32, #tpu.memory_space<vmem>>, vector<1x16xf32>,
        %get3A_407 = arith.index_cast %add3A_380 : i32 to index
        %get3A_408 = arith.constant 32 : index
        %get3A_409 = tpu.vector_load %arg7[%get3A_407, %get3A_408] {strides = array<i32>} : memref<40x128xf32, #tpu.memory_space<vmem>>, vector<1x16xf32>,
        %get3A_410 = vector.shape_cast %get3A_409 : vector<1x16xf32> to vector<1x16xf32>
        %get3A_411 = arith.index_cast %add3A_380 : i32 to index
        %get3A_412 = arith.constant 32 : index
        %get3A_413 = tpu.vector_load %arg11[%get3A_411, %get3A_412] {strides = array<i32>} : memref<40x128xf32, #tpu.memory_space<vmem>>, vector<1x16xf32>,
        %get3A_414 = vector.shape_cast %get3A_413 : vector<1x16xf32> to vector<1x16xf32>
        %mul3A_415 = arith.mulf %get3A_410, %get3A_414 : vector<1x16xf32>
        %swap3A_416 = arith.index_cast %add3A_380 : i32 to index
        %swap3A_417 = arith.constant 32 : index
        %swap3A_418 = tpu.vector_load %arg11[%swap3A_416, %swap3A_417] {strides = array<i32>} : memref<40x128xf32, #tpu.memory_space<vmem>>, vector<1x16xf32>,
        %swap3A_419 = vector.shape_cast %swap3A_418 : vector<1x16xf32> to vector<1x16xf32>
        %swap3A_420 = vector.shape_cast %mul3A_415 : vector<1x16xf32> to vector<1x16xf32>
        tpu.vector_store %arg11[%swap3A_416, %swap3A_417], %swap3A_420 {strides = array<i32>} : memref<40x128xf32, #tpu.memory_space<vmem>>, vector<1x16xf32>,
        %get3A_421 = arith.index_cast %add3A_380 : i32 to index
        %get3A_422 = arith.constant 48 : index
        %get3A_423 = tpu.vector_load %arg7[%get3A_421, %get3A_422] {strides = array<i32>} : memref<40x128xf32, #tpu.memory_space<vmem>>, vector<1x16xf32>,
        %get3A_424 = vector.shape_cast %get3A_423 : vector<1x16xf32> to vector<1x16xf32>
        %get3A_425 = arith.index_cast %add3A_380 : i32 to index
        %get3A_426 = arith.constant 48 : index
        %get3A_427 = tpu.vector_load %arg11[%get3A_425, %get3A_426] {strides = array<i32>} : memref<40x128xf32, #tpu.memory_space<vmem>>, vector<1x16xf32>,
        %get3A_428 = vector.shape_cast %get3A_427 : vector<1x16xf32> to vector<1x16xf32>
        %mul3A_429 = arith.mulf %get3A_424, %get3A_428 : vector<1x16xf32>
        %swap3A_430 = arith.index_cast %add3A_380 : i32 to index
        %swap3A_431 = arith.constant 48 : index
        %swap3A_432 = tpu.vector_load %arg11[%swap3A_430, %swap3A_431] {strides = array<i32>} : memref<40x128xf32, #tpu.memory_space<vmem>>, vector<1x16xf32>,
        %swap3A_433 = vector.shape_cast %swap3A_432 : vector<1x16xf32> to vector<1x16xf32>
        %swap3A_434 = vector.shape_cast %mul3A_429 : vector<1x16xf32> to vector<1x16xf32>
        tpu.vector_store %arg11[%swap3A_430, %swap3A_431], %swap3A_434 {strides = array<i32>} : memref<40x128xf32, #tpu.memory_space<vmem>>, vector<1x16xf32>,
        %get3A_435 = arith.index_cast %add3A_380 : i32 to index
        %get3A_436 = arith.constant 64 : index
        %get3A_437 = tpu.vector_load %arg7[%get3A_435, %get3A_436] {strides = array<i32>} : memref<40x128xf32, #tpu.memory_space<vmem>>, vector<1x16xf32>,
        %get3A_438 = vector.shape_cast %get3A_437 : vector<1x16xf32> to vector<1x16xf32>
        %get3A_439 = arith.index_cast %add3A_380 : i32 to index
        %get3A_440 = arith.constant 64 : index
        %get3A_441 = tpu.vector_load %arg11[%get3A_439, %get3A_440] {strides = array<i32>} : memref<40x128xf32, #tpu.memory_space<vmem>>, vector<1x16xf32>,
        %get3A_442 = vector.shape_cast %get3A_441 : vector<1x16xf32> to vector<1x16xf32>
        %mul3A_443 = arith.mulf %get3A_438, %get3A_442 : vector<1x16xf32>
        %swap3A_444 = arith.index_cast %add3A_380 : i32 to index
        %swap3A_445 = arith.constant 64 : index
        %swap3A_446 = tpu.vector_load %arg11[%swap3A_444, %swap3A_445] {strides = array<i32>} : memref<40x128xf32, #tpu.memory_space<vmem>>, vector<1x16xf32>,
        %swap3A_447 = vector.shape_cast %swap3A_446 : vector<1x16xf32> to vector<1x16xf32>
        %swap3A_448 = vector.shape_cast %mul3A_443 : vector<1x16xf32> to vector<1x16xf32>
        tpu.vector_store %arg11[%swap3A_444, %swap3A_445], %swap3A_448 {strides = array<i32>} : memref<40x128xf32, #tpu.memory_space<vmem>>, vector<1x16xf32>,
        %get3A_449 = arith.index_cast %add3A_380 : i32 to index
        %get3A_450 = arith.constant 80 : index
        %get3A_451 = tpu.vector_load %arg7[%get3A_449, %get3A_450] {strides = array<i32>} : memref<40x128xf32, #tpu.memory_space<vmem>>, vector<1x16xf32>,
        %get3A_452 = vector.shape_cast %get3A_451 : vector<1x16xf32> to vector<1x16xf32>
        %get3A_453 = arith.index_cast %add3A_380 : i32 to index
        %get3A_454 = arith.constant 80 : index
        %get3A_455 = tpu.vector_load %arg11[%get3A_453, %get3A_454] {strides = array<i32>} : memref<40x128xf32, #tpu.memory_space<vmem>>, vector<1x16xf32>,
        %get3A_456 = vector.shape_cast %get3A_455 : vector<1x16xf32> to vector<1x16xf32>
        %mul3A_457 = arith.mulf %get3A_452, %get3A_456 : vector<1x16xf32>
        %swap3A_458 = arith.index_cast %add3A_380 : i32 to index
        %swap3A_459 = arith.constant 80 : index
        %swap3A_460 = tpu.vector_load %arg11[%swap3A_458, %swap3A_459] {strides = array<i32>} : memref<40x128xf32, #tpu.memory_space<vmem>>, vector<1x16xf32>,
        %swap3A_461 = vector.shape_cast %swap3A_460 : vector<1x16xf32> to vector<1x16xf32>
        %swap3A_462 = vector.shape_cast %mul3A_457 : vector<1x16xf32> to vector<1x16xf32>
        tpu.vector_store %arg11[%swap3A_458, %swap3A_459], %swap3A_462 {strides = array<i32>} : memref<40x128xf32, #tpu.memory_space<vmem>>, vector<1x16xf32>,
        %get3A_463 = arith.index_cast %add3A_380 : i32 to index
        %get3A_464 = arith.constant 96 : index
        %get3A_465 = tpu.vector_load %arg7[%get3A_463, %get3A_464] {strides = array<i32>} : memref<40x128xf32, #tpu.memory_space<vmem>>, vector<1x16xf32>,
        %get3A_466 = vector.shape_cast %get3A_465 : vector<1x16xf32> to vector<1x16xf32>
        %get3A_467 = arith.index_cast %add3A_380 : i32 to index
        %get3A_468 = arith.constant 96 : index
        %get3A_469 = tpu.vector_load %arg11[%get3A_467, %get3A_468] {strides = array<i32>} : memref<40x128xf32, #tpu.memory_space<vmem>>, vector<1x16xf32>,
        %get3A_470 = vector.shape_cast %get3A_469 : vector<1x16xf32> to vector<1x16xf32>
        %mul3A_471 = arith.mulf %get3A_466, %get3A_470 : vector<1x16xf32>
        %swap3A_472 = arith.index_cast %add3A_380 : i32 to index
        %swap3A_473 = arith.constant 96 : index
        %swap3A_474 = tpu.vector_load %arg11[%swap3A_472, %swap3A_473] {strides = array<i32>} : memref<40x128xf32, #tpu.memory_space<vmem>>, vector<1x16xf32>,
        %swap3A_475 = vector.shape_cast %swap3A_474 : vector<1x16xf32> to vector<1x16xf32>
        %swap3A_476 = vector.shape_cast %mul3A_471 : vector<1x16xf32> to vector<1x16xf32>
        tpu.vector_store %arg11[%swap3A_472, %swap3A_473], %swap3A_476 {strides = array<i32>} : memref<40x128xf32, #tpu.memory_space<vmem>>, vector<1x16xf32>,
        %get3A_477 = arith.index_cast %add3A_380 : i32 to index
        %get3A_478 = arith.constant 112 : index
        %get3A_479 = tpu.vector_load %arg7[%get3A_477, %get3A_478] {strides = array<i32>} : memref<40x128xf32, #tpu.memory_space<vmem>>, vector<1x16xf32>,
        %get3A_480 = vector.shape_cast %get3A_479 : vector<1x16xf32> to vector<1x16xf32>
        %get3A_481 = arith.index_cast %add3A_380 : i32 to index
        %get3A_482 = arith.constant 112 : index
        %get3A_483 = tpu.vector_load %arg11[%get3A_481, %get3A_482] {strides = array<i32>} : memref<40x128xf32, #tpu.memory_space<vmem>>, vector<1x16xf32>,
        %get3A_484 = vector.shape_cast %get3A_483 : vector<1x16xf32> to vector<1x16xf32>
        %mul3A_485 = arith.mulf %get3A_480, %get3A_484 : vector<1x16xf32>
        %swap3A_486 = arith.index_cast %add3A_380 : i32 to index
        %swap3A_487 = arith.constant 112 : index
        %swap3A_488 = tpu.vector_load %arg11[%swap3A_486, %swap3A_487] {strides = array<i32>} : memref<40x128xf32, #tpu.memory_space<vmem>>, vector<1x16xf32>,
        %swap3A_489 = vector.shape_cast %swap3A_488 : vector<1x16xf32> to vector<1x16xf32>
        %swap3A_490 = vector.shape_cast %mul3A_485 : vector<1x16xf32> to vector<1x16xf32>
        tpu.vector_store %arg11[%swap3A_486, %swap3A_487], %swap3A_490 {strides = array<i32>} : memref<40x128xf32, #tpu.memory_space<vmem>>, vector<1x16xf32>,
      }
      %scan3A_229 = arith.constant 40 : i32
      %dma_start3A_230 = arith.constant 0 : i32
      %dma_start3A_231 = arith.constant 0 : i32
      %dma_start3A_232 = arith.constant 0 : i32
      %dma_start3A_233 = tpu.memref_slice %arg31[%dma_start3A_231, %dma_start3A_232] : memref<10240x128xf32, #tpu.memory_space<vmem_shared>> -> memref<10240x128xf32, #tpu.memory_space<vmem_shared>>
      %dma_start3A_234 = tpu.memref_slice %arg34[%dma_start3A_230] : memref<4x!tpu.dma_semaphore, #tpu.memory_space<semaphore_mem>> -> memref<1x!tpu.dma_semaphore, #tpu.memory_space<semaphore_mem>>
      %dma_start3A_235 = tpu.memref_squeeze %dma_start3A_234 : memref<1x!tpu.dma_semaphore, #tpu.memory_space<semaphore_mem>> -> memref<!tpu.dma_semaphore, #tpu.memory_space<semaphore_mem>>
      tpu.enqueue_indirect_dma source(%arg11 : memref<40x128xf32, #tpu.memory_space<vmem>>) target(%dma_start3A_233 : memref<10240x128xf32, #tpu.memory_space<vmem_shared>>) offsets(%arg15 : memref<40xi32, #tpu.memory_space<vmem>>) semaphore(%dma_start3A_235 : memref<!tpu.dma_semaphore, #tpu.memory_space<semaphore_mem>>) {add = true}
      %le3A_236 = arith.constant 30 : i32
      %le3A_237 = arith.cmpi sle, %add3A_102, %le3A_236 : i32
      %convert_element_type3A_238 = arith.extui %le3A_237 : i1 to i32
      %cond3A_239 = arith.constant 0 : i32
      %cond3A_240 = arith.cmpi ne, %convert_element_type3A_238, %cond3A_239 : i32
      scf.if %cond3A_240 {
        %mul3A_376 = arith.constant 40 : i32
        %mul3A_377 = arith.muli %add3A_207, %mul3A_376 : i32
        %add3A_378 = arith.addi %mul3A_2, %mul3A_377 : i32
        %dma_wait3A_379 = arith.constant 3 : i32
        %dma_wait3A_380 = tpu.memref_slice %arg4[%add3A_378] : memref<320000xi32, #tpu.memory_space<hbm>> -> memref<40xi32, #tpu.memory_space<hbm>>
        %dma_wait3A_381 = tpu.memref_slice %arg35[%dma_wait3A_379] : memref<8x!tpu.dma_semaphore, #tpu.memory_space<semaphore_mem>> -> memref<1x!tpu.dma_semaphore, #tpu.memory_space<semaphore_mem>>
        %dma_wait3A_382 = tpu.memref_squeeze %dma_wait3A_381 : memref<1x!tpu.dma_semaphore, #tpu.memory_space<semaphore_mem>> -> memref<!tpu.dma_semaphore, #tpu.memory_space<semaphore_mem>>
        %dma_wait3A_383 = tpu.memref_slice %arg4[%add3A_378] : memref<320000xi32, #tpu.memory_space<hbm>> -> memref<40xi32, #tpu.memory_space<hbm>>
        tpu.wait_dma2 semaphore(%dma_wait3A_382 : memref<!tpu.dma_semaphore, #tpu.memory_space<semaphore_mem>>) src(%dma_wait3A_383 : memref<40xi32, #tpu.memory_space<hbm>>) dst(%arg18 : memref<40xi32, #tpu.memory_space<vmem>>)
        %mul3A_384 = arith.constant 40 : i32
        %mul3A_385 = arith.muli %add3A_207, %mul3A_384 : i32
        %add3A_386 = arith.addi %mul3A_2, %mul3A_385 : i32
        %dma_wait3A_387 = arith.constant 3 : i32
        %dma_wait3A_388 = tpu.memref_slice %arg5[%add3A_386] : memref<320000xi32, #tpu.memory_space<hbm>> -> memref<40xi32, #tpu.memory_space<hbm>>
        %dma_wait3A_389 = tpu.memref_slice %arg35[%dma_wait3A_387] : memref<8x!tpu.dma_semaphore, #tpu.memory_space<semaphore_mem>> -> memref<1x!tpu.dma_semaphore, #tpu.memory_space<semaphore_mem>>
        %dma_wait3A_390 = tpu.memref_squeeze %dma_wait3A_389 : memref<1x!tpu.dma_semaphore, #tpu.memory_space<semaphore_mem>> -> memref<!tpu.dma_semaphore, #tpu.memory_space<semaphore_mem>>
        %dma_wait3A_391 = tpu.memref_slice %arg5[%add3A_386] : memref<320000xi32, #tpu.memory_space<hbm>> -> memref<40xi32, #tpu.memory_space<hbm>>
        tpu.wait_dma2 semaphore(%dma_wait3A_390 : memref<!tpu.dma_semaphore, #tpu.memory_space<semaphore_mem>>) src(%dma_wait3A_391 : memref<40xi32, #tpu.memory_space<hbm>>) dst(%arg26 : memref<40xi32, #tpu.memory_space<vmem>>)
        %dma_start3A_392 = arith.constant 3 : i32
        %dma_start3A_393 = arith.constant 0 : i32
        %dma_start3A_394 = arith.constant 0 : i32
        %dma_start3A_395 = tpu.memref_slice %arg2[%dma_start3A_393, %dma_start3A_394] : memref<10000x128xf32, #tpu.memory_space<hbm>> -> memref<10000x128xf32, #tpu.memory_space<hbm>>
        %dma_start3A_396 = tpu.memref_slice %arg32[%dma_start3A_392] : memref<4x!tpu.dma_semaphore, #tpu.memory_space<semaphore_mem>> -> memref<1x!tpu.dma_semaphore, #tpu.memory_space<semaphore_mem>>
        %dma_start3A_397 = tpu.memref_squeeze %dma_start3A_396 : memref<1x!tpu.dma_semaphore, #tpu.memory_space<semaphore_mem>> -> memref<!tpu.dma_semaphore, #tpu.memory_space<semaphore_mem>>
        tpu.enqueue_indirect_dma source(%dma_start3A_395 : memref<10000x128xf32, #tpu.memory_space<hbm>>) target(%arg10 : memref<40x128xf32, #tpu.memory_space<vmem>>) offsets(%arg26 : memref<40xi32, #tpu.memory_space<vmem>>) semaphore(%dma_start3A_397 : memref<!tpu.dma_semaphore, #tpu.memory_space<semaphore_mem>>)
      } else {
      }
      %ge3A_241 = arith.constant 1 : i32
      %ge3A_242 = arith.cmpi sge, %add3A_102, %ge3A_241 : i32
      %convert_element_type3A_243 = arith.extui %ge3A_242 : i1 to i32
      %cond3A_244 = arith.constant 0 : i32
      %cond3A_245 = arith.cmpi ne, %convert_element_type3A_243, %cond3A_244 : i32
      scf.if %cond3A_245 {
        %dma_wait3A_376 = arith.constant 3 : i32
        %dma_wait3A_377 = arith.constant 0 : i32
        %dma_wait3A_378 = arith.constant 0 : i32
        %dma_wait3A_379 = tpu.memref_slice %arg31[%dma_wait3A_377, %dma_wait3A_378] : memref<10240x128xf32, #tpu.memory_space<vmem_shared>> -> memref<10240x128xf32, #tpu.memory_space<vmem_shared>>
        %dma_wait3A_380 = tpu.memref_slice %arg34[%dma_wait3A_376] : memref<4x!tpu.dma_semaphore, #tpu.memory_space<semaphore_mem>> -> memref<1x!tpu.dma_semaphore, #tpu.memory_space<semaphore_mem>>
        %dma_wait3A_381 = tpu.memref_squeeze %dma_wait3A_380 : memref<1x!tpu.dma_semaphore, #tpu.memory_space<semaphore_mem>> -> memref<!tpu.dma_semaphore, #tpu.memory_space<semaphore_mem>>
        tpu.wait_indirect_dma semaphore(%dma_wait3A_381 : memref<!tpu.dma_semaphore, #tpu.memory_space<semaphore_mem>>) src(%arg14 : memref<40x128xf32, #tpu.memory_space<vmem>>) dst(%dma_wait3A_379 : memref<10240x128xf32, #tpu.memory_space<vmem_shared>>)
      } else {
      }
      %le3A_246 = arith.constant 30 : i32
      %le3A_247 = arith.cmpi sle, %add3A_102, %le3A_246 : i32
      %convert_element_type3A_248 = arith.extui %le3A_247 : i1 to i32
      %cond3A_249 = arith.constant 0 : i32
      %cond3A_250 = arith.cmpi ne, %convert_element_type3A_248, %cond3A_249 : i32
      scf.if %cond3A_250 {
        %mul3A_376 = arith.constant 40 : i32
        %mul3A_377 = arith.muli %add3A_207, %mul3A_376 : i32
        %add3A_378 = arith.addi %mul3A_2, %mul3A_377 : i32
        %dma_start3A_379 = arith.constant 3 : i32
        %dma_start3A_380 = arith.constant 0 : i32
        %dma_start3A_381 = tpu.memref_slice %arg3[%add3A_378, %dma_start3A_380] : memref<320000x128xf32, #tpu.memory_space<hbm>> -> memref<40x128xf32, #tpu.memory_space<hbm>>
        %dma_start3A_382 = tpu.memref_slice %arg33[%dma_start3A_379] : memref<4x!tpu.dma_semaphore, #tpu.memory_space<semaphore_mem>> -> memref<1x!tpu.dma_semaphore, #tpu.memory_space<semaphore_mem>>
        %dma_start3A_383 = tpu.memref_squeeze %dma_start3A_382 : memref<1x!tpu.dma_semaphore, #tpu.memory_space<semaphore_mem>> -> memref<!tpu.dma_semaphore, #tpu.memory_space<semaphore_mem>>
        %dma_start3A_384 = arith.constant 0 : i32
        %dma_start3A_385 = tpu.memref_slice %arg3[%add3A_378, %dma_start3A_384] : memref<320000x128xf32, #tpu.memory_space<hbm>> -> memref<40x128xf32, #tpu.memory_space<hbm>>
        tpu.enqueue_dma source(%dma_start3A_385 : memref<40x128xf32, #tpu.memory_space<hbm>>) target(%arg14 : memref<40x128xf32, #tpu.memory_space<vmem>>) target_semaphore(%dma_start3A_383 : memref<!tpu.dma_semaphore, #tpu.memory_space<semaphore_mem>>)
      } else {
      }
      %le3A_251 = arith.constant 30 : i32
      %le3A_252 = arith.cmpi sle, %add3A_102, %le3A_251 : i32
      %convert_element_type3A_253 = arith.extui %le3A_252 : i1 to i32
      %cond3A_254 = arith.constant 0 : i32
      %cond3A_255 = arith.cmpi ne, %convert_element_type3A_253, %cond3A_254 : i32
      scf.if %cond3A_255 {
        %add3A_376 = arith.constant 2 : i32
        %add3A_377 = arith.addi %add3A_207, %add3A_376 : i32
        %mul3A_378 = arith.constant 40 : i32
        %mul3A_379 = arith.muli %add3A_377, %mul3A_378 : i32
        %add3A_380 = arith.addi %mul3A_2, %mul3A_379 : i32
        %dma_start3A_381 = arith.constant 5 : i32
        %dma_start3A_382 = tpu.memref_slice %arg4[%add3A_380] : memref<320000xi32, #tpu.memory_space<hbm>> -> memref<40xi32, #tpu.memory_space<hbm>>
        %dma_start3A_383 = tpu.memref_slice %arg35[%dma_start3A_381] : memref<8x!tpu.dma_semaphore, #tpu.memory_space<semaphore_mem>> -> memref<1x!tpu.dma_semaphore, #tpu.memory_space<semaphore_mem>>
        %dma_start3A_384 = tpu.memref_squeeze %dma_start3A_383 : memref<1x!tpu.dma_semaphore, #tpu.memory_space<semaphore_mem>> -> memref<!tpu.dma_semaphore, #tpu.memory_space<semaphore_mem>>
        %dma_start3A_385 = tpu.memref_slice %arg4[%add3A_380] : memref<320000xi32, #tpu.memory_space<hbm>> -> memref<40xi32, #tpu.memory_space<hbm>>
        tpu.enqueue_dma source(%dma_start3A_385 : memref<40xi32, #tpu.memory_space<hbm>>) target(%arg20 : memref<40xi32, #tpu.memory_space<vmem>>) target_semaphore(%dma_start3A_384 : memref<!tpu.dma_semaphore, #tpu.memory_space<semaphore_mem>>)
        %add3A_386 = arith.constant 2 : i32
        %add3A_387 = arith.addi %add3A_207, %add3A_386 : i32
        %mul3A_388 = arith.constant 40 : i32
        %mul3A_389 = arith.muli %add3A_387, %mul3A_388 : i32
        %add3A_390 = arith.addi %mul3A_2, %mul3A_389 : i32
        %dma_start3A_391 = arith.constant 5 : i32
        %dma_start3A_392 = tpu.memref_slice %arg5[%add3A_390] : memref<320000xi32, #tpu.memory_space<hbm>> -> memref<40xi32, #tpu.memory_space<hbm>>
        %dma_start3A_393 = tpu.memref_slice %arg35[%dma_start3A_391] : memref<8x!tpu.dma_semaphore, #tpu.memory_space<semaphore_mem>> -> memref<1x!tpu.dma_semaphore, #tpu.memory_space<semaphore_mem>>
        %dma_start3A_394 = tpu.memref_squeeze %dma_start3A_393 : memref<1x!tpu.dma_semaphore, #tpu.memory_space<semaphore_mem>> -> memref<!tpu.dma_semaphore, #tpu.memory_space<semaphore_mem>>
        %dma_start3A_395 = tpu.memref_slice %arg5[%add3A_390] : memref<320000xi32, #tpu.memory_space<hbm>> -> memref<40xi32, #tpu.memory_space<hbm>>
        tpu.enqueue_dma source(%dma_start3A_395 : memref<40xi32, #tpu.memory_space<hbm>>) target(%arg28 : memref<40xi32, #tpu.memory_space<vmem>>) target_semaphore(%dma_start3A_394 : memref<!tpu.dma_semaphore, #tpu.memory_space<semaphore_mem>>)
      } else {
      }
      %mul3A_256 = arith.constant 8 : i32
      %mul3A_257 = arith.muli %add3A_102, %mul3A_256 : i32
      %add3A_258 = arith.constant 4 : i32
      %add3A_259 = arith.addi %mul3A_257, %add3A_258 : i32
      %dma_wait3A_260 = arith.constant 1 : i32
      %dma_wait3A_261 = arith.constant 0 : i32
      %dma_wait3A_262 = arith.constant 0 : i32
      %dma_wait3A_263 = tpu.memref_slice %arg2[%dma_wait3A_261, %dma_wait3A_262] : memref<10000x128xf32, #tpu.memory_space<hbm>> -> memref<10000x128xf32, #tpu.memory_space<hbm>>
      %dma_wait3A_264 = tpu.memref_slice %arg32[%dma_wait3A_260] : memref<4x!tpu.dma_semaphore, #tpu.memory_space<semaphore_mem>> -> memref<1x!tpu.dma_semaphore, #tpu.memory_space<semaphore_mem>>
      %dma_wait3A_265 = tpu.memref_squeeze %dma_wait3A_264 : memref<1x!tpu.dma_semaphore, #tpu.memory_space<semaphore_mem>> -> memref<!tpu.dma_semaphore, #tpu.memory_space<semaphore_mem>>
      tpu.wait_indirect_dma semaphore(%dma_wait3A_265 : memref<!tpu.dma_semaphore, #tpu.memory_space<semaphore_mem>>) src(%dma_wait3A_263 : memref<10000x128xf32, #tpu.memory_space<hbm>>) dst(%arg8 : memref<40x128xf32, #tpu.memory_space<vmem>>)
      %sub3A_266 = arith.constant 3 : i32
      %sub3A_267 = arith.subi %add3A_259, %sub3A_266 : i32
      %mul3A_268 = arith.constant 40 : i32
      %mul3A_269 = arith.muli %sub3A_267, %mul3A_268 : i32
      %add3A_270 = arith.addi %mul3A_2, %mul3A_269 : i32
      %dma_wait3A_271 = arith.constant 1 : i32
      %dma_wait3A_272 = arith.constant 0 : i32
      %dma_wait3A_273 = tpu.memref_slice %arg3[%add3A_270, %dma_wait3A_272] : memref<320000x128xf32, #tpu.memory_space<hbm>> -> memref<40x128xf32, #tpu.memory_space<hbm>>
      %dma_wait3A_274 = tpu.memref_slice %arg33[%dma_wait3A_271] : memref<4x!tpu.dma_semaphore, #tpu.memory_space<semaphore_mem>> -> memref<1x!tpu.dma_semaphore, #tpu.memory_space<semaphore_mem>>
      %dma_wait3A_275 = tpu.memref_squeeze %dma_wait3A_274 : memref<1x!tpu.dma_semaphore, #tpu.memory_space<semaphore_mem>> -> memref<!tpu.dma_semaphore, #tpu.memory_space<semaphore_mem>>
      %dma_wait3A_276 = arith.constant 0 : i32
      %dma_wait3A_277 = tpu.memref_slice %arg3[%add3A_270, %dma_wait3A_276] : memref<320000x128xf32, #tpu.memory_space<hbm>> -> memref<40x128xf32, #tpu.memory_space<hbm>>
      tpu.wait_dma2 semaphore(%dma_wait3A_275 : memref<!tpu.dma_semaphore, #tpu.memory_space<semaphore_mem>>) src(%dma_wait3A_277 : memref<40x128xf32, #tpu.memory_space<hbm>>) dst(%arg12 : memref<40x128xf32, #tpu.memory_space<vmem>>)
      %scan3A_278 = arith.constant 0 : i32
      %scan3A_279 = arith.constant 40 : i32
      %scan3A_280 = arith.addi %scan3A_278, %scan3A_279 : i32
      %scan3A_281 = arith.constant 1 : i32
      scf.for %scan3A_376 = %scan3A_278 to %scan3A_280 step %scan3A_281  : i32 {
        %mul3A_377 = arith.constant 1 : i32
        %mul3A_378 = arith.muli %scan3A_376, %mul3A_377 : i32
        %add3A_379 = arith.constant 0 : i32
        %add3A_380 = arith.addi %add3A_379, %mul3A_378 : i32
        %get3A = arith.index_cast %add3A_380 : i32 to index
        %get3A_381 = arith.constant 0 : index
        %get3A_382 = tpu.vector_load %arg8[%get3A, %get3A_381] {strides = array<i32>} : memref<40x128xf32, #tpu.memory_space<vmem>>, vector<1x16xf32>,
        %get3A_383 = vector.shape_cast %get3A_382 : vector<1x16xf32> to vector<1x16xf32>
        %get3A_384 = arith.index_cast %add3A_380 : i32 to index
        %get3A_385 = arith.constant 0 : index
        %get3A_386 = tpu.vector_load %arg12[%get3A_384, %get3A_385] {strides = array<i32>} : memref<40x128xf32, #tpu.memory_space<vmem>>, vector<1x16xf32>,
        %get3A_387 = vector.shape_cast %get3A_386 : vector<1x16xf32> to vector<1x16xf32>
        %mul3A_388 = arith.mulf %get3A_383, %get3A_387 : vector<1x16xf32>
        %swap3A = arith.index_cast %add3A_380 : i32 to index
        %swap3A_389 = arith.constant 0 : index
        %swap3A_390 = tpu.vector_load %arg12[%swap3A, %swap3A_389] {strides = array<i32>} : memref<40x128xf32, #tpu.memory_space<vmem>>, vector<1x16xf32>,
        %swap3A_391 = vector.shape_cast %swap3A_390 : vector<1x16xf32> to vector<1x16xf32>
        %swap3A_392 = vector.shape_cast %mul3A_388 : vector<1x16xf32> to vector<1x16xf32>
        tpu.vector_store %arg12[%swap3A, %swap3A_389], %swap3A_392 {strides = array<i32>} : memref<40x128xf32, #tpu.memory_space<vmem>>, vector<1x16xf32>,
        %get3A_393 = arith.index_cast %add3A_380 : i32 to index
        %get3A_394 = arith.constant 16 : index
        %get3A_395 = tpu.vector_load %arg8[%get3A_393, %get3A_394] {strides = array<i32>} : memref<40x128xf32, #tpu.memory_space<vmem>>, vector<1x16xf32>,
        %get3A_396 = vector.shape_cast %get3A_395 : vector<1x16xf32> to vector<1x16xf32>
        %get3A_397 = arith.index_cast %add3A_380 : i32 to index
        %get3A_398 = arith.constant 16 : index
        %get3A_399 = tpu.vector_load %arg12[%get3A_397, %get3A_398] {strides = array<i32>} : memref<40x128xf32, #tpu.memory_space<vmem>>, vector<1x16xf32>,
        %get3A_400 = vector.shape_cast %get3A_399 : vector<1x16xf32> to vector<1x16xf32>
        %mul3A_401 = arith.mulf %get3A_396, %get3A_400 : vector<1x16xf32>
        %swap3A_402 = arith.index_cast %add3A_380 : i32 to index
        %swap3A_403 = arith.constant 16 : index
        %swap3A_404 = tpu.vector_load %arg12[%swap3A_402, %swap3A_403] {strides = array<i32>} : memref<40x128xf32, #tpu.memory_space<vmem>>, vector<1x16xf32>,
        %swap3A_405 = vector.shape_cast %swap3A_404 : vector<1x16xf32> to vector<1x16xf32>
        %swap3A_406 = vector.shape_cast %mul3A_401 : vector<1x16xf32> to vector<1x16xf32>
        tpu.vector_store %arg12[%swap3A_402, %swap3A_403], %swap3A_406 {strides = array<i32>} : memref<40x128xf32, #tpu.memory_space<vmem>>, vector<1x16xf32>,
        %get3A_407 = arith.index_cast %add3A_380 : i32 to index
        %get3A_408 = arith.constant 32 : index
        %get3A_409 = tpu.vector_load %arg8[%get3A_407, %get3A_408] {strides = array<i32>} : memref<40x128xf32, #tpu.memory_space<vmem>>, vector<1x16xf32>,
        %get3A_410 = vector.shape_cast %get3A_409 : vector<1x16xf32> to vector<1x16xf32>
        %get3A_411 = arith.index_cast %add3A_380 : i32 to index
        %get3A_412 = arith.constant 32 : index
        %get3A_413 = tpu.vector_load %arg12[%get3A_411, %get3A_412] {strides = array<i32>} : memref<40x128xf32, #tpu.memory_space<vmem>>, vector<1x16xf32>,
        %get3A_414 = vector.shape_cast %get3A_413 : vector<1x16xf32> to vector<1x16xf32>
        %mul3A_415 = arith.mulf %get3A_410, %get3A_414 : vector<1x16xf32>
        %swap3A_416 = arith.index_cast %add3A_380 : i32 to index
        %swap3A_417 = arith.constant 32 : index
        %swap3A_418 = tpu.vector_load %arg12[%swap3A_416, %swap3A_417] {strides = array<i32>} : memref<40x128xf32, #tpu.memory_space<vmem>>, vector<1x16xf32>,
        %swap3A_419 = vector.shape_cast %swap3A_418 : vector<1x16xf32> to vector<1x16xf32>
        %swap3A_420 = vector.shape_cast %mul3A_415 : vector<1x16xf32> to vector<1x16xf32>
        tpu.vector_store %arg12[%swap3A_416, %swap3A_417], %swap3A_420 {strides = array<i32>} : memref<40x128xf32, #tpu.memory_space<vmem>>, vector<1x16xf32>,
        %get3A_421 = arith.index_cast %add3A_380 : i32 to index
        %get3A_422 = arith.constant 48 : index
        %get3A_423 = tpu.vector_load %arg8[%get3A_421, %get3A_422] {strides = array<i32>} : memref<40x128xf32, #tpu.memory_space<vmem>>, vector<1x16xf32>,
        %get3A_424 = vector.shape_cast %get3A_423 : vector<1x16xf32> to vector<1x16xf32>
        %get3A_425 = arith.index_cast %add3A_380 : i32 to index
        %get3A_426 = arith.constant 48 : index
        %get3A_427 = tpu.vector_load %arg12[%get3A_425, %get3A_426] {strides = array<i32>} : memref<40x128xf32, #tpu.memory_space<vmem>>, vector<1x16xf32>,
        %get3A_428 = vector.shape_cast %get3A_427 : vector<1x16xf32> to vector<1x16xf32>
        %mul3A_429 = arith.mulf %get3A_424, %get3A_428 : vector<1x16xf32>
        %swap3A_430 = arith.index_cast %add3A_380 : i32 to index
        %swap3A_431 = arith.constant 48 : index
        %swap3A_432 = tpu.vector_load %arg12[%swap3A_430, %swap3A_431] {strides = array<i32>} : memref<40x128xf32, #tpu.memory_space<vmem>>, vector<1x16xf32>,
        %swap3A_433 = vector.shape_cast %swap3A_432 : vector<1x16xf32> to vector<1x16xf32>
        %swap3A_434 = vector.shape_cast %mul3A_429 : vector<1x16xf32> to vector<1x16xf32>
        tpu.vector_store %arg12[%swap3A_430, %swap3A_431], %swap3A_434 {strides = array<i32>} : memref<40x128xf32, #tpu.memory_space<vmem>>, vector<1x16xf32>,
        %get3A_435 = arith.index_cast %add3A_380 : i32 to index
        %get3A_436 = arith.constant 64 : index
        %get3A_437 = tpu.vector_load %arg8[%get3A_435, %get3A_436] {strides = array<i32>} : memref<40x128xf32, #tpu.memory_space<vmem>>, vector<1x16xf32>,
        %get3A_438 = vector.shape_cast %get3A_437 : vector<1x16xf32> to vector<1x16xf32>
        %get3A_439 = arith.index_cast %add3A_380 : i32 to index
        %get3A_440 = arith.constant 64 : index
        %get3A_441 = tpu.vector_load %arg12[%get3A_439, %get3A_440] {strides = array<i32>} : memref<40x128xf32, #tpu.memory_space<vmem>>, vector<1x16xf32>,
        %get3A_442 = vector.shape_cast %get3A_441 : vector<1x16xf32> to vector<1x16xf32>
        %mul3A_443 = arith.mulf %get3A_438, %get3A_442 : vector<1x16xf32>
        %swap3A_444 = arith.index_cast %add3A_380 : i32 to index
        %swap3A_445 = arith.constant 64 : index
        %swap3A_446 = tpu.vector_load %arg12[%swap3A_444, %swap3A_445] {strides = array<i32>} : memref<40x128xf32, #tpu.memory_space<vmem>>, vector<1x16xf32>,
        %swap3A_447 = vector.shape_cast %swap3A_446 : vector<1x16xf32> to vector<1x16xf32>
        %swap3A_448 = vector.shape_cast %mul3A_443 : vector<1x16xf32> to vector<1x16xf32>
        tpu.vector_store %arg12[%swap3A_444, %swap3A_445], %swap3A_448 {strides = array<i32>} : memref<40x128xf32, #tpu.memory_space<vmem>>, vector<1x16xf32>,
        %get3A_449 = arith.index_cast %add3A_380 : i32 to index
        %get3A_450 = arith.constant 80 : index
        %get3A_451 = tpu.vector_load %arg8[%get3A_449, %get3A_450] {strides = array<i32>} : memref<40x128xf32, #tpu.memory_space<vmem>>, vector<1x16xf32>,
        %get3A_452 = vector.shape_cast %get3A_451 : vector<1x16xf32> to vector<1x16xf32>
        %get3A_453 = arith.index_cast %add3A_380 : i32 to index
        %get3A_454 = arith.constant 80 : index
        %get3A_455 = tpu.vector_load %arg12[%get3A_453, %get3A_454] {strides = array<i32>} : memref<40x128xf32, #tpu.memory_space<vmem>>, vector<1x16xf32>,
        %get3A_456 = vector.shape_cast %get3A_455 : vector<1x16xf32> to vector<1x16xf32>
        %mul3A_457 = arith.mulf %get3A_452, %get3A_456 : vector<1x16xf32>
        %swap3A_458 = arith.index_cast %add3A_380 : i32 to index
        %swap3A_459 = arith.constant 80 : index
        %swap3A_460 = tpu.vector_load %arg12[%swap3A_458, %swap3A_459] {strides = array<i32>} : memref<40x128xf32, #tpu.memory_space<vmem>>, vector<1x16xf32>,
        %swap3A_461 = vector.shape_cast %swap3A_460 : vector<1x16xf32> to vector<1x16xf32>
        %swap3A_462 = vector.shape_cast %mul3A_457 : vector<1x16xf32> to vector<1x16xf32>
        tpu.vector_store %arg12[%swap3A_458, %swap3A_459], %swap3A_462 {strides = array<i32>} : memref<40x128xf32, #tpu.memory_space<vmem>>, vector<1x16xf32>,
        %get3A_463 = arith.index_cast %add3A_380 : i32 to index
        %get3A_464 = arith.constant 96 : index
        %get3A_465 = tpu.vector_load %arg8[%get3A_463, %get3A_464] {strides = array<i32>} : memref<40x128xf32, #tpu.memory_space<vmem>>, vector<1x16xf32>,
        %get3A_466 = vector.shape_cast %get3A_465 : vector<1x16xf32> to vector<1x16xf32>
        %get3A_467 = arith.index_cast %add3A_380 : i32 to index
        %get3A_468 = arith.constant 96 : index
        %get3A_469 = tpu.vector_load %arg12[%get3A_467, %get3A_468] {strides = array<i32>} : memref<40x128xf32, #tpu.memory_space<vmem>>, vector<1x16xf32>,
        %get3A_470 = vector.shape_cast %get3A_469 : vector<1x16xf32> to vector<1x16xf32>
        %mul3A_471 = arith.mulf %get3A_466, %get3A_470 : vector<1x16xf32>
        %swap3A_472 = arith.index_cast %add3A_380 : i32 to index
        %swap3A_473 = arith.constant 96 : index
        %swap3A_474 = tpu.vector_load %arg12[%swap3A_472, %swap3A_473] {strides = array<i32>} : memref<40x128xf32, #tpu.memory_space<vmem>>, vector<1x16xf32>,
        %swap3A_475 = vector.shape_cast %swap3A_474 : vector<1x16xf32> to vector<1x16xf32>
        %swap3A_476 = vector.shape_cast %mul3A_471 : vector<1x16xf32> to vector<1x16xf32>
        tpu.vector_store %arg12[%swap3A_472, %swap3A_473], %swap3A_476 {strides = array<i32>} : memref<40x128xf32, #tpu.memory_space<vmem>>, vector<1x16xf32>,
        %get3A_477 = arith.index_cast %add3A_380 : i32 to index
        %get3A_478 = arith.constant 112 : index
        %get3A_479 = tpu.vector_load %arg8[%get3A_477, %get3A_478] {strides = array<i32>} : memref<40x128xf32, #tpu.memory_space<vmem>>, vector<1x16xf32>,
        %get3A_480 = vector.shape_cast %get3A_479 : vector<1x16xf32> to vector<1x16xf32>
        %get3A_481 = arith.index_cast %add3A_380 : i32 to index
        %get3A_482 = arith.constant 112 : index
        %get3A_483 = tpu.vector_load %arg12[%get3A_481, %get3A_482] {strides = array<i32>} : memref<40x128xf32, #tpu.memory_space<vmem>>, vector<1x16xf32>,
        %get3A_484 = vector.shape_cast %get3A_483 : vector<1x16xf32> to vector<1x16xf32>
        %mul3A_485 = arith.mulf %get3A_480, %get3A_484 : vector<1x16xf32>
        %swap3A_486 = arith.index_cast %add3A_380 : i32 to index
        %swap3A_487 = arith.constant 112 : index
        %swap3A_488 = tpu.vector_load %arg12[%swap3A_486, %swap3A_487] {strides = array<i32>} : memref<40x128xf32, #tpu.memory_space<vmem>>, vector<1x16xf32>,
        %swap3A_489 = vector.shape_cast %swap3A_488 : vector<1x16xf32> to vector<1x16xf32>
        %swap3A_490 = vector.shape_cast %mul3A_485 : vector<1x16xf32> to vector<1x16xf32>
        tpu.vector_store %arg12[%swap3A_486, %swap3A_487], %swap3A_490 {strides = array<i32>} : memref<40x128xf32, #tpu.memory_space<vmem>>, vector<1x16xf32>,
      }
      %scan3A_282 = arith.constant 40 : i32
      %dma_start3A_283 = arith.constant 1 : i32
      %dma_start3A_284 = arith.constant 0 : i32
      %dma_start3A_285 = arith.constant 0 : i32
      %dma_start3A_286 = tpu.memref_slice %arg31[%dma_start3A_284, %dma_start3A_285] : memref<10240x128xf32, #tpu.memory_space<vmem_shared>> -> memref<10240x128xf32, #tpu.memory_space<vmem_shared>>
      %dma_start3A_287 = tpu.memref_slice %arg34[%dma_start3A_283] : memref<4x!tpu.dma_semaphore, #tpu.memory_space<semaphore_mem>> -> memref<1x!tpu.dma_semaphore, #tpu.memory_space<semaphore_mem>>
      %dma_start3A_288 = tpu.memref_squeeze %dma_start3A_287 : memref<1x!tpu.dma_semaphore, #tpu.memory_space<semaphore_mem>> -> memref<!tpu.dma_semaphore, #tpu.memory_space<semaphore_mem>>
      tpu.enqueue_indirect_dma source(%arg12 : memref<40x128xf32, #tpu.memory_space<vmem>>) target(%dma_start3A_286 : memref<10240x128xf32, #tpu.memory_space<vmem_shared>>) offsets(%arg16 : memref<40xi32, #tpu.memory_space<vmem>>) semaphore(%dma_start3A_288 : memref<!tpu.dma_semaphore, #tpu.memory_space<semaphore_mem>>) {add = true}
      %le3A_289 = arith.constant 30 : i32
      %le3A_290 = arith.cmpi sle, %add3A_102, %le3A_289 : i32
      %convert_element_type3A_291 = arith.extui %le3A_290 : i1 to i32
      %cond3A_292 = arith.constant 0 : i32
      %cond3A_293 = arith.cmpi ne, %convert_element_type3A_291, %cond3A_292 : i32
      scf.if %cond3A_293 {
        %mul3A_376 = arith.constant 40 : i32
        %mul3A_377 = arith.muli %add3A_259, %mul3A_376 : i32
        %add3A_378 = arith.addi %mul3A_2, %mul3A_377 : i32
        %dma_wait3A_379 = arith.constant 4 : i32
        %dma_wait3A_380 = tpu.memref_slice %arg4[%add3A_378] : memref<320000xi32, #tpu.memory_space<hbm>> -> memref<40xi32, #tpu.memory_space<hbm>>
        %dma_wait3A_381 = tpu.memref_slice %arg35[%dma_wait3A_379] : memref<8x!tpu.dma_semaphore, #tpu.memory_space<semaphore_mem>> -> memref<1x!tpu.dma_semaphore, #tpu.memory_space<semaphore_mem>>
        %dma_wait3A_382 = tpu.memref_squeeze %dma_wait3A_381 : memref<1x!tpu.dma_semaphore, #tpu.memory_space<semaphore_mem>> -> memref<!tpu.dma_semaphore, #tpu.memory_space<semaphore_mem>>
        %dma_wait3A_383 = tpu.memref_slice %arg4[%add3A_378] : memref<320000xi32, #tpu.memory_space<hbm>> -> memref<40xi32, #tpu.memory_space<hbm>>
        tpu.wait_dma2 semaphore(%dma_wait3A_382 : memref<!tpu.dma_semaphore, #tpu.memory_space<semaphore_mem>>) src(%dma_wait3A_383 : memref<40xi32, #tpu.memory_space<hbm>>) dst(%arg19 : memref<40xi32, #tpu.memory_space<vmem>>)
        %mul3A_384 = arith.constant 40 : i32
        %mul3A_385 = arith.muli %add3A_259, %mul3A_384 : i32
        %add3A_386 = arith.addi %mul3A_2, %mul3A_385 : i32
        %dma_wait3A_387 = arith.constant 4 : i32
        %dma_wait3A_388 = tpu.memref_slice %arg5[%add3A_386] : memref<320000xi32, #tpu.memory_space<hbm>> -> memref<40xi32, #tpu.memory_space<hbm>>
        %dma_wait3A_389 = tpu.memref_slice %arg35[%dma_wait3A_387] : memref<8x!tpu.dma_semaphore, #tpu.memory_space<semaphore_mem>> -> memref<1x!tpu.dma_semaphore, #tpu.memory_space<semaphore_mem>>
        %dma_wait3A_390 = tpu.memref_squeeze %dma_wait3A_389 : memref<1x!tpu.dma_semaphore, #tpu.memory_space<semaphore_mem>> -> memref<!tpu.dma_semaphore, #tpu.memory_space<semaphore_mem>>
        %dma_wait3A_391 = tpu.memref_slice %arg5[%add3A_386] : memref<320000xi32, #tpu.memory_space<hbm>> -> memref<40xi32, #tpu.memory_space<hbm>>
        tpu.wait_dma2 semaphore(%dma_wait3A_390 : memref<!tpu.dma_semaphore, #tpu.memory_space<semaphore_mem>>) src(%dma_wait3A_391 : memref<40xi32, #tpu.memory_space<hbm>>) dst(%arg27 : memref<40xi32, #tpu.memory_space<vmem>>)
        %dma_start3A_392 = arith.constant 0 : i32
        %dma_start3A_393 = arith.constant 0 : i32
        %dma_start3A_394 = arith.constant 0 : i32
        %dma_start3A_395 = tpu.memref_slice %arg2[%dma_start3A_393, %dma_start3A_394] : memref<10000x128xf32, #tpu.memory_space<hbm>> -> memref<10000x128xf32, #tpu.memory_space<hbm>>
        %dma_start3A_396 = tpu.memref_slice %arg32[%dma_start3A_392] : memref<4x!tpu.dma_semaphore, #tpu.memory_space<semaphore_mem>> -> memref<1x!tpu.dma_semaphore, #tpu.memory_space<semaphore_mem>>
        %dma_start3A_397 = tpu.memref_squeeze %dma_start3A_396 : memref<1x!tpu.dma_semaphore, #tpu.memory_space<semaphore_mem>> -> memref<!tpu.dma_semaphore, #tpu.memory_space<semaphore_mem>>
        tpu.enqueue_indirect_dma source(%dma_start3A_395 : memref<10000x128xf32, #tpu.memory_space<hbm>>) target(%arg7 : memref<40x128xf32, #tpu.memory_space<vmem>>) offsets(%arg27 : memref<40xi32, #tpu.memory_space<vmem>>) semaphore(%dma_start3A_397 : memref<!tpu.dma_semaphore, #tpu.memory_space<semaphore_mem>>)
      } else {
      }
      %le3A_294 = arith.constant 30 : i32
      %le3A_295 = arith.cmpi sle, %add3A_102, %le3A_294 : i32
      %convert_element_type3A_296 = arith.extui %le3A_295 : i1 to i32
      %cond3A_297 = arith.constant 0 : i32
      %cond3A_298 = arith.cmpi ne, %convert_element_type3A_296, %cond3A_297 : i32
      scf.if %cond3A_298 {
        %dma_wait3A_376 = arith.constant 0 : i32
        %dma_wait3A_377 = arith.constant 0 : i32
        %dma_wait3A_378 = arith.constant 0 : i32
        %dma_wait3A_379 = tpu.memref_slice %arg31[%dma_wait3A_377, %dma_wait3A_378] : memref<10240x128xf32, #tpu.memory_space<vmem_shared>> -> memref<10240x128xf32, #tpu.memory_space<vmem_shared>>
        %dma_wait3A_380 = tpu.memref_slice %arg34[%dma_wait3A_376] : memref<4x!tpu.dma_semaphore, #tpu.memory_space<semaphore_mem>> -> memref<1x!tpu.dma_semaphore, #tpu.memory_space<semaphore_mem>>
        %dma_wait3A_381 = tpu.memref_squeeze %dma_wait3A_380 : memref<1x!tpu.dma_semaphore, #tpu.memory_space<semaphore_mem>> -> memref<!tpu.dma_semaphore, #tpu.memory_space<semaphore_mem>>
        tpu.wait_indirect_dma semaphore(%dma_wait3A_381 : memref<!tpu.dma_semaphore, #tpu.memory_space<semaphore_mem>>) src(%arg11 : memref<40x128xf32, #tpu.memory_space<vmem>>) dst(%dma_wait3A_379 : memref<10240x128xf32, #tpu.memory_space<vmem_shared>>)
        %mul3A_382 = arith.constant 40 : i32
        %mul3A_383 = arith.muli %add3A_259, %mul3A_382 : i32
        %add3A_384 = arith.addi %mul3A_2, %mul3A_383 : i32
        %dma_start3A_385 = arith.constant 0 : i32
        %dma_start3A_386 = arith.constant 0 : i32
        %dma_start3A_387 = tpu.memref_slice %arg3[%add3A_384, %dma_start3A_386] : memref<320000x128xf32, #tpu.memory_space<hbm>> -> memref<40x128xf32, #tpu.memory_space<hbm>>
        %dma_start3A_388 = tpu.memref_slice %arg33[%dma_start3A_385] : memref<4x!tpu.dma_semaphore, #tpu.memory_space<semaphore_mem>> -> memref<1x!tpu.dma_semaphore, #tpu.memory_space<semaphore_mem>>
        %dma_start3A_389 = tpu.memref_squeeze %dma_start3A_388 : memref<1x!tpu.dma_semaphore, #tpu.memory_space<semaphore_mem>> -> memref<!tpu.dma_semaphore, #tpu.memory_space<semaphore_mem>>
        %dma_start3A_390 = arith.constant 0 : i32
        %dma_start3A_391 = tpu.memref_slice %arg3[%add3A_384, %dma_start3A_390] : memref<320000x128xf32, #tpu.memory_space<hbm>> -> memref<40x128xf32, #tpu.memory_space<hbm>>
        tpu.enqueue_dma source(%dma_start3A_391 : memref<40x128xf32, #tpu.memory_space<hbm>>) target(%arg11 : memref<40x128xf32, #tpu.memory_space<vmem>>) target_semaphore(%dma_start3A_389 : memref<!tpu.dma_semaphore, #tpu.memory_space<semaphore_mem>>)
      } else {
      }
      %le3A_299 = arith.constant 30 : i32
      %le3A_300 = arith.cmpi sle, %add3A_102, %le3A_299 : i32
      %convert_element_type3A_301 = arith.extui %le3A_300 : i1 to i32
      %cond3A_302 = arith.constant 0 : i32
      %cond3A_303 = arith.cmpi ne, %convert_element_type3A_301, %cond3A_302 : i32
      scf.if %cond3A_303 {
        %add3A_376 = arith.constant 2 : i32
        %add3A_377 = arith.addi %add3A_259, %add3A_376 : i32
        %mul3A_378 = arith.constant 40 : i32
        %mul3A_379 = arith.muli %add3A_377, %mul3A_378 : i32
        %add3A_380 = arith.addi %mul3A_2, %mul3A_379 : i32
        %dma_start3A_381 = arith.constant 6 : i32
        %dma_start3A_382 = tpu.memref_slice %arg4[%add3A_380] : memref<320000xi32, #tpu.memory_space<hbm>> -> memref<40xi32, #tpu.memory_space<hbm>>
        %dma_start3A_383 = tpu.memref_slice %arg35[%dma_start3A_381] : memref<8x!tpu.dma_semaphore, #tpu.memory_space<semaphore_mem>> -> memref<1x!tpu.dma_semaphore, #tpu.memory_space<semaphore_mem>>
        %dma_start3A_384 = tpu.memref_squeeze %dma_start3A_383 : memref<1x!tpu.dma_semaphore, #tpu.memory_space<semaphore_mem>> -> memref<!tpu.dma_semaphore, #tpu.memory_space<semaphore_mem>>
        %dma_start3A_385 = tpu.memref_slice %arg4[%add3A_380] : memref<320000xi32, #tpu.memory_space<hbm>> -> memref<40xi32, #tpu.memory_space<hbm>>
        tpu.enqueue_dma source(%dma_start3A_385 : memref<40xi32, #tpu.memory_space<hbm>>) target(%arg21 : memref<40xi32, #tpu.memory_space<vmem>>) target_semaphore(%dma_start3A_384 : memref<!tpu.dma_semaphore, #tpu.memory_space<semaphore_mem>>)
        %add3A_386 = arith.constant 2 : i32
        %add3A_387 = arith.addi %add3A_259, %add3A_386 : i32
        %mul3A_388 = arith.constant 40 : i32
        %mul3A_389 = arith.muli %add3A_387, %mul3A_388 : i32
        %add3A_390 = arith.addi %mul3A_2, %mul3A_389 : i32
        %dma_start3A_391 = arith.constant 6 : i32
        %dma_start3A_392 = tpu.memref_slice %arg5[%add3A_390] : memref<320000xi32, #tpu.memory_space<hbm>> -> memref<40xi32, #tpu.memory_space<hbm>>
        %dma_start3A_393 = tpu.memref_slice %arg35[%dma_start3A_391] : memref<8x!tpu.dma_semaphore, #tpu.memory_space<semaphore_mem>> -> memref<1x!tpu.dma_semaphore, #tpu.memory_space<semaphore_mem>>
        %dma_start3A_394 = tpu.memref_squeeze %dma_start3A_393 : memref<1x!tpu.dma_semaphore, #tpu.memory_space<semaphore_mem>> -> memref<!tpu.dma_semaphore, #tpu.memory_space<semaphore_mem>>
        %dma_start3A_395 = tpu.memref_slice %arg5[%add3A_390] : memref<320000xi32, #tpu.memory_space<hbm>> -> memref<40xi32, #tpu.memory_space<hbm>>
        tpu.enqueue_dma source(%dma_start3A_395 : memref<40xi32, #tpu.memory_space<hbm>>) target(%arg29 : memref<40xi32, #tpu.memory_space<vmem>>) target_semaphore(%dma_start3A_394 : memref<!tpu.dma_semaphore, #tpu.memory_space<semaphore_mem>>)
      } else {
      }
      %mul3A_304 = arith.constant 8 : i32
      %mul3A_305 = arith.muli %add3A_102, %mul3A_304 : i32
      %add3A_306 = arith.constant 5 : i32
      %add3A_307 = arith.addi %mul3A_305, %add3A_306 : i32
      %le3A_308 = arith.constant 30 : i32
      %le3A_309 = arith.cmpi sle, %add3A_102, %le3A_308 : i32
      %convert_element_type3A_310 = arith.extui %le3A_309 : i1 to i32
      %cond3A_311 = arith.constant 0 : i32
      %cond3A_312 = arith.cmpi ne, %convert_element_type3A_310, %cond3A_311 : i32
      scf.if %cond3A_312 {
        %dma_wait3A_376 = arith.constant 2 : i32
        %dma_wait3A_377 = arith.constant 0 : i32
        %dma_wait3A_378 = arith.constant 0 : i32
        %dma_wait3A_379 = tpu.memref_slice %arg2[%dma_wait3A_377, %dma_wait3A_378] : memref<10000x128xf32, #tpu.memory_space<hbm>> -> memref<10000x128xf32, #tpu.memory_space<hbm>>
        %dma_wait3A_380 = tpu.memref_slice %arg32[%dma_wait3A_376] : memref<4x!tpu.dma_semaphore, #tpu.memory_space<semaphore_mem>> -> memref<1x!tpu.dma_semaphore, #tpu.memory_space<semaphore_mem>>
        %dma_wait3A_381 = tpu.memref_squeeze %dma_wait3A_380 : memref<1x!tpu.dma_semaphore, #tpu.memory_space<semaphore_mem>> -> memref<!tpu.dma_semaphore, #tpu.memory_space<semaphore_mem>>
        tpu.wait_indirect_dma semaphore(%dma_wait3A_381 : memref<!tpu.dma_semaphore, #tpu.memory_space<semaphore_mem>>) src(%dma_wait3A_379 : memref<10000x128xf32, #tpu.memory_space<hbm>>) dst(%arg9 : memref<40x128xf32, #tpu.memory_space<vmem>>)
        %sub3A_382 = arith.constant 3 : i32
        %sub3A_383 = arith.subi %add3A_307, %sub3A_382 : i32
        %mul3A_384 = arith.constant 40 : i32
        %mul3A_385 = arith.muli %sub3A_383, %mul3A_384 : i32
        %add3A_386 = arith.addi %mul3A_2, %mul3A_385 : i32
        %dma_wait3A_387 = arith.constant 2 : i32
        %dma_wait3A_388 = arith.constant 0 : i32
        %dma_wait3A_389 = tpu.memref_slice %arg3[%add3A_386, %dma_wait3A_388] : memref<320000x128xf32, #tpu.memory_space<hbm>> -> memref<40x128xf32, #tpu.memory_space<hbm>>
        %dma_wait3A_390 = tpu.memref_slice %arg33[%dma_wait3A_387] : memref<4x!tpu.dma_semaphore, #tpu.memory_space<semaphore_mem>> -> memref<1x!tpu.dma_semaphore, #tpu.memory_space<semaphore_mem>>
        %dma_wait3A_391 = tpu.memref_squeeze %dma_wait3A_390 : memref<1x!tpu.dma_semaphore, #tpu.memory_space<semaphore_mem>> -> memref<!tpu.dma_semaphore, #tpu.memory_space<semaphore_mem>>
        %dma_wait3A_392 = arith.constant 0 : i32
        %dma_wait3A_393 = tpu.memref_slice %arg3[%add3A_386, %dma_wait3A_392] : memref<320000x128xf32, #tpu.memory_space<hbm>> -> memref<40x128xf32, #tpu.memory_space<hbm>>
        tpu.wait_dma2 semaphore(%dma_wait3A_391 : memref<!tpu.dma_semaphore, #tpu.memory_space<semaphore_mem>>) src(%dma_wait3A_393 : memref<40x128xf32, #tpu.memory_space<hbm>>) dst(%arg13 : memref<40x128xf32, #tpu.memory_space<vmem>>)
        %scan3A_394 = arith.constant 0 : i32
        %scan3A_395 = arith.constant 40 : i32
        %scan3A_396 = arith.addi %scan3A_394, %scan3A_395 : i32
        %scan3A_397 = arith.constant 1 : i32
        scf.for %scan3A_405 = %scan3A_394 to %scan3A_396 step %scan3A_397  : i32 {
          %mul3A_406 = arith.constant 1 : i32
          %mul3A_407 = arith.muli %scan3A_405, %mul3A_406 : i32
          %add3A_408 = arith.constant 0 : i32
          %add3A_409 = arith.addi %add3A_408, %mul3A_407 : i32
          %get3A = arith.index_cast %add3A_409 : i32 to index
          %get3A_410 = arith.constant 0 : index
          %get3A_411 = tpu.vector_load %arg9[%get3A, %get3A_410] {strides = array<i32>} : memref<40x128xf32, #tpu.memory_space<vmem>>, vector<1x16xf32>,
          %get3A_412 = vector.shape_cast %get3A_411 : vector<1x16xf32> to vector<1x16xf32>
          %get3A_413 = arith.index_cast %add3A_409 : i32 to index
          %get3A_414 = arith.constant 0 : index
          %get3A_415 = tpu.vector_load %arg13[%get3A_413, %get3A_414] {strides = array<i32>} : memref<40x128xf32, #tpu.memory_space<vmem>>, vector<1x16xf32>,
          %get3A_416 = vector.shape_cast %get3A_415 : vector<1x16xf32> to vector<1x16xf32>
          %mul3A_417 = arith.mulf %get3A_412, %get3A_416 : vector<1x16xf32>
          %swap3A = arith.index_cast %add3A_409 : i32 to index
          %swap3A_418 = arith.constant 0 : index
          %swap3A_419 = tpu.vector_load %arg13[%swap3A, %swap3A_418] {strides = array<i32>} : memref<40x128xf32, #tpu.memory_space<vmem>>, vector<1x16xf32>,
          %swap3A_420 = vector.shape_cast %swap3A_419 : vector<1x16xf32> to vector<1x16xf32>
          %swap3A_421 = vector.shape_cast %mul3A_417 : vector<1x16xf32> to vector<1x16xf32>
          tpu.vector_store %arg13[%swap3A, %swap3A_418], %swap3A_421 {strides = array<i32>} : memref<40x128xf32, #tpu.memory_space<vmem>>, vector<1x16xf32>,
          %get3A_422 = arith.index_cast %add3A_409 : i32 to index
          %get3A_423 = arith.constant 16 : index
          %get3A_424 = tpu.vector_load %arg9[%get3A_422, %get3A_423] {strides = array<i32>} : memref<40x128xf32, #tpu.memory_space<vmem>>, vector<1x16xf32>,
          %get3A_425 = vector.shape_cast %get3A_424 : vector<1x16xf32> to vector<1x16xf32>
          %get3A_426 = arith.index_cast %add3A_409 : i32 to index
          %get3A_427 = arith.constant 16 : index
          %get3A_428 = tpu.vector_load %arg13[%get3A_426, %get3A_427] {strides = array<i32>} : memref<40x128xf32, #tpu.memory_space<vmem>>, vector<1x16xf32>,
          %get3A_429 = vector.shape_cast %get3A_428 : vector<1x16xf32> to vector<1x16xf32>
          %mul3A_430 = arith.mulf %get3A_425, %get3A_429 : vector<1x16xf32>
          %swap3A_431 = arith.index_cast %add3A_409 : i32 to index
          %swap3A_432 = arith.constant 16 : index
          %swap3A_433 = tpu.vector_load %arg13[%swap3A_431, %swap3A_432] {strides = array<i32>} : memref<40x128xf32, #tpu.memory_space<vmem>>, vector<1x16xf32>,
          %swap3A_434 = vector.shape_cast %swap3A_433 : vector<1x16xf32> to vector<1x16xf32>
          %swap3A_435 = vector.shape_cast %mul3A_430 : vector<1x16xf32> to vector<1x16xf32>
          tpu.vector_store %arg13[%swap3A_431, %swap3A_432], %swap3A_435 {strides = array<i32>} : memref<40x128xf32, #tpu.memory_space<vmem>>, vector<1x16xf32>,
          %get3A_436 = arith.index_cast %add3A_409 : i32 to index
          %get3A_437 = arith.constant 32 : index
          %get3A_438 = tpu.vector_load %arg9[%get3A_436, %get3A_437] {strides = array<i32>} : memref<40x128xf32, #tpu.memory_space<vmem>>, vector<1x16xf32>,
          %get3A_439 = vector.shape_cast %get3A_438 : vector<1x16xf32> to vector<1x16xf32>
          %get3A_440 = arith.index_cast %add3A_409 : i32 to index
          %get3A_441 = arith.constant 32 : index
          %get3A_442 = tpu.vector_load %arg13[%get3A_440, %get3A_441] {strides = array<i32>} : memref<40x128xf32, #tpu.memory_space<vmem>>, vector<1x16xf32>,
          %get3A_443 = vector.shape_cast %get3A_442 : vector<1x16xf32> to vector<1x16xf32>
          %mul3A_444 = arith.mulf %get3A_439, %get3A_443 : vector<1x16xf32>
          %swap3A_445 = arith.index_cast %add3A_409 : i32 to index
          %swap3A_446 = arith.constant 32 : index
          %swap3A_447 = tpu.vector_load %arg13[%swap3A_445, %swap3A_446] {strides = array<i32>} : memref<40x128xf32, #tpu.memory_space<vmem>>, vector<1x16xf32>,
          %swap3A_448 = vector.shape_cast %swap3A_447 : vector<1x16xf32> to vector<1x16xf32>
          %swap3A_449 = vector.shape_cast %mul3A_444 : vector<1x16xf32> to vector<1x16xf32>
          tpu.vector_store %arg13[%swap3A_445, %swap3A_446], %swap3A_449 {strides = array<i32>} : memref<40x128xf32, #tpu.memory_space<vmem>>, vector<1x16xf32>,
          %get3A_450 = arith.index_cast %add3A_409 : i32 to index
          %get3A_451 = arith.constant 48 : index
          %get3A_452 = tpu.vector_load %arg9[%get3A_450, %get3A_451] {strides = array<i32>} : memref<40x128xf32, #tpu.memory_space<vmem>>, vector<1x16xf32>,
          %get3A_453 = vector.shape_cast %get3A_452 : vector<1x16xf32> to vector<1x16xf32>
          %get3A_454 = arith.index_cast %add3A_409 : i32 to index
          %get3A_455 = arith.constant 48 : index
          %get3A_456 = tpu.vector_load %arg13[%get3A_454, %get3A_455] {strides = array<i32>} : memref<40x128xf32, #tpu.memory_space<vmem>>, vector<1x16xf32>,
          %get3A_457 = vector.shape_cast %get3A_456 : vector<1x16xf32> to vector<1x16xf32>
          %mul3A_458 = arith.mulf %get3A_453, %get3A_457 : vector<1x16xf32>
          %swap3A_459 = arith.index_cast %add3A_409 : i32 to index
          %swap3A_460 = arith.constant 48 : index
          %swap3A_461 = tpu.vector_load %arg13[%swap3A_459, %swap3A_460] {strides = array<i32>} : memref<40x128xf32, #tpu.memory_space<vmem>>, vector<1x16xf32>,
          %swap3A_462 = vector.shape_cast %swap3A_461 : vector<1x16xf32> to vector<1x16xf32>
          %swap3A_463 = vector.shape_cast %mul3A_458 : vector<1x16xf32> to vector<1x16xf32>
          tpu.vector_store %arg13[%swap3A_459, %swap3A_460], %swap3A_463 {strides = array<i32>} : memref<40x128xf32, #tpu.memory_space<vmem>>, vector<1x16xf32>,
          %get3A_464 = arith.index_cast %add3A_409 : i32 to index
          %get3A_465 = arith.constant 64 : index
          %get3A_466 = tpu.vector_load %arg9[%get3A_464, %get3A_465] {strides = array<i32>} : memref<40x128xf32, #tpu.memory_space<vmem>>, vector<1x16xf32>,
          %get3A_467 = vector.shape_cast %get3A_466 : vector<1x16xf32> to vector<1x16xf32>
          %get3A_468 = arith.index_cast %add3A_409 : i32 to index
          %get3A_469 = arith.constant 64 : index
          %get3A_470 = tpu.vector_load %arg13[%get3A_468, %get3A_469] {strides = array<i32>} : memref<40x128xf32, #tpu.memory_space<vmem>>, vector<1x16xf32>,
          %get3A_471 = vector.shape_cast %get3A_470 : vector<1x16xf32> to vector<1x16xf32>
          %mul3A_472 = arith.mulf %get3A_467, %get3A_471 : vector<1x16xf32>
          %swap3A_473 = arith.index_cast %add3A_409 : i32 to index
          %swap3A_474 = arith.constant 64 : index
          %swap3A_475 = tpu.vector_load %arg13[%swap3A_473, %swap3A_474] {strides = array<i32>} : memref<40x128xf32, #tpu.memory_space<vmem>>, vector<1x16xf32>,
          %swap3A_476 = vector.shape_cast %swap3A_475 : vector<1x16xf32> to vector<1x16xf32>
          %swap3A_477 = vector.shape_cast %mul3A_472 : vector<1x16xf32> to vector<1x16xf32>
          tpu.vector_store %arg13[%swap3A_473, %swap3A_474], %swap3A_477 {strides = array<i32>} : memref<40x128xf32, #tpu.memory_space<vmem>>, vector<1x16xf32>,
          %get3A_478 = arith.index_cast %add3A_409 : i32 to index
          %get3A_479 = arith.constant 80 : index
          %get3A_480 = tpu.vector_load %arg9[%get3A_478, %get3A_479] {strides = array<i32>} : memref<40x128xf32, #tpu.memory_space<vmem>>, vector<1x16xf32>,
          %get3A_481 = vector.shape_cast %get3A_480 : vector<1x16xf32> to vector<1x16xf32>
          %get3A_482 = arith.index_cast %add3A_409 : i32 to index
          %get3A_483 = arith.constant 80 : index
          %get3A_484 = tpu.vector_load %arg13[%get3A_482, %get3A_483] {strides = array<i32>} : memref<40x128xf32, #tpu.memory_space<vmem>>, vector<1x16xf32>,
          %get3A_485 = vector.shape_cast %get3A_484 : vector<1x16xf32> to vector<1x16xf32>
          %mul3A_486 = arith.mulf %get3A_481, %get3A_485 : vector<1x16xf32>
          %swap3A_487 = arith.index_cast %add3A_409 : i32 to index
          %swap3A_488 = arith.constant 80 : index
          %swap3A_489 = tpu.vector_load %arg13[%swap3A_487, %swap3A_488] {strides = array<i32>} : memref<40x128xf32, #tpu.memory_space<vmem>>, vector<1x16xf32>,
          %swap3A_490 = vector.shape_cast %swap3A_489 : vector<1x16xf32> to vector<1x16xf32>
          %swap3A_491 = vector.shape_cast %mul3A_486 : vector<1x16xf32> to vector<1x16xf32>
          tpu.vector_store %arg13[%swap3A_487, %swap3A_488], %swap3A_491 {strides = array<i32>} : memref<40x128xf32, #tpu.memory_space<vmem>>, vector<1x16xf32>,
          %get3A_492 = arith.index_cast %add3A_409 : i32 to index
          %get3A_493 = arith.constant 96 : index
          %get3A_494 = tpu.vector_load %arg9[%get3A_492, %get3A_493] {strides = array<i32>} : memref<40x128xf32, #tpu.memory_space<vmem>>, vector<1x16xf32>,
          %get3A_495 = vector.shape_cast %get3A_494 : vector<1x16xf32> to vector<1x16xf32>
          %get3A_496 = arith.index_cast %add3A_409 : i32 to index
          %get3A_497 = arith.constant 96 : index
          %get3A_498 = tpu.vector_load %arg13[%get3A_496, %get3A_497] {strides = array<i32>} : memref<40x128xf32, #tpu.memory_space<vmem>>, vector<1x16xf32>,
          %get3A_499 = vector.shape_cast %get3A_498 : vector<1x16xf32> to vector<1x16xf32>
          %mul3A_500 = arith.mulf %get3A_495, %get3A_499 : vector<1x16xf32>
          %swap3A_501 = arith.index_cast %add3A_409 : i32 to index
          %swap3A_502 = arith.constant 96 : index
          %swap3A_503 = tpu.vector_load %arg13[%swap3A_501, %swap3A_502] {strides = array<i32>} : memref<40x128xf32, #tpu.memory_space<vmem>>, vector<1x16xf32>,
          %swap3A_504 = vector.shape_cast %swap3A_503 : vector<1x16xf32> to vector<1x16xf32>
          %swap3A_505 = vector.shape_cast %mul3A_500 : vector<1x16xf32> to vector<1x16xf32>
          tpu.vector_store %arg13[%swap3A_501, %swap3A_502], %swap3A_505 {strides = array<i32>} : memref<40x128xf32, #tpu.memory_space<vmem>>, vector<1x16xf32>,
          %get3A_506 = arith.index_cast %add3A_409 : i32 to index
          %get3A_507 = arith.constant 112 : index
          %get3A_508 = tpu.vector_load %arg9[%get3A_506, %get3A_507] {strides = array<i32>} : memref<40x128xf32, #tpu.memory_space<vmem>>, vector<1x16xf32>,
          %get3A_509 = vector.shape_cast %get3A_508 : vector<1x16xf32> to vector<1x16xf32>
          %get3A_510 = arith.index_cast %add3A_409 : i32 to index
          %get3A_511 = arith.constant 112 : index
          %get3A_512 = tpu.vector_load %arg13[%get3A_510, %get3A_511] {strides = array<i32>} : memref<40x128xf32, #tpu.memory_space<vmem>>, vector<1x16xf32>,
          %get3A_513 = vector.shape_cast %get3A_512 : vector<1x16xf32> to vector<1x16xf32>
          %mul3A_514 = arith.mulf %get3A_509, %get3A_513 : vector<1x16xf32>
          %swap3A_515 = arith.index_cast %add3A_409 : i32 to index
          %swap3A_516 = arith.constant 112 : index
          %swap3A_517 = tpu.vector_load %arg13[%swap3A_515, %swap3A_516] {strides = array<i32>} : memref<40x128xf32, #tpu.memory_space<vmem>>, vector<1x16xf32>,
          %swap3A_518 = vector.shape_cast %swap3A_517 : vector<1x16xf32> to vector<1x16xf32>
          %swap3A_519 = vector.shape_cast %mul3A_514 : vector<1x16xf32> to vector<1x16xf32>
          tpu.vector_store %arg13[%swap3A_515, %swap3A_516], %swap3A_519 {strides = array<i32>} : memref<40x128xf32, #tpu.memory_space<vmem>>, vector<1x16xf32>,
        }
        %scan3A_398 = arith.constant 40 : i32
        %dma_start3A_399 = arith.constant 2 : i32
        %dma_start3A_400 = arith.constant 0 : i32
        %dma_start3A_401 = arith.constant 0 : i32
        %dma_start3A_402 = tpu.memref_slice %arg31[%dma_start3A_400, %dma_start3A_401] : memref<10240x128xf32, #tpu.memory_space<vmem_shared>> -> memref<10240x128xf32, #tpu.memory_space<vmem_shared>>
        %dma_start3A_403 = tpu.memref_slice %arg34[%dma_start3A_399] : memref<4x!tpu.dma_semaphore, #tpu.memory_space<semaphore_mem>> -> memref<1x!tpu.dma_semaphore, #tpu.memory_space<semaphore_mem>>
        %dma_start3A_404 = tpu.memref_squeeze %dma_start3A_403 : memref<1x!tpu.dma_semaphore, #tpu.memory_space<semaphore_mem>> -> memref<!tpu.dma_semaphore, #tpu.memory_space<semaphore_mem>>
        tpu.enqueue_indirect_dma source(%arg13 : memref<40x128xf32, #tpu.memory_space<vmem>>) target(%dma_start3A_402 : memref<10240x128xf32, #tpu.memory_space<vmem_shared>>) offsets(%arg17 : memref<40xi32, #tpu.memory_space<vmem>>) semaphore(%dma_start3A_404 : memref<!tpu.dma_semaphore, #tpu.memory_space<semaphore_mem>>) {add = true}
      } else {
      }
      %le3A_313 = arith.constant 30 : i32
      %le3A_314 = arith.cmpi sle, %add3A_102, %le3A_313 : i32
      %convert_element_type3A_315 = arith.extui %le3A_314 : i1 to i32
      %cond3A_316 = arith.constant 0 : i32
      %cond3A_317 = arith.cmpi ne, %convert_element_type3A_315, %cond3A_316 : i32
      scf.if %cond3A_317 {
        %mul3A_376 = arith.constant 40 : i32
        %mul3A_377 = arith.muli %add3A_307, %mul3A_376 : i32
        %add3A_378 = arith.addi %mul3A_2, %mul3A_377 : i32
        %dma_wait3A_379 = arith.constant 5 : i32
        %dma_wait3A_380 = tpu.memref_slice %arg4[%add3A_378] : memref<320000xi32, #tpu.memory_space<hbm>> -> memref<40xi32, #tpu.memory_space<hbm>>
        %dma_wait3A_381 = tpu.memref_slice %arg35[%dma_wait3A_379] : memref<8x!tpu.dma_semaphore, #tpu.memory_space<semaphore_mem>> -> memref<1x!tpu.dma_semaphore, #tpu.memory_space<semaphore_mem>>
        %dma_wait3A_382 = tpu.memref_squeeze %dma_wait3A_381 : memref<1x!tpu.dma_semaphore, #tpu.memory_space<semaphore_mem>> -> memref<!tpu.dma_semaphore, #tpu.memory_space<semaphore_mem>>
        %dma_wait3A_383 = tpu.memref_slice %arg4[%add3A_378] : memref<320000xi32, #tpu.memory_space<hbm>> -> memref<40xi32, #tpu.memory_space<hbm>>
        tpu.wait_dma2 semaphore(%dma_wait3A_382 : memref<!tpu.dma_semaphore, #tpu.memory_space<semaphore_mem>>) src(%dma_wait3A_383 : memref<40xi32, #tpu.memory_space<hbm>>) dst(%arg20 : memref<40xi32, #tpu.memory_space<vmem>>)
        %mul3A_384 = arith.constant 40 : i32
        %mul3A_385 = arith.muli %add3A_307, %mul3A_384 : i32
        %add3A_386 = arith.addi %mul3A_2, %mul3A_385 : i32
        %dma_wait3A_387 = arith.constant 5 : i32
        %dma_wait3A_388 = tpu.memref_slice %arg5[%add3A_386] : memref<320000xi32, #tpu.memory_space<hbm>> -> memref<40xi32, #tpu.memory_space<hbm>>
        %dma_wait3A_389 = tpu.memref_slice %arg35[%dma_wait3A_387] : memref<8x!tpu.dma_semaphore, #tpu.memory_space<semaphore_mem>> -> memref<1x!tpu.dma_semaphore, #tpu.memory_space<semaphore_mem>>
        %dma_wait3A_390 = tpu.memref_squeeze %dma_wait3A_389 : memref<1x!tpu.dma_semaphore, #tpu.memory_space<semaphore_mem>> -> memref<!tpu.dma_semaphore, #tpu.memory_space<semaphore_mem>>
        %dma_wait3A_391 = tpu.memref_slice %arg5[%add3A_386] : memref<320000xi32, #tpu.memory_space<hbm>> -> memref<40xi32, #tpu.memory_space<hbm>>
        tpu.wait_dma2 semaphore(%dma_wait3A_390 : memref<!tpu.dma_semaphore, #tpu.memory_space<semaphore_mem>>) src(%dma_wait3A_391 : memref<40xi32, #tpu.memory_space<hbm>>) dst(%arg28 : memref<40xi32, #tpu.memory_space<vmem>>)
        %dma_start3A_392 = arith.constant 1 : i32
        %dma_start3A_393 = arith.constant 0 : i32
        %dma_start3A_394 = arith.constant 0 : i32
        %dma_start3A_395 = tpu.memref_slice %arg2[%dma_start3A_393, %dma_start3A_394] : memref<10000x128xf32, #tpu.memory_space<hbm>> -> memref<10000x128xf32, #tpu.memory_space<hbm>>
        %dma_start3A_396 = tpu.memref_slice %arg32[%dma_start3A_392] : memref<4x!tpu.dma_semaphore, #tpu.memory_space<semaphore_mem>> -> memref<1x!tpu.dma_semaphore, #tpu.memory_space<semaphore_mem>>
        %dma_start3A_397 = tpu.memref_squeeze %dma_start3A_396 : memref<1x!tpu.dma_semaphore, #tpu.memory_space<semaphore_mem>> -> memref<!tpu.dma_semaphore, #tpu.memory_space<semaphore_mem>>
        tpu.enqueue_indirect_dma source(%dma_start3A_395 : memref<10000x128xf32, #tpu.memory_space<hbm>>) target(%arg8 : memref<40x128xf32, #tpu.memory_space<vmem>>) offsets(%arg28 : memref<40xi32, #tpu.memory_space<vmem>>) semaphore(%dma_start3A_397 : memref<!tpu.dma_semaphore, #tpu.memory_space<semaphore_mem>>)
      } else {
      }
      %le3A_318 = arith.constant 30 : i32
      %le3A_319 = arith.cmpi sle, %add3A_102, %le3A_318 : i32
      %convert_element_type3A_320 = arith.extui %le3A_319 : i1 to i32
      %cond3A_321 = arith.constant 0 : i32
      %cond3A_322 = arith.cmpi ne, %convert_element_type3A_320, %cond3A_321 : i32
      scf.if %cond3A_322 {
        %dma_wait3A_376 = arith.constant 1 : i32
        %dma_wait3A_377 = arith.constant 0 : i32
        %dma_wait3A_378 = arith.constant 0 : i32
        %dma_wait3A_379 = tpu.memref_slice %arg31[%dma_wait3A_377, %dma_wait3A_378] : memref<10240x128xf32, #tpu.memory_space<vmem_shared>> -> memref<10240x128xf32, #tpu.memory_space<vmem_shared>>
        %dma_wait3A_380 = tpu.memref_slice %arg34[%dma_wait3A_376] : memref<4x!tpu.dma_semaphore, #tpu.memory_space<semaphore_mem>> -> memref<1x!tpu.dma_semaphore, #tpu.memory_space<semaphore_mem>>
        %dma_wait3A_381 = tpu.memref_squeeze %dma_wait3A_380 : memref<1x!tpu.dma_semaphore, #tpu.memory_space<semaphore_mem>> -> memref<!tpu.dma_semaphore, #tpu.memory_space<semaphore_mem>>
        tpu.wait_indirect_dma semaphore(%dma_wait3A_381 : memref<!tpu.dma_semaphore, #tpu.memory_space<semaphore_mem>>) src(%arg12 : memref<40x128xf32, #tpu.memory_space<vmem>>) dst(%dma_wait3A_379 : memref<10240x128xf32, #tpu.memory_space<vmem_shared>>)
        %mul3A_382 = arith.constant 40 : i32
        %mul3A_383 = arith.muli %add3A_307, %mul3A_382 : i32
        %add3A_384 = arith.addi %mul3A_2, %mul3A_383 : i32
        %dma_start3A_385 = arith.constant 1 : i32
        %dma_start3A_386 = arith.constant 0 : i32
        %dma_start3A_387 = tpu.memref_slice %arg3[%add3A_384, %dma_start3A_386] : memref<320000x128xf32, #tpu.memory_space<hbm>> -> memref<40x128xf32, #tpu.memory_space<hbm>>
        %dma_start3A_388 = tpu.memref_slice %arg33[%dma_start3A_385] : memref<4x!tpu.dma_semaphore, #tpu.memory_space<semaphore_mem>> -> memref<1x!tpu.dma_semaphore, #tpu.memory_space<semaphore_mem>>
        %dma_start3A_389 = tpu.memref_squeeze %dma_start3A_388 : memref<1x!tpu.dma_semaphore, #tpu.memory_space<semaphore_mem>> -> memref<!tpu.dma_semaphore, #tpu.memory_space<semaphore_mem>>
        %dma_start3A_390 = arith.constant 0 : i32
        %dma_start3A_391 = tpu.memref_slice %arg3[%add3A_384, %dma_start3A_390] : memref<320000x128xf32, #tpu.memory_space<hbm>> -> memref<40x128xf32, #tpu.memory_space<hbm>>
        tpu.enqueue_dma source(%dma_start3A_391 : memref<40x128xf32, #tpu.memory_space<hbm>>) target(%arg12 : memref<40x128xf32, #tpu.memory_space<vmem>>) target_semaphore(%dma_start3A_389 : memref<!tpu.dma_semaphore, #tpu.memory_space<semaphore_mem>>)
      } else {
      }
      %le3A_323 = arith.constant 30 : i32
      %le3A_324 = arith.cmpi sle, %add3A_102, %le3A_323 : i32
      %convert_element_type3A_325 = arith.extui %le3A_324 : i1 to i32
      %cond3A_326 = arith.constant 0 : i32
      %cond3A_327 = arith.cmpi ne, %convert_element_type3A_325, %cond3A_326 : i32
      scf.if %cond3A_327 {
        %add3A_376 = arith.constant 2 : i32
        %add3A_377 = arith.addi %add3A_307, %add3A_376 : i32
        %mul3A_378 = arith.constant 40 : i32
        %mul3A_379 = arith.muli %add3A_377, %mul3A_378 : i32
        %add3A_380 = arith.addi %mul3A_2, %mul3A_379 : i32
        %dma_start3A_381 = arith.constant 7 : i32
        %dma_start3A_382 = tpu.memref_slice %arg4[%add3A_380] : memref<320000xi32, #tpu.memory_space<hbm>> -> memref<40xi32, #tpu.memory_space<hbm>>
        %dma_start3A_383 = tpu.memref_slice %arg35[%dma_start3A_381] : memref<8x!tpu.dma_semaphore, #tpu.memory_space<semaphore_mem>> -> memref<1x!tpu.dma_semaphore, #tpu.memory_space<semaphore_mem>>
        %dma_start3A_384 = tpu.memref_squeeze %dma_start3A_383 : memref<1x!tpu.dma_semaphore, #tpu.memory_space<semaphore_mem>> -> memref<!tpu.dma_semaphore, #tpu.memory_space<semaphore_mem>>
        %dma_start3A_385 = tpu.memref_slice %arg4[%add3A_380] : memref<320000xi32, #tpu.memory_space<hbm>> -> memref<40xi32, #tpu.memory_space<hbm>>
        tpu.enqueue_dma source(%dma_start3A_385 : memref<40xi32, #tpu.memory_space<hbm>>) target(%arg22 : memref<40xi32, #tpu.memory_space<vmem>>) target_semaphore(%dma_start3A_384 : memref<!tpu.dma_semaphore, #tpu.memory_space<semaphore_mem>>)
        %add3A_386 = arith.constant 2 : i32
        %add3A_387 = arith.addi %add3A_307, %add3A_386 : i32
        %mul3A_388 = arith.constant 40 : i32
        %mul3A_389 = arith.muli %add3A_387, %mul3A_388 : i32
        %add3A_390 = arith.addi %mul3A_2, %mul3A_389 : i32
        %dma_start3A_391 = arith.constant 7 : i32
        %dma_start3A_392 = tpu.memref_slice %arg5[%add3A_390] : memref<320000xi32, #tpu.memory_space<hbm>> -> memref<40xi32, #tpu.memory_space<hbm>>
        %dma_start3A_393 = tpu.memref_slice %arg35[%dma_start3A_391] : memref<8x!tpu.dma_semaphore, #tpu.memory_space<semaphore_mem>> -> memref<1x!tpu.dma_semaphore, #tpu.memory_space<semaphore_mem>>
        %dma_start3A_394 = tpu.memref_squeeze %dma_start3A_393 : memref<1x!tpu.dma_semaphore, #tpu.memory_space<semaphore_mem>> -> memref<!tpu.dma_semaphore, #tpu.memory_space<semaphore_mem>>
        %dma_start3A_395 = tpu.memref_slice %arg5[%add3A_390] : memref<320000xi32, #tpu.memory_space<hbm>> -> memref<40xi32, #tpu.memory_space<hbm>>
        tpu.enqueue_dma source(%dma_start3A_395 : memref<40xi32, #tpu.memory_space<hbm>>) target(%arg30 : memref<40xi32, #tpu.memory_space<vmem>>) target_semaphore(%dma_start3A_394 : memref<!tpu.dma_semaphore, #tpu.memory_space<semaphore_mem>>)
      } else {
      }
      %mul3A_328 = arith.constant 8 : i32
      %mul3A_329 = arith.muli %add3A_102, %mul3A_328 : i32
      %add3A_330 = arith.constant 6 : i32
      %add3A_331 = arith.addi %mul3A_329, %add3A_330 : i32
      %le3A_332 = arith.constant 30 : i32
      %le3A_333 = arith.cmpi sle, %add3A_102, %le3A_332 : i32
      %convert_element_type3A_334 = arith.extui %le3A_333 : i1 to i32
      %cond3A_335 = arith.constant 0 : i32
      %cond3A_336 = arith.cmpi ne, %convert_element_type3A_334, %cond3A_335 : i32
      scf.if %cond3A_336 {
        %dma_wait3A_376 = arith.constant 3 : i32
        %dma_wait3A_377 = arith.constant 0 : i32
        %dma_wait3A_378 = arith.constant 0 : i32
        %dma_wait3A_379 = tpu.memref_slice %arg2[%dma_wait3A_377, %dma_wait3A_378] : memref<10000x128xf32, #tpu.memory_space<hbm>> -> memref<10000x128xf32, #tpu.memory_space<hbm>>
        %dma_wait3A_380 = tpu.memref_slice %arg32[%dma_wait3A_376] : memref<4x!tpu.dma_semaphore, #tpu.memory_space<semaphore_mem>> -> memref<1x!tpu.dma_semaphore, #tpu.memory_space<semaphore_mem>>
        %dma_wait3A_381 = tpu.memref_squeeze %dma_wait3A_380 : memref<1x!tpu.dma_semaphore, #tpu.memory_space<semaphore_mem>> -> memref<!tpu.dma_semaphore, #tpu.memory_space<semaphore_mem>>
        tpu.wait_indirect_dma semaphore(%dma_wait3A_381 : memref<!tpu.dma_semaphore, #tpu.memory_space<semaphore_mem>>) src(%dma_wait3A_379 : memref<10000x128xf32, #tpu.memory_space<hbm>>) dst(%arg10 : memref<40x128xf32, #tpu.memory_space<vmem>>)
        %sub3A_382 = arith.constant 3 : i32
        %sub3A_383 = arith.subi %add3A_331, %sub3A_382 : i32
        %mul3A_384 = arith.constant 40 : i32
        %mul3A_385 = arith.muli %sub3A_383, %mul3A_384 : i32
        %add3A_386 = arith.addi %mul3A_2, %mul3A_385 : i32
        %dma_wait3A_387 = arith.constant 3 : i32
        %dma_wait3A_388 = arith.constant 0 : i32
        %dma_wait3A_389 = tpu.memref_slice %arg3[%add3A_386, %dma_wait3A_388] : memref<320000x128xf32, #tpu.memory_space<hbm>> -> memref<40x128xf32, #tpu.memory_space<hbm>>
        %dma_wait3A_390 = tpu.memref_slice %arg33[%dma_wait3A_387] : memref<4x!tpu.dma_semaphore, #tpu.memory_space<semaphore_mem>> -> memref<1x!tpu.dma_semaphore, #tpu.memory_space<semaphore_mem>>
        %dma_wait3A_391 = tpu.memref_squeeze %dma_wait3A_390 : memref<1x!tpu.dma_semaphore, #tpu.memory_space<semaphore_mem>> -> memref<!tpu.dma_semaphore, #tpu.memory_space<semaphore_mem>>
        %dma_wait3A_392 = arith.constant 0 : i32
        %dma_wait3A_393 = tpu.memref_slice %arg3[%add3A_386, %dma_wait3A_392] : memref<320000x128xf32, #tpu.memory_space<hbm>> -> memref<40x128xf32, #tpu.memory_space<hbm>>
        tpu.wait_dma2 semaphore(%dma_wait3A_391 : memref<!tpu.dma_semaphore, #tpu.memory_space<semaphore_mem>>) src(%dma_wait3A_393 : memref<40x128xf32, #tpu.memory_space<hbm>>) dst(%arg14 : memref<40x128xf32, #tpu.memory_space<vmem>>)
        %scan3A_394 = arith.constant 0 : i32
        %scan3A_395 = arith.constant 40 : i32
        %scan3A_396 = arith.addi %scan3A_394, %scan3A_395 : i32
        %scan3A_397 = arith.constant 1 : i32
        scf.for %scan3A_405 = %scan3A_394 to %scan3A_396 step %scan3A_397  : i32 {
          %mul3A_406 = arith.constant 1 : i32
          %mul3A_407 = arith.muli %scan3A_405, %mul3A_406 : i32
          %add3A_408 = arith.constant 0 : i32
          %add3A_409 = arith.addi %add3A_408, %mul3A_407 : i32
          %get3A = arith.index_cast %add3A_409 : i32 to index
          %get3A_410 = arith.constant 0 : index
          %get3A_411 = tpu.vector_load %arg10[%get3A, %get3A_410] {strides = array<i32>} : memref<40x128xf32, #tpu.memory_space<vmem>>, vector<1x16xf32>,
          %get3A_412 = vector.shape_cast %get3A_411 : vector<1x16xf32> to vector<1x16xf32>
          %get3A_413 = arith.index_cast %add3A_409 : i32 to index
          %get3A_414 = arith.constant 0 : index
          %get3A_415 = tpu.vector_load %arg14[%get3A_413, %get3A_414] {strides = array<i32>} : memref<40x128xf32, #tpu.memory_space<vmem>>, vector<1x16xf32>,
          %get3A_416 = vector.shape_cast %get3A_415 : vector<1x16xf32> to vector<1x16xf32>
          %mul3A_417 = arith.mulf %get3A_412, %get3A_416 : vector<1x16xf32>
          %swap3A = arith.index_cast %add3A_409 : i32 to index
          %swap3A_418 = arith.constant 0 : index
          %swap3A_419 = tpu.vector_load %arg14[%swap3A, %swap3A_418] {strides = array<i32>} : memref<40x128xf32, #tpu.memory_space<vmem>>, vector<1x16xf32>,
          %swap3A_420 = vector.shape_cast %swap3A_419 : vector<1x16xf32> to vector<1x16xf32>
          %swap3A_421 = vector.shape_cast %mul3A_417 : vector<1x16xf32> to vector<1x16xf32>
          tpu.vector_store %arg14[%swap3A, %swap3A_418], %swap3A_421 {strides = array<i32>} : memref<40x128xf32, #tpu.memory_space<vmem>>, vector<1x16xf32>,
          %get3A_422 = arith.index_cast %add3A_409 : i32 to index
          %get3A_423 = arith.constant 16 : index
          %get3A_424 = tpu.vector_load %arg10[%get3A_422, %get3A_423] {strides = array<i32>} : memref<40x128xf32, #tpu.memory_space<vmem>>, vector<1x16xf32>,
          %get3A_425 = vector.shape_cast %get3A_424 : vector<1x16xf32> to vector<1x16xf32>
          %get3A_426 = arith.index_cast %add3A_409 : i32 to index
          %get3A_427 = arith.constant 16 : index
          %get3A_428 = tpu.vector_load %arg14[%get3A_426, %get3A_427] {strides = array<i32>} : memref<40x128xf32, #tpu.memory_space<vmem>>, vector<1x16xf32>,
          %get3A_429 = vector.shape_cast %get3A_428 : vector<1x16xf32> to vector<1x16xf32>
          %mul3A_430 = arith.mulf %get3A_425, %get3A_429 : vector<1x16xf32>
          %swap3A_431 = arith.index_cast %add3A_409 : i32 to index
          %swap3A_432 = arith.constant 16 : index
          %swap3A_433 = tpu.vector_load %arg14[%swap3A_431, %swap3A_432] {strides = array<i32>} : memref<40x128xf32, #tpu.memory_space<vmem>>, vector<1x16xf32>,
          %swap3A_434 = vector.shape_cast %swap3A_433 : vector<1x16xf32> to vector<1x16xf32>
          %swap3A_435 = vector.shape_cast %mul3A_430 : vector<1x16xf32> to vector<1x16xf32>
          tpu.vector_store %arg14[%swap3A_431, %swap3A_432], %swap3A_435 {strides = array<i32>} : memref<40x128xf32, #tpu.memory_space<vmem>>, vector<1x16xf32>,
          %get3A_436 = arith.index_cast %add3A_409 : i32 to index
          %get3A_437 = arith.constant 32 : index
          %get3A_438 = tpu.vector_load %arg10[%get3A_436, %get3A_437] {strides = array<i32>} : memref<40x128xf32, #tpu.memory_space<vmem>>, vector<1x16xf32>,
          %get3A_439 = vector.shape_cast %get3A_438 : vector<1x16xf32> to vector<1x16xf32>
          %get3A_440 = arith.index_cast %add3A_409 : i32 to index
          %get3A_441 = arith.constant 32 : index
          %get3A_442 = tpu.vector_load %arg14[%get3A_440, %get3A_441] {strides = array<i32>} : memref<40x128xf32, #tpu.memory_space<vmem>>, vector<1x16xf32>,
          %get3A_443 = vector.shape_cast %get3A_442 : vector<1x16xf32> to vector<1x16xf32>
          %mul3A_444 = arith.mulf %get3A_439, %get3A_443 : vector<1x16xf32>
          %swap3A_445 = arith.index_cast %add3A_409 : i32 to index
          %swap3A_446 = arith.constant 32 : index
          %swap3A_447 = tpu.vector_load %arg14[%swap3A_445, %swap3A_446] {strides = array<i32>} : memref<40x128xf32, #tpu.memory_space<vmem>>, vector<1x16xf32>,
          %swap3A_448 = vector.shape_cast %swap3A_447 : vector<1x16xf32> to vector<1x16xf32>
          %swap3A_449 = vector.shape_cast %mul3A_444 : vector<1x16xf32> to vector<1x16xf32>
          tpu.vector_store %arg14[%swap3A_445, %swap3A_446], %swap3A_449 {strides = array<i32>} : memref<40x128xf32, #tpu.memory_space<vmem>>, vector<1x16xf32>,
          %get3A_450 = arith.index_cast %add3A_409 : i32 to index
          %get3A_451 = arith.constant 48 : index
          %get3A_452 = tpu.vector_load %arg10[%get3A_450, %get3A_451] {strides = array<i32>} : memref<40x128xf32, #tpu.memory_space<vmem>>, vector<1x16xf32>,
          %get3A_453 = vector.shape_cast %get3A_452 : vector<1x16xf32> to vector<1x16xf32>
          %get3A_454 = arith.index_cast %add3A_409 : i32 to index
          %get3A_455 = arith.constant 48 : index
          %get3A_456 = tpu.vector_load %arg14[%get3A_454, %get3A_455] {strides = array<i32>} : memref<40x128xf32, #tpu.memory_space<vmem>>, vector<1x16xf32>,
          %get3A_457 = vector.shape_cast %get3A_456 : vector<1x16xf32> to vector<1x16xf32>
          %mul3A_458 = arith.mulf %get3A_453, %get3A_457 : vector<1x16xf32>
          %swap3A_459 = arith.index_cast %add3A_409 : i32 to index
          %swap3A_460 = arith.constant 48 : index
          %swap3A_461 = tpu.vector_load %arg14[%swap3A_459, %swap3A_460] {strides = array<i32>} : memref<40x128xf32, #tpu.memory_space<vmem>>, vector<1x16xf32>,
          %swap3A_462 = vector.shape_cast %swap3A_461 : vector<1x16xf32> to vector<1x16xf32>
          %swap3A_463 = vector.shape_cast %mul3A_458 : vector<1x16xf32> to vector<1x16xf32>
          tpu.vector_store %arg14[%swap3A_459, %swap3A_460], %swap3A_463 {strides = array<i32>} : memref<40x128xf32, #tpu.memory_space<vmem>>, vector<1x16xf32>,
          %get3A_464 = arith.index_cast %add3A_409 : i32 to index
          %get3A_465 = arith.constant 64 : index
          %get3A_466 = tpu.vector_load %arg10[%get3A_464, %get3A_465] {strides = array<i32>} : memref<40x128xf32, #tpu.memory_space<vmem>>, vector<1x16xf32>,
          %get3A_467 = vector.shape_cast %get3A_466 : vector<1x16xf32> to vector<1x16xf32>
          %get3A_468 = arith.index_cast %add3A_409 : i32 to index
          %get3A_469 = arith.constant 64 : index
          %get3A_470 = tpu.vector_load %arg14[%get3A_468, %get3A_469] {strides = array<i32>} : memref<40x128xf32, #tpu.memory_space<vmem>>, vector<1x16xf32>,
          %get3A_471 = vector.shape_cast %get3A_470 : vector<1x16xf32> to vector<1x16xf32>
          %mul3A_472 = arith.mulf %get3A_467, %get3A_471 : vector<1x16xf32>
          %swap3A_473 = arith.index_cast %add3A_409 : i32 to index
          %swap3A_474 = arith.constant 64 : index
          %swap3A_475 = tpu.vector_load %arg14[%swap3A_473, %swap3A_474] {strides = array<i32>} : memref<40x128xf32, #tpu.memory_space<vmem>>, vector<1x16xf32>,
          %swap3A_476 = vector.shape_cast %swap3A_475 : vector<1x16xf32> to vector<1x16xf32>
          %swap3A_477 = vector.shape_cast %mul3A_472 : vector<1x16xf32> to vector<1x16xf32>
          tpu.vector_store %arg14[%swap3A_473, %swap3A_474], %swap3A_477 {strides = array<i32>} : memref<40x128xf32, #tpu.memory_space<vmem>>, vector<1x16xf32>,
          %get3A_478 = arith.index_cast %add3A_409 : i32 to index
          %get3A_479 = arith.constant 80 : index
          %get3A_480 = tpu.vector_load %arg10[%get3A_478, %get3A_479] {strides = array<i32>} : memref<40x128xf32, #tpu.memory_space<vmem>>, vector<1x16xf32>,
          %get3A_481 = vector.shape_cast %get3A_480 : vector<1x16xf32> to vector<1x16xf32>
          %get3A_482 = arith.index_cast %add3A_409 : i32 to index
          %get3A_483 = arith.constant 80 : index
          %get3A_484 = tpu.vector_load %arg14[%get3A_482, %get3A_483] {strides = array<i32>} : memref<40x128xf32, #tpu.memory_space<vmem>>, vector<1x16xf32>,
          %get3A_485 = vector.shape_cast %get3A_484 : vector<1x16xf32> to vector<1x16xf32>
          %mul3A_486 = arith.mulf %get3A_481, %get3A_485 : vector<1x16xf32>
          %swap3A_487 = arith.index_cast %add3A_409 : i32 to index
          %swap3A_488 = arith.constant 80 : index
          %swap3A_489 = tpu.vector_load %arg14[%swap3A_487, %swap3A_488] {strides = array<i32>} : memref<40x128xf32, #tpu.memory_space<vmem>>, vector<1x16xf32>,
          %swap3A_490 = vector.shape_cast %swap3A_489 : vector<1x16xf32> to vector<1x16xf32>
          %swap3A_491 = vector.shape_cast %mul3A_486 : vector<1x16xf32> to vector<1x16xf32>
          tpu.vector_store %arg14[%swap3A_487, %swap3A_488], %swap3A_491 {strides = array<i32>} : memref<40x128xf32, #tpu.memory_space<vmem>>, vector<1x16xf32>,
          %get3A_492 = arith.index_cast %add3A_409 : i32 to index
          %get3A_493 = arith.constant 96 : index
          %get3A_494 = tpu.vector_load %arg10[%get3A_492, %get3A_493] {strides = array<i32>} : memref<40x128xf32, #tpu.memory_space<vmem>>, vector<1x16xf32>,
          %get3A_495 = vector.shape_cast %get3A_494 : vector<1x16xf32> to vector<1x16xf32>
          %get3A_496 = arith.index_cast %add3A_409 : i32 to index
          %get3A_497 = arith.constant 96 : index
          %get3A_498 = tpu.vector_load %arg14[%get3A_496, %get3A_497] {strides = array<i32>} : memref<40x128xf32, #tpu.memory_space<vmem>>, vector<1x16xf32>,
          %get3A_499 = vector.shape_cast %get3A_498 : vector<1x16xf32> to vector<1x16xf32>
          %mul3A_500 = arith.mulf %get3A_495, %get3A_499 : vector<1x16xf32>
          %swap3A_501 = arith.index_cast %add3A_409 : i32 to index
          %swap3A_502 = arith.constant 96 : index
          %swap3A_503 = tpu.vector_load %arg14[%swap3A_501, %swap3A_502] {strides = array<i32>} : memref<40x128xf32, #tpu.memory_space<vmem>>, vector<1x16xf32>,
          %swap3A_504 = vector.shape_cast %swap3A_503 : vector<1x16xf32> to vector<1x16xf32>
          %swap3A_505 = vector.shape_cast %mul3A_500 : vector<1x16xf32> to vector<1x16xf32>
          tpu.vector_store %arg14[%swap3A_501, %swap3A_502], %swap3A_505 {strides = array<i32>} : memref<40x128xf32, #tpu.memory_space<vmem>>, vector<1x16xf32>,
          %get3A_506 = arith.index_cast %add3A_409 : i32 to index
          %get3A_507 = arith.constant 112 : index
          %get3A_508 = tpu.vector_load %arg10[%get3A_506, %get3A_507] {strides = array<i32>} : memref<40x128xf32, #tpu.memory_space<vmem>>, vector<1x16xf32>,
          %get3A_509 = vector.shape_cast %get3A_508 : vector<1x16xf32> to vector<1x16xf32>
          %get3A_510 = arith.index_cast %add3A_409 : i32 to index
          %get3A_511 = arith.constant 112 : index
          %get3A_512 = tpu.vector_load %arg14[%get3A_510, %get3A_511] {strides = array<i32>} : memref<40x128xf32, #tpu.memory_space<vmem>>, vector<1x16xf32>,
          %get3A_513 = vector.shape_cast %get3A_512 : vector<1x16xf32> to vector<1x16xf32>
          %mul3A_514 = arith.mulf %get3A_509, %get3A_513 : vector<1x16xf32>
          %swap3A_515 = arith.index_cast %add3A_409 : i32 to index
          %swap3A_516 = arith.constant 112 : index
          %swap3A_517 = tpu.vector_load %arg14[%swap3A_515, %swap3A_516] {strides = array<i32>} : memref<40x128xf32, #tpu.memory_space<vmem>>, vector<1x16xf32>,
          %swap3A_518 = vector.shape_cast %swap3A_517 : vector<1x16xf32> to vector<1x16xf32>
          %swap3A_519 = vector.shape_cast %mul3A_514 : vector<1x16xf32> to vector<1x16xf32>
          tpu.vector_store %arg14[%swap3A_515, %swap3A_516], %swap3A_519 {strides = array<i32>} : memref<40x128xf32, #tpu.memory_space<vmem>>, vector<1x16xf32>,
        }
        %scan3A_398 = arith.constant 40 : i32
        %dma_start3A_399 = arith.constant 3 : i32
        %dma_start3A_400 = arith.constant 0 : i32
        %dma_start3A_401 = arith.constant 0 : i32
        %dma_start3A_402 = tpu.memref_slice %arg31[%dma_start3A_400, %dma_start3A_401] : memref<10240x128xf32, #tpu.memory_space<vmem_shared>> -> memref<10240x128xf32, #tpu.memory_space<vmem_shared>>
        %dma_start3A_403 = tpu.memref_slice %arg34[%dma_start3A_399] : memref<4x!tpu.dma_semaphore, #tpu.memory_space<semaphore_mem>> -> memref<1x!tpu.dma_semaphore, #tpu.memory_space<semaphore_mem>>
        %dma_start3A_404 = tpu.memref_squeeze %dma_start3A_403 : memref<1x!tpu.dma_semaphore, #tpu.memory_space<semaphore_mem>> -> memref<!tpu.dma_semaphore, #tpu.memory_space<semaphore_mem>>
        tpu.enqueue_indirect_dma source(%arg14 : memref<40x128xf32, #tpu.memory_space<vmem>>) target(%dma_start3A_402 : memref<10240x128xf32, #tpu.memory_space<vmem_shared>>) offsets(%arg18 : memref<40xi32, #tpu.memory_space<vmem>>) semaphore(%dma_start3A_404 : memref<!tpu.dma_semaphore, #tpu.memory_space<semaphore_mem>>) {add = true}
      } else {
      }
      %le3A_337 = arith.constant 30 : i32
      %le3A_338 = arith.cmpi sle, %add3A_102, %le3A_337 : i32
      %convert_element_type3A_339 = arith.extui %le3A_338 : i1 to i32
      %cond3A_340 = arith.constant 0 : i32
      %cond3A_341 = arith.cmpi ne, %convert_element_type3A_339, %cond3A_340 : i32
      scf.if %cond3A_341 {
        %mul3A_376 = arith.constant 40 : i32
        %mul3A_377 = arith.muli %add3A_331, %mul3A_376 : i32
        %add3A_378 = arith.addi %mul3A_2, %mul3A_377 : i32
        %dma_wait3A_379 = arith.constant 6 : i32
        %dma_wait3A_380 = tpu.memref_slice %arg4[%add3A_378] : memref<320000xi32, #tpu.memory_space<hbm>> -> memref<40xi32, #tpu.memory_space<hbm>>
        %dma_wait3A_381 = tpu.memref_slice %arg35[%dma_wait3A_379] : memref<8x!tpu.dma_semaphore, #tpu.memory_space<semaphore_mem>> -> memref<1x!tpu.dma_semaphore, #tpu.memory_space<semaphore_mem>>
        %dma_wait3A_382 = tpu.memref_squeeze %dma_wait3A_381 : memref<1x!tpu.dma_semaphore, #tpu.memory_space<semaphore_mem>> -> memref<!tpu.dma_semaphore, #tpu.memory_space<semaphore_mem>>
        %dma_wait3A_383 = tpu.memref_slice %arg4[%add3A_378] : memref<320000xi32, #tpu.memory_space<hbm>> -> memref<40xi32, #tpu.memory_space<hbm>>
        tpu.wait_dma2 semaphore(%dma_wait3A_382 : memref<!tpu.dma_semaphore, #tpu.memory_space<semaphore_mem>>) src(%dma_wait3A_383 : memref<40xi32, #tpu.memory_space<hbm>>) dst(%arg21 : memref<40xi32, #tpu.memory_space<vmem>>)
        %mul3A_384 = arith.constant 40 : i32
        %mul3A_385 = arith.muli %add3A_331, %mul3A_384 : i32
        %add3A_386 = arith.addi %mul3A_2, %mul3A_385 : i32
        %dma_wait3A_387 = arith.constant 6 : i32
        %dma_wait3A_388 = tpu.memref_slice %arg5[%add3A_386] : memref<320000xi32, #tpu.memory_space<hbm>> -> memref<40xi32, #tpu.memory_space<hbm>>
        %dma_wait3A_389 = tpu.memref_slice %arg35[%dma_wait3A_387] : memref<8x!tpu.dma_semaphore, #tpu.memory_space<semaphore_mem>> -> memref<1x!tpu.dma_semaphore, #tpu.memory_space<semaphore_mem>>
        %dma_wait3A_390 = tpu.memref_squeeze %dma_wait3A_389 : memref<1x!tpu.dma_semaphore, #tpu.memory_space<semaphore_mem>> -> memref<!tpu.dma_semaphore, #tpu.memory_space<semaphore_mem>>
        %dma_wait3A_391 = tpu.memref_slice %arg5[%add3A_386] : memref<320000xi32, #tpu.memory_space<hbm>> -> memref<40xi32, #tpu.memory_space<hbm>>
        tpu.wait_dma2 semaphore(%dma_wait3A_390 : memref<!tpu.dma_semaphore, #tpu.memory_space<semaphore_mem>>) src(%dma_wait3A_391 : memref<40xi32, #tpu.memory_space<hbm>>) dst(%arg29 : memref<40xi32, #tpu.memory_space<vmem>>)
        %dma_start3A_392 = arith.constant 2 : i32
        %dma_start3A_393 = arith.constant 0 : i32
        %dma_start3A_394 = arith.constant 0 : i32
        %dma_start3A_395 = tpu.memref_slice %arg2[%dma_start3A_393, %dma_start3A_394] : memref<10000x128xf32, #tpu.memory_space<hbm>> -> memref<10000x128xf32, #tpu.memory_space<hbm>>
        %dma_start3A_396 = tpu.memref_slice %arg32[%dma_start3A_392] : memref<4x!tpu.dma_semaphore, #tpu.memory_space<semaphore_mem>> -> memref<1x!tpu.dma_semaphore, #tpu.memory_space<semaphore_mem>>
        %dma_start3A_397 = tpu.memref_squeeze %dma_start3A_396 : memref<1x!tpu.dma_semaphore, #tpu.memory_space<semaphore_mem>> -> memref<!tpu.dma_semaphore, #tpu.memory_space<semaphore_mem>>
        tpu.enqueue_indirect_dma source(%dma_start3A_395 : memref<10000x128xf32, #tpu.memory_space<hbm>>) target(%arg9 : memref<40x128xf32, #tpu.memory_space<vmem>>) offsets(%arg29 : memref<40xi32, #tpu.memory_space<vmem>>) semaphore(%dma_start3A_397 : memref<!tpu.dma_semaphore, #tpu.memory_space<semaphore_mem>>)
      } else {
      }
      %le3A_342 = arith.constant 30 : i32
      %le3A_343 = arith.cmpi sle, %add3A_102, %le3A_342 : i32
      %convert_element_type3A_344 = arith.extui %le3A_343 : i1 to i32
      %cond3A_345 = arith.constant 0 : i32
      %cond3A_346 = arith.cmpi ne, %convert_element_type3A_344, %cond3A_345 : i32
      scf.if %cond3A_346 {
        %dma_wait3A_376 = arith.constant 2 : i32
        %dma_wait3A_377 = arith.constant 0 : i32
        %dma_wait3A_378 = arith.constant 0 : i32
        %dma_wait3A_379 = tpu.memref_slice %arg31[%dma_wait3A_377, %dma_wait3A_378] : memref<10240x128xf32, #tpu.memory_space<vmem_shared>> -> memref<10240x128xf32, #tpu.memory_space<vmem_shared>>
        %dma_wait3A_380 = tpu.memref_slice %arg34[%dma_wait3A_376] : memref<4x!tpu.dma_semaphore, #tpu.memory_space<semaphore_mem>> -> memref<1x!tpu.dma_semaphore, #tpu.memory_space<semaphore_mem>>
        %dma_wait3A_381 = tpu.memref_squeeze %dma_wait3A_380 : memref<1x!tpu.dma_semaphore, #tpu.memory_space<semaphore_mem>> -> memref<!tpu.dma_semaphore, #tpu.memory_space<semaphore_mem>>
        tpu.wait_indirect_dma semaphore(%dma_wait3A_381 : memref<!tpu.dma_semaphore, #tpu.memory_space<semaphore_mem>>) src(%arg13 : memref<40x128xf32, #tpu.memory_space<vmem>>) dst(%dma_wait3A_379 : memref<10240x128xf32, #tpu.memory_space<vmem_shared>>)
        %mul3A_382 = arith.constant 40 : i32
        %mul3A_383 = arith.muli %add3A_331, %mul3A_382 : i32
        %add3A_384 = arith.addi %mul3A_2, %mul3A_383 : i32
        %dma_start3A_385 = arith.constant 2 : i32
        %dma_start3A_386 = arith.constant 0 : i32
        %dma_start3A_387 = tpu.memref_slice %arg3[%add3A_384, %dma_start3A_386] : memref<320000x128xf32, #tpu.memory_space<hbm>> -> memref<40x128xf32, #tpu.memory_space<hbm>>
        %dma_start3A_388 = tpu.memref_slice %arg33[%dma_start3A_385] : memref<4x!tpu.dma_semaphore, #tpu.memory_space<semaphore_mem>> -> memref<1x!tpu.dma_semaphore, #tpu.memory_space<semaphore_mem>>
        %dma_start3A_389 = tpu.memref_squeeze %dma_start3A_388 : memref<1x!tpu.dma_semaphore, #tpu.memory_space<semaphore_mem>> -> memref<!tpu.dma_semaphore, #tpu.memory_space<semaphore_mem>>
        %dma_start3A_390 = arith.constant 0 : i32
        %dma_start3A_391 = tpu.memref_slice %arg3[%add3A_384, %dma_start3A_390] : memref<320000x128xf32, #tpu.memory_space<hbm>> -> memref<40x128xf32, #tpu.memory_space<hbm>>
        tpu.enqueue_dma source(%dma_start3A_391 : memref<40x128xf32, #tpu.memory_space<hbm>>) target(%arg13 : memref<40x128xf32, #tpu.memory_space<vmem>>) target_semaphore(%dma_start3A_389 : memref<!tpu.dma_semaphore, #tpu.memory_space<semaphore_mem>>)
      } else {
      }
      %le3A_347 = arith.constant 30 : i32
      %le3A_348 = arith.cmpi sle, %add3A_102, %le3A_347 : i32
      %convert_element_type3A_349 = arith.extui %le3A_348 : i1 to i32
      %cond3A_350 = arith.constant 0 : i32
      %cond3A_351 = arith.cmpi ne, %convert_element_type3A_349, %cond3A_350 : i32
      scf.if %cond3A_351 {
        %add3A_376 = arith.constant 2 : i32
        %add3A_377 = arith.addi %add3A_331, %add3A_376 : i32
        %mul3A_378 = arith.constant 40 : i32
        %mul3A_379 = arith.muli %add3A_377, %mul3A_378 : i32
        %add3A_380 = arith.addi %mul3A_2, %mul3A_379 : i32
        %dma_start3A_381 = arith.constant 0 : i32
        %dma_start3A_382 = tpu.memref_slice %arg4[%add3A_380] : memref<320000xi32, #tpu.memory_space<hbm>> -> memref<40xi32, #tpu.memory_space<hbm>>
        %dma_start3A_383 = tpu.memref_slice %arg35[%dma_start3A_381] : memref<8x!tpu.dma_semaphore, #tpu.memory_space<semaphore_mem>> -> memref<1x!tpu.dma_semaphore, #tpu.memory_space<semaphore_mem>>
        %dma_start3A_384 = tpu.memref_squeeze %dma_start3A_383 : memref<1x!tpu.dma_semaphore, #tpu.memory_space<semaphore_mem>> -> memref<!tpu.dma_semaphore, #tpu.memory_space<semaphore_mem>>
        %dma_start3A_385 = tpu.memref_slice %arg4[%add3A_380] : memref<320000xi32, #tpu.memory_space<hbm>> -> memref<40xi32, #tpu.memory_space<hbm>>
        tpu.enqueue_dma source(%dma_start3A_385 : memref<40xi32, #tpu.memory_space<hbm>>) target(%arg15 : memref<40xi32, #tpu.memory_space<vmem>>) target_semaphore(%dma_start3A_384 : memref<!tpu.dma_semaphore, #tpu.memory_space<semaphore_mem>>)
        %add3A_386 = arith.constant 2 : i32
        %add3A_387 = arith.addi %add3A_331, %add3A_386 : i32
        %mul3A_388 = arith.constant 40 : i32
        %mul3A_389 = arith.muli %add3A_387, %mul3A_388 : i32
        %add3A_390 = arith.addi %mul3A_2, %mul3A_389 : i32
        %dma_start3A_391 = arith.constant 0 : i32
        %dma_start3A_392 = tpu.memref_slice %arg5[%add3A_390] : memref<320000xi32, #tpu.memory_space<hbm>> -> memref<40xi32, #tpu.memory_space<hbm>>
        %dma_start3A_393 = tpu.memref_slice %arg35[%dma_start3A_391] : memref<8x!tpu.dma_semaphore, #tpu.memory_space<semaphore_mem>> -> memref<1x!tpu.dma_semaphore, #tpu.memory_space<semaphore_mem>>
        %dma_start3A_394 = tpu.memref_squeeze %dma_start3A_393 : memref<1x!tpu.dma_semaphore, #tpu.memory_space<semaphore_mem>> -> memref<!tpu.dma_semaphore, #tpu.memory_space<semaphore_mem>>
        %dma_start3A_395 = tpu.memref_slice %arg5[%add3A_390] : memref<320000xi32, #tpu.memory_space<hbm>> -> memref<40xi32, #tpu.memory_space<hbm>>
        tpu.enqueue_dma source(%dma_start3A_395 : memref<40xi32, #tpu.memory_space<hbm>>) target(%arg23 : memref<40xi32, #tpu.memory_space<vmem>>) target_semaphore(%dma_start3A_394 : memref<!tpu.dma_semaphore, #tpu.memory_space<semaphore_mem>>)
      } else {
      }
      %mul3A_352 = arith.constant 8 : i32
      %mul3A_353 = arith.muli %add3A_102, %mul3A_352 : i32
      %add3A_354 = arith.constant 7 : i32
      %add3A_355 = arith.addi %mul3A_353, %add3A_354 : i32
      %le3A_356 = arith.constant 30 : i32
      %le3A_357 = arith.cmpi sle, %add3A_102, %le3A_356 : i32
      %convert_element_type3A_358 = arith.extui %le3A_357 : i1 to i32
      %cond3A_359 = arith.constant 0 : i32
      %cond3A_360 = arith.cmpi ne, %convert_element_type3A_358, %cond3A_359 : i32
      scf.if %cond3A_360 {
        %dma_wait3A_376 = arith.constant 0 : i32
        %dma_wait3A_377 = arith.constant 0 : i32
        %dma_wait3A_378 = arith.constant 0 : i32
        %dma_wait3A_379 = tpu.memref_slice %arg2[%dma_wait3A_377, %dma_wait3A_378] : memref<10000x128xf32, #tpu.memory_space<hbm>> -> memref<10000x128xf32, #tpu.memory_space<hbm>>
        %dma_wait3A_380 = tpu.memref_slice %arg32[%dma_wait3A_376] : memref<4x!tpu.dma_semaphore, #tpu.memory_space<semaphore_mem>> -> memref<1x!tpu.dma_semaphore, #tpu.memory_space<semaphore_mem>>
        %dma_wait3A_381 = tpu.memref_squeeze %dma_wait3A_380 : memref<1x!tpu.dma_semaphore, #tpu.memory_space<semaphore_mem>> -> memref<!tpu.dma_semaphore, #tpu.memory_space<semaphore_mem>>
        tpu.wait_indirect_dma semaphore(%dma_wait3A_381 : memref<!tpu.dma_semaphore, #tpu.memory_space<semaphore_mem>>) src(%dma_wait3A_379 : memref<10000x128xf32, #tpu.memory_space<hbm>>) dst(%arg7 : memref<40x128xf32, #tpu.memory_space<vmem>>)
        %sub3A_382 = arith.constant 3 : i32
        %sub3A_383 = arith.subi %add3A_355, %sub3A_382 : i32
        %mul3A_384 = arith.constant 40 : i32
        %mul3A_385 = arith.muli %sub3A_383, %mul3A_384 : i32
        %add3A_386 = arith.addi %mul3A_2, %mul3A_385 : i32
        %dma_wait3A_387 = arith.constant 0 : i32
        %dma_wait3A_388 = arith.constant 0 : i32
        %dma_wait3A_389 = tpu.memref_slice %arg3[%add3A_386, %dma_wait3A_388] : memref<320000x128xf32, #tpu.memory_space<hbm>> -> memref<40x128xf32, #tpu.memory_space<hbm>>
        %dma_wait3A_390 = tpu.memref_slice %arg33[%dma_wait3A_387] : memref<4x!tpu.dma_semaphore, #tpu.memory_space<semaphore_mem>> -> memref<1x!tpu.dma_semaphore, #tpu.memory_space<semaphore_mem>>
        %dma_wait3A_391 = tpu.memref_squeeze %dma_wait3A_390 : memref<1x!tpu.dma_semaphore, #tpu.memory_space<semaphore_mem>> -> memref<!tpu.dma_semaphore, #tpu.memory_space<semaphore_mem>>
        %dma_wait3A_392 = arith.constant 0 : i32
        %dma_wait3A_393 = tpu.memref_slice %arg3[%add3A_386, %dma_wait3A_392] : memref<320000x128xf32, #tpu.memory_space<hbm>> -> memref<40x128xf32, #tpu.memory_space<hbm>>
        tpu.wait_dma2 semaphore(%dma_wait3A_391 : memref<!tpu.dma_semaphore, #tpu.memory_space<semaphore_mem>>) src(%dma_wait3A_393 : memref<40x128xf32, #tpu.memory_space<hbm>>) dst(%arg11 : memref<40x128xf32, #tpu.memory_space<vmem>>)
        %scan3A_394 = arith.constant 0 : i32
        %scan3A_395 = arith.constant 40 : i32
        %scan3A_396 = arith.addi %scan3A_394, %scan3A_395 : i32
        %scan3A_397 = arith.constant 1 : i32
        scf.for %scan3A_405 = %scan3A_394 to %scan3A_396 step %scan3A_397  : i32 {
          %mul3A_406 = arith.constant 1 : i32
          %mul3A_407 = arith.muli %scan3A_405, %mul3A_406 : i32
          %add3A_408 = arith.constant 0 : i32
          %add3A_409 = arith.addi %add3A_408, %mul3A_407 : i32
          %get3A = arith.index_cast %add3A_409 : i32 to index
          %get3A_410 = arith.constant 0 : index
          %get3A_411 = tpu.vector_load %arg7[%get3A, %get3A_410] {strides = array<i32>} : memref<40x128xf32, #tpu.memory_space<vmem>>, vector<1x16xf32>,
          %get3A_412 = vector.shape_cast %get3A_411 : vector<1x16xf32> to vector<1x16xf32>
          %get3A_413 = arith.index_cast %add3A_409 : i32 to index
          %get3A_414 = arith.constant 0 : index
          %get3A_415 = tpu.vector_load %arg11[%get3A_413, %get3A_414] {strides = array<i32>} : memref<40x128xf32, #tpu.memory_space<vmem>>, vector<1x16xf32>,
          %get3A_416 = vector.shape_cast %get3A_415 : vector<1x16xf32> to vector<1x16xf32>
          %mul3A_417 = arith.mulf %get3A_412, %get3A_416 : vector<1x16xf32>
          %swap3A = arith.index_cast %add3A_409 : i32 to index
          %swap3A_418 = arith.constant 0 : index
          %swap3A_419 = tpu.vector_load %arg11[%swap3A, %swap3A_418] {strides = array<i32>} : memref<40x128xf32, #tpu.memory_space<vmem>>, vector<1x16xf32>,
          %swap3A_420 = vector.shape_cast %swap3A_419 : vector<1x16xf32> to vector<1x16xf32>
          %swap3A_421 = vector.shape_cast %mul3A_417 : vector<1x16xf32> to vector<1x16xf32>
          tpu.vector_store %arg11[%swap3A, %swap3A_418], %swap3A_421 {strides = array<i32>} : memref<40x128xf32, #tpu.memory_space<vmem>>, vector<1x16xf32>,
          %get3A_422 = arith.index_cast %add3A_409 : i32 to index
          %get3A_423 = arith.constant 16 : index
          %get3A_424 = tpu.vector_load %arg7[%get3A_422, %get3A_423] {strides = array<i32>} : memref<40x128xf32, #tpu.memory_space<vmem>>, vector<1x16xf32>,
          %get3A_425 = vector.shape_cast %get3A_424 : vector<1x16xf32> to vector<1x16xf32>
          %get3A_426 = arith.index_cast %add3A_409 : i32 to index
          %get3A_427 = arith.constant 16 : index
          %get3A_428 = tpu.vector_load %arg11[%get3A_426, %get3A_427] {strides = array<i32>} : memref<40x128xf32, #tpu.memory_space<vmem>>, vector<1x16xf32>,
          %get3A_429 = vector.shape_cast %get3A_428 : vector<1x16xf32> to vector<1x16xf32>
          %mul3A_430 = arith.mulf %get3A_425, %get3A_429 : vector<1x16xf32>
          %swap3A_431 = arith.index_cast %add3A_409 : i32 to index
          %swap3A_432 = arith.constant 16 : index
          %swap3A_433 = tpu.vector_load %arg11[%swap3A_431, %swap3A_432] {strides = array<i32>} : memref<40x128xf32, #tpu.memory_space<vmem>>, vector<1x16xf32>,
          %swap3A_434 = vector.shape_cast %swap3A_433 : vector<1x16xf32> to vector<1x16xf32>
          %swap3A_435 = vector.shape_cast %mul3A_430 : vector<1x16xf32> to vector<1x16xf32>
          tpu.vector_store %arg11[%swap3A_431, %swap3A_432], %swap3A_435 {strides = array<i32>} : memref<40x128xf32, #tpu.memory_space<vmem>>, vector<1x16xf32>,
          %get3A_436 = arith.index_cast %add3A_409 : i32 to index
          %get3A_437 = arith.constant 32 : index
          %get3A_438 = tpu.vector_load %arg7[%get3A_436, %get3A_437] {strides = array<i32>} : memref<40x128xf32, #tpu.memory_space<vmem>>, vector<1x16xf32>,
          %get3A_439 = vector.shape_cast %get3A_438 : vector<1x16xf32> to vector<1x16xf32>
          %get3A_440 = arith.index_cast %add3A_409 : i32 to index
          %get3A_441 = arith.constant 32 : index
          %get3A_442 = tpu.vector_load %arg11[%get3A_440, %get3A_441] {strides = array<i32>} : memref<40x128xf32, #tpu.memory_space<vmem>>, vector<1x16xf32>,
          %get3A_443 = vector.shape_cast %get3A_442 : vector<1x16xf32> to vector<1x16xf32>
          %mul3A_444 = arith.mulf %get3A_439, %get3A_443 : vector<1x16xf32>
          %swap3A_445 = arith.index_cast %add3A_409 : i32 to index
          %swap3A_446 = arith.constant 32 : index
          %swap3A_447 = tpu.vector_load %arg11[%swap3A_445, %swap3A_446] {strides = array<i32>} : memref<40x128xf32, #tpu.memory_space<vmem>>, vector<1x16xf32>,
          %swap3A_448 = vector.shape_cast %swap3A_447 : vector<1x16xf32> to vector<1x16xf32>
          %swap3A_449 = vector.shape_cast %mul3A_444 : vector<1x16xf32> to vector<1x16xf32>
          tpu.vector_store %arg11[%swap3A_445, %swap3A_446], %swap3A_449 {strides = array<i32>} : memref<40x128xf32, #tpu.memory_space<vmem>>, vector<1x16xf32>,
          %get3A_450 = arith.index_cast %add3A_409 : i32 to index
          %get3A_451 = arith.constant 48 : index
          %get3A_452 = tpu.vector_load %arg7[%get3A_450, %get3A_451] {strides = array<i32>} : memref<40x128xf32, #tpu.memory_space<vmem>>, vector<1x16xf32>,
          %get3A_453 = vector.shape_cast %get3A_452 : vector<1x16xf32> to vector<1x16xf32>
          %get3A_454 = arith.index_cast %add3A_409 : i32 to index
          %get3A_455 = arith.constant 48 : index
          %get3A_456 = tpu.vector_load %arg11[%get3A_454, %get3A_455] {strides = array<i32>} : memref<40x128xf32, #tpu.memory_space<vmem>>, vector<1x16xf32>,
          %get3A_457 = vector.shape_cast %get3A_456 : vector<1x16xf32> to vector<1x16xf32>
          %mul3A_458 = arith.mulf %get3A_453, %get3A_457 : vector<1x16xf32>
          %swap3A_459 = arith.index_cast %add3A_409 : i32 to index
          %swap3A_460 = arith.constant 48 : index
          %swap3A_461 = tpu.vector_load %arg11[%swap3A_459, %swap3A_460] {strides = array<i32>} : memref<40x128xf32, #tpu.memory_space<vmem>>, vector<1x16xf32>,
          %swap3A_462 = vector.shape_cast %swap3A_461 : vector<1x16xf32> to vector<1x16xf32>
          %swap3A_463 = vector.shape_cast %mul3A_458 : vector<1x16xf32> to vector<1x16xf32>
          tpu.vector_store %arg11[%swap3A_459, %swap3A_460], %swap3A_463 {strides = array<i32>} : memref<40x128xf32, #tpu.memory_space<vmem>>, vector<1x16xf32>,
          %get3A_464 = arith.index_cast %add3A_409 : i32 to index
          %get3A_465 = arith.constant 64 : index
          %get3A_466 = tpu.vector_load %arg7[%get3A_464, %get3A_465] {strides = array<i32>} : memref<40x128xf32, #tpu.memory_space<vmem>>, vector<1x16xf32>,
          %get3A_467 = vector.shape_cast %get3A_466 : vector<1x16xf32> to vector<1x16xf32>
          %get3A_468 = arith.index_cast %add3A_409 : i32 to index
          %get3A_469 = arith.constant 64 : index
          %get3A_470 = tpu.vector_load %arg11[%get3A_468, %get3A_469] {strides = array<i32>} : memref<40x128xf32, #tpu.memory_space<vmem>>, vector<1x16xf32>,
          %get3A_471 = vector.shape_cast %get3A_470 : vector<1x16xf32> to vector<1x16xf32>
          %mul3A_472 = arith.mulf %get3A_467, %get3A_471 : vector<1x16xf32>
          %swap3A_473 = arith.index_cast %add3A_409 : i32 to index
          %swap3A_474 = arith.constant 64 : index
          %swap3A_475 = tpu.vector_load %arg11[%swap3A_473, %swap3A_474] {strides = array<i32>} : memref<40x128xf32, #tpu.memory_space<vmem>>, vector<1x16xf32>,
          %swap3A_476 = vector.shape_cast %swap3A_475 : vector<1x16xf32> to vector<1x16xf32>
          %swap3A_477 = vector.shape_cast %mul3A_472 : vector<1x16xf32> to vector<1x16xf32>
          tpu.vector_store %arg11[%swap3A_473, %swap3A_474], %swap3A_477 {strides = array<i32>} : memref<40x128xf32, #tpu.memory_space<vmem>>, vector<1x16xf32>,
          %get3A_478 = arith.index_cast %add3A_409 : i32 to index
          %get3A_479 = arith.constant 80 : index
          %get3A_480 = tpu.vector_load %arg7[%get3A_478, %get3A_479] {strides = array<i32>} : memref<40x128xf32, #tpu.memory_space<vmem>>, vector<1x16xf32>,
          %get3A_481 = vector.shape_cast %get3A_480 : vector<1x16xf32> to vector<1x16xf32>
          %get3A_482 = arith.index_cast %add3A_409 : i32 to index
          %get3A_483 = arith.constant 80 : index
          %get3A_484 = tpu.vector_load %arg11[%get3A_482, %get3A_483] {strides = array<i32>} : memref<40x128xf32, #tpu.memory_space<vmem>>, vector<1x16xf32>,
          %get3A_485 = vector.shape_cast %get3A_484 : vector<1x16xf32> to vector<1x16xf32>
          %mul3A_486 = arith.mulf %get3A_481, %get3A_485 : vector<1x16xf32>
          %swap3A_487 = arith.index_cast %add3A_409 : i32 to index
          %swap3A_488 = arith.constant 80 : index
          %swap3A_489 = tpu.vector_load %arg11[%swap3A_487, %swap3A_488] {strides = array<i32>} : memref<40x128xf32, #tpu.memory_space<vmem>>, vector<1x16xf32>,
          %swap3A_490 = vector.shape_cast %swap3A_489 : vector<1x16xf32> to vector<1x16xf32>
          %swap3A_491 = vector.shape_cast %mul3A_486 : vector<1x16xf32> to vector<1x16xf32>
          tpu.vector_store %arg11[%swap3A_487, %swap3A_488], %swap3A_491 {strides = array<i32>} : memref<40x128xf32, #tpu.memory_space<vmem>>, vector<1x16xf32>,
          %get3A_492 = arith.index_cast %add3A_409 : i32 to index
          %get3A_493 = arith.constant 96 : index
          %get3A_494 = tpu.vector_load %arg7[%get3A_492, %get3A_493] {strides = array<i32>} : memref<40x128xf32, #tpu.memory_space<vmem>>, vector<1x16xf32>,
          %get3A_495 = vector.shape_cast %get3A_494 : vector<1x16xf32> to vector<1x16xf32>
          %get3A_496 = arith.index_cast %add3A_409 : i32 to index
          %get3A_497 = arith.constant 96 : index
          %get3A_498 = tpu.vector_load %arg11[%get3A_496, %get3A_497] {strides = array<i32>} : memref<40x128xf32, #tpu.memory_space<vmem>>, vector<1x16xf32>,
          %get3A_499 = vector.shape_cast %get3A_498 : vector<1x16xf32> to vector<1x16xf32>
          %mul3A_500 = arith.mulf %get3A_495, %get3A_499 : vector<1x16xf32>
          %swap3A_501 = arith.index_cast %add3A_409 : i32 to index
          %swap3A_502 = arith.constant 96 : index
          %swap3A_503 = tpu.vector_load %arg11[%swap3A_501, %swap3A_502] {strides = array<i32>} : memref<40x128xf32, #tpu.memory_space<vmem>>, vector<1x16xf32>,
          %swap3A_504 = vector.shape_cast %swap3A_503 : vector<1x16xf32> to vector<1x16xf32>
          %swap3A_505 = vector.shape_cast %mul3A_500 : vector<1x16xf32> to vector<1x16xf32>
          tpu.vector_store %arg11[%swap3A_501, %swap3A_502], %swap3A_505 {strides = array<i32>} : memref<40x128xf32, #tpu.memory_space<vmem>>, vector<1x16xf32>,
          %get3A_506 = arith.index_cast %add3A_409 : i32 to index
          %get3A_507 = arith.constant 112 : index
          %get3A_508 = tpu.vector_load %arg7[%get3A_506, %get3A_507] {strides = array<i32>} : memref<40x128xf32, #tpu.memory_space<vmem>>, vector<1x16xf32>,
          %get3A_509 = vector.shape_cast %get3A_508 : vector<1x16xf32> to vector<1x16xf32>
          %get3A_510 = arith.index_cast %add3A_409 : i32 to index
          %get3A_511 = arith.constant 112 : index
          %get3A_512 = tpu.vector_load %arg11[%get3A_510, %get3A_511] {strides = array<i32>} : memref<40x128xf32, #tpu.memory_space<vmem>>, vector<1x16xf32>,
          %get3A_513 = vector.shape_cast %get3A_512 : vector<1x16xf32> to vector<1x16xf32>
          %mul3A_514 = arith.mulf %get3A_509, %get3A_513 : vector<1x16xf32>
          %swap3A_515 = arith.index_cast %add3A_409 : i32 to index
          %swap3A_516 = arith.constant 112 : index
          %swap3A_517 = tpu.vector_load %arg11[%swap3A_515, %swap3A_516] {strides = array<i32>} : memref<40x128xf32, #tpu.memory_space<vmem>>, vector<1x16xf32>,
          %swap3A_518 = vector.shape_cast %swap3A_517 : vector<1x16xf32> to vector<1x16xf32>
          %swap3A_519 = vector.shape_cast %mul3A_514 : vector<1x16xf32> to vector<1x16xf32>
          tpu.vector_store %arg11[%swap3A_515, %swap3A_516], %swap3A_519 {strides = array<i32>} : memref<40x128xf32, #tpu.memory_space<vmem>>, vector<1x16xf32>,
        }
        %scan3A_398 = arith.constant 40 : i32
        %dma_start3A_399 = arith.constant 0 : i32
        %dma_start3A_400 = arith.constant 0 : i32
        %dma_start3A_401 = arith.constant 0 : i32
        %dma_start3A_402 = tpu.memref_slice %arg31[%dma_start3A_400, %dma_start3A_401] : memref<10240x128xf32, #tpu.memory_space<vmem_shared>> -> memref<10240x128xf32, #tpu.memory_space<vmem_shared>>
        %dma_start3A_403 = tpu.memref_slice %arg34[%dma_start3A_399] : memref<4x!tpu.dma_semaphore, #tpu.memory_space<semaphore_mem>> -> memref<1x!tpu.dma_semaphore, #tpu.memory_space<semaphore_mem>>
        %dma_start3A_404 = tpu.memref_squeeze %dma_start3A_403 : memref<1x!tpu.dma_semaphore, #tpu.memory_space<semaphore_mem>> -> memref<!tpu.dma_semaphore, #tpu.memory_space<semaphore_mem>>
        tpu.enqueue_indirect_dma source(%arg11 : memref<40x128xf32, #tpu.memory_space<vmem>>) target(%dma_start3A_402 : memref<10240x128xf32, #tpu.memory_space<vmem_shared>>) offsets(%arg19 : memref<40xi32, #tpu.memory_space<vmem>>) semaphore(%dma_start3A_404 : memref<!tpu.dma_semaphore, #tpu.memory_space<semaphore_mem>>) {add = true}
      } else {
      }
      %le3A_361 = arith.constant 30 : i32
      %le3A_362 = arith.cmpi sle, %add3A_102, %le3A_361 : i32
      %convert_element_type3A_363 = arith.extui %le3A_362 : i1 to i32
      %cond3A_364 = arith.constant 0 : i32
      %cond3A_365 = arith.cmpi ne, %convert_element_type3A_363, %cond3A_364 : i32
      scf.if %cond3A_365 {
        %mul3A_376 = arith.constant 40 : i32
        %mul3A_377 = arith.muli %add3A_355, %mul3A_376 : i32
        %add3A_378 = arith.addi %mul3A_2, %mul3A_377 : i32
        %dma_wait3A_379 = arith.constant 7 : i32
        %dma_wait3A_380 = tpu.memref_slice %arg4[%add3A_378] : memref<320000xi32, #tpu.memory_space<hbm>> -> memref<40xi32, #tpu.memory_space<hbm>>
        %dma_wait3A_381 = tpu.memref_slice %arg35[%dma_wait3A_379] : memref<8x!tpu.dma_semaphore, #tpu.memory_space<semaphore_mem>> -> memref<1x!tpu.dma_semaphore, #tpu.memory_space<semaphore_mem>>
        %dma_wait3A_382 = tpu.memref_squeeze %dma_wait3A_381 : memref<1x!tpu.dma_semaphore, #tpu.memory_space<semaphore_mem>> -> memref<!tpu.dma_semaphore, #tpu.memory_space<semaphore_mem>>
        %dma_wait3A_383 = tpu.memref_slice %arg4[%add3A_378] : memref<320000xi32, #tpu.memory_space<hbm>> -> memref<40xi32, #tpu.memory_space<hbm>>
        tpu.wait_dma2 semaphore(%dma_wait3A_382 : memref<!tpu.dma_semaphore, #tpu.memory_space<semaphore_mem>>) src(%dma_wait3A_383 : memref<40xi32, #tpu.memory_space<hbm>>) dst(%arg22 : memref<40xi32, #tpu.memory_space<vmem>>)
        %mul3A_384 = arith.constant 40 : i32
        %mul3A_385 = arith.muli %add3A_355, %mul3A_384 : i32
        %add3A_386 = arith.addi %mul3A_2, %mul3A_385 : i32
        %dma_wait3A_387 = arith.constant 7 : i32
        %dma_wait3A_388 = tpu.memref_slice %arg5[%add3A_386] : memref<320000xi32, #tpu.memory_space<hbm>> -> memref<40xi32, #tpu.memory_space<hbm>>
        %dma_wait3A_389 = tpu.memref_slice %arg35[%dma_wait3A_387] : memref<8x!tpu.dma_semaphore, #tpu.memory_space<semaphore_mem>> -> memref<1x!tpu.dma_semaphore, #tpu.memory_space<semaphore_mem>>
        %dma_wait3A_390 = tpu.memref_squeeze %dma_wait3A_389 : memref<1x!tpu.dma_semaphore, #tpu.memory_space<semaphore_mem>> -> memref<!tpu.dma_semaphore, #tpu.memory_space<semaphore_mem>>
        %dma_wait3A_391 = tpu.memref_slice %arg5[%add3A_386] : memref<320000xi32, #tpu.memory_space<hbm>> -> memref<40xi32, #tpu.memory_space<hbm>>
        tpu.wait_dma2 semaphore(%dma_wait3A_390 : memref<!tpu.dma_semaphore, #tpu.memory_space<semaphore_mem>>) src(%dma_wait3A_391 : memref<40xi32, #tpu.memory_space<hbm>>) dst(%arg30 : memref<40xi32, #tpu.memory_space<vmem>>)
        %dma_start3A_392 = arith.constant 3 : i32
        %dma_start3A_393 = arith.constant 0 : i32
        %dma_start3A_394 = arith.constant 0 : i32
        %dma_start3A_395 = tpu.memref_slice %arg2[%dma_start3A_393, %dma_start3A_394] : memref<10000x128xf32, #tpu.memory_space<hbm>> -> memref<10000x128xf32, #tpu.memory_space<hbm>>
        %dma_start3A_396 = tpu.memref_slice %arg32[%dma_start3A_392] : memref<4x!tpu.dma_semaphore, #tpu.memory_space<semaphore_mem>> -> memref<1x!tpu.dma_semaphore, #tpu.memory_space<semaphore_mem>>
        %dma_start3A_397 = tpu.memref_squeeze %dma_start3A_396 : memref<1x!tpu.dma_semaphore, #tpu.memory_space<semaphore_mem>> -> memref<!tpu.dma_semaphore, #tpu.memory_space<semaphore_mem>>
        tpu.enqueue_indirect_dma source(%dma_start3A_395 : memref<10000x128xf32, #tpu.memory_space<hbm>>) target(%arg10 : memref<40x128xf32, #tpu.memory_space<vmem>>) offsets(%arg30 : memref<40xi32, #tpu.memory_space<vmem>>) semaphore(%dma_start3A_397 : memref<!tpu.dma_semaphore, #tpu.memory_space<semaphore_mem>>)
      } else {
      }
      %le3A_366 = arith.constant 30 : i32
      %le3A_367 = arith.cmpi sle, %add3A_102, %le3A_366 : i32
      %convert_element_type3A_368 = arith.extui %le3A_367 : i1 to i32
      %cond3A_369 = arith.constant 0 : i32
      %cond3A_370 = arith.cmpi ne, %convert_element_type3A_368, %cond3A_369 : i32
      scf.if %cond3A_370 {
        %dma_wait3A_376 = arith.constant 3 : i32
        %dma_wait3A_377 = arith.constant 0 : i32
        %dma_wait3A_378 = arith.constant 0 : i32
        %dma_wait3A_379 = tpu.memref_slice %arg31[%dma_wait3A_377, %dma_wait3A_378] : memref<10240x128xf32, #tpu.memory_space<vmem_shared>> -> memref<10240x128xf32, #tpu.memory_space<vmem_shared>>
        %dma_wait3A_380 = tpu.memref_slice %arg34[%dma_wait3A_376] : memref<4x!tpu.dma_semaphore, #tpu.memory_space<semaphore_mem>> -> memref<1x!tpu.dma_semaphore, #tpu.memory_space<semaphore_mem>>
        %dma_wait3A_381 = tpu.memref_squeeze %dma_wait3A_380 : memref<1x!tpu.dma_semaphore, #tpu.memory_space<semaphore_mem>> -> memref<!tpu.dma_semaphore, #tpu.memory_space<semaphore_mem>>
        tpu.wait_indirect_dma semaphore(%dma_wait3A_381 : memref<!tpu.dma_semaphore, #tpu.memory_space<semaphore_mem>>) src(%arg14 : memref<40x128xf32, #tpu.memory_space<vmem>>) dst(%dma_wait3A_379 : memref<10240x128xf32, #tpu.memory_space<vmem_shared>>)
        %mul3A_382 = arith.constant 40 : i32
        %mul3A_383 = arith.muli %add3A_355, %mul3A_382 : i32
        %add3A_384 = arith.addi %mul3A_2, %mul3A_383 : i32
        %dma_start3A_385 = arith.constant 3 : i32
        %dma_start3A_386 = arith.constant 0 : i32
        %dma_start3A_387 = tpu.memref_slice %arg3[%add3A_384, %dma_start3A_386] : memref<320000x128xf32, #tpu.memory_space<hbm>> -> memref<40x128xf32, #tpu.memory_space<hbm>>
        %dma_start3A_388 = tpu.memref_slice %arg33[%dma_start3A_385] : memref<4x!tpu.dma_semaphore, #tpu.memory_space<semaphore_mem>> -> memref<1x!tpu.dma_semaphore, #tpu.memory_space<semaphore_mem>>
        %dma_start3A_389 = tpu.memref_squeeze %dma_start3A_388 : memref<1x!tpu.dma_semaphore, #tpu.memory_space<semaphore_mem>> -> memref<!tpu.dma_semaphore, #tpu.memory_space<semaphore_mem>>
        %dma_start3A_390 = arith.constant 0 : i32
        %dma_start3A_391 = tpu.memref_slice %arg3[%add3A_384, %dma_start3A_390] : memref<320000x128xf32, #tpu.memory_space<hbm>> -> memref<40x128xf32, #tpu.memory_space<hbm>>
        tpu.enqueue_dma source(%dma_start3A_391 : memref<40x128xf32, #tpu.memory_space<hbm>>) target(%arg14 : memref<40x128xf32, #tpu.memory_space<vmem>>) target_semaphore(%dma_start3A_389 : memref<!tpu.dma_semaphore, #tpu.memory_space<semaphore_mem>>)
      } else {
      }
      %le3A_371 = arith.constant 30 : i32
      %le3A_372 = arith.cmpi sle, %add3A_102, %le3A_371 : i32
      %convert_element_type3A_373 = arith.extui %le3A_372 : i1 to i32
      %cond3A_374 = arith.constant 0 : i32
      %cond3A_375 = arith.cmpi ne, %convert_element_type3A_373, %cond3A_374 : i32
      scf.if %cond3A_375 {
        %add3A_376 = arith.constant 2 : i32
        %add3A_377 = arith.addi %add3A_355, %add3A_376 : i32
        %mul3A_378 = arith.constant 40 : i32
        %mul3A_379 = arith.muli %add3A_377, %mul3A_378 : i32
        %add3A_380 = arith.addi %mul3A_2, %mul3A_379 : i32
        %dma_start3A_381 = arith.constant 1 : i32
        %dma_start3A_382 = tpu.memref_slice %arg4[%add3A_380] : memref<320000xi32, #tpu.memory_space<hbm>> -> memref<40xi32, #tpu.memory_space<hbm>>
        %dma_start3A_383 = tpu.memref_slice %arg35[%dma_start3A_381] : memref<8x!tpu.dma_semaphore, #tpu.memory_space<semaphore_mem>> -> memref<1x!tpu.dma_semaphore, #tpu.memory_space<semaphore_mem>>
        %dma_start3A_384 = tpu.memref_squeeze %dma_start3A_383 : memref<1x!tpu.dma_semaphore, #tpu.memory_space<semaphore_mem>> -> memref<!tpu.dma_semaphore, #tpu.memory_space<semaphore_mem>>
        %dma_start3A_385 = tpu.memref_slice %arg4[%add3A_380] : memref<320000xi32, #tpu.memory_space<hbm>> -> memref<40xi32, #tpu.memory_space<hbm>>
        tpu.enqueue_dma source(%dma_start3A_385 : memref<40xi32, #tpu.memory_space<hbm>>) target(%arg16 : memref<40xi32, #tpu.memory_space<vmem>>) target_semaphore(%dma_start3A_384 : memref<!tpu.dma_semaphore, #tpu.memory_space<semaphore_mem>>)
        %add3A_386 = arith.constant 2 : i32
        %add3A_387 = arith.addi %add3A_355, %add3A_386 : i32
        %mul3A_388 = arith.constant 40 : i32
        %mul3A_389 = arith.muli %add3A_387, %mul3A_388 : i32
        %add3A_390 = arith.addi %mul3A_2, %mul3A_389 : i32
        %dma_start3A_391 = arith.constant 1 : i32
        %dma_start3A_392 = tpu.memref_slice %arg5[%add3A_390] : memref<320000xi32, #tpu.memory_space<hbm>> -> memref<40xi32, #tpu.memory_space<hbm>>
        %dma_start3A_393 = tpu.memref_slice %arg35[%dma_start3A_391] : memref<8x!tpu.dma_semaphore, #tpu.memory_space<semaphore_mem>> -> memref<1x!tpu.dma_semaphore, #tpu.memory_space<semaphore_mem>>
        %dma_start3A_394 = tpu.memref_squeeze %dma_start3A_393 : memref<1x!tpu.dma_semaphore, #tpu.memory_space<semaphore_mem>> -> memref<!tpu.dma_semaphore, #tpu.memory_space<semaphore_mem>>
        %dma_start3A_395 = tpu.memref_slice %arg5[%add3A_390] : memref<320000xi32, #tpu.memory_space<hbm>> -> memref<40xi32, #tpu.memory_space<hbm>>
        tpu.enqueue_dma source(%dma_start3A_395 : memref<40xi32, #tpu.memory_space<hbm>>) target(%arg24 : memref<40xi32, #tpu.memory_space<vmem>>) target_semaphore(%dma_start3A_394 : memref<!tpu.dma_semaphore, #tpu.memory_space<semaphore_mem>>)
      } else {
      }
    }
    %scan3A_83 = arith.constant 32 : i32
    %dma_wait3A = arith.constant 0 : i32
    %dma_wait3A_84 = arith.constant 0 : i32
    %dma_wait3A_85 = arith.constant 0 : i32
    %dma_wait3A_86 = tpu.memref_slice %arg31[%dma_wait3A_84, %dma_wait3A_85] : memref<10240x128xf32, #tpu.memory_space<vmem_shared>> -> memref<10240x128xf32, #tpu.memory_space<vmem_shared>>
    %dma_wait3A_87 = tpu.memref_slice %arg34[%dma_wait3A] : memref<4x!tpu.dma_semaphore, #tpu.memory_space<semaphore_mem>> -> memref<1x!tpu.dma_semaphore, #tpu.memory_space<semaphore_mem>>
    %dma_wait3A_88 = tpu.memref_squeeze %dma_wait3A_87 : memref<1x!tpu.dma_semaphore, #tpu.memory_space<semaphore_mem>> -> memref<!tpu.dma_semaphore, #tpu.memory_space<semaphore_mem>>
    tpu.wait_indirect_dma semaphore(%dma_wait3A_88 : memref<!tpu.dma_semaphore, #tpu.memory_space<semaphore_mem>>) src(%arg11 : memref<40x128xf32, #tpu.memory_space<vmem>>) dst(%dma_wait3A_86 : memref<10240x128xf32, #tpu.memory_space<vmem_shared>>)
    %dma_wait3A_89 = arith.constant 1 : i32
    %dma_wait3A_90 = arith.constant 0 : i32
    %dma_wait3A_91 = arith.constant 0 : i32
    %dma_wait3A_92 = tpu.memref_slice %arg31[%dma_wait3A_90, %dma_wait3A_91] : memref<10240x128xf32, #tpu.memory_space<vmem_shared>> -> memref<10240x128xf32, #tpu.memory_space<vmem_shared>>
    %dma_wait3A_93 = tpu.memref_slice %arg34[%dma_wait3A_89] : memref<4x!tpu.dma_semaphore, #tpu.memory_space<semaphore_mem>> -> memref<1x!tpu.dma_semaphore, #tpu.memory_space<semaphore_mem>>
    %dma_wait3A_94 = tpu.memref_squeeze %dma_wait3A_93 : memref<1x!tpu.dma_semaphore, #tpu.memory_space<semaphore_mem>> -> memref<!tpu.dma_semaphore, #tpu.memory_space<semaphore_mem>>
    tpu.wait_indirect_dma semaphore(%dma_wait3A_94 : memref<!tpu.dma_semaphore, #tpu.memory_space<semaphore_mem>>) src(%arg12 : memref<40x128xf32, #tpu.memory_space<vmem>>) dst(%dma_wait3A_92 : memref<10240x128xf32, #tpu.memory_space<vmem_shared>>)
    %barrier3A_95 = arith.constant 0 : index
    tpu.barrier barrier_id(%barrier3A_95)
    %mul3A_96 = arith.constant 640 : i32
    %mul3A_97 = arith.muli %arg1, %mul3A_96 : i32
    "tpu.region"() ({
      %run_scoped3A = tpu.sem_alloc : memref<!tpu.dma_semaphore, #tpu.memory_space<semaphore_mem>>
      %dma_start3A = arith.constant 0 : i32
      %dma_start3A_98 = tpu.memref_slice %arg6[%arg0, %mul3A_97, %dma_start3A] : memref<2x10240x128xf32, #tpu.memory_space<hbm>> -> memref<1x640x128xf32, #tpu.memory_space<hbm>>
      %dma_start3A_99 = tpu.memref_squeeze %dma_start3A_98 : memref<1x640x128xf32, #tpu.memory_space<hbm>> -> memref<640x128xf32, #tpu.memory_space<hbm>>
      %dma_start3A_100 = arith.constant 0 : i32
      %dma_start3A_101 = tpu.memref_slice %arg31[%mul3A_97, %dma_start3A_100] : memref<10240x128xf32, #tpu.memory_space<vmem_shared>> -> memref<640x128xf32, #tpu.memory_space<vmem_shared>>
      tpu.enqueue_dma source(%dma_start3A_101 : memref<640x128xf32, #tpu.memory_space<vmem_shared>>) target(%dma_start3A_99 : memref<640x128xf32, #tpu.memory_space<hbm>>) target_semaphore(%run_scoped3A : memref<!tpu.dma_semaphore, #tpu.memory_space<semaphore_mem>>)
      %dma_wait3A_102 = arith.constant 0 : i32
      %dma_wait3A_103 = tpu.memref_slice %arg6[%arg0, %mul3A_97, %dma_wait3A_102] : memref<2x10240x128xf32, #tpu.memory_space<hbm>> -> memref<1x640x128xf32, #tpu.memory_space<hbm>>
      %dma_wait3A_104 = tpu.memref_squeeze %dma_wait3A_103 : memref<1x640x128xf32, #tpu.memory_space<hbm>> -> memref<640x128xf32, #tpu.memory_space<hbm>>
      %dma_wait3A_105 = arith.constant 0 : i32
      %dma_wait3A_106 = tpu.memref_slice %arg31[%mul3A_97, %dma_wait3A_105] : memref<10240x128xf32, #tpu.memory_space<vmem_shared>> -> memref<640x128xf32, #tpu.memory_space<vmem_shared>>
      tpu.wait_dma2 semaphore(%run_scoped3A : memref<!tpu.dma_semaphore, #tpu.memory_space<semaphore_mem>>) src(%dma_wait3A_106 : memref<640x128xf32, #tpu.memory_space<vmem_shared>>) dst(%dma_wait3A_104 : memref<640x128xf32, #tpu.memory_space<hbm>>)
      tpu.yield
    }) : () -> ()
    return
  }
}

module attributes {stable_mosaic.version = 14 : i64} {
  func.func @_h_body(%arg0: i32, %arg1: memref<1000x128xf32, #tpu.memory_space<vmem>>, %arg2: memref<128x128xf32, #tpu.memory_space<vmem>>, %arg3: memref<1x128xf32, #tpu.memory_space<vmem>>, %arg4: memref<1000x128xf32, #tpu.memory_space<vmem>>) attributes {dimension_semantics = [#tpu.dimension_semantics<arbitrary>], iteration_bounds = array<i64: 10>, scalar_prefetch = 0 : i64, scratch_operands = 0 : i64, tpu.core_type = #tpu.core_type<tc>, window_params = [{transform_indices = @transform_0, window_bounds = array<i64: 1000, 128>}, {pipeline_mode = #tpu.pipeline_mode<synchronous>, transform_indices = @transform_1, window_bounds = array<i64: 128, 128>}, {pipeline_mode = #tpu.pipeline_mode<synchronous>, transform_indices = @transform_2, window_bounds = array<i64: 1, 128>}, {transform_indices = @transform_3, window_bounds = array<i64: 1000, 128>}]} {
    %get3A = arith.constant 0 : index
    %get3A_0 = arith.constant 0 : index
    %get3A_1 = vector.load %arg1[%get3A, %get3A_0] : memref<1000x128xf32, #tpu.memory_space<vmem>>, vector<1000x128xf32>
    %get3A_2 = arith.constant 0 : index
    %get3A_3 = arith.constant 0 : index
    %get3A_4 = vector.load %arg2[%get3A_2, %get3A_3] : memref<128x128xf32, #tpu.memory_space<vmem>>, vector<128x128xf32>
    %dot_general3A = arith.constant dense<0.000000e+00> : vector<1000x128xf32>
    %dot_general3A_5 = tpu.matmul %get3A_1, %get3A_4, %dot_general3A {dimension_numbers = #tpu.dot_dimension_numbers<[1], [0], [0], [1], [0, 0, 1, 1], [], []>, transpose_lhs_hint = false} : vector<1000x128xf32>, vector<128x128xf32>, vector<1000x128xf32> -> vector<1000x128xf32>
    %get3A_6 = arith.constant 0 : index
    %get3A_7 = arith.constant 0 : index
    %get3A_8 = vector.load %arg3[%get3A_6, %get3A_7] : memref<1x128xf32, #tpu.memory_space<vmem>>, vector<1x128xf32>
    %add3A = vector.broadcast %get3A_8 : vector<1x128xf32> to vector<1000x128xf32>
    %add3A_9 = arith.addf %dot_general3A_5, %add3A : vector<1000x128xf32>
    %swap3A = arith.constant 0 : index
    %swap3A_10 = arith.constant 0 : index
    %swap3A_11 = vector.load %arg4[%swap3A, %swap3A_10] : memref<1000x128xf32, #tpu.memory_space<vmem>>, vector<1000x128xf32>
    tpu.vector_store %arg4[%swap3A, %swap3A_10], %add3A_9 {strides = array<i32>} : memref<1000x128xf32, #tpu.memory_space<vmem>>, vector<1000x128xf32>,
    return
  }
  func.func @transform_0(%arg0: i32) -> (i32, i32) {
    %c0_i32 = arith.constant 0 : i32
    %c0_i32_0 = arith.constant 0 : i32
    return %arg0, %c0_i32 : i32, i32
  }
  func.func @transform_1(%arg0: i32) -> (i32, i32) {
    %c0_i32 = arith.constant 0 : i32
    %c0_i32_0 = arith.constant 0 : i32
    %c0_i32_1 = arith.constant 0 : i32
    return %c0_i32, %c0_i32_0 : i32, i32
  }
  func.func @transform_2(%arg0: i32) -> (i32, i32) {
    %c0_i32 = arith.constant 0 : i32
    %c0_i32_0 = arith.constant 0 : i32
    %c0_i32_1 = arith.constant 0 : i32
    return %c0_i32, %c0_i32_0 : i32, i32
  }
  func.func @transform_3(%arg0: i32) -> (i32, i32) {
    %c0_i32 = arith.constant 0 : i32
    %c0_i32_0 = arith.constant 0 : i32
    return %arg0, %c0_i32 : i32, i32
  }
}

module attributes {stable_mosaic.version = 14 : i64} {
  func.func @_wij_body(%arg0: i32, %arg1: memref<20x3200xf32, #tpu.memory_space<vmem>>, %arg2: memref<1x25x128xf32, #tpu.memory_space<vmem>>, %arg3: memref<20x128xf32, #tpu.memory_space<vmem>>, %arg4: memref<1x128xf32, #tpu.memory_space<vmem>>, %arg5: memref<3200x128xf32, #tpu.memory_space<vmem>>) attributes {dimension_semantics = [#tpu.dimension_semantics<arbitrary>], iteration_bounds = array<i64: 100>, scalar_prefetch = 0 : i64, scratch_operands = 0 : i64, tpu.core_type = #tpu.core_type<tc>, window_params = [{transform_indices = @transform_0, window_bounds = array<i64: 20, 3200>}, {transform_indices = @transform_1, window_bounds = array<i64: 1, 25, 128>}, {pipeline_mode = #tpu.pipeline_mode<synchronous>, transform_indices = @transform_2, window_bounds = array<i64: 20, 128>}, {pipeline_mode = #tpu.pipeline_mode<synchronous>, transform_indices = @transform_3, window_bounds = array<i64: 1, 128>}, {transform_indices = @transform_4, window_bounds = array<i64: 3200, 128>}]} {
    %get3A = arith.constant 0 : index
    %get3A_0 = arith.constant 0 : index
    %get3A_1 = vector.load %arg1[%get3A, %get3A_0] : memref<20x3200xf32, #tpu.memory_space<vmem>>, vector<20x3200xf32>
    %get3A_2 = arith.constant 0 : index
    %get3A_3 = arith.constant 0 : index
    %get3A_4 = vector.load %arg3[%get3A_2, %get3A_3] : memref<20x128xf32, #tpu.memory_space<vmem>>, vector<20x128xf32>
    %dot_general3A = arith.constant dense<0.000000e+00> : vector<3200x128xf32>
    %dot_general3A_5 = tpu.matmul %get3A_1, %get3A_4, %dot_general3A {dimension_numbers = #tpu.dot_dimension_numbers<[0], [0], [1], [1], [0, 1, 1, 1], [], []>, transpose_lhs_hint = false} : vector<20x3200xf32>, vector<20x128xf32>, vector<3200x128xf32> -> vector<3200x128xf32>
    %get3A_6 = arith.constant 0 : index
    %get3A_7 = arith.constant 0 : index
    %get3A_8 = vector.load %arg4[%get3A_6, %get3A_7] : memref<1x128xf32, #tpu.memory_space<vmem>>, vector<1x128xf32>
    %add3A = vector.broadcast %get3A_8 : vector<1x128xf32> to vector<3200x128xf32>
    %add3A_9 = arith.addf %dot_general3A_5, %add3A : vector<3200x128xf32>
    %custom_jvp_call3A = arith.constant 0.000000e+00 : f32
    %max3A = vector.broadcast %custom_jvp_call3A : f32 to vector<3200x128xf32>
    %max3A_10 = arith.maximumf %add3A_9, %max3A : vector<3200x128xf32>
    %sub3A = vector.broadcast %custom_jvp_call3A : f32 to vector<3200x128xf32>
    %sub3A_11 = arith.subf %add3A_9, %sub3A : vector<3200x128xf32>
    %ne3A = arith.cmpf one, %sub3A_11, %sub3A_11 : vector<3200x128xf32>
    %add3A_12 = vector.broadcast %custom_jvp_call3A : f32 to vector<3200x128xf32>
    %add3A_13 = arith.addf %add3A_9, %add3A_12 : vector<3200x128xf32>
    %abs3A = math.absf %sub3A_11 : vector<3200x128xf32>
    %neg3A = arith.constant 0.000000e+00 : f32
    %neg3A_14 = vector.broadcast %neg3A : f32 to vector<3200x128xf32>
    %neg3A_15 = arith.subf %neg3A_14, %abs3A : vector<3200x128xf32>
    %exp3A = math.exp %neg3A_15 : vector<3200x128xf32>
    %log1p3A = math.log1p %exp3A : vector<3200x128xf32>
    %add3A_16 = arith.addf %max3A_10, %log1p3A : vector<3200x128xf32>
    %select_n3A = arith.select %ne3A, %add3A_13, %add3A_16 : vector<3200x128xi1>, vector<3200x128xf32>
    %log3A = arith.constant 2.000000e+00 : f32
    %log3A_17 = math.log %log3A : f32
    %sub3A_18 = vector.broadcast %log3A_17 : f32 to vector<3200x128xf32>
    %sub3A_19 = arith.subf %select_n3A, %sub3A_18 : vector<3200x128xf32>
    %get3A_20 = arith.constant 0 : index
    %get3A_21 = arith.constant 0 : index
    %get3A_22 = arith.constant 0 : index
    %get3A_23 = vector.load %arg2[%get3A_20, %get3A_21, %get3A_22] : memref<1x25x128xf32, #tpu.memory_space<vmem>>, vector<1x25x128xf32>
    %get3A_24 = vector.shape_cast %get3A_23 : vector<1x25x128xf32> to vector<25x128xf32>
    %iota3A = tpu.iota {dimensions = array<i32: 0>} : vector<128x128xi32>
    %iota3A_25 = tpu.iota {dimensions = array<i32: 1>} : vector<128x128xi32>
    %eq3A = arith.cmpi eq, %iota3A, %iota3A_25 : vector<128x128xi32>
    %convert_element_type3A = arith.extui %eq3A : vector<128x128xi1> to vector<128x128xi32>
    %convert_element_type3A_26 = arith.sitofp %convert_element_type3A : vector<128x128xi32> to vector<128x128xf32>
    %dot_general3A_27 = arith.constant dense<0.000000e+00> : vector<128x25xf32>
    %dot_general3A_28 = tpu.matmul %convert_element_type3A_26, %get3A_24, %dot_general3A_27 {dimension_numbers = #tpu.dot_dimension_numbers<[1], [1], [0], [0], [0, 0, 1, 0], [], []>, transpose_lhs_hint = false} : vector<128x128xf32>, vector<25x128xf32>, vector<128x25xf32> -> vector<128x25xf32>
    %slice3A = vector.extract_strided_slice %sub3A_19 {offsets = [0, 0], sizes = [128, 128], strides = [1, 1]} : vector<3200x128xf32> to vector<128x128xf32>
    %slice3A_29 = vector.extract_strided_slice %dot_general3A_28 {offsets = [0, 0], sizes = [128, 1], strides = [1, 1]} : vector<128x25xf32> to vector<128x1xf32>
    %mul3A = vector.broadcast %slice3A_29 : vector<128x1xf32> to vector<128x128xf32>
    %mul3A_30 = arith.mulf %slice3A, %mul3A : vector<128x128xf32>
    %swap3A = arith.constant 0 : index
    %swap3A_31 = arith.constant 0 : index
    %swap3A_32 = vector.load %arg5[%swap3A, %swap3A_31] : memref<3200x128xf32, #tpu.memory_space<vmem>>, vector<128x128xf32>
    tpu.vector_store %arg5[%swap3A, %swap3A_31], %mul3A_30 {strides = array<i32>} : memref<3200x128xf32, #tpu.memory_space<vmem>>, vector<128x128xf32>,
    %slice3A_33 = vector.extract_strided_slice %sub3A_19 {offsets = [128, 0], sizes = [128, 128], strides = [1, 1]} : vector<3200x128xf32> to vector<128x128xf32>
    %slice3A_34 = vector.extract_strided_slice %dot_general3A_28 {offsets = [0, 1], sizes = [128, 1], strides = [1, 1]} : vector<128x25xf32> to vector<128x1xf32>
    %mul3A_35 = vector.broadcast %slice3A_34 : vector<128x1xf32> to vector<128x128xf32>
    %mul3A_36 = arith.mulf %slice3A_33, %mul3A_35 : vector<128x128xf32>
    %swap3A_37 = arith.constant 128 : index
    %swap3A_38 = arith.constant 0 : index
    %swap3A_39 = vector.load %arg5[%swap3A_37, %swap3A_38] : memref<3200x128xf32, #tpu.memory_space<vmem>>, vector<128x128xf32>
    tpu.vector_store %arg5[%swap3A_37, %swap3A_38], %mul3A_36 {strides = array<i32>} : memref<3200x128xf32, #tpu.memory_space<vmem>>, vector<128x128xf32>,
    %slice3A_40 = vector.extract_strided_slice %sub3A_19 {offsets = [256, 0], sizes = [128, 128], strides = [1, 1]} : vector<3200x128xf32> to vector<128x128xf32>
    %slice3A_41 = vector.extract_strided_slice %dot_general3A_28 {offsets = [0, 2], sizes = [128, 1], strides = [1, 1]} : vector<128x25xf32> to vector<128x1xf32>
    %mul3A_42 = vector.broadcast %slice3A_41 : vector<128x1xf32> to vector<128x128xf32>
    %mul3A_43 = arith.mulf %slice3A_40, %mul3A_42 : vector<128x128xf32>
    %swap3A_44 = arith.constant 256 : index
    %swap3A_45 = arith.constant 0 : index
    %swap3A_46 = vector.load %arg5[%swap3A_44, %swap3A_45] : memref<3200x128xf32, #tpu.memory_space<vmem>>, vector<128x128xf32>
    tpu.vector_store %arg5[%swap3A_44, %swap3A_45], %mul3A_43 {strides = array<i32>} : memref<3200x128xf32, #tpu.memory_space<vmem>>, vector<128x128xf32>,
    %slice3A_47 = vector.extract_strided_slice %sub3A_19 {offsets = [384, 0], sizes = [128, 128], strides = [1, 1]} : vector<3200x128xf32> to vector<128x128xf32>
    %slice3A_48 = vector.extract_strided_slice %dot_general3A_28 {offsets = [0, 3], sizes = [128, 1], strides = [1, 1]} : vector<128x25xf32> to vector<128x1xf32>
    %mul3A_49 = vector.broadcast %slice3A_48 : vector<128x1xf32> to vector<128x128xf32>
    %mul3A_50 = arith.mulf %slice3A_47, %mul3A_49 : vector<128x128xf32>
    %swap3A_51 = arith.constant 384 : index
    %swap3A_52 = arith.constant 0 : index
    %swap3A_53 = vector.load %arg5[%swap3A_51, %swap3A_52] : memref<3200x128xf32, #tpu.memory_space<vmem>>, vector<128x128xf32>
    tpu.vector_store %arg5[%swap3A_51, %swap3A_52], %mul3A_50 {strides = array<i32>} : memref<3200x128xf32, #tpu.memory_space<vmem>>, vector<128x128xf32>,
    %slice3A_54 = vector.extract_strided_slice %sub3A_19 {offsets = [512, 0], sizes = [128, 128], strides = [1, 1]} : vector<3200x128xf32> to vector<128x128xf32>
    %slice3A_55 = vector.extract_strided_slice %dot_general3A_28 {offsets = [0, 4], sizes = [128, 1], strides = [1, 1]} : vector<128x25xf32> to vector<128x1xf32>
    %mul3A_56 = vector.broadcast %slice3A_55 : vector<128x1xf32> to vector<128x128xf32>
    %mul3A_57 = arith.mulf %slice3A_54, %mul3A_56 : vector<128x128xf32>
    %swap3A_58 = arith.constant 512 : index
    %swap3A_59 = arith.constant 0 : index
    %swap3A_60 = vector.load %arg5[%swap3A_58, %swap3A_59] : memref<3200x128xf32, #tpu.memory_space<vmem>>, vector<128x128xf32>
    tpu.vector_store %arg5[%swap3A_58, %swap3A_59], %mul3A_57 {strides = array<i32>} : memref<3200x128xf32, #tpu.memory_space<vmem>>, vector<128x128xf32>,
    %slice3A_61 = vector.extract_strided_slice %sub3A_19 {offsets = [640, 0], sizes = [128, 128], strides = [1, 1]} : vector<3200x128xf32> to vector<128x128xf32>
    %slice3A_62 = vector.extract_strided_slice %dot_general3A_28 {offsets = [0, 5], sizes = [128, 1], strides = [1, 1]} : vector<128x25xf32> to vector<128x1xf32>
    %mul3A_63 = vector.broadcast %slice3A_62 : vector<128x1xf32> to vector<128x128xf32>
    %mul3A_64 = arith.mulf %slice3A_61, %mul3A_63 : vector<128x128xf32>
    %swap3A_65 = arith.constant 640 : index
    %swap3A_66 = arith.constant 0 : index
    %swap3A_67 = vector.load %arg5[%swap3A_65, %swap3A_66] : memref<3200x128xf32, #tpu.memory_space<vmem>>, vector<128x128xf32>
    tpu.vector_store %arg5[%swap3A_65, %swap3A_66], %mul3A_64 {strides = array<i32>} : memref<3200x128xf32, #tpu.memory_space<vmem>>, vector<128x128xf32>,
    %slice3A_68 = vector.extract_strided_slice %sub3A_19 {offsets = [768, 0], sizes = [128, 128], strides = [1, 1]} : vector<3200x128xf32> to vector<128x128xf32>
    %slice3A_69 = vector.extract_strided_slice %dot_general3A_28 {offsets = [0, 6], sizes = [128, 1], strides = [1, 1]} : vector<128x25xf32> to vector<128x1xf32>
    %mul3A_70 = vector.broadcast %slice3A_69 : vector<128x1xf32> to vector<128x128xf32>
    %mul3A_71 = arith.mulf %slice3A_68, %mul3A_70 : vector<128x128xf32>
    %swap3A_72 = arith.constant 768 : index
    %swap3A_73 = arith.constant 0 : index
    %swap3A_74 = vector.load %arg5[%swap3A_72, %swap3A_73] : memref<3200x128xf32, #tpu.memory_space<vmem>>, vector<128x128xf32>
    tpu.vector_store %arg5[%swap3A_72, %swap3A_73], %mul3A_71 {strides = array<i32>} : memref<3200x128xf32, #tpu.memory_space<vmem>>, vector<128x128xf32>,
    %slice3A_75 = vector.extract_strided_slice %sub3A_19 {offsets = [896, 0], sizes = [128, 128], strides = [1, 1]} : vector<3200x128xf32> to vector<128x128xf32>
    %slice3A_76 = vector.extract_strided_slice %dot_general3A_28 {offsets = [0, 7], sizes = [128, 1], strides = [1, 1]} : vector<128x25xf32> to vector<128x1xf32>
    %mul3A_77 = vector.broadcast %slice3A_76 : vector<128x1xf32> to vector<128x128xf32>
    %mul3A_78 = arith.mulf %slice3A_75, %mul3A_77 : vector<128x128xf32>
    %swap3A_79 = arith.constant 896 : index
    %swap3A_80 = arith.constant 0 : index
    %swap3A_81 = vector.load %arg5[%swap3A_79, %swap3A_80] : memref<3200x128xf32, #tpu.memory_space<vmem>>, vector<128x128xf32>
    tpu.vector_store %arg5[%swap3A_79, %swap3A_80], %mul3A_78 {strides = array<i32>} : memref<3200x128xf32, #tpu.memory_space<vmem>>, vector<128x128xf32>,
    %slice3A_82 = vector.extract_strided_slice %sub3A_19 {offsets = [1024, 0], sizes = [128, 128], strides = [1, 1]} : vector<3200x128xf32> to vector<128x128xf32>
    %slice3A_83 = vector.extract_strided_slice %dot_general3A_28 {offsets = [0, 8], sizes = [128, 1], strides = [1, 1]} : vector<128x25xf32> to vector<128x1xf32>
    %mul3A_84 = vector.broadcast %slice3A_83 : vector<128x1xf32> to vector<128x128xf32>
    %mul3A_85 = arith.mulf %slice3A_82, %mul3A_84 : vector<128x128xf32>
    %swap3A_86 = arith.constant 1024 : index
    %swap3A_87 = arith.constant 0 : index
    %swap3A_88 = vector.load %arg5[%swap3A_86, %swap3A_87] : memref<3200x128xf32, #tpu.memory_space<vmem>>, vector<128x128xf32>
    tpu.vector_store %arg5[%swap3A_86, %swap3A_87], %mul3A_85 {strides = array<i32>} : memref<3200x128xf32, #tpu.memory_space<vmem>>, vector<128x128xf32>,
    %slice3A_89 = vector.extract_strided_slice %sub3A_19 {offsets = [1152, 0], sizes = [128, 128], strides = [1, 1]} : vector<3200x128xf32> to vector<128x128xf32>
    %slice3A_90 = vector.extract_strided_slice %dot_general3A_28 {offsets = [0, 9], sizes = [128, 1], strides = [1, 1]} : vector<128x25xf32> to vector<128x1xf32>
    %mul3A_91 = vector.broadcast %slice3A_90 : vector<128x1xf32> to vector<128x128xf32>
    %mul3A_92 = arith.mulf %slice3A_89, %mul3A_91 : vector<128x128xf32>
    %swap3A_93 = arith.constant 1152 : index
    %swap3A_94 = arith.constant 0 : index
    %swap3A_95 = vector.load %arg5[%swap3A_93, %swap3A_94] : memref<3200x128xf32, #tpu.memory_space<vmem>>, vector<128x128xf32>
    tpu.vector_store %arg5[%swap3A_93, %swap3A_94], %mul3A_92 {strides = array<i32>} : memref<3200x128xf32, #tpu.memory_space<vmem>>, vector<128x128xf32>,
    %slice3A_96 = vector.extract_strided_slice %sub3A_19 {offsets = [1280, 0], sizes = [128, 128], strides = [1, 1]} : vector<3200x128xf32> to vector<128x128xf32>
    %slice3A_97 = vector.extract_strided_slice %dot_general3A_28 {offsets = [0, 10], sizes = [128, 1], strides = [1, 1]} : vector<128x25xf32> to vector<128x1xf32>
    %mul3A_98 = vector.broadcast %slice3A_97 : vector<128x1xf32> to vector<128x128xf32>
    %mul3A_99 = arith.mulf %slice3A_96, %mul3A_98 : vector<128x128xf32>
    %swap3A_100 = arith.constant 1280 : index
    %swap3A_101 = arith.constant 0 : index
    %swap3A_102 = vector.load %arg5[%swap3A_100, %swap3A_101] : memref<3200x128xf32, #tpu.memory_space<vmem>>, vector<128x128xf32>
    tpu.vector_store %arg5[%swap3A_100, %swap3A_101], %mul3A_99 {strides = array<i32>} : memref<3200x128xf32, #tpu.memory_space<vmem>>, vector<128x128xf32>,
    %slice3A_103 = vector.extract_strided_slice %sub3A_19 {offsets = [1408, 0], sizes = [128, 128], strides = [1, 1]} : vector<3200x128xf32> to vector<128x128xf32>
    %slice3A_104 = vector.extract_strided_slice %dot_general3A_28 {offsets = [0, 11], sizes = [128, 1], strides = [1, 1]} : vector<128x25xf32> to vector<128x1xf32>
    %mul3A_105 = vector.broadcast %slice3A_104 : vector<128x1xf32> to vector<128x128xf32>
    %mul3A_106 = arith.mulf %slice3A_103, %mul3A_105 : vector<128x128xf32>
    %swap3A_107 = arith.constant 1408 : index
    %swap3A_108 = arith.constant 0 : index
    %swap3A_109 = vector.load %arg5[%swap3A_107, %swap3A_108] : memref<3200x128xf32, #tpu.memory_space<vmem>>, vector<128x128xf32>
    tpu.vector_store %arg5[%swap3A_107, %swap3A_108], %mul3A_106 {strides = array<i32>} : memref<3200x128xf32, #tpu.memory_space<vmem>>, vector<128x128xf32>,
    %slice3A_110 = vector.extract_strided_slice %sub3A_19 {offsets = [1536, 0], sizes = [128, 128], strides = [1, 1]} : vector<3200x128xf32> to vector<128x128xf32>
    %slice3A_111 = vector.extract_strided_slice %dot_general3A_28 {offsets = [0, 12], sizes = [128, 1], strides = [1, 1]} : vector<128x25xf32> to vector<128x1xf32>
    %mul3A_112 = vector.broadcast %slice3A_111 : vector<128x1xf32> to vector<128x128xf32>
    %mul3A_113 = arith.mulf %slice3A_110, %mul3A_112 : vector<128x128xf32>
    %swap3A_114 = arith.constant 1536 : index
    %swap3A_115 = arith.constant 0 : index
    %swap3A_116 = vector.load %arg5[%swap3A_114, %swap3A_115] : memref<3200x128xf32, #tpu.memory_space<vmem>>, vector<128x128xf32>
    tpu.vector_store %arg5[%swap3A_114, %swap3A_115], %mul3A_113 {strides = array<i32>} : memref<3200x128xf32, #tpu.memory_space<vmem>>, vector<128x128xf32>,
    %slice3A_117 = vector.extract_strided_slice %sub3A_19 {offsets = [1664, 0], sizes = [128, 128], strides = [1, 1]} : vector<3200x128xf32> to vector<128x128xf32>
    %slice3A_118 = vector.extract_strided_slice %dot_general3A_28 {offsets = [0, 13], sizes = [128, 1], strides = [1, 1]} : vector<128x25xf32> to vector<128x1xf32>
    %mul3A_119 = vector.broadcast %slice3A_118 : vector<128x1xf32> to vector<128x128xf32>
    %mul3A_120 = arith.mulf %slice3A_117, %mul3A_119 : vector<128x128xf32>
    %swap3A_121 = arith.constant 1664 : index
    %swap3A_122 = arith.constant 0 : index
    %swap3A_123 = vector.load %arg5[%swap3A_121, %swap3A_122] : memref<3200x128xf32, #tpu.memory_space<vmem>>, vector<128x128xf32>
    tpu.vector_store %arg5[%swap3A_121, %swap3A_122], %mul3A_120 {strides = array<i32>} : memref<3200x128xf32, #tpu.memory_space<vmem>>, vector<128x128xf32>,
    %slice3A_124 = vector.extract_strided_slice %sub3A_19 {offsets = [1792, 0], sizes = [128, 128], strides = [1, 1]} : vector<3200x128xf32> to vector<128x128xf32>
    %slice3A_125 = vector.extract_strided_slice %dot_general3A_28 {offsets = [0, 14], sizes = [128, 1], strides = [1, 1]} : vector<128x25xf32> to vector<128x1xf32>
    %mul3A_126 = vector.broadcast %slice3A_125 : vector<128x1xf32> to vector<128x128xf32>
    %mul3A_127 = arith.mulf %slice3A_124, %mul3A_126 : vector<128x128xf32>
    %swap3A_128 = arith.constant 1792 : index
    %swap3A_129 = arith.constant 0 : index
    %swap3A_130 = vector.load %arg5[%swap3A_128, %swap3A_129] : memref<3200x128xf32, #tpu.memory_space<vmem>>, vector<128x128xf32>
    tpu.vector_store %arg5[%swap3A_128, %swap3A_129], %mul3A_127 {strides = array<i32>} : memref<3200x128xf32, #tpu.memory_space<vmem>>, vector<128x128xf32>,
    %slice3A_131 = vector.extract_strided_slice %sub3A_19 {offsets = [1920, 0], sizes = [128, 128], strides = [1, 1]} : vector<3200x128xf32> to vector<128x128xf32>
    %slice3A_132 = vector.extract_strided_slice %dot_general3A_28 {offsets = [0, 15], sizes = [128, 1], strides = [1, 1]} : vector<128x25xf32> to vector<128x1xf32>
    %mul3A_133 = vector.broadcast %slice3A_132 : vector<128x1xf32> to vector<128x128xf32>
    %mul3A_134 = arith.mulf %slice3A_131, %mul3A_133 : vector<128x128xf32>
    %swap3A_135 = arith.constant 1920 : index
    %swap3A_136 = arith.constant 0 : index
    %swap3A_137 = vector.load %arg5[%swap3A_135, %swap3A_136] : memref<3200x128xf32, #tpu.memory_space<vmem>>, vector<128x128xf32>
    tpu.vector_store %arg5[%swap3A_135, %swap3A_136], %mul3A_134 {strides = array<i32>} : memref<3200x128xf32, #tpu.memory_space<vmem>>, vector<128x128xf32>,
    %slice3A_138 = vector.extract_strided_slice %sub3A_19 {offsets = [2048, 0], sizes = [128, 128], strides = [1, 1]} : vector<3200x128xf32> to vector<128x128xf32>
    %slice3A_139 = vector.extract_strided_slice %dot_general3A_28 {offsets = [0, 16], sizes = [128, 1], strides = [1, 1]} : vector<128x25xf32> to vector<128x1xf32>
    %mul3A_140 = vector.broadcast %slice3A_139 : vector<128x1xf32> to vector<128x128xf32>
    %mul3A_141 = arith.mulf %slice3A_138, %mul3A_140 : vector<128x128xf32>
    %swap3A_142 = arith.constant 2048 : index
    %swap3A_143 = arith.constant 0 : index
    %swap3A_144 = vector.load %arg5[%swap3A_142, %swap3A_143] : memref<3200x128xf32, #tpu.memory_space<vmem>>, vector<128x128xf32>
    tpu.vector_store %arg5[%swap3A_142, %swap3A_143], %mul3A_141 {strides = array<i32>} : memref<3200x128xf32, #tpu.memory_space<vmem>>, vector<128x128xf32>,
    %slice3A_145 = vector.extract_strided_slice %sub3A_19 {offsets = [2176, 0], sizes = [128, 128], strides = [1, 1]} : vector<3200x128xf32> to vector<128x128xf32>
    %slice3A_146 = vector.extract_strided_slice %dot_general3A_28 {offsets = [0, 17], sizes = [128, 1], strides = [1, 1]} : vector<128x25xf32> to vector<128x1xf32>
    %mul3A_147 = vector.broadcast %slice3A_146 : vector<128x1xf32> to vector<128x128xf32>
    %mul3A_148 = arith.mulf %slice3A_145, %mul3A_147 : vector<128x128xf32>
    %swap3A_149 = arith.constant 2176 : index
    %swap3A_150 = arith.constant 0 : index
    %swap3A_151 = vector.load %arg5[%swap3A_149, %swap3A_150] : memref<3200x128xf32, #tpu.memory_space<vmem>>, vector<128x128xf32>
    tpu.vector_store %arg5[%swap3A_149, %swap3A_150], %mul3A_148 {strides = array<i32>} : memref<3200x128xf32, #tpu.memory_space<vmem>>, vector<128x128xf32>,
    %slice3A_152 = vector.extract_strided_slice %sub3A_19 {offsets = [2304, 0], sizes = [128, 128], strides = [1, 1]} : vector<3200x128xf32> to vector<128x128xf32>
    %slice3A_153 = vector.extract_strided_slice %dot_general3A_28 {offsets = [0, 18], sizes = [128, 1], strides = [1, 1]} : vector<128x25xf32> to vector<128x1xf32>
    %mul3A_154 = vector.broadcast %slice3A_153 : vector<128x1xf32> to vector<128x128xf32>
    %mul3A_155 = arith.mulf %slice3A_152, %mul3A_154 : vector<128x128xf32>
    %swap3A_156 = arith.constant 2304 : index
    %swap3A_157 = arith.constant 0 : index
    %swap3A_158 = vector.load %arg5[%swap3A_156, %swap3A_157] : memref<3200x128xf32, #tpu.memory_space<vmem>>, vector<128x128xf32>
    tpu.vector_store %arg5[%swap3A_156, %swap3A_157], %mul3A_155 {strides = array<i32>} : memref<3200x128xf32, #tpu.memory_space<vmem>>, vector<128x128xf32>,
    %slice3A_159 = vector.extract_strided_slice %sub3A_19 {offsets = [2432, 0], sizes = [128, 128], strides = [1, 1]} : vector<3200x128xf32> to vector<128x128xf32>
    %slice3A_160 = vector.extract_strided_slice %dot_general3A_28 {offsets = [0, 19], sizes = [128, 1], strides = [1, 1]} : vector<128x25xf32> to vector<128x1xf32>
    %mul3A_161 = vector.broadcast %slice3A_160 : vector<128x1xf32> to vector<128x128xf32>
    %mul3A_162 = arith.mulf %slice3A_159, %mul3A_161 : vector<128x128xf32>
    %swap3A_163 = arith.constant 2432 : index
    %swap3A_164 = arith.constant 0 : index
    %swap3A_165 = vector.load %arg5[%swap3A_163, %swap3A_164] : memref<3200x128xf32, #tpu.memory_space<vmem>>, vector<128x128xf32>
    tpu.vector_store %arg5[%swap3A_163, %swap3A_164], %mul3A_162 {strides = array<i32>} : memref<3200x128xf32, #tpu.memory_space<vmem>>, vector<128x128xf32>,
    %slice3A_166 = vector.extract_strided_slice %sub3A_19 {offsets = [2560, 0], sizes = [128, 128], strides = [1, 1]} : vector<3200x128xf32> to vector<128x128xf32>
    %slice3A_167 = vector.extract_strided_slice %dot_general3A_28 {offsets = [0, 20], sizes = [128, 1], strides = [1, 1]} : vector<128x25xf32> to vector<128x1xf32>
    %mul3A_168 = vector.broadcast %slice3A_167 : vector<128x1xf32> to vector<128x128xf32>
    %mul3A_169 = arith.mulf %slice3A_166, %mul3A_168 : vector<128x128xf32>
    %swap3A_170 = arith.constant 2560 : index
    %swap3A_171 = arith.constant 0 : index
    %swap3A_172 = vector.load %arg5[%swap3A_170, %swap3A_171] : memref<3200x128xf32, #tpu.memory_space<vmem>>, vector<128x128xf32>
    tpu.vector_store %arg5[%swap3A_170, %swap3A_171], %mul3A_169 {strides = array<i32>} : memref<3200x128xf32, #tpu.memory_space<vmem>>, vector<128x128xf32>,
    %slice3A_173 = vector.extract_strided_slice %sub3A_19 {offsets = [2688, 0], sizes = [128, 128], strides = [1, 1]} : vector<3200x128xf32> to vector<128x128xf32>
    %slice3A_174 = vector.extract_strided_slice %dot_general3A_28 {offsets = [0, 21], sizes = [128, 1], strides = [1, 1]} : vector<128x25xf32> to vector<128x1xf32>
    %mul3A_175 = vector.broadcast %slice3A_174 : vector<128x1xf32> to vector<128x128xf32>
    %mul3A_176 = arith.mulf %slice3A_173, %mul3A_175 : vector<128x128xf32>
    %swap3A_177 = arith.constant 2688 : index
    %swap3A_178 = arith.constant 0 : index
    %swap3A_179 = vector.load %arg5[%swap3A_177, %swap3A_178] : memref<3200x128xf32, #tpu.memory_space<vmem>>, vector<128x128xf32>
    tpu.vector_store %arg5[%swap3A_177, %swap3A_178], %mul3A_176 {strides = array<i32>} : memref<3200x128xf32, #tpu.memory_space<vmem>>, vector<128x128xf32>,
    %slice3A_180 = vector.extract_strided_slice %sub3A_19 {offsets = [2816, 0], sizes = [128, 128], strides = [1, 1]} : vector<3200x128xf32> to vector<128x128xf32>
    %slice3A_181 = vector.extract_strided_slice %dot_general3A_28 {offsets = [0, 22], sizes = [128, 1], strides = [1, 1]} : vector<128x25xf32> to vector<128x1xf32>
    %mul3A_182 = vector.broadcast %slice3A_181 : vector<128x1xf32> to vector<128x128xf32>
    %mul3A_183 = arith.mulf %slice3A_180, %mul3A_182 : vector<128x128xf32>
    %swap3A_184 = arith.constant 2816 : index
    %swap3A_185 = arith.constant 0 : index
    %swap3A_186 = vector.load %arg5[%swap3A_184, %swap3A_185] : memref<3200x128xf32, #tpu.memory_space<vmem>>, vector<128x128xf32>
    tpu.vector_store %arg5[%swap3A_184, %swap3A_185], %mul3A_183 {strides = array<i32>} : memref<3200x128xf32, #tpu.memory_space<vmem>>, vector<128x128xf32>,
    %slice3A_187 = vector.extract_strided_slice %sub3A_19 {offsets = [2944, 0], sizes = [128, 128], strides = [1, 1]} : vector<3200x128xf32> to vector<128x128xf32>
    %slice3A_188 = vector.extract_strided_slice %dot_general3A_28 {offsets = [0, 23], sizes = [128, 1], strides = [1, 1]} : vector<128x25xf32> to vector<128x1xf32>
    %mul3A_189 = vector.broadcast %slice3A_188 : vector<128x1xf32> to vector<128x128xf32>
    %mul3A_190 = arith.mulf %slice3A_187, %mul3A_189 : vector<128x128xf32>
    %swap3A_191 = arith.constant 2944 : index
    %swap3A_192 = arith.constant 0 : index
    %swap3A_193 = vector.load %arg5[%swap3A_191, %swap3A_192] : memref<3200x128xf32, #tpu.memory_space<vmem>>, vector<128x128xf32>
    tpu.vector_store %arg5[%swap3A_191, %swap3A_192], %mul3A_190 {strides = array<i32>} : memref<3200x128xf32, #tpu.memory_space<vmem>>, vector<128x128xf32>,
    %slice3A_194 = vector.extract_strided_slice %sub3A_19 {offsets = [3072, 0], sizes = [128, 128], strides = [1, 1]} : vector<3200x128xf32> to vector<128x128xf32>
    %slice3A_195 = vector.extract_strided_slice %dot_general3A_28 {offsets = [0, 24], sizes = [128, 1], strides = [1, 1]} : vector<128x25xf32> to vector<128x1xf32>
    %mul3A_196 = vector.broadcast %slice3A_195 : vector<128x1xf32> to vector<128x128xf32>
    %mul3A_197 = arith.mulf %slice3A_194, %mul3A_196 : vector<128x128xf32>
    %swap3A_198 = arith.constant 3072 : index
    %swap3A_199 = arith.constant 0 : index
    %swap3A_200 = vector.load %arg5[%swap3A_198, %swap3A_199] : memref<3200x128xf32, #tpu.memory_space<vmem>>, vector<128x128xf32>
    tpu.vector_store %arg5[%swap3A_198, %swap3A_199], %mul3A_197 {strides = array<i32>} : memref<3200x128xf32, #tpu.memory_space<vmem>>, vector<128x128xf32>,
    return
  }
  func.func @transform_0(%arg0: i32) -> (i32, i32) {
    %c0_i32 = arith.constant 0 : i32
    %c0_i32_0 = arith.constant 0 : i32
    return %c0_i32, %arg0 : i32, i32
  }
  func.func @transform_1(%arg0: i32) -> (i32, i32, i32) {
    %c0_i32 = arith.constant 0 : i32
    %c0_i32_0 = arith.constant 0 : i32
    %c0_i32_1 = arith.constant 0 : i32
    return %arg0, %c0_i32, %c0_i32_0 : i32, i32, i32
  }
  func.func @transform_2(%arg0: i32) -> (i32, i32) {
    %c0_i32 = arith.constant 0 : i32
    %c0_i32_0 = arith.constant 0 : i32
    %c0_i32_1 = arith.constant 0 : i32
    return %c0_i32, %c0_i32_0 : i32, i32
  }
  func.func @transform_3(%arg0: i32) -> (i32, i32) {
    %c0_i32 = arith.constant 0 : i32
    %c0_i32_0 = arith.constant 0 : i32
    %c0_i32_1 = arith.constant 0 : i32
    return %c0_i32, %c0_i32_0 : i32, i32
  }
  func.func @transform_4(%arg0: i32) -> (i32, i32) {
    %c0_i32 = arith.constant 0 : i32
    %c0_i32_0 = arith.constant 0 : i32
    return %arg0, %c0_i32 : i32, i32
  }
}

module attributes {stable_mosaic.version = 14 : i64} {
  func.func @_out_body(%arg0: i32, %arg1: memref<2x1000x128xf32, #tpu.memory_space<vmem>>, %arg2: memref<128x128xf32, #tpu.memory_space<vmem>>, %arg3: memref<1x128xf32, #tpu.memory_space<vmem>>, %arg4: memref<1000x128xf32, #tpu.memory_space<vmem>>) attributes {dimension_semantics = [#tpu.dimension_semantics<arbitrary>], iteration_bounds = array<i64: 10>, scalar_prefetch = 0 : i64, scratch_operands = 0 : i64, tpu.core_type = #tpu.core_type<tc>, window_params = [{transform_indices = @transform_0, window_bounds = array<i64: 2, 1000, 128>}, {pipeline_mode = #tpu.pipeline_mode<synchronous>, transform_indices = @transform_1, window_bounds = array<i64: 128, 128>}, {pipeline_mode = #tpu.pipeline_mode<synchronous>, transform_indices = @transform_2, window_bounds = array<i64: 1, 128>}, {transform_indices = @transform_3, window_bounds = array<i64: 1000, 128>}]} {
    %get3A = arith.constant 0 : index
    %get3A_0 = arith.constant 0 : index
    %get3A_1 = arith.constant 0 : index
    %get3A_2 = vector.load %arg1[%get3A, %get3A_0, %get3A_1] : memref<2x1000x128xf32, #tpu.memory_space<vmem>>, vector<1x1000x128xf32>
    %get3A_3 = vector.shape_cast %get3A_2 : vector<1x1000x128xf32> to vector<1000x128xf32>
    %get3A_4 = arith.constant 1 : index
    %get3A_5 = arith.constant 0 : index
    %get3A_6 = arith.constant 0 : index
    %get3A_7 = vector.load %arg1[%get3A_4, %get3A_5, %get3A_6] : memref<2x1000x128xf32, #tpu.memory_space<vmem>>, vector<1x1000x128xf32>
    %get3A_8 = vector.shape_cast %get3A_7 : vector<1x1000x128xf32> to vector<1000x128xf32>
    %add3A = arith.addf %get3A_3, %get3A_8 : vector<1000x128xf32>
    %get3A_9 = arith.constant 0 : index
    %get3A_10 = arith.constant 0 : index
    %get3A_11 = vector.load %arg2[%get3A_9, %get3A_10] : memref<128x128xf32, #tpu.memory_space<vmem>>, vector<128x128xf32>
    %dot_general3A = arith.constant dense<0.000000e+00> : vector<1000x128xf32>
    %dot_general3A_12 = tpu.matmul %add3A, %get3A_11, %dot_general3A {dimension_numbers = #tpu.dot_dimension_numbers<[1], [0], [0], [1], [0, 0, 1, 1], [], []>, transpose_lhs_hint = false} : vector<1000x128xf32>, vector<128x128xf32>, vector<1000x128xf32> -> vector<1000x128xf32>
    %get3A_13 = arith.constant 0 : index
    %get3A_14 = arith.constant 0 : index
    %get3A_15 = vector.load %arg3[%get3A_13, %get3A_14] : memref<1x128xf32, #tpu.memory_space<vmem>>, vector<1x128xf32>
    %add3A_16 = vector.broadcast %get3A_15 : vector<1x128xf32> to vector<1000x128xf32>
    %add3A_17 = arith.addf %dot_general3A_12, %add3A_16 : vector<1000x128xf32>
    %custom_jvp_call3A = arith.constant 0.000000e+00 : f32
    %max3A = vector.broadcast %custom_jvp_call3A : f32 to vector<1000x128xf32>
    %max3A_18 = arith.maximumf %add3A_17, %max3A : vector<1000x128xf32>
    %sub3A = vector.broadcast %custom_jvp_call3A : f32 to vector<1000x128xf32>
    %sub3A_19 = arith.subf %add3A_17, %sub3A : vector<1000x128xf32>
    %ne3A = arith.cmpf one, %sub3A_19, %sub3A_19 : vector<1000x128xf32>
    %add3A_20 = vector.broadcast %custom_jvp_call3A : f32 to vector<1000x128xf32>
    %add3A_21 = arith.addf %add3A_17, %add3A_20 : vector<1000x128xf32>
    %abs3A = math.absf %sub3A_19 : vector<1000x128xf32>
    %neg3A = arith.constant 0.000000e+00 : f32
    %neg3A_22 = vector.broadcast %neg3A : f32 to vector<1000x128xf32>
    %neg3A_23 = arith.subf %neg3A_22, %abs3A : vector<1000x128xf32>
    %exp3A = math.exp %neg3A_23 : vector<1000x128xf32>
    %log1p3A = math.log1p %exp3A : vector<1000x128xf32>
    %add3A_24 = arith.addf %max3A_18, %log1p3A : vector<1000x128xf32>
    %select_n3A = arith.select %ne3A, %add3A_21, %add3A_24 : vector<1000x128xi1>, vector<1000x128xf32>
    %log3A = arith.constant 2.000000e+00 : f32
    %log3A_25 = math.log %log3A : f32
    %sub3A_26 = vector.broadcast %log3A_25 : f32 to vector<1000x128xf32>
    %sub3A_27 = arith.subf %select_n3A, %sub3A_26 : vector<1000x128xf32>
    %swap3A = arith.constant 0 : index
    %swap3A_28 = arith.constant 0 : index
    %swap3A_29 = vector.load %arg4[%swap3A, %swap3A_28] : memref<1000x128xf32, #tpu.memory_space<vmem>>, vector<1000x128xf32>
    tpu.vector_store %arg4[%swap3A, %swap3A_28], %sub3A_27 {strides = array<i32>} : memref<1000x128xf32, #tpu.memory_space<vmem>>, vector<1000x128xf32>,
    return
  }
  func.func @transform_0(%arg0: i32) -> (i32, i32, i32) {
    %c0_i32 = arith.constant 0 : i32
    %c0_i32_0 = arith.constant 0 : i32
    %c0_i32_1 = arith.constant 0 : i32
    return %c0_i32, %arg0, %c0_i32_0 : i32, i32, i32
  }
  func.func @transform_1(%arg0: i32) -> (i32, i32) {
    %c0_i32 = arith.constant 0 : i32
    %c0_i32_0 = arith.constant 0 : i32
    %c0_i32_1 = arith.constant 0 : i32
    return %c0_i32, %c0_i32_0 : i32, i32
  }
  func.func @transform_2(%arg0: i32) -> (i32, i32) {
    %c0_i32 = arith.constant 0 : i32
    %c0_i32_0 = arith.constant 0 : i32
    %c0_i32_1 = arith.constant 0 : i32
    return %c0_i32, %c0_i32_0 : i32, i32
  }
  func.func @transform_3(%arg0: i32) -> (i32, i32) {
    %c0_i32 = arith.constant 0 : i32
    %c0_i32_0 = arith.constant 0 : i32
    return %arg0, %c0_i32 : i32, i32
  }
}

</mosaic_0001>

<sc_bundles>
// kernel: kernel.6.cloned.1.call-start
scs
__scs_entry_jumppad:
0x0: {  	(pc) =	sbr.rel $0x88, $3  }
0x1: {  	(tag) =	ssettag $0x0;
	lr =	simm.s32 $0x1  }
0x2: {  	[smem:$0x3F97] =	sst lr;
	_ =	strace $0xD0000000  }
0x3: {  	_ = 	snop  }
0x4: {  	_ = 	snop  }
0x5: {  	_ = 	snop  }
0x6: {  	_ = 	snop  }
0x7: {  	_ = 	snop  }
__scs_overlays_trampoline_lowered:
0x8: {  	[smem:$0x3FA6] =	sst s0  }
0x9: {  	[smem:$0x3FA7] =	sst s1  }
0xa: {  	[smem:$0x3FA8] =	sst s2  }
0xb: {  	[smem:$0x3FA9] =	sst s3  }
0xc: {  	[smem:$0x3FAA] =	sst s4  }
0xd: {  	[smem:$0x3FAB] =	sst s5  }
0xe: {  	[smem:$0x3FAC] =	sst s6  }
0xf: {  	[smem:$0x3FAD] =	sst s7  }
0x10: {  	[smem:$0x3FAE] =	sst s8  }
0x11: {  	[smem:$0x3FAF] =	sst s9;
	s0 =	simm.s32 @!p0 $0x0  }
0x12: {  	s1 =	sld [smem:$0x3F95];
	s0 =	simm.s32 @p0 $0x1  }
0x13: {  	[smem:$0x3FB0] =	sst s0;
	s0 =	simm.s32 @!p1 $0x0  }
0x14: {  	s2 =	sld [smem:$0x3F94];
	s0 =	simm.s32 @p1 $0x1  }
0x15: {  	[smem:$0x3FB1] =	sst s0;
	s0 =	simm.s32 @!p2 $0x0  }
0x16: {  	s3 =	sld [smem:$0x3FDB];
	s0 =	simm.s32 @p2 $0x1  }
0x17: {  	s4 =	simm.s32 $0x1BF5;
	[smem:$0x3FB3] =	sst s0  }
0x18: {  	s0 =	sld [smem:$0x3F96];
	_ =	swait.ge [sflag:s4], $0x0  }
0x19: {  	s7 =	sld [smem:$0x3F97]  }
0x1a: {  	s8 =	sadd.s32 $0xFFFFE003, lr  }
0x1b: {  	s9 =	sadd.s32 $0xFFFFFEF7, lr;
	s5 =	simm.s32 $0xFFFFFFFF;
	p2 =	slt.u32 s8, $0xFFFFF086  }
0x1c: {  	p1 =	slt.u32 s9, $0xF7A;
	s5 =	simm.s32 @!p2 $0x0  }
0x1d: {  	s5 =	simm.s32 @p1 $0x1;
	p0 =	seq.s32 s7, s2  }
0x1e: {  	s7 =	smul.u32 @!p0 $0xF7A, s2;
	p2 =	seq.s32 @!p0 s5, $0x0  }
0x1f: {  	s9 =	smul.u32 $0xF7A, s1;
	s8 =	simm.s32 @!p0 $0x1BF5;
	p2 =	por !p2, p0  }
0x20: {  	[sflag:s8] =	ssyncset.s32 @!p0 $0xFFFFF086;
	s6 =	sadd.s32 @!p0 s3, s7;
	s7 =	simm.s32 @!p0 $0x108  }
0x21: {  	s3 =	sadd.s32 s3, s9;
	s6 =	sadd.s32 @!p0 $0x88, s6;
	s7 =	simm.s32 @p2 $0x1082  }
0x22: {  	[simem:s7], [sflag:s8] =	dma.local @!p0 [hbm:s6], $0xF7A  }
0x23: {  	s9 =	sor.u32 $0xD0000000, s2;
	s6 =	simm.s32 $0x108;
	_ =	swait.ge @!p0 [sflag:s8], $0x0  }
0x24: {  	s3 =	sadd.s32 $0x88, s3;
	s6 =	simm.s32 @!p1 $0x1082;
	[sflag:s4] =	ssyncset.s32 $0xFFFFF086  }
0x25: {  	[simem:s6], [sflag:s4] =	dma.local [hbm:s3], $0xF7A  }
0x26: {  	[smem:$0x3F97] =	sst s1;
	(tag) =	ssettag s2;
	_ =	strace s9  }
0x27: {  	s1 =	sld [smem:$0x3FA7]  }
0x28: {  	s2 =	sld [smem:$0x3FA8]  }
0x29: {  	s4 =	sld [smem:$0x3FAA]  }
0x2a: {  	p0 =	seq.s32 s5, $0x0;
	s5 =	sld [smem:$0x3FAB]  }
0x2b: {  	s6 =	sld [smem:$0x3FAC]  }
0x2c: {  	s7 =	sld [smem:$0x3FAD]  }
0x2d: {  	s3 =	simm.s32 $0x108;
	s8 =	sld [smem:$0x3FAE]  }
0x2e: {  	s3 =	simm.s32 @!p0 $0x1082;
	s9 =	sld [smem:$0x3FAF]  }
0x2f: {  	lr =	sadd.s32 s0, s3;
	s0 =	sld [smem:$0x3FA6]  }
0x30: {  	s3 =	sld [smem:$0x3FA9]  }
0x31: {  	[smem:$0x3FB2] =	sst s10  }
0x32: {  	s10 =	sld [smem:$0x3FB0];
	_ =	sdelay $0x3  }
0x33: {  	p0 =	seq.s32 s10, $0x1;
	s10 =	sld [smem:$0x3FB2];
	_ =	sdelay $0x3  }
0x34: {  	[smem:$0x3FB2] =	sst s10  }
0x35: {  	s10 =	sld [smem:$0x3FB1];
	_ =	sdelay $0x3  }
0x36: {  	p1 =	seq.s32 s10, $0x1;
	s10 =	sld [smem:$0x3FB2];
	_ =	sdelay $0x3  }
0x37: {  	[smem:$0x3FB2] =	sst s10  }
0x38: {  	s10 =	sld [smem:$0x3FB3]  }
0x39: {  	_ = 	snop;
	(pc) =	sbr.ind lr, $3  }
0x3a: {  	_ = 	snop  }
0x3b: {  	_ = 	snop  }
0x3c: {  	p2 =	seq.s32 s10, $0x1;
	s10 =	sld [smem:$0x3FB2]  }
0x3d: {  	_ =	shalt  }
0x3e: {  	_ =	shalt  }
0x3f: {  	_ =	shalt  }
0x40: {  	_ =	shalt  }
0x41: {  	_ =	shalt  }
0x42: {  	_ =	shalt  }
0x43: {  	_ =	shalt  }
0x44: {  	_ =	shalt  }
0x45: {  	_ =	shalt  }
0x46: {  	_ =	shalt  }
0x47: {  	_ =	shalt  }
0x48: {  	_ =	shalt  }
0x49: {  	_ =	shalt  }
0x4a: {  	_ =	shalt  }
0x4b: {  	_ =	shalt  }
0x4c: {  	_ =	shalt  }
0x4d: {  	_ =	shalt  }
0x4e: {  	_ =	shalt  }
0x4f: {  	_ =	shalt  }
0x50: {  	_ =	shalt  }
0x51: {  	_ =	shalt  }
0x52: {  	_ =	shalt  }
0x53: {  	_ =	shalt  }
0x54: {  	_ =	shalt  }
0x55: {  	_ =	shalt  }
0x56: {  	_ =	shalt  }
0x57: {  	_ =	shalt  }
0x58: {  	_ =	shalt  }
0x59: {  	_ =	shalt  }
0x5a: {  	_ =	shalt  }
0x5b: {  	_ =	shalt  }
0x5c: {  	_ =	shalt  }
0x5d: {  	_ =	shalt  }
0x5e: {  	_ =	shalt  }
0x5f: {  	_ =	shalt  }
0x60: {  	_ =	shalt  }
0x61: {  	_ =	shalt  }
0x62: {  	_ =	shalt  }
0x63: {  	_ =	shalt  }
0x64: {  	_ =	shalt  }
0x65: {  	_ =	shalt  }
0x66: {  	_ =	shalt  }
0x67: {  	_ =	shalt  }
0x68: {  	_ =	shalt  }
0x69: {  	_ =	shalt  }
0x6a: {  	_ =	shalt  }
0x6b: {  	_ =	shalt  }
0x6c: {  	_ =	shalt  }
0x6d: {  	_ =	shalt  }
0x6e: {  	_ =	shalt  }
0x6f: {  	_ =	shalt  }
0x70: {  	_ =	shalt  }
0x71: {  	_ =	shalt  }
0x72: {  	_ =	shalt  }
0x73: {  	_ =	shalt  }
0x74: {  	_ =	shalt  }
0x75: {  	_ =	shalt  }
0x76: {  	_ =	shalt  }
0x77: {  	_ =	shalt  }
0x78: {  	_ =	shalt  }
0x79: {  	_ =	shalt  }
0x7a: {  	_ =	shalt  }
0x7b: {  	_ =	shalt  }
0x7c: {  	_ =	shalt  }
0x7d: {  	_ =	shalt  }
0x7e: {  	_ =	shalt  }
0x7f: {  	_ =	shalt  }
0x80: {  	_ =	shalt  }
0x81: {  	_ =	shalt  }
0x82: {  	_ =	shalt  }
0x83: {  	_ =	shalt  }
0x84: {  	_ =	shalt  }
0x85: {  	_ =	shalt  }
0x86: {  	_ =	shalt  }
0x87: {  	_ =	shalt  }
.Lfunc_end0:
.L_simem_size_0:
called_computation_lowered:
.L_overlay_start_0:
0x88: {  	s2 =	sld [smem:$0x3FD9]  }
0x89: {  	s3 =	sld [smem:$0x3FFE];
	_ =	sdelay $0x1  }
0x8a: {  	s1 =	srdreg.scid  }
0x8b: {  	s0 =	sand.u32 $0x1, s1  }
0x8c: {  	s17 =	sshll.u32 s0, $0xA;
	s2 =	sadd.s32 s3, s2  }
0x8d: {  	s2 =	sadd.s32 s2, s17  }
0x8e: {  	[smem:$0x3FBE] =	sst s2  }
0x8f: {  	_ = 	snop  }
0x90: {  	s2 =	sld [smem:$0x3FD0];
	(tm) =	ssettm $0x1  }
0x91: {  	s18 =	sld [smem:$0x3FFB];
	_ =	sdelay $0x3  }
0x92: {  	_ =	strace s18  }
0x93: {  	s3 =	sld [smem:$0x3FFC];
	_ =	sdelay $0x3  }
0x94: {  	_ =	strace s3  }
0x95: {  	s3 =	sld [smem:$0x3FFD];
	_ =	sdelay $0x3  }
0x96: {  	_ =	strace s3  }
0x97: {  	_ =	strace $0x8FFFFFFF  }
0x98: {  	s19 =	sld [smem:$0x3FDB];
	_ =	sdelay $0x1  }
0x99: {  	s4 =	simm.s32 $_scs_section_size  }
0x9a: {  	s5 =	simm.s32 $_size__tile_overlayer_lowered;
	s6 =	simm.s32 $_tile_overlayer_lowered  }
0x9b: {  	s22 =	simm.s32 $0x1BFF;
	s21 =	sshll.u32 s6, $0x1;
	s3 =	sadd.s32 s4, s19  }
0x9c: {  	s7 =	simm.s32 $0x0;
	s20 =	sshll.u32 s5, $0x1;
	s5 =	sadd.s32 s21, s3  }
0x9d: {  	[timem:s7], [sflag:s22] =	dma.local [hbm:s5], s20  }
0x9e: {  	_ =	swait.ge [sflag:s22], s20  }
0x9f: {  	s4 =	ssub.s32 $0x0, s20;
	[sflag:s22] =	ssyncset.done $0x0  }
0xa0: {  	[sflag:s22] =	ssyncadd.s32 s4;
	_ =	sdelay $0x1  }
0xa1: {  	s23 =	simm.s32 $0x1B8B  }
0xa2: {  	_ =	swait.ge [sflag:s23], $0x1  }
0xa3: {  	[sflag:s23] =	ssyncset.done $0x0  }
0xa4: {  	s25 =	simm.s32 $0x1B8E;
	s24 =	sld [smem:$0x3FFE];
	[sflag:s23] =	ssyncadd.s32 $0xFFFFFFFF  }
0xa5: {  	s26 =	simm.s32 $execute0_lowered;
	[smem:$0x3FD2] =	sst s25  }
0xa6: {  	s5 =	sshll.u32 s26, $0x1;
	_ =	strace $0x80000046;
	[dreg:$0x1] =	wrdreg $0xFFFFFFFF  }
0xa7: {  	s28 =	simm.s32 $_size_execute0_lowered;
	s3 =	sadd.s32 s3, s5;
	[dreg:$0x0] =	wrdreg $0x0  }
0xa8: {  	s5 =	sshll.u32 s28, $0x1;
	[dreg:$0x2] =	wrdreg s3  }
0xa9: {  	[dreg:$0x3] =	wrdreg s5  }
0xaa: {  	[dreg:$0x4] =	wrdreg $0xC0  }
0xab: {  	_ =	task [dreg:s7], $0x5FFFF  }
0xac: {  	[dreg:$0x1] =	wrdreg $0xFFFFFFFF  }
0xad: {  	[dreg:$0x0] =	wrdreg $0x60  }
0xae: {  	[dreg:$0x2] =	wrdreg s2  }
0xaf: {  	[dreg:$0x3] =	wrdreg s24  }
0xb0: {  	[dreg:$0x4] =	wrdreg $0xA8000  }
0xb1: {  	[dreg:$0x5] =	wrdreg $0x9  }
0xb2: {  	_ =	task.clear_ibuf [dreg:s7], $0x6FFFF;
	_ =	strace $0x90000046  }
0xb3: {  	s29 =	simm.s32 $0x9;
	_ =	strace $0x80000048  }
0xb4: {  	_ =	swait.ge [sflag:s29], $0x1  }
0xb5: {  	[sflag:s29] =	ssyncadd.s32 $0xFFFFFFFF  }
0xb6: {  	_ =	strace $0x90000048  }
0xb7: {  	_ =	sfence  }
0xb8: {  	s30 =	sld [smem:$0x0];
	_ =	sdelay $0x2  }
0xb9: {  	s31 =	sshll.u32 s1, $0xD;
	s1 =	sshrl.u32 s1, $0x2  }
0xba: {  	s3 =	sand.u32 $0x4000, s31;
	s1 =	sadd.s32 s1, s30  }
0xbb: {  	s0 =	sor.u32 s3, s0;
	s1 =	sshll.u32 s1, $0x11  }
0xbc: {  	s0 =	sor.u32 s1, s0  }
0xbd: {  	s0 =	sadd.s32 $0x8F2B, s0  }
0xbe: {  	[sflag:s0] =	ssyncadd.remote.s32 $0x1  }
0xbf: {  	_ =	sfence.sel $0xFFFF  }
0xc0: {  	[dreg:$0x0] =	wrdreg $0xFFFFFFFF;
	(pc) =	sbr.abs _section_cstart, $3  }
0xc1: {  	[dreg:$0x1] =	wrdreg $0xFFFFFFFF  }
0xc2: {  	_ =	task.clear_ibuf [dreg:s7], $0x2FFFF;
	_ =	strace $0x9FFFFFFF  }
0xc3: {  	(tm) =	ssettm $0x7FFFFFFF  }
tec
execute0_lowered:
.L_overlay_start_1:
0x0: {  	(tag) =	ssettag $0x1  }
0x1: {  	s0 =	rddreg [dreg:$0x0]  }
0x2: {  	s1 =	rddreg [dreg:$0x1];
	s2 =	srdreg.scid  }
0x3: {  	s3 =	rddreg [dreg:$0x2];
	s11 =	stileid.u32  }
0x4: {  	s4 =	simm.s32 $0x0;
	s31 =	simm.s32 $0xA400;
	s9 =	smul.u32 $0x50000, s11  }
0x5: {  	s29 =	simm.s32 $0x1;
	s30 =	simm.s32 $0x5;
	s28 =	simm.s32 $0x5000  }
0x6: {  	s2 =	sand.u32 $0x1, s2;
	s6 =	smul.u32 $0x14000, s11;
	s9 =	sshrl.u32 s9, $0x2  }
0x7: {  	[smem:$0x7FF] =	sst s4;
	s7 =	sadd.s32 $0x1000, s1;
	s12 =	sadd.s32 s9, s3  }
0x8: {  	_ =	strace $0x80000047;
	s14 =	sadd.s32 $0x1400, s12;
	[dreg:$0x4] =	wrdreg s12  }
0x9: {  	s5 =	smul.u32 $0x140000, s2;
	s15 =	sadd.s32 $0x2800, s12;
	[dreg:$0x6] =	wrdreg s14  }
0xa: {  	s13 =	ssub.s32 $0x2, s2;
	s16 =	sadd.s32 $0x3C00, s12;
	[dreg:$0x7] =	wrdreg s15  }
0xb: {  	s2 =	sshll.u32 s2, $0x4;
	s17 =	sadd.s32 $0x5000, s12;
	[dreg:$0x8] =	wrdreg s16  }
0xc: {  	s10 =	sshrl.u32 s13, $0x1;
	s18 =	sadd.s32 $0x6400, s12;
	[dreg:$0x9] =	wrdreg s17  }
0xd: {  	s2 =	sor.u32 s11, s2;
	s19 =	sadd.s32 $0x7800, s12;
	[dreg:$0xa] =	wrdreg s18  }
0xe: {  	s6 =	sadd.s32 s6, s5;
	s20 =	sadd.s32 $0x8C00, s12;
	[dreg:$0xb] =	wrdreg s19  }
0xf: {  	s5 =	sadd.s32 $0x14C00, s1;
	s21 =	sadd.s32 $0xA000, s12;
	[dreg:$0xc] =	wrdreg s20  }
0x10: {  	s11 =	smul.u32 $0x2710, s2;
	s24 =	sadd.s32 $0xB400, s12;
	[dreg:$0xd] =	wrdreg s21  }
0x11: {  	s8 =	sshrl.u32 s6, $0x3;
	s6 =	sadd.s32 $0xAE00, s1;
	[dreg:$0xf] =	wrdreg s24  }
0x12: {  	s1 =	sadd.s32 s8, s1;
	s23 =	sadd.s32 $0x28, s11;
	[dreg:$0x5] =	wrdreg s11  }
0x13: {  	s8 =	ssub.s32 s13, s10;
	s14 =	sadd.s32 $0xC800, s12;
	[dreg:$0xe] =	wrdreg s23  }
0x14: {  	s22 =	sshrl.u32 s11, $0x3;
	s15 =	sadd.s32 $0xDC00, s12;
	[dreg:$0x16] =	wrdreg s14  }
0x15: {  	s16 =	sadd.s32 $0xF000, s12;
	s17 =	sadd.s32 $0x10400, s12;
	[dreg:$0x17] =	wrdreg s15  }
0x16: {  	s18 =	sadd.s32 $0x11800, s12;
	s19 =	sadd.s32 $0x12C00, s12;
	[dreg:$0x18] =	wrdreg s16  }
0x17: {  	s20 =	sadd.s32 $0x50, s11;
	s21 =	sadd.s32 $0xA0, s11;
	[dreg:$0x19] =	wrdreg s17  }
0x18: {  	s24 =	sadd.s32 $0xC8, s11;
	s25 =	sadd.s32 s6, s22;
	[dreg:$0x1a] =	wrdreg s18  }
0x19: {  	s9 =	sshrl.u32 s23, $0x3;
	s2 =	sadd.s32 s7, s22;
	[dreg:$0x1b] =	wrdreg s19  }
0x1a: {  	s1 =	sadd.s32 $0x4F6C00, s1;
	s13 =	smax.u32 s8, $0x1;
	[dreg:$0x1c] =	wrdreg s20  }
0x1b: {  	[dreg:$0x1d] =	wrdreg s21;
	s22 =	sadd.s32 $0xF0, s11;
	s23 =	sadd.s32 $0x118, s11  }
0x1c: {  	s20 =	simm.s32 $0x15;
	s8 =	simm.s32 $0x6;
	[dreg:$0x10] =	wrdreg s25  }
0x1d: {  	s15 =	simm.s32 $0x11;
	s18 =	simm.s32 $0x3;
	[dreg:$0x11] =	wrdreg s2  }
0x1e: {  	s17 =	simm.s32 $0x12;
	s16 =	simm.s32 $0x4;
	[dreg:$0x14] =	wrdreg s1  }
0x1f: {  	s19 =	simm.s32 $0x8;
	s21 =	simm.s32 $0x13;
	[dreg:$0x15] =	wrdreg s13  }
0x20: {  	s26 =	sadd.s32 s6, s9;
	s10 =	sadd.s32 s7, s9;
	[dreg:$0x1e] =	wrdreg s22  }
.Ltmp0:
0x21: {  	[dreg:$0x1f] =	wrdreg s23;
	s25 =	sadd.s32 $0x140, s11;
	(pc) =	sbr.rel .LBB2_1-.Ltmp0, $4  }
0x22: {  	s23 =	simm.s32 $0x28;
	s1 =	simm.s32 $0x2;
	[dreg:$0x12] =	wrdreg s26  }
0x23: {  	s13 =	simm.s32 $0x9;
	s9 =	simm.s32 $0x7;
	[dreg:$0x13] =	wrdreg s10  }
0x24: {  	s22 =	simm.s32 $0x14;
	[smem:$0x7FC] =	sst s25;
	s26 =	sadd.s32 $0x168, s11  }
0x25: {  	v0 =	vimm.f32 $0.0e+00;
	s10 =	sadd.s32 $0x78, s11;
	s11 =	simm.s32 $0x0;
	[smem:$0x7FD] =	sst s26  }
.LBB2_35:
0x26: {  	_ =	swait.ge [sflag:s13], $0x1400  }
0x27: {  	[sflag:s13] =	ssyncset.done $0x0  }
0x28: {  	s2 =	simm.s32 $0xA;
	[sflag:s13] =	ssyncadd.s32 $0xFFFFEC00  }
0x29: {  	_ =	swait.ge [sflag:s2], $0x1400  }
0x2a: {  	[sflag:s2] =	ssyncset.done $0x0  }
0x2b: {  	[sflag:s2] =	ssyncadd.s32 $0xFFFFEC00  }
0x2c: {  	s20 =	stileid.u32;
	[bflag:$0x0] =	sbarrier.arrive $0xFFFF  }
0x2d: {  	s2 =	sshll.u32 s20, $0x6;
	s12 =	rddreg [dreg:$0x4]  }
0x2e: {  	s2 =	sor.u32 $0x1C15, s2;
	s20 =	rddreg [dreg:$0x14];
	s11 =	sshrl.u32 s12, $0x3  }
0x2f: {  	[hbm:s20], [sflag:s2] =	dma.local [spmem:s11], $0x2800  }
0x30: {  	s20 =	simm.s32 $0x15  }
0x31: {  	_ =	swait.ge [sflag:s20], $0x2800  }
0x32: {  	s25 =	sld [smem:$0x7FB];
	_ =	sdelay $0x2  }
0x33: {  	s26 =	rddreg [dreg:$0x15];
	s11 =	sadd.s32 $0x1, s25  }
0x34: {  	p0 =	sne.s32 s11, s26  }
.Ltmp1:
0x35: {  	_ = 	snop;
	(pc) =	sbr.rel @!p0 .LBB2_36-.Ltmp1, $3  }
0x36: {  	_ =	sdelay $0x1  }
0x37: {  	[sflag:s20] =	ssyncset.done $0x0  }
0x38: {  	s31 =	simm.s32 $0xA400;
	[sflag:s20] =	ssyncadd.s32 $0xFFFFD800  }
.LBB2_1:
0x39: {  	[smem:$0x7FB] =	sst s11;
	s2 =	simm.s32 $0x70;
	s11 =	simm.s32 $0x3C0  }
.LBB2_2:
0x3a: {  	p0 =	sne.s32 s11, $0x4FC0;
	[tilespmem:s2+$0x0] =	vst v0  }
0x3b: {  	[tilespmem:s2+$0xFFFFFF90] =	vst v0  }
0x3c: {  	[tilespmem:s2+$0xFFFFFFA0] =	vst v0  }
.Ltmp2:
0x3d: {  	[tilespmem:s2+$0xFFFFFFB0] =	vst v0;
	(pc) =	sbr.rel @p0 .LBB2_2-.Ltmp2, $4  }
0x3e: {  	[tilespmem:s2+$0xFFFFFFC0] =	vst v0  }
0x3f: {  	[tilespmem:s2+$0xFFFFFFD0] =	vst v0  }
0x40: {  	[tilespmem:s2+$0xFFFFFFE0] =	vst v0  }
0x41: {  	[tilespmem:s2+$0xFFFFFFF0] =	vst v0;
	s2 =	sshra.s32 s11, $0x2;
	s11 =	sadd.s32 $0x200, s11  }
0x42: {  	[tilespmem:s2+$0x0] =	vst v0  }
0x43: {  	[tilespmem:s2+$0xFFFFFF90] =	vst v0  }
0x44: {  	[tilespmem:s2+$0xFFFFFFA0] =	vst v0  }
0x45: {  	[tilespmem:s2+$0xFFFFFFB0] =	vst v0  }
0x46: {  	[tilespmem:s2+$0xFFFFFFC0] =	vst v0  }
0x47: {  	[tilespmem:s2+$0xFFFFFFD0] =	vst v0  }
0x48: {  	[tilespmem:s2+$0xFFFFFFE0] =	vst v0  }
0x49: {  	[tilespmem:s2+$0xFFFFFFF0] =	vst v0;
	s11 =	simm.s32 $0x0  }
0x4a: {  	[spmem:s12] =	stream.linear.scatter [tilespmem:s11], [sflag:$0x15], $0x1400, $0x38;
	[tilespmem:$0x1E800] =	vst v63  }
0x4b: {  	_ =	swait.ge [sflag:s20], $0x1400  }
0x4c: {  	[sflag:s20] =	ssyncset.done $0x0  }
0x4d: {  	s25 =	rddreg [dreg:$0x6];
	[sflag:s20] =	ssyncadd.s32 $0xFFFFEC00  }
0x4e: {  	[spmem:s25] =	stream.linear.scatter [tilespmem:s11], [sflag:$0x15], $0x1400, $0x38;
	[tilespmem:$0x1E800] =	vst v63  }
0x4f: {  	_ =	swait.ge [sflag:s20], $0x1400  }
0x50: {  	[sflag:s20] =	ssyncset.done $0x0  }
0x51: {  	s26 =	rddreg [dreg:$0x7];
	[sflag:s20] =	ssyncadd.s32 $0xFFFFEC00  }
0x52: {  	[spmem:s26] =	stream.linear.scatter [tilespmem:s11], [sflag:$0x15], $0x1400, $0x38;
	[tilespmem:$0x1E800] =	vst v63  }
0x53: {  	_ =	swait.ge [sflag:s20], $0x1400  }
0x54: {  	[sflag:s20] =	ssyncset.done $0x0  }
0x55: {  	s12 =	rddreg [dreg:$0x8];
	[sflag:s20] =	ssyncadd.s32 $0xFFFFEC00  }
0x56: {  	[spmem:s12] =	stream.linear.scatter [tilespmem:s11], [sflag:$0x15], $0x1400, $0x38;
	[tilespmem:$0x1E800] =	vst v63  }
0x57: {  	_ =	swait.ge [sflag:s20], $0x1400  }
0x58: {  	[sflag:s20] =	ssyncset.done $0x0  }
0x59: {  	s14 =	rddreg [dreg:$0x9];
	[sflag:s20] =	ssyncadd.s32 $0xFFFFEC00  }
0x5a: {  	[spmem:s14] =	stream.linear.scatter [tilespmem:s11], [sflag:$0x15], $0x1400, $0x38;
	[tilespmem:$0x1E800] =	vst v63  }
0x5b: {  	_ =	swait.ge [sflag:s20], $0x1400  }
0x5c: {  	[sflag:s20] =	ssyncset.done $0x0  }
0x5d: {  	s25 =	rddreg [dreg:$0xa];
	[sflag:s20] =	ssyncadd.s32 $0xFFFFEC00  }
0x5e: {  	[spmem:s25] =	stream.linear.scatter [tilespmem:s11], [sflag:$0x15], $0x1400, $0x38;
	[tilespmem:$0x1E800] =	vst v63  }
0x5f: {  	_ =	swait.ge [sflag:s20], $0x1400  }
0x60: {  	[sflag:s20] =	ssyncset.done $0x0  }
0x61: {  	s26 =	rddreg [dreg:$0xb];
	[sflag:s20] =	ssyncadd.s32 $0xFFFFEC00  }
0x62: {  	[spmem:s26] =	stream.linear.scatter [tilespmem:s11], [sflag:$0x15], $0x1400, $0x38;
	[tilespmem:$0x1E800] =	vst v63  }
0x63: {  	_ =	swait.ge [sflag:s20], $0x1400  }
0x64: {  	[sflag:s20] =	ssyncset.done $0x0  }
0x65: {  	s12 =	rddreg [dreg:$0xc];
	[sflag:s20] =	ssyncadd.s32 $0xFFFFEC00  }
0x66: {  	[spmem:s12] =	stream.linear.scatter [tilespmem:s11], [sflag:$0x15], $0x1400, $0x38;
	[tilespmem:$0x1E800] =	vst v63  }
0x67: {  	_ =	swait.ge [sflag:s20], $0x1400  }
0x68: {  	[sflag:s20] =	ssyncset.done $0x0  }
0x69: {  	s14 =	rddreg [dreg:$0xd];
	[sflag:s20] =	ssyncadd.s32 $0xFFFFEC00  }
0x6a: {  	[spmem:s14] =	stream.linear.scatter [tilespmem:s11], [sflag:$0x15], $0x1400, $0x38;
	[tilespmem:$0x1E800] =	vst v63  }
0x6b: {  	_ =	swait.ge [sflag:s20], $0x1400  }
0x6c: {  	[sflag:s20] =	ssyncset.done $0x0  }
0x6d: {  	s25 =	rddreg [dreg:$0xf];
	[sflag:s20] =	ssyncadd.s32 $0xFFFFEC00  }
0x6e: {  	[spmem:s25] =	stream.linear.scatter [tilespmem:s11], [sflag:$0x15], $0x1400, $0x38;
	[tilespmem:$0x1E800] =	vst v63  }
0x6f: {  	_ =	swait.ge [sflag:s20], $0x1400  }
0x70: {  	[sflag:s20] =	ssyncset.done $0x0  }
0x71: {  	s26 =	rddreg [dreg:$0x16];
	[sflag:s20] =	ssyncadd.s32 $0xFFFFEC00  }
0x72: {  	[spmem:s26] =	stream.linear.scatter [tilespmem:s11], [sflag:$0x15], $0x1400, $0x38;
	[tilespmem:$0x1E800] =	vst v63  }
0x73: {  	_ =	swait.ge [sflag:s20], $0x1400  }
0x74: {  	[sflag:s20] =	ssyncset.done $0x0  }
0x75: {  	s12 =	rddreg [dreg:$0x17];
	[sflag:s20] =	ssyncadd.s32 $0xFFFFEC00  }
0x76: {  	[spmem:s12] =	stream.linear.scatter [tilespmem:s11], [sflag:$0x15], $0x1400, $0x38;
	[tilespmem:$0x1E800] =	vst v63  }
0x77: {  	_ =	swait.ge [sflag:s20], $0x1400  }
0x78: {  	[sflag:s20] =	ssyncset.done $0x0  }
0x79: {  	s14 =	rddreg [dreg:$0x18];
	[sflag:s20] =	ssyncadd.s32 $0xFFFFEC00  }
0x7a: {  	[spmem:s14] =	stream.linear.scatter [tilespmem:s11], [sflag:$0x15], $0x1400, $0x38;
	[tilespmem:$0x1E800] =	vst v63  }
0x7b: {  	_ =	swait.ge [sflag:s20], $0x1400  }
0x7c: {  	[sflag:s20] =	ssyncset.done $0x0  }
0x7d: {  	s25 =	rddreg [dreg:$0x19];
	[sflag:s20] =	ssyncadd.s32 $0xFFFFEC00  }
0x7e: {  	[spmem:s25] =	stream.linear.scatter [tilespmem:s11], [sflag:$0x15], $0x1400, $0x38;
	[tilespmem:$0x1E800] =	vst v63  }
0x7f: {  	_ =	swait.ge [sflag:s20], $0x1400  }
0x80: {  	[sflag:s20] =	ssyncset.done $0x0  }
0x81: {  	s26 =	rddreg [dreg:$0x1a];
	[sflag:s20] =	ssyncadd.s32 $0xFFFFEC00  }
0x82: {  	[spmem:s26] =	stream.linear.scatter [tilespmem:s11], [sflag:$0x15], $0x1400, $0x38;
	[tilespmem:$0x1E800] =	vst v63  }
0x83: {  	_ =	swait.ge [sflag:s20], $0x1400  }
0x84: {  	[sflag:s20] =	ssyncset.done $0x0  }
0x85: {  	s12 =	rddreg [dreg:$0x1b];
	[sflag:s20] =	ssyncadd.s32 $0xFFFFEC00  }
0x86: {  	[spmem:s12] =	stream.linear.scatter [tilespmem:s11], [sflag:$0x15], $0x1400, $0x38;
	[tilespmem:$0x1E800] =	vst v63  }
0x87: {  	_ =	swait.ge [sflag:s20], $0x1400  }
0x88: {  	[sflag:s20] =	ssyncset.done $0x0  }
0x89: {  	[sflag:s20] =	ssyncadd.s32 $0xFFFFEC00  }
0x8a: {  	[bflag:$0x0] =	sbarrier.arrive $0xFFFF  }
0x8b: {  	s25 =	simm.s32 $0xA000;
	s14 =	rddreg [dreg:$0x10]  }
0x8c: {  	[tilespmem:s25], [sflag:$0x15] =	stream.linear.gather [hbm4b:s14+s11], $0x28, $0x38;
	[tilespmem:$0x1E800] =	vst v63  }
0x8d: {  	_ =	swait.ge [sflag:s20], $0x28  }
0x8e: {  	[sflag:s20] =	ssyncset.done $0x0  }
0x8f: {  	s26 =	rddreg [dreg:$0x11];
	[sflag:s20] =	ssyncadd.s32 $0xFFFFFFD8  }
0x90: {  	[tilespmem:s31], [sflag:$0x15] =	stream.linear.gather [hbm4b:s26+s11], $0x28, $0x38;
	[tilespmem:$0x1E800] =	vst v63  }
0x91: {  	_ =	swait.ge [sflag:s20], $0x28  }
0x92: {  	[sflag:s20] =	ssyncset.done $0x0  }
0x93: {  	s14 =	simm.s32 $0xA080;
	s12 =	rddreg [dreg:$0x12];
	[sflag:s20] =	ssyncadd.s32 $0xFFFFFFD8  }
0x94: {  	[tilespmem:s14], [sflag:$0x15] =	stream.linear.gather [hbm4b:s12+s11], $0x28, $0x38;
	[tilespmem:$0x1E800] =	vst v63  }
0x95: {  	_ =	swait.ge [sflag:s20], $0x28  }
0x96: {  	[sflag:s20] =	ssyncset.done $0x0  }
0x97: {  	s26 =	simm.s32 $0xA480;
	s25 =	rddreg [dreg:$0x13];
	[sflag:s20] =	ssyncadd.s32 $0xFFFFFFD8  }
0x98: {  	[tilespmem:s26], [sflag:$0x15] =	stream.linear.gather [hbm4b:s25+s11], $0x28, $0x38;
	[tilespmem:$0x1E800] =	vst v63  }
0x99: {  	_ =	swait.ge [sflag:s20], $0x28  }
0x9a: {  	[sflag:s20] =	ssyncset.done $0x0  }
0x9b: {  	[sflag:s20] =	ssyncadd.s32 $0xFFFFFFD8  }
.LBB2_4:
0x9c: {  	p1 =	seq.s32 s11, $0x0  }
.Ltmp3:
0x9d: {  	_ = 	snop;
	(pc) =	sbr.rel @p1 .LBB2_8-.Ltmp3, $1  }
0x9e: {  	_ =	sdelay $0x3  }
0x9f: {  	_ =	swait.ge [sflag:s1], $0x1400  }
0xa0: {  	[sflag:s1] =	ssyncset.done $0x0  }
0xa1: {  	[sflag:s1] =	ssyncadd.s32 $0xFFFFEC00  }
0xa2: {  	_ =	swait.ge [sflag:s8], $0x1400  }
0xa3: {  	[sflag:s8] =	ssyncset.done $0x0  }
0xa4: {  	s2 =	simm.s32 $0x0;
	[sflag:s8] =	ssyncadd.s32 $0xFFFFEC00  }
0xa5: {  	v8 =	vld [tilespmem:s2+$0x1400]  }
0xa6: {  	v12 =	vld [tilespmem:s2+$0x1410]  }
0xa7: {  	v6 =	vld [tilespmem:s2+$0x1420]  }
0xa8: {  	v5 =	vld [tilespmem:s2+$0x1430]  }
0xa9: {  	v4 =	vld [tilespmem:s2+$0x1440]  }
0xaa: {  	v3 =	vld [tilespmem:s2+$0x1450]  }
0xab: {  	v2 =	vld [tilespmem:s2+$0x1460]  }
0xac: {  	v1 =	vld [tilespmem:s2+$0x1470]  }
0xad: {  	v13 =	vld [tilespmem:s2+$0x6400]  }
0xae: {  	v14 =	vld [tilespmem:s2+$0x6410]  }
0xaf: {  	v11 =	vld [tilespmem:s2+$0x6420]  }
0xb0: {  	v10 =	vld [tilespmem:s2+$0x6430]  }
0xb1: {  	v9 =	vld [tilespmem:s2+$0x6440]  }
0xb2: {  	v7 =	vld [tilespmem:s2+$0x6450];
	v13 =	vmul.f32 v13, v8  }
0xb3: {  	s20 =	simm.s32 $0x200;
	s25 =	simm.s32 $0x5000;
	v12 =	vmul.f32 v14, v12;
	v8 =	vld [tilespmem:s2+$0x6460]  }
.LBB2_6:
0xb4: {  	s12 =	sshra.s32 s20, $0x2;
	p0 =	sne.s32 s20, $0x4E00;
	[tilespmem:s2+$0x6400] =	vst v13;
	v6 =	vmul.f32 v11, v6;
	v11 =	vld [tilespmem:s2+$0x6470]  }
0xb5: {  	v13 =	vld [tilespmem:s12+$0x1400];
	[tilespmem:s2+$0x6410] =	vst v12;
	v5 =	vmul.f32 v10, v5  }
0xb6: {  	v12 =	vld [tilespmem:s12+$0x1410];
	[tilespmem:s2+$0x6420] =	vst v6;
	v4 =	vmul.f32 v9, v4  }
0xb7: {  	v6 =	vld [tilespmem:s12+$0x1420];
	[tilespmem:s2+$0x6430] =	vst v5;
	v3 =	vmul.f32 v7, v3  }
0xb8: {  	v5 =	vld [tilespmem:s12+$0x1430];
	[tilespmem:s2+$0x6440] =	vst v4;
	v2 =	vmul.f32 v8, v2  }
0xb9: {  	v4 =	vld [tilespmem:s12+$0x1440];
	[tilespmem:s2+$0x6450] =	vst v3;
	v1 =	vmul.f32 v11, v1  }
0xba: {  	v3 =	vld [tilespmem:s12+$0x1450];
	[tilespmem:s2+$0x6460] =	vst v2  }
0xbb: {  	v2 =	vld [tilespmem:s12+$0x1460];
	[tilespmem:s2+$0x6470] =	vst v1;
	s2 =	smov.u32 s12  }
0xbc: {  	v1 =	vld [tilespmem:s2+$0x1470]  }
0xbd: {  	v7 =	vld [tilespmem:s2+$0x6400]  }
0xbe: {  	v8 =	vld [tilespmem:s2+$0x6410]  }
.Ltmp4:
0xbf: {  	v11 =	vld [tilespmem:s2+$0x6420];
	(pc) =	sbr.rel @p0 .LBB2_6-.Ltmp4, $4  }
0xc0: {  	v10 =	vld [tilespmem:s2+$0x6430]  }
0xc1: {  	v9 =	vld [tilespmem:s2+$0x6440]  }
0xc2: {  	v13 =	vmul.f32 v7, v13;
	v7 =	vld [tilespmem:s2+$0x6450]  }
0xc3: {  	s20 =	sadd.s32 $0x200, s20;
	v12 =	vmul.f32 v8, v12;
	v8 =	vld [tilespmem:s2+$0x6460]  }
0xc4: {  	[tilespmem:s2+$0x6400] =	vst v13;
	v6 =	vmul.f32 v11, v6;
	v63 =	vld [tilespmem:s2+$0x6470]  }
0xc5: {  	[tilespmem:s2+$0x6410] =	vst v12;
	v5 =	vmul.f32 v10, v5  }
0xc6: {  	[tilespmem:s2+$0x6420] =	vst v6;
	v4 =	vmul.f32 v9, v4  }
0xc7: {  	[tilespmem:s2+$0x6430] =	vst v5;
	v3 =	vmul.f32 v7, v3  }
0xc8: {  	[tilespmem:s2+$0x6440] =	vst v4;
	v2 =	vmul.f32 v8, v2  }
0xc9: {  	[tilespmem:s2+$0x6450] =	vst v3;
	v1 =	vmul.f32 v63, v1  }
0xca: {  	[tilespmem:s2+$0x6460] =	vst v2  }
0xcb: {  	s20 =	simm.s32 $0x6400;
	s12 =	simm.s32 $0xA280;
	s26 =	simm.s32 $0xD;
	[tilespmem:s2+$0x6470] =	vst v1  }
0xcc: {  	[spmem:s3] =	stream.indirect.scatter.add.f32 [tilespmem:s20], [sflag:$0xA], $0x80, s12, s23, $0xb8;
	[tilespmem:$0x1E800] =	vst v63  }
0xcd: {  	_ =	swait.ge [sflag:s26], $0x28  }
0xce: {  	[sflag:s26] =	ssyncset.done $0x0  }
0xcf: {  	[sflag:s26] =	ssyncadd.s32 $0xFFFFFFD8  }
0xd0: {  	_ =	swait.ge [sflag:s26], $0x28  }
0xd1: {  	[sflag:s26] =	ssyncset.done $0x0  }
.Ltmp5:
0xd2: {  	[sflag:s26] =	ssyncadd.s32 $0xFFFFFFD8;
	(pc) =	sbr.rel .LBB2_9-.Ltmp5, $4  }
0xd3: {  	[tilespmem:s4], [sflag:$0x1] =	stream.indirect.gather [hbm4b:s0+s23], $0x80, s31, s23, $0xb8;
	[tilespmem:$0x1E800] =	vst v63  }
0xd4: {  	_ =	swait.ge [sflag:s13], $0x1400  }
0xd5: {  	[sflag:s13] =	ssyncset.done $0x0  }
0xd6: {  	[sflag:s13] =	ssyncadd.s32 $0xFFFFEC00  }
.LBB2_8:
0xd7: {  	[tilespmem:s4], [sflag:$0x1] =	stream.indirect.gather [hbm4b:s0+s23], $0x80, s31, s23, $0xb8;
	[tilespmem:$0x1E800] =	vst v63  }
0xd8: {  	s25 =	simm.s32 $0x5000  }
.LBB2_9:
0xd9: {  	s2 =	smul.u32 $0x140, s11  }
0xda: {  	s12 =	rddreg [dreg:$0x5]  }
0xdb: {  	s12 =	sadd.s32 s12, s2  }
0xdc: {  	s12 =	sshll.u32 s12, $0x4  }
0xdd: {  	p0 =	seq.s32 s11, $0x1F;
	s12 =	sadd.s32 s5, s12  }
0xde: {  	[tilespmem:s25], [sflag:$0x5] =	stream.linear.gather [hbm4b:s12+s4], $0x1400, $0x38;
	[tilespmem:$0x1E800] =	vst v63  }
0xdf: {  	p2 =	seq.s32 @!p0 s11, $0x0;
	s12 =	rddreg [dreg:$0x1c]  }
0xe0: {  	p2 =	por p0, !p2;
	s12 =	sadd.s32 @!p0 s2, s12  }
.Ltmp6:
0xe1: {  	s12 =	sshrl.u32 @!p0 s12, $0x3;
	(pc) =	sbr.rel @!p2 .LBB2_13-.Ltmp6, $4  }
0xe2: {  	s26 =	simm.s32 @!p0 $0x0;
	s31 =	simm.s32 @!p0 $0xA100;
	s20 =	sadd.s32 @!p0 s6, s12  }
0xe3: {  	[tilespmem:s31], [sflag:$0xF] =	stream.linear.gather @!p0 [hbm4b:s20+s26], $0x28, $0x38;
	[tilespmem:$0x1E800] =	vst v63  }
0xe4: {  	s12 =	sadd.s32 @!p0 s7, s12;
	s20 =	simm.s32 @!p0 $0xA500  }
0xe5: {  	[tilespmem:s20], [sflag:$0xF] =	stream.linear.gather @!p0 [hbm4b:s12+s26], $0x28, $0x38;
	[tilespmem:$0x1E800] =	vst v63  }
0xe6: {  	_ =	swait.ge [sflag:s18], $0x1400  }
0xe7: {  	[sflag:s18] =	ssyncset.done $0x0  }
0xe8: {  	[sflag:s18] =	ssyncadd.s32 $0xFFFFEC00  }
0xe9: {  	_ =	swait.ge [sflag:s9], $0x1400  }
0xea: {  	[sflag:s9] =	ssyncset.done $0x0  }
0xeb: {  	s20 =	simm.s32 $0x0;
	[sflag:s9] =	ssyncadd.s32 $0xFFFFEC00  }
0xec: {  	v8 =	vld [tilespmem:s20+$0x2800]  }
0xed: {  	v12 =	vld [tilespmem:s20+$0x2810]  }
0xee: {  	v6 =	vld [tilespmem:s20+$0x2820]  }
0xef: {  	v5 =	vld [tilespmem:s20+$0x2830]  }
0xf0: {  	v4 =	vld [tilespmem:s20+$0x2840]  }
0xf1: {  	v3 =	vld [tilespmem:s20+$0x2850]  }
0xf2: {  	v2 =	vld [tilespmem:s20+$0x2860]  }
0xf3: {  	v1 =	vld [tilespmem:s20+$0x2870]  }
0xf4: {  	v13 =	vld [tilespmem:s20+$0x7800]  }
0xf5: {  	v14 =	vld [tilespmem:s20+$0x7810]  }
0xf6: {  	v11 =	vld [tilespmem:s20+$0x7820]  }
0xf7: {  	v10 =	vld [tilespmem:s20+$0x7830]  }
0xf8: {  	v9 =	vld [tilespmem:s20+$0x7840]  }
0xf9: {  	v7 =	vld [tilespmem:s20+$0x7850];
	v13 =	vmul.f32 v13, v8  }
0xfa: {  	s26 =	simm.s32 $0x200;
	v12 =	vmul.f32 v14, v12;
	v8 =	vld [tilespmem:s20+$0x7860]  }
.LBB2_11:
0xfb: {  	s12 =	sshra.s32 s26, $0x2;
	p3 =	sne.s32 s26, $0x4E00;
	[tilespmem:s20+$0x7800] =	vst v13;
	v6 =	vmul.f32 v11, v6;
	v11 =	vld [tilespmem:s20+$0x7870]  }
0xfc: {  	v13 =	vld [tilespmem:s12+$0x2800];
	[tilespmem:s20+$0x7810] =	vst v12;
	v5 =	vmul.f32 v10, v5  }
0xfd: {  	v12 =	vld [tilespmem:s12+$0x2810];
	[tilespmem:s20+$0x7820] =	vst v6;
	v4 =	vmul.f32 v9, v4  }
0xfe: {  	v6 =	vld [tilespmem:s12+$0x2820];
	[tilespmem:s20+$0x7830] =	vst v5;
	v3 =	vmul.f32 v7, v3  }
0xff: {  	v5 =	vld [tilespmem:s12+$0x2830];
	[tilespmem:s20+$0x7840] =	vst v4;
	v2 =	vmul.f32 v8, v2  }
0x100: {  	v4 =	vld [tilespmem:s12+$0x2840];
	[tilespmem:s20+$0x7850] =	vst v3;
	v1 =	vmul.f32 v11, v1  }
0x101: {  	v3 =	vld [tilespmem:s12+$0x2850];
	[tilespmem:s20+$0x7860] =	vst v2  }
0x102: {  	v2 =	vld [tilespmem:s12+$0x2860];
	[tilespmem:s20+$0x7870] =	vst v1;
	s20 =	smov.u32 s12  }
0x103: {  	v1 =	vld [tilespmem:s20+$0x2870]  }
0x104: {  	v7 =	vld [tilespmem:s20+$0x7800]  }
0x105: {  	v8 =	vld [tilespmem:s20+$0x7810]  }
.Ltmp7:
0x106: {  	v11 =	vld [tilespmem:s20+$0x7820];
	(pc) =	sbr.rel @p3 .LBB2_11-.Ltmp7, $4  }
0x107: {  	v10 =	vld [tilespmem:s20+$0x7830]  }
0x108: {  	v9 =	vld [tilespmem:s20+$0x7840]  }
0x109: {  	v13 =	vmul.f32 v7, v13;
	v7 =	vld [tilespmem:s20+$0x7850]  }
0x10a: {  	s26 =	sadd.s32 $0x200, s26;
	v12 =	vmul.f32 v8, v12;
	v8 =	vld [tilespmem:s20+$0x7860]  }
0x10b: {  	[tilespmem:s20+$0x7800] =	vst v13;
	v6 =	vmul.f32 v11, v6;
	v63 =	vld [tilespmem:s20+$0x7870]  }
0x10c: {  	[tilespmem:s20+$0x7810] =	vst v12;
	v5 =	vmul.f32 v10, v5  }
0x10d: {  	[tilespmem:s20+$0x7820] =	vst v6;
	v4 =	vmul.f32 v9, v4  }
0x10e: {  	[tilespmem:s20+$0x7830] =	vst v5;
	v3 =	vmul.f32 v7, v3  }
0x10f: {  	[tilespmem:s20+$0x7840] =	vst v4;
	v2 =	vmul.f32 v8, v2  }
0x110: {  	[tilespmem:s20+$0x7850] =	vst v3;
	v1 =	vmul.f32 v63, v1  }
0x111: {  	[tilespmem:s20+$0x7860] =	vst v2  }
0x112: {  	s12 =	simm.s32 $0x7800;
	s14 =	simm.s32 $0xA300;
	[tilespmem:s20+$0x7870] =	vst v1;
	s20 =	simm.s32 $0xE  }
0x113: {  	[spmem:s3] =	stream.indirect.scatter.add.f32 [tilespmem:s12], [sflag:$0xB], $0x80, s14, s23, $0xb8;
	[tilespmem:$0x1E800] =	vst v63  }
0x114: {  	_ =	swait.ge [sflag:s20], $0x28  }
0x115: {  	p3 =	sne.s32 s11, $0x0;
	[sflag:s20] =	ssyncset.done $0x0  }
.Ltmp8:
0x116: {  	[sflag:s20] =	ssyncadd.s32 $0xFFFFFFD8;
	(pc) =	sbr.rel @!p3 .LBB2_13-.Ltmp8, $4  }
0x117: {  	_ =	swait.ge [sflag:s20], $0x28  }
0x118: {  	[sflag:s20] =	ssyncset.done $0x0  }
0x119: {  	s26 =	simm.s32 $0xA480;
	s31 =	simm.s32 $0x1400;
	[sflag:s20] =	ssyncadd.s32 $0xFFFFFFD8  }
0x11a: {  	[tilespmem:s31], [sflag:$0x2] =	stream.indirect.gather [hbm4b:s0+s23], $0x80, s26, s23, $0xb8;
	[tilespmem:$0x1E800] =	vst v63  }
.Ltmp9:
0x11b: {  	(pc) =	sbr.rel .LBB2_15-.Ltmp9, $4  }
0x11c: {  	s12 =	simm.s32 $0xA  }
0x11d: {  	_ =	swait.ge [sflag:s12], $0x1400  }
0x11e: {  	[sflag:s12] =	ssyncset.done $0x0  }
0x11f: {  	[sflag:s12] =	ssyncadd.s32 $0xFFFFEC00  }
.LBB2_13:
0x120: {  	s12 =	simm.s32 $0xA480;
	s20 =	simm.s32 $0x1400  }
0x121: {  	[tilespmem:s20], [sflag:$0x2] =	stream.indirect.gather [hbm4b:s0+s23], $0x80, s12, s23, $0xb8;
	[tilespmem:$0x1E800] =	vst v63  }
.LBB2_15:
0x122: {  	s12 =	rddreg [dreg:$0xe]  }
0x123: {  	s12 =	sadd.s32 s2, s12  }
0x124: {  	s12 =	sshll.u32 s12, $0x4  }
0x125: {  	s20 =	simm.s32 $0x6400;
	s12 =	sadd.s32 s5, s12  }
0x126: {  	[tilespmem:s20], [sflag:$0x6] =	stream.linear.gather [hbm4b:s12+s4], $0x1400, $0x38;
	[tilespmem:$0x1E800] =	vst v63  }
0x127: {  	s12 =	sadd.s32 @!p0 s2, s10  }
.Ltmp10:
0x128: {  	s12 =	sshrl.u32 @!p0 s12, $0x3;
	(pc) =	sbr.rel @!p2 .LBB2_21-.Ltmp10, $4  }
0x129: {  	s26 =	simm.s32 @!p0 $0x0;
	s31 =	simm.s32 @!p0 $0xA180;
	s20 =	sadd.s32 @!p0 s6, s12  }
0x12a: {  	[tilespmem:s31], [sflag:$0x10] =	stream.linear.gather @!p0 [hbm4b:s20+s26], $0x28, $0x38;
	[tilespmem:$0x1E800] =	vst v63  }
0x12b: {  	s12 =	sadd.s32 @!p0 s7, s12;
	s20 =	simm.s32 @!p0 $0xA580  }
0x12c: {  	[tilespmem:s20], [sflag:$0x10] =	stream.linear.gather @!p0 [hbm4b:s12+s26], $0x28, $0x38;
	[tilespmem:$0x1E800] =	vst v63  }
0x12d: {  	_ =	swait.ge [sflag:s16], $0x1400  }
0x12e: {  	[sflag:s16] =	ssyncset.done $0x0  }
0x12f: {  	[sflag:s16] =	ssyncadd.s32 $0xFFFFEC00  }
0x130: {  	_ =	swait.ge [sflag:s19], $0x1400  }
0x131: {  	[sflag:s19] =	ssyncset.done $0x0  }
0x132: {  	s20 =	simm.s32 $0x0;
	[sflag:s19] =	ssyncadd.s32 $0xFFFFEC00  }
0x133: {  	v8 =	vld [tilespmem:s20+$0x3C00]  }
0x134: {  	v12 =	vld [tilespmem:s20+$0x3C10]  }
0x135: {  	v6 =	vld [tilespmem:s20+$0x3C20]  }
0x136: {  	v5 =	vld [tilespmem:s20+$0x3C30]  }
0x137: {  	v4 =	vld [tilespmem:s20+$0x3C40]  }
0x138: {  	v3 =	vld [tilespmem:s20+$0x3C50]  }
0x139: {  	v2 =	vld [tilespmem:s20+$0x3C60]  }
0x13a: {  	v1 =	vld [tilespmem:s20+$0x3C70]  }
0x13b: {  	v13 =	vld [tilespmem:s20+$0x8C00]  }
0x13c: {  	v14 =	vld [tilespmem:s20+$0x8C10]  }
0x13d: {  	v11 =	vld [tilespmem:s20+$0x8C20]  }
0x13e: {  	v10 =	vld [tilespmem:s20+$0x8C30]  }
0x13f: {  	v9 =	vld [tilespmem:s20+$0x8C40]  }
0x140: {  	v7 =	vld [tilespmem:s20+$0x8C50];
	v13 =	vmul.f32 v13, v8  }
0x141: {  	s26 =	simm.s32 $0x200;
	v12 =	vmul.f32 v14, v12;
	v8 =	vld [tilespmem:s20+$0x8C60]  }
.LBB2_17:
0x142: {  	s12 =	sshra.s32 s26, $0x2;
	p2 =	sne.s32 s26, $0x4E00;
	[tilespmem:s20+$0x8C00] =	vst v13;
	v6 =	vmul.f32 v11, v6;
	v11 =	vld [tilespmem:s20+$0x8C70]  }
0x143: {  	v13 =	vld [tilespmem:s12+$0x3C00];
	[tilespmem:s20+$0x8C10] =	vst v12;
	v5 =	vmul.f32 v10, v5  }
0x144: {  	v12 =	vld [tilespmem:s12+$0x3C10];
	[tilespmem:s20+$0x8C20] =	vst v6;
	v4 =	vmul.f32 v9, v4  }
0x145: {  	v6 =	vld [tilespmem:s12+$0x3C20];
	[tilespmem:s20+$0x8C30] =	vst v5;
	v3 =	vmul.f32 v7, v3  }
0x146: {  	v5 =	vld [tilespmem:s12+$0x3C30];
	[tilespmem:s20+$0x8C40] =	vst v4;
	v2 =	vmul.f32 v8, v2  }
0x147: {  	v4 =	vld [tilespmem:s12+$0x3C40];
	[tilespmem:s20+$0x8C50] =	vst v3;
	v1 =	vmul.f32 v11, v1  }
0x148: {  	v3 =	vld [tilespmem:s12+$0x3C50];
	[tilespmem:s20+$0x8C60] =	vst v2  }
0x149: {  	v2 =	vld [tilespmem:s12+$0x3C60];
	[tilespmem:s20+$0x8C70] =	vst v1;
	s20 =	smov.u32 s12  }
0x14a: {  	v1 =	vld [tilespmem:s20+$0x3C70]  }
0x14b: {  	v7 =	vld [tilespmem:s20+$0x8C00]  }
0x14c: {  	v8 =	vld [tilespmem:s20+$0x8C10]  }
.Ltmp11:
0x14d: {  	v11 =	vld [tilespmem:s20+$0x8C20];
	(pc) =	sbr.rel @p2 .LBB2_17-.Ltmp11, $4  }
0x14e: {  	v10 =	vld [tilespmem:s20+$0x8C30]  }
0x14f: {  	v9 =	vld [tilespmem:s20+$0x8C40]  }
0x150: {  	v13 =	vmul.f32 v7, v13;
	v7 =	vld [tilespmem:s20+$0x8C50]  }
0x151: {  	s26 =	sadd.s32 $0x200, s26;
	v12 =	vmul.f32 v8, v12;
	v8 =	vld [tilespmem:s20+$0x8C60]  }
0x152: {  	[tilespmem:s20+$0x8C00] =	vst v13;
	v6 =	vmul.f32 v11, v6;
	v63 =	vld [tilespmem:s20+$0x8C70]  }
0x153: {  	[tilespmem:s20+$0x8C10] =	vst v12;
	v5 =	vmul.f32 v10, v5  }
0x154: {  	[tilespmem:s20+$0x8C20] =	vst v6;
	v4 =	vmul.f32 v9, v4  }
0x155: {  	p2 =	sne.s32 s11, $0x1F;
	[tilespmem:s20+$0x8C30] =	vst v5;
	v3 =	vmul.f32 v7, v3  }
.Ltmp12:
0x156: {  	[tilespmem:s20+$0x8C40] =	vst v4;
	v2 =	vmul.f32 v8, v2;
	(pc) =	sbr.rel @p2 .LBB2_20-.Ltmp12, $4  }
0x157: {  	[tilespmem:s20+$0x8C50] =	vst v3;
	v1 =	vmul.f32 v63, v1  }
0x158: {  	[tilespmem:s20+$0x8C60] =	vst v2  }
0x159: {  	s12 =	simm.s32 $0xA380;
	s14 =	simm.s32 $0x8C00;
	[tilespmem:s20+$0x8C70] =	vst v1  }
0x15a: {  	[spmem:s3] =	stream.indirect.scatter.add.f32 [tilespmem:s14], [sflag:$0xC], $0x80, s12, s23, $0xb8;
	[tilespmem:$0x1E800] =	vst v63  }
.Ltmp13:
0x15b: {  	(pc) =	sbr.rel .LBB2_23-.Ltmp13, $4  }
0x15c: {  	s12 =	simm.s32 $0xB  }
0x15d: {  	_ =	swait.ge [sflag:s12], $0x1400  }
0x15e: {  	[sflag:s12] =	ssyncset.done $0x0  }
0x15f: {  	[sflag:s12] =	ssyncadd.s32 $0xFFFFEC00  }
.LBB2_21:
0x160: {  	s12 =	simm.s32 $0xF  }
0x161: {  	_ =	swait.ge [sflag:s12], $0x28  }
0x162: {  	[sflag:s12] =	ssyncset.done $0x0  }
.Ltmp14:
0x163: {  	[sflag:s12] =	ssyncadd.s32 $0xFFFFFFD8;
	(pc) =	sbr.rel .LBB2_22-.Ltmp14, $4  }
0x164: {  	_ =	swait.ge [sflag:s12], $0x28  }
0x165: {  	[sflag:s12] =	ssyncset.done $0x0  }
0x166: {  	s31 =	simm.s32 $0xA500;
	s20 =	simm.s32 $0x2800;
	[sflag:s12] =	ssyncadd.s32 $0xFFFFFFD8  }
0x167: {  	[tilespmem:s20], [sflag:$0x3] =	stream.indirect.gather [hbm4b:s0+s23], $0x80, s31, s23, $0xb8;
	[tilespmem:$0x1E800] =	vst v63  }
.LBB2_20:
0x168: {  	s12 =	simm.s32 $0xF  }
0x169: {  	_ =	swait.ge [sflag:s12], $0x28  }
0x16a: {  	[sflag:s12] =	ssyncset.done $0x0  }
0x16b: {  	[sflag:s12] =	ssyncadd.s32 $0xFFFFFFD8  }
0x16c: {  	_ =	swait.ge [sflag:s12], $0x28  }
0x16d: {  	s31 =	simm.s32 $0xA500;
	[sflag:s12] =	ssyncset.done $0x0  }
0x16e: {  	s20 =	simm.s32 $0x2800;
	[sflag:s12] =	ssyncadd.s32 $0xFFFFFFD8;
	s12 =	simm.s32 @!p1 $0xB  }
0x16f: {  	[tilespmem:s20], [sflag:$0x3] =	stream.indirect.gather [hbm4b:s0+s23], $0x80, s31, s23, $0xb8;
	[tilespmem:$0x1E800] =	vst v63  }
0x170: {  	_ =	swait.ge @!p1 [sflag:s12], $0x1400  }
0x171: {  	[sflag:s12] =	ssyncset.done @!p1 $0x0  }
0x172: {  	[sflag:s12] =	ssyncadd.s32 @!p1 $0xFFFFEC00  }
.LBB2_22:
0x173: {  	s12 =	rddreg [dreg:$0x1c]  }
0x174: {  	s12 =	sadd.s32 s2, s12  }
0x175: {  	s12 =	sshll.u32 s12, $0x4  }
0x176: {  	s20 =	simm.s32 $0x7800;
	s31 =	rddreg [dreg:$0x1d];
	s12 =	sadd.s32 s5, s12  }
0x177: {  	[tilespmem:s20], [sflag:$0x7] =	stream.linear.gather [hbm4b:s12+s4], $0x1400, $0x38;
	[tilespmem:$0x1E800] =	vst v63  }
0x178: {  	s12 =	sadd.s32 s2, s31  }
0x179: {  	s12 =	sshrl.u32 s12, $0x3  }
0x17a: {  	s26 =	simm.s32 $0xA200;
	s14 =	sadd.s32 s6, s12  }
0x17b: {  	[tilespmem:s26], [sflag:$0x11] =	stream.linear.gather [hbm4b:s14+s4], $0x28, $0x38;
	[tilespmem:$0x1E800] =	vst v63  }
0x17c: {  	s31 =	simm.s32 $0xA600;
	s12 =	sadd.s32 s7, s12  }
0x17d: {  	[tilespmem:s31], [sflag:$0x11] =	stream.linear.gather [hbm4b:s12+s4], $0x28, $0x38;
	[tilespmem:$0x1E800] =	vst v63  }
.LBB2_23:
0x17e: {  	_ =	swait.ge [sflag:s29], $0x1400  }
0x17f: {  	[sflag:s29] =	ssyncset.done $0x0  }
0x180: {  	[sflag:s29] =	ssyncadd.s32 $0xFFFFEC00  }
0x181: {  	_ =	swait.ge [sflag:s30], $0x1400  }
0x182: {  	[sflag:s30] =	ssyncset.done $0x0  }
0x183: {  	s20 =	simm.s32 $0x0;
	[sflag:s30] =	ssyncadd.s32 $0xFFFFEC00  }
0x184: {  	v8 =	vld [tilespmem:s20+$0x0]  }
0x185: {  	v12 =	vld [tilespmem:s20+$0x10]  }
0x186: {  	v6 =	vld [tilespmem:s20+$0x20]  }
0x187: {  	v5 =	vld [tilespmem:s20+$0x30]  }
0x188: {  	v4 =	vld [tilespmem:s20+$0x40]  }
0x189: {  	v3 =	vld [tilespmem:s20+$0x50]  }
0x18a: {  	v2 =	vld [tilespmem:s20+$0x60]  }
0x18b: {  	v1 =	vld [tilespmem:s20+$0x70]  }
0x18c: {  	v13 =	vld [tilespmem:s20+$0x5000]  }
0x18d: {  	v14 =	vld [tilespmem:s20+$0x5010]  }
0x18e: {  	v11 =	vld [tilespmem:s20+$0x5020]  }
0x18f: {  	v10 =	vld [tilespmem:s20+$0x5030]  }
0x190: {  	v9 =	vld [tilespmem:s20+$0x5040]  }
0x191: {  	v7 =	vld [tilespmem:s20+$0x5050];
	v13 =	vmul.f32 v13, v8  }
0x192: {  	s26 =	simm.s32 $0x200;
	v12 =	vmul.f32 v14, v12;
	v8 =	vld [tilespmem:s20+$0x5060]  }
.LBB2_24:
0x193: {  	s12 =	sshra.s32 s26, $0x2;
	p1 =	sne.s32 s26, $0x4E00;
	[tilespmem:s20+$0x5000] =	vst v13;
	v6 =	vmul.f32 v11, v6;
	v11 =	vld [tilespmem:s20+$0x5070]  }
0x194: {  	v13 =	vld [tilespmem:s12+$0x0];
	[tilespmem:s20+$0x5010] =	vst v12;
	v5 =	vmul.f32 v10, v5  }
0x195: {  	v12 =	vld [tilespmem:s12+$0x10];
	[tilespmem:s20+$0x5020] =	vst v6;
	v4 =	vmul.f32 v9, v4  }
0x196: {  	v6 =	vld [tilespmem:s12+$0x20];
	[tilespmem:s20+$0x5030] =	vst v5;
	v3 =	vmul.f32 v7, v3  }
0x197: {  	v5 =	vld [tilespmem:s12+$0x30];
	[tilespmem:s20+$0x5040] =	vst v4;
	v2 =	vmul.f32 v8, v2  }
0x198: {  	v4 =	vld [tilespmem:s12+$0x40];
	[tilespmem:s20+$0x5050] =	vst v3;
	v1 =	vmul.f32 v11, v1  }
0x199: {  	v3 =	vld [tilespmem:s12+$0x50];
	[tilespmem:s20+$0x5060] =	vst v2  }
0x19a: {  	v2 =	vld [tilespmem:s12+$0x60];
	[tilespmem:s20+$0x5070] =	vst v1;
	s20 =	smov.u32 s12  }
0x19b: {  	v1 =	vld [tilespmem:s20+$0x70]  }
0x19c: {  	v7 =	vld [tilespmem:s20+$0x5000]  }
0x19d: {  	v8 =	vld [tilespmem:s20+$0x5010]  }
.Ltmp15:
0x19e: {  	v11 =	vld [tilespmem:s20+$0x5020];
	(pc) =	sbr.rel @p1 .LBB2_24-.Ltmp15, $4  }
0x19f: {  	v10 =	vld [tilespmem:s20+$0x5030]  }
0x1a0: {  	v9 =	vld [tilespmem:s20+$0x5040]  }
0x1a1: {  	v13 =	vmul.f32 v7, v13;
	v7 =	vld [tilespmem:s20+$0x5050]  }
0x1a2: {  	s26 =	sadd.s32 $0x200, s26;
	v12 =	vmul.f32 v8, v12;
	v8 =	vld [tilespmem:s20+$0x5060]  }
0x1a3: {  	[tilespmem:s20+$0x5000] =	vst v13;
	v6 =	vmul.f32 v11, v6;
	v11 =	vld [tilespmem:s20+$0x5070]  }
0x1a4: {  	[tilespmem:s20+$0x5010] =	vst v12;
	v5 =	vmul.f32 v10, v5  }
0x1a5: {  	[tilespmem:s20+$0x5020] =	vst v6;
	v4 =	vmul.f32 v9, v4  }
0x1a6: {  	[tilespmem:s20+$0x5030] =	vst v5;
	v3 =	vmul.f32 v7, v3  }
0x1a7: {  	[tilespmem:s20+$0x5040] =	vst v4;
	v2 =	vmul.f32 v8, v2  }
0x1a8: {  	[tilespmem:s20+$0x5050] =	vst v3;
	v1 =	vmul.f32 v11, v1  }
0x1a9: {  	[tilespmem:s20+$0x5060] =	vst v2  }
0x1aa: {  	p1 =	sne.s32 s11, $0x1F;
	s12 =	simm.s32 $0xA000;
	[tilespmem:s20+$0x5070] =	vst v1  }
0x1ab: {  	[spmem:s3] =	stream.indirect.scatter.add.f32 [tilespmem:s25], [sflag:$0x9], $0x80, s12, s23, $0xb8;
	[tilespmem:$0x1E800] =	vst v63  }
0x1ac: {  	s12 =	simm.s32 @p1 $0x10  }
0x1ad: {  	_ =	swait.ge @p1 [sflag:s12], $0x28  }
0x1ae: {  	[sflag:s12] =	ssyncset.done @p1 $0x0  }
0x1af: {  	[sflag:s12] =	ssyncadd.s32 @p1 $0xFFFFFFD8  }
0x1b0: {  	p2 =	seq.s32 @p1 s11, $0x0;
	_ =	swait.ge @p1 [sflag:s12], $0x28  }
0x1b1: {  	s26 =	simm.s32 @p1 $0x3C00;
	p2 =	por p2, !p1;
	[sflag:s12] =	ssyncset.done @p1 $0x0  }
0x1b2: {  	s20 =	simm.s32 @p1 $0xA580;
	[sflag:s12] =	ssyncadd.s32 @p1 $0xFFFFFFD8;
	s12 =	simm.s32 @p1 $0x28  }
0x1b3: {  	[tilespmem:s26], [sflag:$0x4] =	stream.indirect.gather @p1 [hbm4b:s0+s12], $0x80, s20, s12, $0xb8;
	[tilespmem:$0x1E800] =	vst v63  }
0x1b4: {  	s12 =	simm.s32 @!p2 $0xC  }
0x1b5: {  	_ =	swait.ge @!p2 [sflag:s12], $0x1400  }
0x1b6: {  	s20 =	sadd.s32 @p1 s2, s10;
	[sflag:s12] =	ssyncset.done @!p2 $0x0  }
0x1b7: {  	[sflag:s12] =	ssyncadd.s32 @!p2 $0xFFFFEC00;
	s12 =	sshll.u32 @p1 s20, $0x4  }
0x1b8: {  	s26 =	simm.s32 @p1 $0x8C00;
	s20 =	simm.s32 @p1 $0x0;
	s12 =	sadd.s32 @p1 s5, s12  }
0x1b9: {  	[tilespmem:s26], [sflag:$0x8] =	stream.linear.gather @p1 [hbm4b:s12+s20], $0x1400, $0x38;
	[tilespmem:$0x1E800] =	vst v63  }
0x1ba: {  	s12 =	sadd.s32 @p1 s2, s24  }
0x1bb: {  	s12 =	sshrl.u32 @p1 s12, $0x3  }
0x1bc: {  	s31 =	simm.s32 @p1 $0xA280;
	s26 =	sadd.s32 @p1 s6, s12  }
0x1bd: {  	[tilespmem:s31], [sflag:$0x12] =	stream.linear.gather @p1 [hbm4b:s26+s20], $0x28, $0x38;
	[tilespmem:$0x1E800] =	vst v63  }
0x1be: {  	s12 =	sadd.s32 @p1 s7, s12;
	s26 =	simm.s32 @p1 $0xA680  }
0x1bf: {  	[tilespmem:s26], [sflag:$0x12] =	stream.linear.gather @p1 [hbm4b:s12+s20], $0x28, $0x38;
	[tilespmem:$0x1E800] =	vst v63  }
0x1c0: {  	s12 =	simm.s32 @!p1 $0xC  }
0x1c1: {  	_ =	swait.ge @!p1 [sflag:s12], $0x1400  }
0x1c2: {  	[sflag:s12] =	ssyncset.done @!p1 $0x0  }
0x1c3: {  	[sflag:s12] =	ssyncadd.s32 @!p1 $0xFFFFEC00  }
0x1c4: {  	_ =	swait.ge [sflag:s1], $0x1400  }
0x1c5: {  	[sflag:s1] =	ssyncset.done $0x0  }
0x1c6: {  	[sflag:s1] =	ssyncadd.s32 $0xFFFFEC00  }
0x1c7: {  	_ =	swait.ge [sflag:s8], $0x1400  }
0x1c8: {  	[sflag:s8] =	ssyncset.done $0x0  }
0x1c9: {  	s20 =	simm.s32 $0x0;
	[sflag:s8] =	ssyncadd.s32 $0xFFFFEC00  }
0x1ca: {  	v8 =	vld [tilespmem:s20+$0x1400]  }
0x1cb: {  	v12 =	vld [tilespmem:s20+$0x1410]  }
0x1cc: {  	v6 =	vld [tilespmem:s20+$0x1420]  }
0x1cd: {  	v5 =	vld [tilespmem:s20+$0x1430]  }
0x1ce: {  	v4 =	vld [tilespmem:s20+$0x1440]  }
0x1cf: {  	v3 =	vld [tilespmem:s20+$0x1450]  }
0x1d0: {  	v2 =	vld [tilespmem:s20+$0x1460]  }
0x1d1: {  	v1 =	vld [tilespmem:s20+$0x1470]  }
0x1d2: {  	v13 =	vld [tilespmem:s20+$0x6400]  }
0x1d3: {  	v14 =	vld [tilespmem:s20+$0x6410]  }
0x1d4: {  	v11 =	vld [tilespmem:s20+$0x6420]  }
0x1d5: {  	v10 =	vld [tilespmem:s20+$0x6430]  }
0x1d6: {  	v9 =	vld [tilespmem:s20+$0x6440]  }
0x1d7: {  	v7 =	vld [tilespmem:s20+$0x6450];
	v13 =	vmul.f32 v13, v8  }
0x1d8: {  	s26 =	simm.s32 $0x200;
	v12 =	vmul.f32 v14, v12;
	v8 =	vld [tilespmem:s20+$0x6460]  }
.LBB2_26:
0x1d9: {  	s12 =	sshra.s32 s26, $0x2;
	p1 =	sne.s32 s26, $0x4E00;
	[tilespmem:s20+$0x6400] =	vst v13;
	v6 =	vmul.f32 v11, v6;
	v11 =	vld [tilespmem:s20+$0x6470]  }
0x1da: {  	v13 =	vld [tilespmem:s12+$0x1400];
	[tilespmem:s20+$0x6410] =	vst v12;
	v5 =	vmul.f32 v10, v5  }
0x1db: {  	v12 =	vld [tilespmem:s12+$0x1410];
	[tilespmem:s20+$0x6420] =	vst v6;
	v4 =	vmul.f32 v9, v4  }
0x1dc: {  	v6 =	vld [tilespmem:s12+$0x1420];
	[tilespmem:s20+$0x6430] =	vst v5;
	v3 =	vmul.f32 v7, v3  }
0x1dd: {  	v5 =	vld [tilespmem:s12+$0x1430];
	[tilespmem:s20+$0x6440] =	vst v4;
	v2 =	vmul.f32 v8, v2  }
0x1de: {  	v4 =	vld [tilespmem:s12+$0x1440];
	[tilespmem:s20+$0x6450] =	vst v3;
	v1 =	vmul.f32 v11, v1  }
0x1df: {  	v3 =	vld [tilespmem:s12+$0x1450];
	[tilespmem:s20+$0x6460] =	vst v2  }
0x1e0: {  	v2 =	vld [tilespmem:s12+$0x1460];
	[tilespmem:s20+$0x6470] =	vst v1;
	s20 =	smov.u32 s12  }
0x1e1: {  	v1 =	vld [tilespmem:s20+$0x1470]  }
0x1e2: {  	v7 =	vld [tilespmem:s20+$0x6400]  }
0x1e3: {  	v8 =	vld [tilespmem:s20+$0x6410]  }
.Ltmp16:
0x1e4: {  	v11 =	vld [tilespmem:s20+$0x6420];
	(pc) =	sbr.rel @p1 .LBB2_26-.Ltmp16, $4  }
0x1e5: {  	v10 =	vld [tilespmem:s20+$0x6430]  }
0x1e6: {  	v9 =	vld [tilespmem:s20+$0x6440]  }
0x1e7: {  	v13 =	vmul.f32 v7, v13;
	v7 =	vld [tilespmem:s20+$0x6450]  }
0x1e8: {  	s26 =	sadd.s32 $0x200, s26;
	v12 =	vmul.f32 v8, v12;
	v8 =	vld [tilespmem:s20+$0x6460]  }
0x1e9: {  	[tilespmem:s20+$0x6400] =	vst v13;
	v6 =	vmul.f32 v11, v6;
	v63 =	vld [tilespmem:s20+$0x6470]  }
0x1ea: {  	[tilespmem:s20+$0x6410] =	vst v12;
	v5 =	vmul.f32 v10, v5  }
0x1eb: {  	[tilespmem:s20+$0x6420] =	vst v6;
	v4 =	vmul.f32 v9, v4  }
0x1ec: {  	[tilespmem:s20+$0x6430] =	vst v5;
	v3 =	vmul.f32 v7, v3  }
.Ltmp17:
0x1ed: {  	[tilespmem:s20+$0x6440] =	vst v4;
	v2 =	vmul.f32 v8, v2;
	(pc) =	sbr.rel @p0 .LBB2_35-.Ltmp17, $4  }
0x1ee: {  	[tilespmem:s20+$0x6450] =	vst v3;
	v1 =	vmul.f32 v63, v1  }
0x1ef: {  	[tilespmem:s20+$0x6460] =	vst v2  }
0x1f0: {  	s12 =	simm.s32 $0xA080;
	s31 =	simm.s32 $0x6400;
	[tilespmem:s20+$0x6470] =	vst v1  }
0x1f1: {  	[spmem:s3] =	stream.indirect.scatter.add.f32 [tilespmem:s31], [sflag:$0xA], $0x80, s12, s23, $0xb8;
	[tilespmem:$0x1E800] =	vst v63  }
0x1f2: {  	_ =	swait.ge [sflag:s15], $0x28  }
0x1f3: {  	[sflag:s15] =	ssyncset.done $0x0  }
0x1f4: {  	[sflag:s15] =	ssyncadd.s32 $0xFFFFFFD8  }
0x1f5: {  	_ =	swait.ge [sflag:s15], $0x28  }
0x1f6: {  	[sflag:s15] =	ssyncset.done $0x0  }
0x1f7: {  	s12 =	simm.s32 $0x0;
	s20 =	simm.s32 $0xA600;
	[sflag:s15] =	ssyncadd.s32 $0xFFFFFFD8  }
0x1f8: {  	[tilespmem:s12], [sflag:$0x1] =	stream.indirect.gather [hbm4b:s0+s23], $0x80, s20, s23, $0xb8;
	[tilespmem:$0x1E800] =	vst v63  }
0x1f9: {  	_ =	swait.ge [sflag:s13], $0x1400  }
0x1fa: {  	s14 =	rddreg [dreg:$0x1d]  }
0x1fb: {  	s20 =	sadd.s32 s2, s14  }
0x1fc: {  	[sflag:s13] =	ssyncset.done $0x0;
	s26 =	rddreg [dreg:$0x1e];
	s20 =	sshll.u32 s20, $0x4  }
0x1fd: {  	[sflag:s13] =	ssyncadd.s32 $0xFFFFEC00;
	s26 =	sadd.s32 s2, s26;
	s20 =	sadd.s32 s5, s20  }
0x1fe: {  	[tilespmem:s25], [sflag:$0x5] =	stream.linear.gather [hbm4b:s20+s12], $0x1400, $0x38;
	[tilespmem:$0x1E800] =	vst v63  }
0x1ff: {  	s20 =	sshrl.u32 s26, $0x3  }
0x200: {  	s14 =	simm.s32 $0xA300;
	s31 =	sadd.s32 s6, s20  }
0x201: {  	[tilespmem:s14], [sflag:$0x13] =	stream.linear.gather [hbm4b:s31+s12], $0x28, $0x38;
	[tilespmem:$0x1E800] =	vst v63  }
0x202: {  	s20 =	sadd.s32 s7, s20;
	s14 =	simm.s32 $0xA700  }
0x203: {  	[tilespmem:s14], [sflag:$0x13] =	stream.linear.gather [hbm4b:s20+s12], $0x28, $0x38;
	[tilespmem:$0x1E800] =	vst v63  }
0x204: {  	_ =	swait.ge [sflag:s18], $0x1400  }
0x205: {  	[sflag:s18] =	ssyncset.done $0x0  }
0x206: {  	[sflag:s18] =	ssyncadd.s32 $0xFFFFEC00  }
0x207: {  	_ =	swait.ge [sflag:s9], $0x1400  }
0x208: {  	[sflag:s9] =	ssyncset.done $0x0  }
0x209: {  	s20 =	simm.s32 $0x0;
	[sflag:s9] =	ssyncadd.s32 $0xFFFFEC00  }
0x20a: {  	v8 =	vld [tilespmem:s20+$0x2800]  }
0x20b: {  	v12 =	vld [tilespmem:s20+$0x2810]  }
0x20c: {  	v6 =	vld [tilespmem:s20+$0x2820]  }
0x20d: {  	v5 =	vld [tilespmem:s20+$0x2830]  }
0x20e: {  	v4 =	vld [tilespmem:s20+$0x2840]  }
0x20f: {  	v3 =	vld [tilespmem:s20+$0x2850]  }
0x210: {  	v2 =	vld [tilespmem:s20+$0x2860]  }
0x211: {  	v1 =	vld [tilespmem:s20+$0x2870]  }
0x212: {  	v13 =	vld [tilespmem:s20+$0x7800]  }
0x213: {  	v14 =	vld [tilespmem:s20+$0x7810]  }
0x214: {  	v11 =	vld [tilespmem:s20+$0x7820]  }
0x215: {  	v10 =	vld [tilespmem:s20+$0x7830]  }
0x216: {  	v9 =	vld [tilespmem:s20+$0x7840]  }
0x217: {  	v7 =	vld [tilespmem:s20+$0x7850];
	v13 =	vmul.f32 v13, v8  }
0x218: {  	s31 =	simm.s32 $0x200;
	v12 =	vmul.f32 v14, v12;
	v8 =	vld [tilespmem:s20+$0x7860]  }
.LBB2_29:
0x219: {  	s12 =	sshra.s32 s31, $0x2;
	p0 =	sne.s32 s31, $0x4E00;
	[tilespmem:s20+$0x7800] =	vst v13;
	v6 =	vmul.f32 v11, v6;
	v11 =	vld [tilespmem:s20+$0x7870]  }
0x21a: {  	v13 =	vld [tilespmem:s12+$0x2800];
	[tilespmem:s20+$0x7810] =	vst v12;
	v5 =	vmul.f32 v10, v5  }
0x21b: {  	v12 =	vld [tilespmem:s12+$0x2810];
	[tilespmem:s20+$0x7820] =	vst v6;
	v4 =	vmul.f32 v9, v4  }
0x21c: {  	v6 =	vld [tilespmem:s12+$0x2820];
	[tilespmem:s20+$0x7830] =	vst v5;
	v3 =	vmul.f32 v7, v3  }
0x21d: {  	v5 =	vld [tilespmem:s12+$0x2830];
	[tilespmem:s20+$0x7840] =	vst v4;
	v2 =	vmul.f32 v8, v2  }
0x21e: {  	v4 =	vld [tilespmem:s12+$0x2840];
	[tilespmem:s20+$0x7850] =	vst v3;
	v1 =	vmul.f32 v11, v1  }
0x21f: {  	v3 =	vld [tilespmem:s12+$0x2850];
	[tilespmem:s20+$0x7860] =	vst v2  }
0x220: {  	v2 =	vld [tilespmem:s12+$0x2860];
	[tilespmem:s20+$0x7870] =	vst v1;
	s20 =	smov.u32 s12  }
0x221: {  	v1 =	vld [tilespmem:s20+$0x2870]  }
0x222: {  	v7 =	vld [tilespmem:s20+$0x7800]  }
0x223: {  	v8 =	vld [tilespmem:s20+$0x7810]  }
.Ltmp18:
0x224: {  	v11 =	vld [tilespmem:s20+$0x7820];
	(pc) =	sbr.rel @p0 .LBB2_29-.Ltmp18, $4  }
0x225: {  	v10 =	vld [tilespmem:s20+$0x7830]  }
0x226: {  	v9 =	vld [tilespmem:s20+$0x7840]  }
0x227: {  	v13 =	vmul.f32 v7, v13;
	v7 =	vld [tilespmem:s20+$0x7850]  }
0x228: {  	s31 =	sadd.s32 $0x200, s31;
	v12 =	vmul.f32 v8, v12;
	v8 =	vld [tilespmem:s20+$0x7860]  }
0x229: {  	[tilespmem:s20+$0x7800] =	vst v13;
	v6 =	vmul.f32 v11, v6;
	v11 =	vld [tilespmem:s20+$0x7870]  }
0x22a: {  	[tilespmem:s20+$0x7810] =	vst v12;
	v5 =	vmul.f32 v10, v5  }
0x22b: {  	[tilespmem:s20+$0x7820] =	vst v6;
	v4 =	vmul.f32 v9, v4  }
0x22c: {  	[tilespmem:s20+$0x7830] =	vst v5;
	v3 =	vmul.f32 v7, v3  }
0x22d: {  	[tilespmem:s20+$0x7840] =	vst v4;
	v2 =	vmul.f32 v8, v2  }
0x22e: {  	[tilespmem:s20+$0x7850] =	vst v3;
	v1 =	vmul.f32 v11, v1  }
0x22f: {  	[tilespmem:s20+$0x7860] =	vst v2  }
0x230: {  	s12 =	simm.s32 $0x7800;
	s14 =	simm.s32 $0xA100;
	[tilespmem:s20+$0x7870] =	vst v1  }
0x231: {  	[spmem:s3] =	stream.indirect.scatter.add.f32 [tilespmem:s12], [sflag:$0xB], $0x80, s14, s23, $0xb8;
	[tilespmem:$0x1E800] =	vst v63  }
0x232: {  	_ =	swait.ge [sflag:s17], $0x28  }
0x233: {  	[sflag:s17] =	ssyncset.done $0x0  }
0x234: {  	[sflag:s17] =	ssyncadd.s32 $0xFFFFFFD8  }
0x235: {  	_ =	swait.ge [sflag:s17], $0x28  }
0x236: {  	[sflag:s17] =	ssyncset.done $0x0  }
0x237: {  	s25 =	simm.s32 $0x1400;
	s14 =	simm.s32 $0xA680;
	[sflag:s17] =	ssyncadd.s32 $0xFFFFFFD8  }
0x238: {  	[tilespmem:s25], [sflag:$0x2] =	stream.indirect.gather [hbm4b:s0+s23], $0x80, s14, s23, $0xb8;
	[tilespmem:$0x1E800] =	vst v63  }
0x239: {  	s14 =	simm.s32 $0xA;
	s25 =	smov.u32 s24;
	s24 =	sadd.s32 s2, s24  }
0x23a: {  	s31 =	simm.s32 $0x0;
	_ =	swait.ge [sflag:s14], $0x1400;
	s12 =	sshll.u32 s24, $0x4  }
0x23b: {  	[sflag:s14] =	ssyncset.done $0x0;
	s12 =	sadd.s32 s5, s12;
	s24 =	rddreg [dreg:$0x1f]  }
0x23c: {  	[sflag:s14] =	ssyncadd.s32 $0xFFFFEC00;
	s14 =	simm.s32 $0x6400;
	s20 =	sadd.s32 s2, s24  }
0x23d: {  	[tilespmem:s14], [sflag:$0x6] =	stream.linear.gather [hbm4b:s12+s31], $0x1400, $0x38;
	[tilespmem:$0x1E800] =	vst v63  }
0x23e: {  	s12 =	sshrl.u32 s20, $0x3  }
0x23f: {  	s14 =	simm.s32 $0xA380;
	s24 =	sadd.s32 s6, s12  }
0x240: {  	[tilespmem:s14], [sflag:$0x14] =	stream.linear.gather [hbm4b:s24+s31], $0x28, $0x38;
	[tilespmem:$0x1E800] =	vst v63  }
0x241: {  	s12 =	sadd.s32 s7, s12;
	s14 =	simm.s32 $0xA780  }
0x242: {  	[tilespmem:s14], [sflag:$0x14] =	stream.linear.gather [hbm4b:s12+s31], $0x28, $0x38;
	[tilespmem:$0x1E800] =	vst v63  }
0x243: {  	_ =	swait.ge [sflag:s16], $0x1400  }
0x244: {  	[sflag:s16] =	ssyncset.done $0x0  }
0x245: {  	[sflag:s16] =	ssyncadd.s32 $0xFFFFEC00  }
0x246: {  	_ =	swait.ge [sflag:s19], $0x1400  }
0x247: {  	[sflag:s19] =	ssyncset.done $0x0  }
0x248: {  	s31 =	simm.s32 $0x0;
	[sflag:s19] =	ssyncadd.s32 $0xFFFFEC00  }
0x249: {  	v8 =	vld [tilespmem:s31+$0x3C00]  }
0x24a: {  	v12 =	vld [tilespmem:s31+$0x3C10]  }
0x24b: {  	v6 =	vld [tilespmem:s31+$0x3C20]  }
0x24c: {  	v5 =	vld [tilespmem:s31+$0x3C30]  }
0x24d: {  	v4 =	vld [tilespmem:s31+$0x3C40]  }
0x24e: {  	v3 =	vld [tilespmem:s31+$0x3C50]  }
0x24f: {  	v2 =	vld [tilespmem:s31+$0x3C60]  }
0x250: {  	v1 =	vld [tilespmem:s31+$0x3C70]  }
0x251: {  	v13 =	vld [tilespmem:s31+$0x8C00]  }
0x252: {  	v14 =	vld [tilespmem:s31+$0x8C10]  }
0x253: {  	v11 =	vld [tilespmem:s31+$0x8C20]  }
0x254: {  	v10 =	vld [tilespmem:s31+$0x8C30]  }
0x255: {  	v9 =	vld [tilespmem:s31+$0x8C40]  }
0x256: {  	v7 =	vld [tilespmem:s31+$0x8C50];
	v13 =	vmul.f32 v13, v8  }
0x257: {  	s12 =	simm.s32 $0x200;
	v12 =	vmul.f32 v14, v12;
	v8 =	vld [tilespmem:s31+$0x8C60]  }
.LBB2_31:
0x258: {  	s24 =	sshra.s32 s12, $0x2;
	p0 =	sne.s32 s12, $0x4E00;
	[tilespmem:s31+$0x8C00] =	vst v13;
	v6 =	vmul.f32 v11, v6;
	v11 =	vld [tilespmem:s31+$0x8C70]  }
0x259: {  	v13 =	vld [tilespmem:s24+$0x3C00];
	[tilespmem:s31+$0x8C10] =	vst v12;
	v5 =	vmul.f32 v10, v5  }
0x25a: {  	v12 =	vld [tilespmem:s24+$0x3C10];
	[tilespmem:s31+$0x8C20] =	vst v6;
	v4 =	vmul.f32 v9, v4  }
0x25b: {  	v6 =	vld [tilespmem:s24+$0x3C20];
	[tilespmem:s31+$0x8C30] =	vst v5;
	v3 =	vmul.f32 v7, v3  }
0x25c: {  	v5 =	vld [tilespmem:s24+$0x3C30];
	[tilespmem:s31+$0x8C40] =	vst v4;
	v2 =	vmul.f32 v8, v2  }
0x25d: {  	v4 =	vld [tilespmem:s24+$0x3C40];
	[tilespmem:s31+$0x8C50] =	vst v3;
	v1 =	vmul.f32 v11, v1  }
0x25e: {  	v3 =	vld [tilespmem:s24+$0x3C50];
	[tilespmem:s31+$0x8C60] =	vst v2  }
0x25f: {  	v2 =	vld [tilespmem:s24+$0x3C60];
	[tilespmem:s31+$0x8C70] =	vst v1;
	s31 =	smov.u32 s24  }
0x260: {  	v1 =	vld [tilespmem:s31+$0x3C70]  }
0x261: {  	v7 =	vld [tilespmem:s31+$0x8C00]  }
0x262: {  	v8 =	vld [tilespmem:s31+$0x8C10]  }
.Ltmp19:
0x263: {  	v11 =	vld [tilespmem:s31+$0x8C20];
	(pc) =	sbr.rel @p0 .LBB2_31-.Ltmp19, $4  }
0x264: {  	v10 =	vld [tilespmem:s31+$0x8C30]  }
0x265: {  	v9 =	vld [tilespmem:s31+$0x8C40]  }
0x266: {  	v13 =	vmul.f32 v7, v13;
	v7 =	vld [tilespmem:s31+$0x8C50]  }
0x267: {  	s12 =	sadd.s32 $0x200, s12;
	v12 =	vmul.f32 v8, v12;
	v8 =	vld [tilespmem:s31+$0x8C60]  }
0x268: {  	[tilespmem:s31+$0x8C00] =	vst v13;
	v6 =	vmul.f32 v11, v6;
	v11 =	vld [tilespmem:s31+$0x8C70]  }
0x269: {  	[tilespmem:s31+$0x8C10] =	vst v12;
	v5 =	vmul.f32 v10, v5  }
0x26a: {  	[tilespmem:s31+$0x8C20] =	vst v6;
	v4 =	vmul.f32 v9, v4  }
0x26b: {  	[tilespmem:s31+$0x8C30] =	vst v5;
	v3 =	vmul.f32 v7, v3  }
0x26c: {  	[tilespmem:s31+$0x8C40] =	vst v4;
	v2 =	vmul.f32 v8, v2  }
0x26d: {  	[tilespmem:s31+$0x8C50] =	vst v3;
	v1 =	vmul.f32 v11, v1  }
0x26e: {  	[tilespmem:s31+$0x8C60] =	vst v2  }
0x26f: {  	s12 =	simm.s32 $0xA180;
	s24 =	simm.s32 $0x8C00;
	[tilespmem:s31+$0x8C70] =	vst v1  }
0x270: {  	[spmem:s3] =	stream.indirect.scatter.add.f32 [tilespmem:s24], [sflag:$0xC], $0x80, s12, s23, $0xb8;
	[tilespmem:$0x1E800] =	vst v63  }
0x271: {  	_ =	swait.ge [sflag:s21], $0x28  }
0x272: {  	[sflag:s21] =	ssyncset.done $0x0  }
0x273: {  	[sflag:s21] =	ssyncadd.s32 $0xFFFFFFD8  }
0x274: {  	_ =	swait.ge [sflag:s21], $0x28  }
0x275: {  	[sflag:s21] =	ssyncset.done $0x0  }
0x276: {  	s12 =	simm.s32 $0x2800;
	s24 =	simm.s32 $0xA700;
	[sflag:s21] =	ssyncadd.s32 $0xFFFFFFD8  }
0x277: {  	[tilespmem:s12], [sflag:$0x3] =	stream.indirect.gather [hbm4b:s0+s23], $0x80, s24, s23, $0xb8;
	[tilespmem:$0x1E800] =	vst v63  }
0x278: {  	s12 =	simm.s32 $0xB  }
0x279: {  	_ =	swait.ge [sflag:s12], $0x1400  }
0x27a: {  	s26 =	sshll.u32 s26, $0x4;
	s24 =	simm.s32 $0x0;
	[sflag:s12] =	ssyncset.done $0x0  }
0x27b: {  	[sflag:s12] =	ssyncadd.s32 $0xFFFFEC00;
	s12 =	sadd.s32 s5, s26;
	s26 =	simm.s32 $0x7800  }
0x27c: {  	[tilespmem:s26], [sflag:$0x7] =	stream.linear.gather [hbm4b:s12+s24], $0x1400, $0x38;
	[tilespmem:$0x1E800] =	vst v63  }
0x27d: {  	s26 =	sld [smem:$0x7FC];
	_ =	sdelay $0x2  }
0x27e: {  	s12 =	sadd.s32 s2, s26  }
0x27f: {  	s12 =	sshrl.u32 s12, $0x3  }
0x280: {  	s31 =	simm.s32 $0xA000;
	s26 =	sadd.s32 s6, s12  }
0x281: {  	[tilespmem:s31], [sflag:$0xD] =	stream.linear.gather [hbm4b:s26+s24], $0x28, $0x38;
	[tilespmem:$0x1E800] =	vst v63  }
0x282: {  	s12 =	sadd.s32 s7, s12;
	s31 =	simm.s32 $0xA400  }
0x283: {  	[tilespmem:s31], [sflag:$0xD] =	stream.linear.gather [hbm4b:s12+s24], $0x28, $0x38;
	[tilespmem:$0x1E800] =	vst v63  }
0x284: {  	_ =	swait.ge [sflag:s29], $0x1400  }
0x285: {  	[sflag:s29] =	ssyncset.done $0x0  }
0x286: {  	[sflag:s29] =	ssyncadd.s32 $0xFFFFEC00  }
0x287: {  	_ =	swait.ge [sflag:s30], $0x1400  }
0x288: {  	[sflag:s30] =	ssyncset.done $0x0  }
0x289: {  	s26 =	simm.s32 $0x0;
	[sflag:s30] =	ssyncadd.s32 $0xFFFFEC00  }
0x28a: {  	v8 =	vld [tilespmem:s26+$0x0]  }
0x28b: {  	v12 =	vld [tilespmem:s26+$0x10]  }
0x28c: {  	v6 =	vld [tilespmem:s26+$0x20]  }
0x28d: {  	v5 =	vld [tilespmem:s26+$0x30]  }
0x28e: {  	v4 =	vld [tilespmem:s26+$0x40]  }
0x28f: {  	v3 =	vld [tilespmem:s26+$0x50]  }
0x290: {  	v2 =	vld [tilespmem:s26+$0x60]  }
0x291: {  	v1 =	vld [tilespmem:s26+$0x70]  }
0x292: {  	v13 =	vld [tilespmem:s26+$0x5000]  }
0x293: {  	v14 =	vld [tilespmem:s26+$0x5010]  }
0x294: {  	v11 =	vld [tilespmem:s26+$0x5020]  }
0x295: {  	v10 =	vld [tilespmem:s26+$0x5030]  }
0x296: {  	v9 =	vld [tilespmem:s26+$0x5040]  }
0x297: {  	v7 =	vld [tilespmem:s26+$0x5050];
	v13 =	vmul.f32 v13, v8  }
0x298: {  	s12 =	simm.s32 $0x200;
	v12 =	vmul.f32 v14, v12;
	v8 =	vld [tilespmem:s26+$0x5060]  }
.LBB2_33:
0x299: {  	s24 =	sshra.s32 s12, $0x2;
	p0 =	sne.s32 s12, $0x4E00;
	[tilespmem:s26+$0x5000] =	vst v13;
	v6 =	vmul.f32 v11, v6;
	v11 =	vld [tilespmem:s26+$0x5070]  }
0x29a: {  	v13 =	vld [tilespmem:s24+$0x0];
	[tilespmem:s26+$0x5010] =	vst v12;
	v5 =	vmul.f32 v10, v5  }
0x29b: {  	v12 =	vld [tilespmem:s24+$0x10];
	[tilespmem:s26+$0x5020] =	vst v6;
	v4 =	vmul.f32 v9, v4  }
0x29c: {  	v6 =	vld [tilespmem:s24+$0x20];
	[tilespmem:s26+$0x5030] =	vst v5;
	v3 =	vmul.f32 v7, v3  }
0x29d: {  	v5 =	vld [tilespmem:s24+$0x30];
	[tilespmem:s26+$0x5040] =	vst v4;
	v2 =	vmul.f32 v8, v2  }
0x29e: {  	v4 =	vld [tilespmem:s24+$0x40];
	[tilespmem:s26+$0x5050] =	vst v3;
	v1 =	vmul.f32 v11, v1  }
0x29f: {  	v3 =	vld [tilespmem:s24+$0x50];
	[tilespmem:s26+$0x5060] =	vst v2  }
0x2a0: {  	v2 =	vld [tilespmem:s24+$0x60];
	[tilespmem:s26+$0x5070] =	vst v1;
	s26 =	smov.u32 s24  }
0x2a1: {  	v1 =	vld [tilespmem:s26+$0x70]  }
0x2a2: {  	v7 =	vld [tilespmem:s26+$0x5000]  }
0x2a3: {  	v8 =	vld [tilespmem:s26+$0x5010]  }
.Ltmp20:
0x2a4: {  	v11 =	vld [tilespmem:s26+$0x5020];
	(pc) =	sbr.rel @p0 .LBB2_33-.Ltmp20, $4  }
0x2a5: {  	v10 =	vld [tilespmem:s26+$0x5030]  }
0x2a6: {  	v9 =	vld [tilespmem:s26+$0x5040]  }
0x2a7: {  	v13 =	vmul.f32 v7, v13;
	v7 =	vld [tilespmem:s26+$0x5050]  }
0x2a8: {  	s12 =	sadd.s32 $0x200, s12;
	v12 =	vmul.f32 v8, v12;
	v8 =	vld [tilespmem:s26+$0x5060]  }
0x2a9: {  	[tilespmem:s26+$0x5000] =	vst v13;
	v6 =	vmul.f32 v11, v6;
	v63 =	vld [tilespmem:s26+$0x5070]  }
0x2aa: {  	[tilespmem:s26+$0x5010] =	vst v12;
	v5 =	vmul.f32 v10, v5  }
0x2ab: {  	[tilespmem:s26+$0x5020] =	vst v6;
	v4 =	vmul.f32 v9, v4  }
0x2ac: {  	[tilespmem:s26+$0x5030] =	vst v5;
	v3 =	vmul.f32 v7, v3  }
0x2ad: {  	[tilespmem:s26+$0x5040] =	vst v4;
	v2 =	vmul.f32 v8, v2  }
0x2ae: {  	[tilespmem:s26+$0x5050] =	vst v3;
	v1 =	vmul.f32 v63, v1  }
0x2af: {  	[tilespmem:s26+$0x5060] =	vst v2  }
0x2b0: {  	s12 =	simm.s32 $0xA200;
	[tilespmem:s26+$0x5070] =	vst v1  }
0x2b1: {  	[spmem:s3] =	stream.indirect.scatter.add.f32 [tilespmem:s28], [sflag:$0x9], $0x80, s12, s23, $0xb8;
	[tilespmem:$0x1E800] =	vst v63  }
0x2b2: {  	_ =	swait.ge [sflag:s22], $0x28  }
0x2b3: {  	[sflag:s22] =	ssyncset.done $0x0  }
0x2b4: {  	[sflag:s22] =	ssyncadd.s32 $0xFFFFFFD8  }
0x2b5: {  	_ =	swait.ge [sflag:s22], $0x28  }
0x2b6: {  	[sflag:s22] =	ssyncset.done $0x0  }
0x2b7: {  	s26 =	simm.s32 $0x3C00;
	s12 =	simm.s32 $0xC;
	[sflag:s22] =	ssyncadd.s32 $0xFFFFFFD8  }
0x2b8: {  	[tilespmem:s26], [sflag:$0x4] =	stream.indirect.gather [hbm4b:s0+s23], $0x80, s14, s23, $0xb8;
	[tilespmem:$0x1E800] =	vst v63  }
0x2b9: {  	_ =	swait.ge [sflag:s12], $0x1400  }
0x2ba: {  	s24 =	sshll.u32 s20, $0x4;
	[sflag:s12] =	ssyncset.done $0x0;
	s14 =	sld [smem:$0x7FD]  }
0x2bb: {  	s26 =	simm.s32 $0x8C00;
	[sflag:s12] =	ssyncadd.s32 $0xFFFFEC00;
	s12 =	sadd.s32 s5, s24  }
0x2bc: {  	[tilespmem:s26], [sflag:$0x8] =	stream.linear.gather [hbm4b:s12+s4], $0x1400, $0x38;
	[tilespmem:$0x1E800] =	vst v63  }
0x2bd: {  	s2 =	sadd.s32 s2, s14  }
.Ltmp21:
0x2be: {  	s2 =	sshrl.u32 s2, $0x3;
	(pc) =	sbr.rel .LBB2_4-.Ltmp21, $4  }
0x2bf: {  	s11 =	sadd.s32 $0x1, s11;
	s24 =	simm.s32 $0xA080;
	s20 =	sadd.s32 s6, s2  }
0x2c0: {  	[tilespmem:s24], [sflag:$0xE] =	stream.linear.gather [hbm4b:s20+s4], $0x28, $0x38;
	[tilespmem:$0x1E800] =	vst v63  }
0x2c1: {  	s26 =	simm.s32 $0xA480;
	s2 =	sadd.s32 s7, s2;
	s24 =	smov.u32 s25  }
0x2c2: {  	[tilespmem:s26], [sflag:$0xE] =	stream.linear.gather [hbm4b:s2+s4], $0x28, $0x38;
	[tilespmem:$0x1E800] =	vst v63  }
.LBB2_36:
0x2c3: {  	_ =	sfence.sel $0x180000  }
0x2c4: {  	[bflag:$0x0] =	sbarrier.arrive $0xFFFF  }
0x2c5: {  	_ =	strace $0x90000047  }
0x2c6: {  	s0 =	stileid.u32;
	[bflag:$0x2] =	sbarrier.arrive $0xFFFF  }
0x2c7: {  	p0 =	sne.s32 s0, $0x0;
	s0 =	rddreg [dreg:$0x3]  }
0x2c8: {  	s0 =	sadd.s32 @!p0 $0x100000, s0  }
0x2c9: {  	[sflag:s0] =	ssyncadd.tile.s32 @!p0 $0x1;
	_ =	shalt  }
.Lfunc_end2:
_tile_overlayer_lowered:
.L_overlay_start_2:
0x2ca: {  	(tag) =	ssettag $0x2  }
0x2cb: {  	s0 =	rddreg [dreg:$0x0];
	s2 =	stileid.u32  }
0x2cc: {  	s1 =	rddreg [dreg:$0x1];
	p0 =	sne.s32 s2, $0x0  }
0x2cd: {  	s3 =	rddreg [dreg:$0x2];
	[bflag:$0x3] =	sbarrier.arrive $0xFFFF;
	s2 =	simm.s32 @!p0 $0x1C15  }
0x2ce: {  	[timem:s3], [sflag:s2] =	dma.local @!p0 [hbm:s0], s1  }
0x2cf: {  	s0 =	simm.s32 @!p0 $0x15  }
0x2d0: {  	_ =	swait.ge @!p0 [sflag:s0], s1  }
0x2d1: {  	s1 =	ssub.s32 @!p0 $0x0, s1;
	[sflag:s0] =	ssyncset.done @!p0 $0x0  }
0x2d2: {  	[sflag:s0] =	ssyncadd.s32 @!p0 s1  }
0x2d3: {  	[bflag:$0x3] =	sbarrier.arrive $0xFFFF  }
0x2d4: {  	_ =	shalt  }

</sc_bundles>
